<compile_context>
chip_gen: v7x
topology: tpu7x:2x2x1
jax: 0.10.2.dev20260603
libtpu: 0.0.44.dev20260713+nightly
codegen_flags: <defaults>
</compile_context>

<pallas_src>
import functools

import jax
import jax.numpy as jnp
from jax import lax
from jax.experimental import pallas as pl
from jax.experimental.pallas import tpu as pltpu
from jax.experimental.pallas import tpu_sc as plsc

N = 10000
D = 128
E = 320000
NC = 2
NS = 16
NW = NC * NS
CHUNK = 128
CPW = 80
EPW = CPW * CHUNK
EP = NW * EPW
NACC = 10112
ROWS_PT = NACC // NS
DUMMY = N + 8
NCHUNK_TOT = EP // CHUNK
CPW0 = NCHUNK_TOT // NS

_mesh = plsc.VectorSubcoreMesh(core_axis_name="c", subcore_axis_name="s")


def _wid():
    return lax.axis_index("s") * NC + lax.axis_index("c")


@functools.partial(
    pl.kernel,
    out_type=jax.ShapeDtypeStruct((NC, NACC, D), jnp.float32),
    mesh=_mesh,
    scratch_types=[
        pltpu.VMEM((CPW, CHUNK), jnp.int32),
        pltpu.VMEM((CHUNK, D), jnp.float32),
        pltpu.VMEM_SHARED((NACC, D), jnp.float32),
        pltpu.SemaphoreType.DMA,
    ],
)
def _deg_kernel(dst_hbm, zeros_hbm, ones_hbm, out_hbm, idx_d, ones_v, acc_sh,
                sem):
    c = lax.axis_index("c")
    s = lax.axis_index("s")
    wid = _wid()
    pltpu.sync_copy(zeros_hbm.at[pl.ds(s * ROWS_PT, ROWS_PT)],
                    acc_sh.at[pl.ds(s * ROWS_PT, ROWS_PT)])
    pltpu.sync_copy(ones_hbm, ones_v)
    pltpu.sync_copy(dst_hbm.at[wid], idx_d)
    plsc.subcore_barrier()

    def body(jo, carry):
        for b in range(8):
            j = jo * 8 + b
            pltpu.async_copy(ones_v, acc_sh.at[idx_d.at[j]], sem, add=True)
        for b in range(8):
            j = jo * 8 + b
            pltpu.make_async_copy(ones_v, acc_sh.at[idx_d.at[j]], sem).wait()
        return carry

    lax.fori_loop(0, CPW // 8, body, 0)
    plsc.subcore_barrier()
    pltpu.sync_copy(
        acc_sh.at[pl.ds(s * ROWS_PT, ROWS_PT)],
        out_hbm.at[c, pl.ds(s * ROWS_PT, ROWS_PT)],
    )


@functools.partial(
    pl.kernel,
    out_type=jax.ShapeDtypeStruct((NACC, D), jnp.float32),
    mesh=_mesh,
    scratch_types=[
        pltpu.VMEM((2, CHUNK), jnp.int32),
        pltpu.VMEM((2, CHUNK), jnp.int32),
        pltpu.VMEM((CHUNK, D), jnp.float32),
        pltpu.VMEM((CHUNK, D), jnp.float32),
        pltpu.VMEM_SHARED((NACC, D), jnp.float32),
        pltpu.SemaphoreType.DMA,
        pltpu.SemaphoreType.DMA,
        pltpu.SemaphoreType.DMA,
        pltpu.SemaphoreType.DMA,
        pltpu.SemaphoreType.DMA,
        pltpu.SemaphoreType.DMA,
    ],
)
def _spmm_kernel(g_hbm, src_hbm, dst_hbm, zeros_hbm, out_hbm,
                 idx_s, idx_d, rows0, rows1, acc_sh, gsem0, gsem1,
                 isem0, isem1, dsem0, dsem1):
    c = lax.axis_index("c")
    s = lax.axis_index("s")
    base = s * CPW0

    rows = (rows0, rows1)
    gsems = (gsem0, gsem1)
    isems = (isem0, isem1)
    dsems = (dsem0, dsem1)

    @pl.when(c == 0)
    def _():
        pltpu.sync_copy(zeros_hbm.at[pl.ds(s * ROWS_PT, ROWS_PT)],
                        acc_sh.at[pl.ds(s * ROWS_PT, ROWS_PT)])
        pltpu.sync_copy(src_hbm.at[base], idx_s.at[0])
        pltpu.sync_copy(src_hbm.at[base + 1], idx_s.at[1])
        pltpu.sync_copy(dst_hbm.at[base], idx_d.at[0])
        pltpu.sync_copy(dst_hbm.at[base + 1], idx_d.at[1])
        plsc.subcore_barrier()
        pltpu.async_copy(g_hbm.at[idx_s.at[0]], rows0, gsem0)
        pltpu.async_copy(g_hbm.at[idx_s.at[1]], rows1, gsem1)

        def body(jo, carry):
            for b in range(2):
                j = jo * 2 + b
                rb, gb, ib, db = rows[b], gsems[b], isems[b], dsems[b]
                pltpu.make_async_copy(g_hbm.at[idx_s.at[b]], rb, gb).wait()

                @pl.when(j + 2 < CPW0)
                def _():
                    pltpu.async_copy(src_hbm.at[base + j + 2], idx_s.at[b], ib)

                @pl.when(j >= 2)
                def _():
                    pltpu.make_async_copy(
                        dst_hbm.at[base + j], idx_d.at[b], db).wait()

                pltpu.sync_copy(rb, acc_sh.at[idx_d.at[b]], add=True)

                @pl.when(j + 2 < CPW0)
                def _():
                    pltpu.async_copy(dst_hbm.at[base + j + 2], idx_d.at[b], db)
                    pltpu.make_async_copy(
                        src_hbm.at[base + j + 2], idx_s.at[b], ib).wait()
                    pltpu.async_copy(g_hbm.at[idx_s.at[b]], rb, gb)
            return carry

        lax.fori_loop(0, CPW0 // 2, body, 0)
        plsc.subcore_barrier()
        pltpu.sync_copy(
            acc_sh.at[pl.ds(s * ROWS_PT, ROWS_PT)],
            out_hbm.at[pl.ds(s * ROWS_PT, ROWS_PT)],
        )


def _tc1_body(dega_ref, degb_ref, feat_ref, norm_ref, g1_ref):
    deg = dega_ref[...][:, 0:1] + degb_ref[...][:, 0:1]
    norm = lax.rsqrt(jnp.maximum(deg, 1.0))
    normb = jnp.broadcast_to(norm, (N, D))
    norm_ref[...] = normb
    g1_ref[...] = feat_ref[...] * normb


def _tc2_body(a1_ref, norm_ref, tx1_ref, g2_ref):
    norm = norm_ref[...]
    tx1 = -norm * a1_ref[...]
    tx1_ref[...] = tx1
    g2_ref[...] = norm * tx1


def _tc3_body(x_ref, tx1_ref, a2_ref, norm_ref, w1_ref, b1_ref,
              gamma_ref, beta_ref, hbn_ref, g3_ref):
    x = x_ref[...]
    norm = norm_ref[...]
    tx1 = tx1_ref[...]
    tx2 = -2.0 * norm * a2_ref[...] - x
    pre = (jnp.dot(x, w1_ref[0], preferred_element_type=jnp.float32)
           + jnp.dot(tx1, w1_ref[1], preferred_element_type=jnp.float32)
           + jnp.dot(tx2, w1_ref[2], preferred_element_type=jnp.float32)
           + b1_ref[...])
    h = jnp.maximum(pre, 0.0)
    mean = jnp.mean(h, axis=0, keepdims=True)
    var = jnp.mean((h - mean) ** 2, axis=0, keepdims=True)
    hbn = (h - mean) * lax.rsqrt(var + 1e-5) * gamma_ref[...] + beta_ref[...]
    hbn_ref[...] = hbn
    g3_ref[...] = norm * hbn


def _tc4_body(a3_ref, norm_ref, t1_ref, g4_ref):
    norm = norm_ref[...]
    t1 = -norm * a3_ref[...]
    t1_ref[...] = t1
    g4_ref[...] = norm * t1


def _tc5_body(hbn_ref, t1_ref, a4_ref, norm_ref, w3_ref, b3_ref,
              mw1_ref, mb1_ref, mw2_ref, mb2_ref, out_ref):
    hbn = hbn_ref[...]
    norm = norm_ref[...]
    t1 = t1_ref[...]
    t2 = -2.0 * norm * a4_ref[...] - hbn
    h3 = (jnp.dot(hbn, w3_ref[0], preferred_element_type=jnp.float32)
          + jnp.dot(t1, w3_ref[1], preferred_element_type=jnp.float32)
          + jnp.dot(t2, w3_ref[2], preferred_element_type=jnp.float32)
          + b3_ref[...])
    h4 = jnp.maximum(h3, 0.0) + hbn
    hid = jnp.maximum(
        jnp.dot(h4, mw1_ref[...], preferred_element_type=jnp.float32)
        + mb1_ref[...], 0.0)
    out_ref[...] = (jnp.dot(hid, mw2_ref[...], preferred_element_type=jnp.float32)
                    + mb2_ref[...])


def _tc_call(body, n_out):
    return pl.pallas_call(
        body,
        out_shape=[jax.ShapeDtypeStruct((N, D), jnp.float32)] * n_out,
    )


def kernel(features, edge_index, W1, b1, W2, b2, W3, b3, gamma, beta,
           mW1, mb1, mW2, mb2):
    del W2, b2
    src = edge_index[0]
    dst = edge_index[1]
    pad = EP - E
    srcp = jnp.concatenate([src, jnp.zeros((pad,), jnp.int32)])
    srcp2 = srcp.reshape(NCHUNK_TOT, CHUNK)
    dstp = jnp.concatenate([dst, jnp.full((pad,), DUMMY, jnp.int32)])
    dstp2 = dstp.reshape(NCHUNK_TOT, CHUNK)
    dstp3 = dstp.reshape(NW, CPW, CHUNK)

    zeros = jnp.zeros((NACC, D), jnp.float32)
    ones = jnp.ones((CHUNK, D), jnp.float32)

    b1r = b1.reshape(1, D)
    b3r = b3.reshape(1, D)
    gammar = gamma.reshape(1, D)
    betar = beta.reshape(1, D)
    mb1r = mb1.reshape(1, D)
    mb2r = mb2.reshape(1, D)

    deg2 = _deg_kernel(dstp3, zeros, ones)
    dega = deg2[0, :N, :16]
    degb = deg2[1, :N, :16]

    norm, g1 = _tc_call(_tc1_body, 2)(dega, degb, features)

    a1 = _spmm_kernel(g1, srcp2, dstp2, zeros)
    tx1, g2 = _tc_call(_tc2_body, 2)(a1[:N], norm)

    a2 = _spmm_kernel(g2, srcp2, dstp2, zeros)
    hbn, g3 = _tc_call(_tc3_body, 2)(
        features, tx1, a2[:N], norm, W1, b1r, gammar, betar)

    a3 = _spmm_kernel(g3, srcp2, dstp2, zeros)
    t1, g4 = _tc_call(_tc4_body, 2)(a3[:N], norm)

    a4 = _spmm_kernel(g4, srcp2, dstp2, zeros)
    (out,) = _tc_call(_tc5_body, 1)(
        hbn, t1, a4[:N], norm, W3, b3r, mW1, mb1r, mW2, mb2r)
    return out

# --- scband reference (transcript-rebuilt; emitter-appended) ---
"""Pipeline reference for scband-egcn-cpu-84121229460221 (READ-ONLY COPY).

The authoritative reference and input builder live on the scoring server;
editing this copy changes nothing except your own understanding.
"""

import jax, jax.numpy as jnp
import numpy as np

N = 10000
E = 320000
IN = 128
H = 128
OUT = 128
K = 3


def _glorot(key, shape):
    fan_in = shape[-2] if len(shape) >= 2 else shape[-1]
    return jax.random.normal(key, shape, dtype=jnp.float32) * (1.0 / np.sqrt(fan_in))


def setup_inputs(seed: int = 0):
    key = jax.random.key(seed)
    ks = jax.random.split(key, 16)
    features = jax.random.normal(ks[0], (N, IN), dtype=jnp.float32)
    edge_index = jax.random.randint(ks[1], (2, E), 0, N, dtype=jnp.int32)
    return {
        "features": features,
        "edge_index": edge_index,
        "W1": _glorot(ks[2], (K, IN, H)),
        "b1": jnp.zeros((H,), jnp.float32),
        "W2": _glorot(ks[3], (K, H, H)),
        "b2": jnp.zeros((H,), jnp.float32),
        "W3": _glorot(ks[4], (K, H, H)),
        "b3": jnp.zeros((H,), jnp.float32),
        "gamma": jnp.ones((H,), jnp.float32),
        "beta": jnp.zeros((H,), jnp.float32),
        "mW1": _glorot(ks[5], (H, H)),
        "mb1": jnp.zeros((H,), jnp.float32),
        "mW2": _glorot(ks[6], (H, OUT)),
        "mb2": jnp.zeros((OUT,), jnp.float32),
    }


def _cheb(xh, src, dst, norm, W, b):
    # DGL-style ChebConv with lambda_max=2: L~ = -D^{-1/2} A D^{-1/2}
    def lap(h):
        agg = jnp.zeros_like(h).at[dst].add((h * norm[:, None])[src])
        return -agg * norm[:, None]
    Tx0 = xh
    out = Tx0 @ W[0] + b
    Tx1 = lap(Tx0)
    out = out + Tx1 @ W[1]
    Txp, Txc = Tx0, Tx1
    for k in range(2, W.shape[0]):
        Txn = 2.0 * lap(Txc) - Txp
        out = out + Txn @ W[k]
        Txp, Txc = Txc, Txn
    return out


def reference(features, edge_index, W1, b1, W2, b2, W3, b3, gamma, beta, mW1, mb1, mW2, mb2):
    src = edge_index[0]
    dst = edge_index[1]
    n = features.shape[0]
    deg = jnp.clip(jnp.zeros((n,), jnp.float32).at[dst].add(1.0), 1.0, None)
    norm = deg ** -0.5
    h = jax.nn.relu(_cheb(features, src, dst, norm, W1, b1))
    # BatchNorm1d (batch statistics, eps=1e-5)
    mean = jnp.mean(h, axis=0)
    var = jnp.var(h, axis=0)
    h = (h - mean) / jnp.sqrt(var + 1e-5) * gamma + beta
    # Original loop never updates x (code bug), so it has no effect on the output;
    # compute one cheb2 pass for compute-faithfulness only.
    _ = jax.nn.relu(_cheb(h, src, dst, norm, W2, b2))
    h_res = h
    h = jax.nn.relu(_cheb(h, src, dst, norm, W3, b3))
    h = h + h_res  # dropout is identity in eval
    out = jax.nn.relu(h @ mW1 + mb1) @ mW2 + mb2
    return out

if __name__ == "__main__":
    import jax
    _d = setup_inputs()
    print(jax.jit(kernel)(*tuple(_d.values())))

</pallas_src>

<mosaic_0001>
#map = affine_map<(d0, d1) -> (0, 0, 0)>
#map1 = affine_map<(d0, d1) -> (0, 0)>
module attributes {stable_mosaic.version = 14 : i64} {
  func.func @_deg_kernel(%arg0: i32, %arg1: i32, %arg2: memref<32x80x128xi32, #tpu.memory_space<hbm>>, %arg3: memref<10112x128xf32, #tpu.memory_space<hbm>>, %arg4: memref<128x128xf32, #tpu.memory_space<hbm>>, %arg5: memref<2x10112x128xf32, #tpu.memory_space<hbm>>, %arg6: memref<80x128xi32, #tpu.memory_space<vmem>>, %arg7: memref<128x128xf32, #tpu.memory_space<vmem>>, %arg8: memref<10112x128xf32, #tpu.memory_space<vmem_shared>>, %arg9: memref<!tpu.dma_semaphore, #tpu.memory_space<semaphore_mem>>) attributes {dimension_semantics = [#tpu.dimension_semantics<core_parallel>, #tpu.dimension_semantics<subcore_parallel>], iteration_bounds = array<i64: 2, 16>, scalar_prefetch = 0 : i64, scratch_operands = 4 : i64, tpu.core_type = #tpu.core_type<sc_vector_subcore>, window_params = [{transform_indices = #map}, {transform_indices = #map1}, {transform_indices = #map1}, {transform_indices = #map}]} {
    %mul3A = arith.constant 2 : i32
    %mul3A_0 = arith.muli %arg1, %mul3A : i32
    %add3A = arith.addi %mul3A_0, %arg0 : i32
    %mul3A_1 = arith.constant 632 : i32
    %mul3A_2 = arith.muli %arg1, %mul3A_1 : i32
    %mul3A_3 = arith.constant 632 : i32
    %mul3A_4 = arith.muli %arg1, %mul3A_3 : i32
    "tpu.region"() ({
      %run_scoped3A = tpu.sem_alloc : memref<!tpu.dma_semaphore, #tpu.memory_space<semaphore_mem>>
      %dma_start3A = arith.constant 0 : i32
      %dma_start3A_15 = tpu.memref_slice %arg8[%mul3A_4, %dma_start3A] : memref<10112x128xf32, #tpu.memory_space<vmem_shared>> -> memref<632x128xf32, #tpu.memory_space<vmem_shared>>
      %dma_start3A_16 = arith.constant 0 : i32
      %dma_start3A_17 = tpu.memref_slice %arg3[%mul3A_2, %dma_start3A_16] : memref<10112x128xf32, #tpu.memory_space<hbm>> -> memref<632x128xf32, #tpu.memory_space<hbm>>
      tpu.enqueue_dma source(%dma_start3A_17 : memref<632x128xf32, #tpu.memory_space<hbm>>) target(%dma_start3A_15 : memref<632x128xf32, #tpu.memory_space<vmem_shared>>) target_semaphore(%run_scoped3A : memref<!tpu.dma_semaphore, #tpu.memory_space<semaphore_mem>>)
      %dma_wait3A = arith.constant 0 : i32
      %dma_wait3A_18 = tpu.memref_slice %arg8[%mul3A_4, %dma_wait3A] : memref<10112x128xf32, #tpu.memory_space<vmem_shared>> -> memref<632x128xf32, #tpu.memory_space<vmem_shared>>
      %dma_wait3A_19 = arith.constant 0 : i32
      %dma_wait3A_20 = tpu.memref_slice %arg3[%mul3A_2, %dma_wait3A_19] : memref<10112x128xf32, #tpu.memory_space<hbm>> -> memref<632x128xf32, #tpu.memory_space<hbm>>
      tpu.wait_dma2 semaphore(%run_scoped3A : memref<!tpu.dma_semaphore, #tpu.memory_space<semaphore_mem>>) src(%dma_wait3A_20 : memref<632x128xf32, #tpu.memory_space<hbm>>) dst(%dma_wait3A_18 : memref<632x128xf32, #tpu.memory_space<vmem_shared>>)
      tpu.yield
    }) : () -> ()
    "tpu.region"() ({
      %run_scoped3A = tpu.sem_alloc : memref<!tpu.dma_semaphore, #tpu.memory_space<semaphore_mem>>
      tpu.enqueue_dma source(%arg4 : memref<128x128xf32, #tpu.memory_space<hbm>>) target(%arg7 : memref<128x128xf32, #tpu.memory_space<vmem>>) target_semaphore(%run_scoped3A : memref<!tpu.dma_semaphore, #tpu.memory_space<semaphore_mem>>)
      tpu.wait_dma2 semaphore(%run_scoped3A : memref<!tpu.dma_semaphore, #tpu.memory_space<semaphore_mem>>) src(%arg4 : memref<128x128xf32, #tpu.memory_space<hbm>>) dst(%arg7 : memref<128x128xf32, #tpu.memory_space<vmem>>)
      tpu.yield
    }) : () -> ()
    "tpu.region"() ({
      %run_scoped3A = tpu.sem_alloc : memref<!tpu.dma_semaphore, #tpu.memory_space<semaphore_mem>>
      %dma_start3A = arith.constant 0 : i32
      %dma_start3A_15 = arith.constant 0 : i32
      %dma_start3A_16 = tpu.memref_slice %arg2[%add3A, %dma_start3A, %dma_start3A_15] : memref<32x80x128xi32, #tpu.memory_space<hbm>> -> memref<1x80x128xi32, #tpu.memory_space<hbm>>
      %dma_start3A_17 = tpu.memref_squeeze %dma_start3A_16 : memref<1x80x128xi32, #tpu.memory_space<hbm>> -> memref<80x128xi32, #tpu.memory_space<hbm>>
      %dma_start3A_18 = arith.constant 0 : i32
      %dma_start3A_19 = arith.constant 0 : i32
      %dma_start3A_20 = tpu.memref_slice %arg2[%add3A, %dma_start3A_18, %dma_start3A_19] : memref<32x80x128xi32, #tpu.memory_space<hbm>> -> memref<1x80x128xi32, #tpu.memory_space<hbm>>
      %dma_start3A_21 = tpu.memref_squeeze %dma_start3A_20 : memref<1x80x128xi32, #tpu.memory_space<hbm>> -> memref<80x128xi32, #tpu.memory_space<hbm>>
      tpu.enqueue_dma source(%dma_start3A_21 : memref<80x128xi32, #tpu.memory_space<hbm>>) target(%arg6 : memref<80x128xi32, #tpu.memory_space<vmem>>) target_semaphore(%run_scoped3A : memref<!tpu.dma_semaphore, #tpu.memory_space<semaphore_mem>>)
      %dma_wait3A = arith.constant 0 : i32
      %dma_wait3A_22 = arith.constant 0 : i32
      %dma_wait3A_23 = tpu.memref_slice %arg2[%add3A, %dma_wait3A, %dma_wait3A_22] : memref<32x80x128xi32, #tpu.memory_space<hbm>> -> memref<1x80x128xi32, #tpu.memory_space<hbm>>
      %dma_wait3A_24 = tpu.memref_squeeze %dma_wait3A_23 : memref<1x80x128xi32, #tpu.memory_space<hbm>> -> memref<80x128xi32, #tpu.memory_space<hbm>>
      %dma_wait3A_25 = arith.constant 0 : i32
      %dma_wait3A_26 = arith.constant 0 : i32
      %dma_wait3A_27 = tpu.memref_slice %arg2[%add3A, %dma_wait3A_25, %dma_wait3A_26] : memref<32x80x128xi32, #tpu.memory_space<hbm>> -> memref<1x80x128xi32, #tpu.memory_space<hbm>>
      %dma_wait3A_28 = tpu.memref_squeeze %dma_wait3A_27 : memref<1x80x128xi32, #tpu.memory_space<hbm>> -> memref<80x128xi32, #tpu.memory_space<hbm>>
      tpu.wait_dma2 semaphore(%run_scoped3A : memref<!tpu.dma_semaphore, #tpu.memory_space<semaphore_mem>>) src(%dma_wait3A_28 : memref<80x128xi32, #tpu.memory_space<hbm>>) dst(%arg6 : memref<80x128xi32, #tpu.memory_space<vmem>>)
      tpu.yield
    }) : () -> ()
    %barrier3A = arith.constant 0 : index
    tpu.barrier barrier_id(%barrier3A)
    %scan3A = arith.constant 0 : i32
    %scan3A_5 = arith.constant 0 : i32
    %scan3A_6 = arith.constant 10 : i32
    %scan3A_7 = arith.addi %scan3A_5, %scan3A_6 : i32
    %scan3A_8 = arith.constant 1 : i32
    scf.for %scan3A_15 = %scan3A_5 to %scan3A_7 step %scan3A_8  : i32 {
      %mul3A_16 = arith.constant 8 : i32
      %mul3A_17 = arith.muli %scan3A_15, %mul3A_16 : i32
      %add3A_18 = arith.constant 0 : i32
      %add3A_19 = arith.addi %mul3A_17, %add3A_18 : i32
      %dma_start3A = arith.constant 0 : i32
      %dma_start3A_20 = tpu.memref_slice %arg6[%add3A_19, %dma_start3A] : memref<80x128xi32, #tpu.memory_space<vmem>> -> memref<1x128xi32, #tpu.memory_space<vmem>>
      %dma_start3A_21 = tpu.memref_squeeze %dma_start3A_20 : memref<1x128xi32, #tpu.memory_space<vmem>> -> memref<128xi32, #tpu.memory_space<vmem>>
      %dma_start3A_22 = arith.constant 0 : i32
      %dma_start3A_23 = arith.constant 0 : i32
      %dma_start3A_24 = tpu.memref_slice %arg8[%dma_start3A_22, %dma_start3A_23] : memref<10112x128xf32, #tpu.memory_space<vmem_shared>> -> memref<10112x128xf32, #tpu.memory_space<vmem_shared>>
      tpu.enqueue_indirect_dma source(%arg7 : memref<128x128xf32, #tpu.memory_space<vmem>>) target(%dma_start3A_24 : memref<10112x128xf32, #tpu.memory_space<vmem_shared>>) offsets(%dma_start3A_21 : memref<128xi32, #tpu.memory_space<vmem>>) semaphore(%arg9 : memref<!tpu.dma_semaphore, #tpu.memory_space<semaphore_mem>>) {add = true}
      %mul3A_25 = arith.constant 8 : i32
      %mul3A_26 = arith.muli %scan3A_15, %mul3A_25 : i32
      %add3A_27 = arith.constant 1 : i32
      %add3A_28 = arith.addi %mul3A_26, %add3A_27 : i32
      %dma_start3A_29 = arith.constant 0 : i32
      %dma_start3A_30 = tpu.memref_slice %arg6[%add3A_28, %dma_start3A_29] : memref<80x128xi32, #tpu.memory_space<vmem>> -> memref<1x128xi32, #tpu.memory_space<vmem>>
      %dma_start3A_31 = tpu.memref_squeeze %dma_start3A_30 : memref<1x128xi32, #tpu.memory_space<vmem>> -> memref<128xi32, #tpu.memory_space<vmem>>
      %dma_start3A_32 = arith.constant 0 : i32
      %dma_start3A_33 = arith.constant 0 : i32
      %dma_start3A_34 = tpu.memref_slice %arg8[%dma_start3A_32, %dma_start3A_33] : memref<10112x128xf32, #tpu.memory_space<vmem_shared>> -> memref<10112x128xf32, #tpu.memory_space<vmem_shared>>
      tpu.enqueue_indirect_dma source(%arg7 : memref<128x128xf32, #tpu.memory_space<vmem>>) target(%dma_start3A_34 : memref<10112x128xf32, #tpu.memory_space<vmem_shared>>) offsets(%dma_start3A_31 : memref<128xi32, #tpu.memory_space<vmem>>) semaphore(%arg9 : memref<!tpu.dma_semaphore, #tpu.memory_space<semaphore_mem>>) {add = true}
      %mul3A_35 = arith.constant 8 : i32
      %mul3A_36 = arith.muli %scan3A_15, %mul3A_35 : i32
      %add3A_37 = arith.constant 2 : i32
      %add3A_38 = arith.addi %mul3A_36, %add3A_37 : i32
      %dma_start3A_39 = arith.constant 0 : i32
      %dma_start3A_40 = tpu.memref_slice %arg6[%add3A_38, %dma_start3A_39] : memref<80x128xi32, #tpu.memory_space<vmem>> -> memref<1x128xi32, #tpu.memory_space<vmem>>
      %dma_start3A_41 = tpu.memref_squeeze %dma_start3A_40 : memref<1x128xi32, #tpu.memory_space<vmem>> -> memref<128xi32, #tpu.memory_space<vmem>>
      %dma_start3A_42 = arith.constant 0 : i32
      %dma_start3A_43 = arith.constant 0 : i32
      %dma_start3A_44 = tpu.memref_slice %arg8[%dma_start3A_42, %dma_start3A_43] : memref<10112x128xf32, #tpu.memory_space<vmem_shared>> -> memref<10112x128xf32, #tpu.memory_space<vmem_shared>>
      tpu.enqueue_indirect_dma source(%arg7 : memref<128x128xf32, #tpu.memory_space<vmem>>) target(%dma_start3A_44 : memref<10112x128xf32, #tpu.memory_space<vmem_shared>>) offsets(%dma_start3A_41 : memref<128xi32, #tpu.memory_space<vmem>>) semaphore(%arg9 : memref<!tpu.dma_semaphore, #tpu.memory_space<semaphore_mem>>) {add = true}
      %mul3A_45 = arith.constant 8 : i32
      %mul3A_46 = arith.muli %scan3A_15, %mul3A_45 : i32
      %add3A_47 = arith.constant 3 : i32
      %add3A_48 = arith.addi %mul3A_46, %add3A_47 : i32
      %dma_start3A_49 = arith.constant 0 : i32
      %dma_start3A_50 = tpu.memref_slice %arg6[%add3A_48, %dma_start3A_49] : memref<80x128xi32, #tpu.memory_space<vmem>> -> memref<1x128xi32, #tpu.memory_space<vmem>>
      %dma_start3A_51 = tpu.memref_squeeze %dma_start3A_50 : memref<1x128xi32, #tpu.memory_space<vmem>> -> memref<128xi32, #tpu.memory_space<vmem>>
      %dma_start3A_52 = arith.constant 0 : i32
      %dma_start3A_53 = arith.constant 0 : i32
      %dma_start3A_54 = tpu.memref_slice %arg8[%dma_start3A_52, %dma_start3A_53] : memref<10112x128xf32, #tpu.memory_space<vmem_shared>> -> memref<10112x128xf32, #tpu.memory_space<vmem_shared>>
      tpu.enqueue_indirect_dma source(%arg7 : memref<128x128xf32, #tpu.memory_space<vmem>>) target(%dma_start3A_54 : memref<10112x128xf32, #tpu.memory_space<vmem_shared>>) offsets(%dma_start3A_51 : memref<128xi32, #tpu.memory_space<vmem>>) semaphore(%arg9 : memref<!tpu.dma_semaphore, #tpu.memory_space<semaphore_mem>>) {add = true}
      %mul3A_55 = arith.constant 8 : i32
      %mul3A_56 = arith.muli %scan3A_15, %mul3A_55 : i32
      %add3A_57 = arith.constant 4 : i32
      %add3A_58 = arith.addi %mul3A_56, %add3A_57 : i32
      %dma_start3A_59 = arith.constant 0 : i32
      %dma_start3A_60 = tpu.memref_slice %arg6[%add3A_58, %dma_start3A_59] : memref<80x128xi32, #tpu.memory_space<vmem>> -> memref<1x128xi32, #tpu.memory_space<vmem>>
      %dma_start3A_61 = tpu.memref_squeeze %dma_start3A_60 : memref<1x128xi32, #tpu.memory_space<vmem>> -> memref<128xi32, #tpu.memory_space<vmem>>
      %dma_start3A_62 = arith.constant 0 : i32
      %dma_start3A_63 = arith.constant 0 : i32
      %dma_start3A_64 = tpu.memref_slice %arg8[%dma_start3A_62, %dma_start3A_63] : memref<10112x128xf32, #tpu.memory_space<vmem_shared>> -> memref<10112x128xf32, #tpu.memory_space<vmem_shared>>
      tpu.enqueue_indirect_dma source(%arg7 : memref<128x128xf32, #tpu.memory_space<vmem>>) target(%dma_start3A_64 : memref<10112x128xf32, #tpu.memory_space<vmem_shared>>) offsets(%dma_start3A_61 : memref<128xi32, #tpu.memory_space<vmem>>) semaphore(%arg9 : memref<!tpu.dma_semaphore, #tpu.memory_space<semaphore_mem>>) {add = true}
      %mul3A_65 = arith.constant 8 : i32
      %mul3A_66 = arith.muli %scan3A_15, %mul3A_65 : i32
      %add3A_67 = arith.constant 5 : i32
      %add3A_68 = arith.addi %mul3A_66, %add3A_67 : i32
      %dma_start3A_69 = arith.constant 0 : i32
      %dma_start3A_70 = tpu.memref_slice %arg6[%add3A_68, %dma_start3A_69] : memref<80x128xi32, #tpu.memory_space<vmem>> -> memref<1x128xi32, #tpu.memory_space<vmem>>
      %dma_start3A_71 = tpu.memref_squeeze %dma_start3A_70 : memref<1x128xi32, #tpu.memory_space<vmem>> -> memref<128xi32, #tpu.memory_space<vmem>>
      %dma_start3A_72 = arith.constant 0 : i32
      %dma_start3A_73 = arith.constant 0 : i32
      %dma_start3A_74 = tpu.memref_slice %arg8[%dma_start3A_72, %dma_start3A_73] : memref<10112x128xf32, #tpu.memory_space<vmem_shared>> -> memref<10112x128xf32, #tpu.memory_space<vmem_shared>>
      tpu.enqueue_indirect_dma source(%arg7 : memref<128x128xf32, #tpu.memory_space<vmem>>) target(%dma_start3A_74 : memref<10112x128xf32, #tpu.memory_space<vmem_shared>>) offsets(%dma_start3A_71 : memref<128xi32, #tpu.memory_space<vmem>>) semaphore(%arg9 : memref<!tpu.dma_semaphore, #tpu.memory_space<semaphore_mem>>) {add = true}
      %mul3A_75 = arith.constant 8 : i32
      %mul3A_76 = arith.muli %scan3A_15, %mul3A_75 : i32
      %add3A_77 = arith.constant 6 : i32
      %add3A_78 = arith.addi %mul3A_76, %add3A_77 : i32
      %dma_start3A_79 = arith.constant 0 : i32
      %dma_start3A_80 = tpu.memref_slice %arg6[%add3A_78, %dma_start3A_79] : memref<80x128xi32, #tpu.memory_space<vmem>> -> memref<1x128xi32, #tpu.memory_space<vmem>>
      %dma_start3A_81 = tpu.memref_squeeze %dma_start3A_80 : memref<1x128xi32, #tpu.memory_space<vmem>> -> memref<128xi32, #tpu.memory_space<vmem>>
      %dma_start3A_82 = arith.constant 0 : i32
      %dma_start3A_83 = arith.constant 0 : i32
      %dma_start3A_84 = tpu.memref_slice %arg8[%dma_start3A_82, %dma_start3A_83] : memref<10112x128xf32, #tpu.memory_space<vmem_shared>> -> memref<10112x128xf32, #tpu.memory_space<vmem_shared>>
      tpu.enqueue_indirect_dma source(%arg7 : memref<128x128xf32, #tpu.memory_space<vmem>>) target(%dma_start3A_84 : memref<10112x128xf32, #tpu.memory_space<vmem_shared>>) offsets(%dma_start3A_81 : memref<128xi32, #tpu.memory_space<vmem>>) semaphore(%arg9 : memref<!tpu.dma_semaphore, #tpu.memory_space<semaphore_mem>>) {add = true}
      %mul3A_85 = arith.constant 8 : i32
      %mul3A_86 = arith.muli %scan3A_15, %mul3A_85 : i32
      %add3A_87 = arith.constant 7 : i32
      %add3A_88 = arith.addi %mul3A_86, %add3A_87 : i32
      %dma_start3A_89 = arith.constant 0 : i32
      %dma_start3A_90 = tpu.memref_slice %arg6[%add3A_88, %dma_start3A_89] : memref<80x128xi32, #tpu.memory_space<vmem>> -> memref<1x128xi32, #tpu.memory_space<vmem>>
      %dma_start3A_91 = tpu.memref_squeeze %dma_start3A_90 : memref<1x128xi32, #tpu.memory_space<vmem>> -> memref<128xi32, #tpu.memory_space<vmem>>
      %dma_start3A_92 = arith.constant 0 : i32
      %dma_start3A_93 = arith.constant 0 : i32
      %dma_start3A_94 = tpu.memref_slice %arg8[%dma_start3A_92, %dma_start3A_93] : memref<10112x128xf32, #tpu.memory_space<vmem_shared>> -> memref<10112x128xf32, #tpu.memory_space<vmem_shared>>
      tpu.enqueue_indirect_dma source(%arg7 : memref<128x128xf32, #tpu.memory_space<vmem>>) target(%dma_start3A_94 : memref<10112x128xf32, #tpu.memory_space<vmem_shared>>) offsets(%dma_start3A_91 : memref<128xi32, #tpu.memory_space<vmem>>) semaphore(%arg9 : memref<!tpu.dma_semaphore, #tpu.memory_space<semaphore_mem>>) {add = true}
      %mul3A_95 = arith.constant 8 : i32
      %mul3A_96 = arith.muli %scan3A_15, %mul3A_95 : i32
      %add3A_97 = arith.constant 0 : i32
      %add3A_98 = arith.addi %mul3A_96, %add3A_97 : i32
      %dma_wait3A = arith.constant 0 : i32
      %dma_wait3A_99 = tpu.memref_slice %arg6[%add3A_98, %dma_wait3A] : memref<80x128xi32, #tpu.memory_space<vmem>> -> memref<1x128xi32, #tpu.memory_space<vmem>>
      %dma_wait3A_100 = tpu.memref_squeeze %dma_wait3A_99 : memref<1x128xi32, #tpu.memory_space<vmem>> -> memref<128xi32, #tpu.memory_space<vmem>>
      %dma_wait3A_101 = arith.constant 0 : i32
      %dma_wait3A_102 = arith.constant 0 : i32
      %dma_wait3A_103 = tpu.memref_slice %arg8[%dma_wait3A_101, %dma_wait3A_102] : memref<10112x128xf32, #tpu.memory_space<vmem_shared>> -> memref<10112x128xf32, #tpu.memory_space<vmem_shared>>
      tpu.wait_indirect_dma semaphore(%arg9 : memref<!tpu.dma_semaphore, #tpu.memory_space<semaphore_mem>>) src(%arg7 : memref<128x128xf32, #tpu.memory_space<vmem>>) dst(%dma_wait3A_103 : memref<10112x128xf32, #tpu.memory_space<vmem_shared>>)
      %mul3A_104 = arith.constant 8 : i32
      %mul3A_105 = arith.muli %scan3A_15, %mul3A_104 : i32
      %add3A_106 = arith.constant 1 : i32
      %add3A_107 = arith.addi %mul3A_105, %add3A_106 : i32
      %dma_wait3A_108 = arith.constant 0 : i32
      %dma_wait3A_109 = tpu.memref_slice %arg6[%add3A_107, %dma_wait3A_108] : memref<80x128xi32, #tpu.memory_space<vmem>> -> memref<1x128xi32, #tpu.memory_space<vmem>>
      %dma_wait3A_110 = tpu.memref_squeeze %dma_wait3A_109 : memref<1x128xi32, #tpu.memory_space<vmem>> -> memref<128xi32, #tpu.memory_space<vmem>>
      %dma_wait3A_111 = arith.constant 0 : i32
      %dma_wait3A_112 = arith.constant 0 : i32
      %dma_wait3A_113 = tpu.memref_slice %arg8[%dma_wait3A_111, %dma_wait3A_112] : memref<10112x128xf32, #tpu.memory_space<vmem_shared>> -> memref<10112x128xf32, #tpu.memory_space<vmem_shared>>
      tpu.wait_indirect_dma semaphore(%arg9 : memref<!tpu.dma_semaphore, #tpu.memory_space<semaphore_mem>>) src(%arg7 : memref<128x128xf32, #tpu.memory_space<vmem>>) dst(%dma_wait3A_113 : memref<10112x128xf32, #tpu.memory_space<vmem_shared>>)
      %mul3A_114 = arith.constant 8 : i32
      %mul3A_115 = arith.muli %scan3A_15, %mul3A_114 : i32
      %add3A_116 = arith.constant 2 : i32
      %add3A_117 = arith.addi %mul3A_115, %add3A_116 : i32
      %dma_wait3A_118 = arith.constant 0 : i32
      %dma_wait3A_119 = tpu.memref_slice %arg6[%add3A_117, %dma_wait3A_118] : memref<80x128xi32, #tpu.memory_space<vmem>> -> memref<1x128xi32, #tpu.memory_space<vmem>>
      %dma_wait3A_120 = tpu.memref_squeeze %dma_wait3A_119 : memref<1x128xi32, #tpu.memory_space<vmem>> -> memref<128xi32, #tpu.memory_space<vmem>>
      %dma_wait3A_121 = arith.constant 0 : i32
      %dma_wait3A_122 = arith.constant 0 : i32
      %dma_wait3A_123 = tpu.memref_slice %arg8[%dma_wait3A_121, %dma_wait3A_122] : memref<10112x128xf32, #tpu.memory_space<vmem_shared>> -> memref<10112x128xf32, #tpu.memory_space<vmem_shared>>
      tpu.wait_indirect_dma semaphore(%arg9 : memref<!tpu.dma_semaphore, #tpu.memory_space<semaphore_mem>>) src(%arg7 : memref<128x128xf32, #tpu.memory_space<vmem>>) dst(%dma_wait3A_123 : memref<10112x128xf32, #tpu.memory_space<vmem_shared>>)
      %mul3A_124 = arith.constant 8 : i32
      %mul3A_125 = arith.muli %scan3A_15, %mul3A_124 : i32
      %add3A_126 = arith.constant 3 : i32
      %add3A_127 = arith.addi %mul3A_125, %add3A_126 : i32
      %dma_wait3A_128 = arith.constant 0 : i32
      %dma_wait3A_129 = tpu.memref_slice %arg6[%add3A_127, %dma_wait3A_128] : memref<80x128xi32, #tpu.memory_space<vmem>> -> memref<1x128xi32, #tpu.memory_space<vmem>>
      %dma_wait3A_130 = tpu.memref_squeeze %dma_wait3A_129 : memref<1x128xi32, #tpu.memory_space<vmem>> -> memref<128xi32, #tpu.memory_space<vmem>>
      %dma_wait3A_131 = arith.constant 0 : i32
      %dma_wait3A_132 = arith.constant 0 : i32
      %dma_wait3A_133 = tpu.memref_slice %arg8[%dma_wait3A_131, %dma_wait3A_132] : memref<10112x128xf32, #tpu.memory_space<vmem_shared>> -> memref<10112x128xf32, #tpu.memory_space<vmem_shared>>
      tpu.wait_indirect_dma semaphore(%arg9 : memref<!tpu.dma_semaphore, #tpu.memory_space<semaphore_mem>>) src(%arg7 : memref<128x128xf32, #tpu.memory_space<vmem>>) dst(%dma_wait3A_133 : memref<10112x128xf32, #tpu.memory_space<vmem_shared>>)
      %mul3A_134 = arith.constant 8 : i32
      %mul3A_135 = arith.muli %scan3A_15, %mul3A_134 : i32
      %add3A_136 = arith.constant 4 : i32
      %add3A_137 = arith.addi %mul3A_135, %add3A_136 : i32
      %dma_wait3A_138 = arith.constant 0 : i32
      %dma_wait3A_139 = tpu.memref_slice %arg6[%add3A_137, %dma_wait3A_138] : memref<80x128xi32, #tpu.memory_space<vmem>> -> memref<1x128xi32, #tpu.memory_space<vmem>>
      %dma_wait3A_140 = tpu.memref_squeeze %dma_wait3A_139 : memref<1x128xi32, #tpu.memory_space<vmem>> -> memref<128xi32, #tpu.memory_space<vmem>>
      %dma_wait3A_141 = arith.constant 0 : i32
      %dma_wait3A_142 = arith.constant 0 : i32
      %dma_wait3A_143 = tpu.memref_slice %arg8[%dma_wait3A_141, %dma_wait3A_142] : memref<10112x128xf32, #tpu.memory_space<vmem_shared>> -> memref<10112x128xf32, #tpu.memory_space<vmem_shared>>
      tpu.wait_indirect_dma semaphore(%arg9 : memref<!tpu.dma_semaphore, #tpu.memory_space<semaphore_mem>>) src(%arg7 : memref<128x128xf32, #tpu.memory_space<vmem>>) dst(%dma_wait3A_143 : memref<10112x128xf32, #tpu.memory_space<vmem_shared>>)
      %mul3A_144 = arith.constant 8 : i32
      %mul3A_145 = arith.muli %scan3A_15, %mul3A_144 : i32
      %add3A_146 = arith.constant 5 : i32
      %add3A_147 = arith.addi %mul3A_145, %add3A_146 : i32
      %dma_wait3A_148 = arith.constant 0 : i32
      %dma_wait3A_149 = tpu.memref_slice %arg6[%add3A_147, %dma_wait3A_148] : memref<80x128xi32, #tpu.memory_space<vmem>> -> memref<1x128xi32, #tpu.memory_space<vmem>>
      %dma_wait3A_150 = tpu.memref_squeeze %dma_wait3A_149 : memref<1x128xi32, #tpu.memory_space<vmem>> -> memref<128xi32, #tpu.memory_space<vmem>>
      %dma_wait3A_151 = arith.constant 0 : i32
      %dma_wait3A_152 = arith.constant 0 : i32
      %dma_wait3A_153 = tpu.memref_slice %arg8[%dma_wait3A_151, %dma_wait3A_152] : memref<10112x128xf32, #tpu.memory_space<vmem_shared>> -> memref<10112x128xf32, #tpu.memory_space<vmem_shared>>
      tpu.wait_indirect_dma semaphore(%arg9 : memref<!tpu.dma_semaphore, #tpu.memory_space<semaphore_mem>>) src(%arg7 : memref<128x128xf32, #tpu.memory_space<vmem>>) dst(%dma_wait3A_153 : memref<10112x128xf32, #tpu.memory_space<vmem_shared>>)
      %mul3A_154 = arith.constant 8 : i32
      %mul3A_155 = arith.muli %scan3A_15, %mul3A_154 : i32
      %add3A_156 = arith.constant 6 : i32
      %add3A_157 = arith.addi %mul3A_155, %add3A_156 : i32
      %dma_wait3A_158 = arith.constant 0 : i32
      %dma_wait3A_159 = tpu.memref_slice %arg6[%add3A_157, %dma_wait3A_158] : memref<80x128xi32, #tpu.memory_space<vmem>> -> memref<1x128xi32, #tpu.memory_space<vmem>>
      %dma_wait3A_160 = tpu.memref_squeeze %dma_wait3A_159 : memref<1x128xi32, #tpu.memory_space<vmem>> -> memref<128xi32, #tpu.memory_space<vmem>>
      %dma_wait3A_161 = arith.constant 0 : i32
      %dma_wait3A_162 = arith.constant 0 : i32
      %dma_wait3A_163 = tpu.memref_slice %arg8[%dma_wait3A_161, %dma_wait3A_162] : memref<10112x128xf32, #tpu.memory_space<vmem_shared>> -> memref<10112x128xf32, #tpu.memory_space<vmem_shared>>
      tpu.wait_indirect_dma semaphore(%arg9 : memref<!tpu.dma_semaphore, #tpu.memory_space<semaphore_mem>>) src(%arg7 : memref<128x128xf32, #tpu.memory_space<vmem>>) dst(%dma_wait3A_163 : memref<10112x128xf32, #tpu.memory_space<vmem_shared>>)
      %mul3A_164 = arith.constant 8 : i32
      %mul3A_165 = arith.muli %scan3A_15, %mul3A_164 : i32
      %add3A_166 = arith.constant 7 : i32
      %add3A_167 = arith.addi %mul3A_165, %add3A_166 : i32
      %dma_wait3A_168 = arith.constant 0 : i32
      %dma_wait3A_169 = tpu.memref_slice %arg6[%add3A_167, %dma_wait3A_168] : memref<80x128xi32, #tpu.memory_space<vmem>> -> memref<1x128xi32, #tpu.memory_space<vmem>>
      %dma_wait3A_170 = tpu.memref_squeeze %dma_wait3A_169 : memref<1x128xi32, #tpu.memory_space<vmem>> -> memref<128xi32, #tpu.memory_space<vmem>>
      %dma_wait3A_171 = arith.constant 0 : i32
      %dma_wait3A_172 = arith.constant 0 : i32
      %dma_wait3A_173 = tpu.memref_slice %arg8[%dma_wait3A_171, %dma_wait3A_172] : memref<10112x128xf32, #tpu.memory_space<vmem_shared>> -> memref<10112x128xf32, #tpu.memory_space<vmem_shared>>
      tpu.wait_indirect_dma semaphore(%arg9 : memref<!tpu.dma_semaphore, #tpu.memory_space<semaphore_mem>>) src(%arg7 : memref<128x128xf32, #tpu.memory_space<vmem>>) dst(%dma_wait3A_173 : memref<10112x128xf32, #tpu.memory_space<vmem_shared>>)
    }
    %scan3A_9 = arith.constant 10 : i32
    %barrier3A_10 = arith.constant 0 : index
    tpu.barrier barrier_id(%barrier3A_10)
    %mul3A_11 = arith.constant 632 : i32
    %mul3A_12 = arith.muli %arg1, %mul3A_11 : i32
    %mul3A_13 = arith.constant 632 : i32
    %mul3A_14 = arith.muli %arg1, %mul3A_13 : i32
    "tpu.region"() ({
      %run_scoped3A = tpu.sem_alloc : memref<!tpu.dma_semaphore, #tpu.memory_space<semaphore_mem>>
      %dma_start3A = arith.constant 0 : i32
      %dma_start3A_15 = tpu.memref_slice %arg5[%arg0, %mul3A_14, %dma_start3A] : memref<2x10112x128xf32, #tpu.memory_space<hbm>> -> memref<1x632x128xf32, #tpu.memory_space<hbm>>
      %dma_start3A_16 = tpu.memref_squeeze %dma_start3A_15 : memref<1x632x128xf32, #tpu.memory_space<hbm>> -> memref<632x128xf32, #tpu.memory_space<hbm>>
      %dma_start3A_17 = arith.constant 0 : i32
      %dma_start3A_18 = tpu.memref_slice %arg8[%mul3A_12, %dma_start3A_17] : memref<10112x128xf32, #tpu.memory_space<vmem_shared>> -> memref<632x128xf32, #tpu.memory_space<vmem_shared>>
      tpu.enqueue_dma source(%dma_start3A_18 : memref<632x128xf32, #tpu.memory_space<vmem_shared>>) target(%dma_start3A_16 : memref<632x128xf32, #tpu.memory_space<hbm>>) target_semaphore(%run_scoped3A : memref<!tpu.dma_semaphore, #tpu.memory_space<semaphore_mem>>)
      %dma_wait3A = arith.constant 0 : i32
      %dma_wait3A_19 = tpu.memref_slice %arg5[%arg0, %mul3A_14, %dma_wait3A] : memref<2x10112x128xf32, #tpu.memory_space<hbm>> -> memref<1x632x128xf32, #tpu.memory_space<hbm>>
      %dma_wait3A_20 = tpu.memref_squeeze %dma_wait3A_19 : memref<1x632x128xf32, #tpu.memory_space<hbm>> -> memref<632x128xf32, #tpu.memory_space<hbm>>
      %dma_wait3A_21 = arith.constant 0 : i32
      %dma_wait3A_22 = tpu.memref_slice %arg8[%mul3A_12, %dma_wait3A_21] : memref<10112x128xf32, #tpu.memory_space<vmem_shared>> -> memref<632x128xf32, #tpu.memory_space<vmem_shared>>
      tpu.wait_dma2 semaphore(%run_scoped3A : memref<!tpu.dma_semaphore, #tpu.memory_space<semaphore_mem>>) src(%dma_wait3A_22 : memref<632x128xf32, #tpu.memory_space<vmem_shared>>) dst(%dma_wait3A_20 : memref<632x128xf32, #tpu.memory_space<hbm>>)
      tpu.yield
    }) : () -> ()
    return
  }
}

#map = affine_map<(d0, d1) -> (0, 0)>
module attributes {stable_mosaic.version = 14 : i64} {
  func.func @_spmm_kernel(%arg0: i32, %arg1: i32, %arg2: memref<10000x128xf32, #tpu.memory_space<hbm>>, %arg3: memref<2560x128xi32, #tpu.memory_space<hbm>>, %arg4: memref<2560x128xi32, #tpu.memory_space<hbm>>, %arg5: memref<10112x128xf32, #tpu.memory_space<hbm>>, %arg6: memref<10112x128xf32, #tpu.memory_space<hbm>>, %arg7: memref<2x128xi32, #tpu.memory_space<vmem>>, %arg8: memref<2x128xi32, #tpu.memory_space<vmem>>, %arg9: memref<128x128xf32, #tpu.memory_space<vmem>>, %arg10: memref<128x128xf32, #tpu.memory_space<vmem>>, %arg11: memref<10112x128xf32, #tpu.memory_space<vmem_shared>>, %arg12: memref<!tpu.dma_semaphore, #tpu.memory_space<semaphore_mem>>, %arg13: memref<!tpu.dma_semaphore, #tpu.memory_space<semaphore_mem>>, %arg14: memref<!tpu.dma_semaphore, #tpu.memory_space<semaphore_mem>>, %arg15: memref<!tpu.dma_semaphore, #tpu.memory_space<semaphore_mem>>, %arg16: memref<!tpu.dma_semaphore, #tpu.memory_space<semaphore_mem>>, %arg17: memref<!tpu.dma_semaphore, #tpu.memory_space<semaphore_mem>>) attributes {dimension_semantics = [#tpu.dimension_semantics<core_parallel>, #tpu.dimension_semantics<subcore_parallel>], iteration_bounds = array<i64: 2, 16>, scalar_prefetch = 0 : i64, scratch_operands = 11 : i64, tpu.core_type = #tpu.core_type<sc_vector_subcore>, window_params = [{transform_indices = #map}, {transform_indices = #map}, {transform_indices = #map}, {transform_indices = #map}, {transform_indices = #map}]} {
    %mul3A = arith.constant 160 : i32
    %mul3A_0 = arith.muli %arg1, %mul3A : i32
    %eq3A = arith.constant 0 : i32
    %eq3A_1 = arith.cmpi eq, %arg0, %eq3A : i32
    %convert_element_type3A = arith.extui %eq3A_1 : i1 to i32
    %cond3A = arith.constant 0 : i32
    %cond3A_2 = arith.cmpi ne, %convert_element_type3A, %cond3A : i32
    scf.if %cond3A_2 {
      %mul3A_3 = arith.constant 632 : i32
      %mul3A_4 = arith.muli %arg1, %mul3A_3 : i32
      %mul3A_5 = arith.constant 632 : i32
      %mul3A_6 = arith.muli %arg1, %mul3A_5 : i32
      "tpu.region"() ({
        %run_scoped3A_36 = tpu.sem_alloc : memref<!tpu.dma_semaphore, #tpu.memory_space<semaphore_mem>>
        %dma_start3A_37 = arith.constant 0 : i32
        %dma_start3A_38 = tpu.memref_slice %arg11[%mul3A_6, %dma_start3A_37] : memref<10112x128xf32, #tpu.memory_space<vmem_shared>> -> memref<632x128xf32, #tpu.memory_space<vmem_shared>>
        %dma_start3A_39 = arith.constant 0 : i32
        %dma_start3A_40 = tpu.memref_slice %arg5[%mul3A_4, %dma_start3A_39] : memref<10112x128xf32, #tpu.memory_space<hbm>> -> memref<632x128xf32, #tpu.memory_space<hbm>>
        tpu.enqueue_dma source(%dma_start3A_40 : memref<632x128xf32, #tpu.memory_space<hbm>>) target(%dma_start3A_38 : memref<632x128xf32, #tpu.memory_space<vmem_shared>>) target_semaphore(%run_scoped3A_36 : memref<!tpu.dma_semaphore, #tpu.memory_space<semaphore_mem>>)
        %dma_wait3A = arith.constant 0 : i32
        %dma_wait3A_41 = tpu.memref_slice %arg11[%mul3A_6, %dma_wait3A] : memref<10112x128xf32, #tpu.memory_space<vmem_shared>> -> memref<632x128xf32, #tpu.memory_space<vmem_shared>>
        %dma_wait3A_42 = arith.constant 0 : i32
        %dma_wait3A_43 = tpu.memref_slice %arg5[%mul3A_4, %dma_wait3A_42] : memref<10112x128xf32, #tpu.memory_space<hbm>> -> memref<632x128xf32, #tpu.memory_space<hbm>>
        tpu.wait_dma2 semaphore(%run_scoped3A_36 : memref<!tpu.dma_semaphore, #tpu.memory_space<semaphore_mem>>) src(%dma_wait3A_43 : memref<632x128xf32, #tpu.memory_space<hbm>>) dst(%dma_wait3A_41 : memref<632x128xf32, #tpu.memory_space<vmem_shared>>)
        tpu.yield
      }) : () -> ()
      %run_scoped3A = arith.constant 0 : i32
      "tpu.region"() ({
        %run_scoped3A_36 = tpu.sem_alloc : memref<!tpu.dma_semaphore, #tpu.memory_space<semaphore_mem>>
        %dma_start3A_37 = arith.constant 0 : i32
        %dma_start3A_38 = tpu.memref_slice %arg7[%run_scoped3A, %dma_start3A_37] : memref<2x128xi32, #tpu.memory_space<vmem>> -> memref<1x128xi32, #tpu.memory_space<vmem>>
        %dma_start3A_39 = tpu.memref_squeeze %dma_start3A_38 : memref<1x128xi32, #tpu.memory_space<vmem>> -> memref<128xi32, #tpu.memory_space<vmem>>
        %dma_start3A_40 = arith.constant 0 : i32
        %dma_start3A_41 = tpu.memref_slice %arg3[%mul3A_0, %dma_start3A_40] : memref<2560x128xi32, #tpu.memory_space<hbm>> -> memref<1x128xi32, #tpu.memory_space<hbm>>
        %dma_start3A_42 = tpu.memref_squeeze %dma_start3A_41 : memref<1x128xi32, #tpu.memory_space<hbm>> -> memref<128xi32, #tpu.memory_space<hbm>>
        %dma_start3A_43 = arith.constant 0 : i32
        %dma_start3A_44 = tpu.memref_slice %arg7[%run_scoped3A, %dma_start3A_43] : memref<2x128xi32, #tpu.memory_space<vmem>> -> memref<1x128xi32, #tpu.memory_space<vmem>>
        %dma_start3A_45 = tpu.memref_squeeze %dma_start3A_44 : memref<1x128xi32, #tpu.memory_space<vmem>> -> memref<128xi32, #tpu.memory_space<vmem>>
        %dma_start3A_46 = arith.constant 0 : i32
        %dma_start3A_47 = tpu.memref_slice %arg3[%mul3A_0, %dma_start3A_46] : memref<2560x128xi32, #tpu.memory_space<hbm>> -> memref<1x128xi32, #tpu.memory_space<hbm>>
        %dma_start3A_48 = tpu.memref_squeeze %dma_start3A_47 : memref<1x128xi32, #tpu.memory_space<hbm>> -> memref<128xi32, #tpu.memory_space<hbm>>
        tpu.enqueue_dma source(%dma_start3A_48 : memref<128xi32, #tpu.memory_space<hbm>>) target(%dma_start3A_45 : memref<128xi32, #tpu.memory_space<vmem>>) target_semaphore(%run_scoped3A_36 : memref<!tpu.dma_semaphore, #tpu.memory_space<semaphore_mem>>)
        %dma_wait3A = arith.constant 0 : i32
        %dma_wait3A_49 = tpu.memref_slice %arg7[%run_scoped3A, %dma_wait3A] : memref<2x128xi32, #tpu.memory_space<vmem>> -> memref<1x128xi32, #tpu.memory_space<vmem>>
        %dma_wait3A_50 = tpu.memref_squeeze %dma_wait3A_49 : memref<1x128xi32, #tpu.memory_space<vmem>> -> memref<128xi32, #tpu.memory_space<vmem>>
        %dma_wait3A_51 = arith.constant 0 : i32
        %dma_wait3A_52 = tpu.memref_slice %arg3[%mul3A_0, %dma_wait3A_51] : memref<2560x128xi32, #tpu.memory_space<hbm>> -> memref<1x128xi32, #tpu.memory_space<hbm>>
        %dma_wait3A_53 = tpu.memref_squeeze %dma_wait3A_52 : memref<1x128xi32, #tpu.memory_space<hbm>> -> memref<128xi32, #tpu.memory_space<hbm>>
        %dma_wait3A_54 = arith.constant 0 : i32
        %dma_wait3A_55 = tpu.memref_slice %arg7[%run_scoped3A, %dma_wait3A_54] : memref<2x128xi32, #tpu.memory_space<vmem>> -> memref<1x128xi32, #tpu.memory_space<vmem>>
        %dma_wait3A_56 = tpu.memref_squeeze %dma_wait3A_55 : memref<1x128xi32, #tpu.memory_space<vmem>> -> memref<128xi32, #tpu.memory_space<vmem>>
        %dma_wait3A_57 = arith.constant 0 : i32
        %dma_wait3A_58 = tpu.memref_slice %arg3[%mul3A_0, %dma_wait3A_57] : memref<2560x128xi32, #tpu.memory_space<hbm>> -> memref<1x128xi32, #tpu.memory_space<hbm>>
        %dma_wait3A_59 = tpu.memref_squeeze %dma_wait3A_58 : memref<1x128xi32, #tpu.memory_space<hbm>> -> memref<128xi32, #tpu.memory_space<hbm>>
        tpu.wait_dma2 semaphore(%run_scoped3A_36 : memref<!tpu.dma_semaphore, #tpu.memory_space<semaphore_mem>>) src(%dma_wait3A_59 : memref<128xi32, #tpu.memory_space<hbm>>) dst(%dma_wait3A_56 : memref<128xi32, #tpu.memory_space<vmem>>)
        tpu.yield
      }) : () -> ()
      %add3A = arith.constant 1 : i32
      %add3A_7 = arith.addi %mul3A_0, %add3A : i32
      %run_scoped3A_8 = arith.constant 1 : i32
      "tpu.region"() ({
        %run_scoped3A_36 = tpu.sem_alloc : memref<!tpu.dma_semaphore, #tpu.memory_space<semaphore_mem>>
        %dma_start3A_37 = arith.constant 0 : i32
        %dma_start3A_38 = tpu.memref_slice %arg7[%run_scoped3A_8, %dma_start3A_37] : memref<2x128xi32, #tpu.memory_space<vmem>> -> memref<1x128xi32, #tpu.memory_space<vmem>>
        %dma_start3A_39 = tpu.memref_squeeze %dma_start3A_38 : memref<1x128xi32, #tpu.memory_space<vmem>> -> memref<128xi32, #tpu.memory_space<vmem>>
        %dma_start3A_40 = arith.constant 0 : i32
        %dma_start3A_41 = tpu.memref_slice %arg3[%add3A_7, %dma_start3A_40] : memref<2560x128xi32, #tpu.memory_space<hbm>> -> memref<1x128xi32, #tpu.memory_space<hbm>>
        %dma_start3A_42 = tpu.memref_squeeze %dma_start3A_41 : memref<1x128xi32, #tpu.memory_space<hbm>> -> memref<128xi32, #tpu.memory_space<hbm>>
        %dma_start3A_43 = arith.constant 0 : i32
        %dma_start3A_44 = tpu.memref_slice %arg7[%run_scoped3A_8, %dma_start3A_43] : memref<2x128xi32, #tpu.memory_space<vmem>> -> memref<1x128xi32, #tpu.memory_space<vmem>>
        %dma_start3A_45 = tpu.memref_squeeze %dma_start3A_44 : memref<1x128xi32, #tpu.memory_space<vmem>> -> memref<128xi32, #tpu.memory_space<vmem>>
        %dma_start3A_46 = arith.constant 0 : i32
        %dma_start3A_47 = tpu.memref_slice %arg3[%add3A_7, %dma_start3A_46] : memref<2560x128xi32, #tpu.memory_space<hbm>> -> memref<1x128xi32, #tpu.memory_space<hbm>>
        %dma_start3A_48 = tpu.memref_squeeze %dma_start3A_47 : memref<1x128xi32, #tpu.memory_space<hbm>> -> memref<128xi32, #tpu.memory_space<hbm>>
        tpu.enqueue_dma source(%dma_start3A_48 : memref<128xi32, #tpu.memory_space<hbm>>) target(%dma_start3A_45 : memref<128xi32, #tpu.memory_space<vmem>>) target_semaphore(%run_scoped3A_36 : memref<!tpu.dma_semaphore, #tpu.memory_space<semaphore_mem>>)
        %dma_wait3A = arith.constant 0 : i32
        %dma_wait3A_49 = tpu.memref_slice %arg7[%run_scoped3A_8, %dma_wait3A] : memref<2x128xi32, #tpu.memory_space<vmem>> -> memref<1x128xi32, #tpu.memory_space<vmem>>
        %dma_wait3A_50 = tpu.memref_squeeze %dma_wait3A_49 : memref<1x128xi32, #tpu.memory_space<vmem>> -> memref<128xi32, #tpu.memory_space<vmem>>
        %dma_wait3A_51 = arith.constant 0 : i32
        %dma_wait3A_52 = tpu.memref_slice %arg3[%add3A_7, %dma_wait3A_51] : memref<2560x128xi32, #tpu.memory_space<hbm>> -> memref<1x128xi32, #tpu.memory_space<hbm>>
        %dma_wait3A_53 = tpu.memref_squeeze %dma_wait3A_52 : memref<1x128xi32, #tpu.memory_space<hbm>> -> memref<128xi32, #tpu.memory_space<hbm>>
        %dma_wait3A_54 = arith.constant 0 : i32
        %dma_wait3A_55 = tpu.memref_slice %arg7[%run_scoped3A_8, %dma_wait3A_54] : memref<2x128xi32, #tpu.memory_space<vmem>> -> memref<1x128xi32, #tpu.memory_space<vmem>>
        %dma_wait3A_56 = tpu.memref_squeeze %dma_wait3A_55 : memref<1x128xi32, #tpu.memory_space<vmem>> -> memref<128xi32, #tpu.memory_space<vmem>>
        %dma_wait3A_57 = arith.constant 0 : i32
        %dma_wait3A_58 = tpu.memref_slice %arg3[%add3A_7, %dma_wait3A_57] : memref<2560x128xi32, #tpu.memory_space<hbm>> -> memref<1x128xi32, #tpu.memory_space<hbm>>
        %dma_wait3A_59 = tpu.memref_squeeze %dma_wait3A_58 : memref<1x128xi32, #tpu.memory_space<hbm>> -> memref<128xi32, #tpu.memory_space<hbm>>
        tpu.wait_dma2 semaphore(%run_scoped3A_36 : memref<!tpu.dma_semaphore, #tpu.memory_space<semaphore_mem>>) src(%dma_wait3A_59 : memref<128xi32, #tpu.memory_space<hbm>>) dst(%dma_wait3A_56 : memref<128xi32, #tpu.memory_space<vmem>>)
        tpu.yield
      }) : () -> ()
      %run_scoped3A_9 = arith.constant 0 : i32
      "tpu.region"() ({
        %run_scoped3A_36 = tpu.sem_alloc : memref<!tpu.dma_semaphore, #tpu.memory_space<semaphore_mem>>
        %dma_start3A_37 = arith.constant 0 : i32
        %dma_start3A_38 = tpu.memref_slice %arg8[%run_scoped3A_9, %dma_start3A_37] : memref<2x128xi32, #tpu.memory_space<vmem>> -> memref<1x128xi32, #tpu.memory_space<vmem>>
        %dma_start3A_39 = tpu.memref_squeeze %dma_start3A_38 : memref<1x128xi32, #tpu.memory_space<vmem>> -> memref<128xi32, #tpu.memory_space<vmem>>
        %dma_start3A_40 = arith.constant 0 : i32
        %dma_start3A_41 = tpu.memref_slice %arg4[%mul3A_0, %dma_start3A_40] : memref<2560x128xi32, #tpu.memory_space<hbm>> -> memref<1x128xi32, #tpu.memory_space<hbm>>
        %dma_start3A_42 = tpu.memref_squeeze %dma_start3A_41 : memref<1x128xi32, #tpu.memory_space<hbm>> -> memref<128xi32, #tpu.memory_space<hbm>>
        %dma_start3A_43 = arith.constant 0 : i32
        %dma_start3A_44 = tpu.memref_slice %arg8[%run_scoped3A_9, %dma_start3A_43] : memref<2x128xi32, #tpu.memory_space<vmem>> -> memref<1x128xi32, #tpu.memory_space<vmem>>
        %dma_start3A_45 = tpu.memref_squeeze %dma_start3A_44 : memref<1x128xi32, #tpu.memory_space<vmem>> -> memref<128xi32, #tpu.memory_space<vmem>>
        %dma_start3A_46 = arith.constant 0 : i32
        %dma_start3A_47 = tpu.memref_slice %arg4[%mul3A_0, %dma_start3A_46] : memref<2560x128xi32, #tpu.memory_space<hbm>> -> memref<1x128xi32, #tpu.memory_space<hbm>>
        %dma_start3A_48 = tpu.memref_squeeze %dma_start3A_47 : memref<1x128xi32, #tpu.memory_space<hbm>> -> memref<128xi32, #tpu.memory_space<hbm>>
        tpu.enqueue_dma source(%dma_start3A_48 : memref<128xi32, #tpu.memory_space<hbm>>) target(%dma_start3A_45 : memref<128xi32, #tpu.memory_space<vmem>>) target_semaphore(%run_scoped3A_36 : memref<!tpu.dma_semaphore, #tpu.memory_space<semaphore_mem>>)
        %dma_wait3A = arith.constant 0 : i32
        %dma_wait3A_49 = tpu.memref_slice %arg8[%run_scoped3A_9, %dma_wait3A] : memref<2x128xi32, #tpu.memory_space<vmem>> -> memref<1x128xi32, #tpu.memory_space<vmem>>
        %dma_wait3A_50 = tpu.memref_squeeze %dma_wait3A_49 : memref<1x128xi32, #tpu.memory_space<vmem>> -> memref<128xi32, #tpu.memory_space<vmem>>
        %dma_wait3A_51 = arith.constant 0 : i32
        %dma_wait3A_52 = tpu.memref_slice %arg4[%mul3A_0, %dma_wait3A_51] : memref<2560x128xi32, #tpu.memory_space<hbm>> -> memref<1x128xi32, #tpu.memory_space<hbm>>
        %dma_wait3A_53 = tpu.memref_squeeze %dma_wait3A_52 : memref<1x128xi32, #tpu.memory_space<hbm>> -> memref<128xi32, #tpu.memory_space<hbm>>
        %dma_wait3A_54 = arith.constant 0 : i32
        %dma_wait3A_55 = tpu.memref_slice %arg8[%run_scoped3A_9, %dma_wait3A_54] : memref<2x128xi32, #tpu.memory_space<vmem>> -> memref<1x128xi32, #tpu.memory_space<vmem>>
        %dma_wait3A_56 = tpu.memref_squeeze %dma_wait3A_55 : memref<1x128xi32, #tpu.memory_space<vmem>> -> memref<128xi32, #tpu.memory_space<vmem>>
        %dma_wait3A_57 = arith.constant 0 : i32
        %dma_wait3A_58 = tpu.memref_slice %arg4[%mul3A_0, %dma_wait3A_57] : memref<2560x128xi32, #tpu.memory_space<hbm>> -> memref<1x128xi32, #tpu.memory_space<hbm>>
        %dma_wait3A_59 = tpu.memref_squeeze %dma_wait3A_58 : memref<1x128xi32, #tpu.memory_space<hbm>> -> memref<128xi32, #tpu.memory_space<hbm>>
        tpu.wait_dma2 semaphore(%run_scoped3A_36 : memref<!tpu.dma_semaphore, #tpu.memory_space<semaphore_mem>>) src(%dma_wait3A_59 : memref<128xi32, #tpu.memory_space<hbm>>) dst(%dma_wait3A_56 : memref<128xi32, #tpu.memory_space<vmem>>)
        tpu.yield
      }) : () -> ()
      %add3A_10 = arith.constant 1 : i32
      %add3A_11 = arith.addi %mul3A_0, %add3A_10 : i32
      %run_scoped3A_12 = arith.constant 1 : i32
      "tpu.region"() ({
        %run_scoped3A_36 = tpu.sem_alloc : memref<!tpu.dma_semaphore, #tpu.memory_space<semaphore_mem>>
        %dma_start3A_37 = arith.constant 0 : i32
        %dma_start3A_38 = tpu.memref_slice %arg8[%run_scoped3A_12, %dma_start3A_37] : memref<2x128xi32, #tpu.memory_space<vmem>> -> memref<1x128xi32, #tpu.memory_space<vmem>>
        %dma_start3A_39 = tpu.memref_squeeze %dma_start3A_38 : memref<1x128xi32, #tpu.memory_space<vmem>> -> memref<128xi32, #tpu.memory_space<vmem>>
        %dma_start3A_40 = arith.constant 0 : i32
        %dma_start3A_41 = tpu.memref_slice %arg4[%add3A_11, %dma_start3A_40] : memref<2560x128xi32, #tpu.memory_space<hbm>> -> memref<1x128xi32, #tpu.memory_space<hbm>>
        %dma_start3A_42 = tpu.memref_squeeze %dma_start3A_41 : memref<1x128xi32, #tpu.memory_space<hbm>> -> memref<128xi32, #tpu.memory_space<hbm>>
        %dma_start3A_43 = arith.constant 0 : i32
        %dma_start3A_44 = tpu.memref_slice %arg8[%run_scoped3A_12, %dma_start3A_43] : memref<2x128xi32, #tpu.memory_space<vmem>> -> memref<1x128xi32, #tpu.memory_space<vmem>>
        %dma_start3A_45 = tpu.memref_squeeze %dma_start3A_44 : memref<1x128xi32, #tpu.memory_space<vmem>> -> memref<128xi32, #tpu.memory_space<vmem>>
        %dma_start3A_46 = arith.constant 0 : i32
        %dma_start3A_47 = tpu.memref_slice %arg4[%add3A_11, %dma_start3A_46] : memref<2560x128xi32, #tpu.memory_space<hbm>> -> memref<1x128xi32, #tpu.memory_space<hbm>>
        %dma_start3A_48 = tpu.memref_squeeze %dma_start3A_47 : memref<1x128xi32, #tpu.memory_space<hbm>> -> memref<128xi32, #tpu.memory_space<hbm>>
        tpu.enqueue_dma source(%dma_start3A_48 : memref<128xi32, #tpu.memory_space<hbm>>) target(%dma_start3A_45 : memref<128xi32, #tpu.memory_space<vmem>>) target_semaphore(%run_scoped3A_36 : memref<!tpu.dma_semaphore, #tpu.memory_space<semaphore_mem>>)
        %dma_wait3A = arith.constant 0 : i32
        %dma_wait3A_49 = tpu.memref_slice %arg8[%run_scoped3A_12, %dma_wait3A] : memref<2x128xi32, #tpu.memory_space<vmem>> -> memref<1x128xi32, #tpu.memory_space<vmem>>
        %dma_wait3A_50 = tpu.memref_squeeze %dma_wait3A_49 : memref<1x128xi32, #tpu.memory_space<vmem>> -> memref<128xi32, #tpu.memory_space<vmem>>
        %dma_wait3A_51 = arith.constant 0 : i32
        %dma_wait3A_52 = tpu.memref_slice %arg4[%add3A_11, %dma_wait3A_51] : memref<2560x128xi32, #tpu.memory_space<hbm>> -> memref<1x128xi32, #tpu.memory_space<hbm>>
        %dma_wait3A_53 = tpu.memref_squeeze %dma_wait3A_52 : memref<1x128xi32, #tpu.memory_space<hbm>> -> memref<128xi32, #tpu.memory_space<hbm>>
        %dma_wait3A_54 = arith.constant 0 : i32
        %dma_wait3A_55 = tpu.memref_slice %arg8[%run_scoped3A_12, %dma_wait3A_54] : memref<2x128xi32, #tpu.memory_space<vmem>> -> memref<1x128xi32, #tpu.memory_space<vmem>>
        %dma_wait3A_56 = tpu.memref_squeeze %dma_wait3A_55 : memref<1x128xi32, #tpu.memory_space<vmem>> -> memref<128xi32, #tpu.memory_space<vmem>>
        %dma_wait3A_57 = arith.constant 0 : i32
        %dma_wait3A_58 = tpu.memref_slice %arg4[%add3A_11, %dma_wait3A_57] : memref<2560x128xi32, #tpu.memory_space<hbm>> -> memref<1x128xi32, #tpu.memory_space<hbm>>
        %dma_wait3A_59 = tpu.memref_squeeze %dma_wait3A_58 : memref<1x128xi32, #tpu.memory_space<hbm>> -> memref<128xi32, #tpu.memory_space<hbm>>
        tpu.wait_dma2 semaphore(%run_scoped3A_36 : memref<!tpu.dma_semaphore, #tpu.memory_space<semaphore_mem>>) src(%dma_wait3A_59 : memref<128xi32, #tpu.memory_space<hbm>>) dst(%dma_wait3A_56 : memref<128xi32, #tpu.memory_space<vmem>>)
        tpu.yield
      }) : () -> ()
      %barrier3A = arith.constant 0 : index
      tpu.barrier barrier_id(%barrier3A)
      %dma_start3A = arith.constant 0 : i32
      %dma_start3A_13 = arith.constant 0 : i32
      %dma_start3A_14 = tpu.memref_slice %arg7[%dma_start3A, %dma_start3A_13] : memref<2x128xi32, #tpu.memory_space<vmem>> -> memref<1x128xi32, #tpu.memory_space<vmem>>
      %dma_start3A_15 = tpu.memref_squeeze %dma_start3A_14 : memref<1x128xi32, #tpu.memory_space<vmem>> -> memref<128xi32, #tpu.memory_space<vmem>>
      %dma_start3A_16 = arith.constant 0 : i32
      %dma_start3A_17 = arith.constant 0 : i32
      %dma_start3A_18 = tpu.memref_slice %arg2[%dma_start3A_16, %dma_start3A_17] : memref<10000x128xf32, #tpu.memory_space<hbm>> -> memref<10000x128xf32, #tpu.memory_space<hbm>>
      tpu.enqueue_indirect_dma source(%dma_start3A_18 : memref<10000x128xf32, #tpu.memory_space<hbm>>) target(%arg9 : memref<128x128xf32, #tpu.memory_space<vmem>>) offsets(%dma_start3A_15 : memref<128xi32, #tpu.memory_space<vmem>>) semaphore(%arg12 : memref<!tpu.dma_semaphore, #tpu.memory_space<semaphore_mem>>)
      %dma_start3A_19 = arith.constant 1 : i32
      %dma_start3A_20 = arith.constant 0 : i32
      %dma_start3A_21 = tpu.memref_slice %arg7[%dma_start3A_19, %dma_start3A_20] : memref<2x128xi32, #tpu.memory_space<vmem>> -> memref<1x128xi32, #tpu.memory_space<vmem>>
      %dma_start3A_22 = tpu.memref_squeeze %dma_start3A_21 : memref<1x128xi32, #tpu.memory_space<vmem>> -> memref<128xi32, #tpu.memory_space<vmem>>
      %dma_start3A_23 = arith.constant 0 : i32
      %dma_start3A_24 = arith.constant 0 : i32
      %dma_start3A_25 = tpu.memref_slice %arg2[%dma_start3A_23, %dma_start3A_24] : memref<10000x128xf32, #tpu.memory_space<hbm>> -> memref<10000x128xf32, #tpu.memory_space<hbm>>
      tpu.enqueue_indirect_dma source(%dma_start3A_25 : memref<10000x128xf32, #tpu.memory_space<hbm>>) target(%arg10 : memref<128x128xf32, #tpu.memory_space<vmem>>) offsets(%dma_start3A_22 : memref<128xi32, #tpu.memory_space<vmem>>) semaphore(%arg13 : memref<!tpu.dma_semaphore, #tpu.memory_space<semaphore_mem>>)
      %scan3A = arith.constant 0 : i32
      %scan3A_26 = arith.constant 0 : i32
      %scan3A_27 = arith.constant 80 : i32
      %scan3A_28 = arith.addi %scan3A_26, %scan3A_27 : i32
      %scan3A_29 = arith.constant 1 : i32
      scf.for %scan3A_36 = %scan3A_26 to %scan3A_28 step %scan3A_29  : i32 {
        %mul3A_37 = arith.constant 2 : i32
        %mul3A_38 = arith.muli %scan3A_36, %mul3A_37 : i32
        %add3A_39 = arith.constant 0 : i32
        %add3A_40 = arith.addi %mul3A_38, %add3A_39 : i32
        %dma_wait3A = arith.constant 0 : i32
        %dma_wait3A_41 = arith.constant 0 : i32
        %dma_wait3A_42 = tpu.memref_slice %arg7[%dma_wait3A, %dma_wait3A_41] : memref<2x128xi32, #tpu.memory_space<vmem>> -> memref<1x128xi32, #tpu.memory_space<vmem>>
        %dma_wait3A_43 = tpu.memref_squeeze %dma_wait3A_42 : memref<1x128xi32, #tpu.memory_space<vmem>> -> memref<128xi32, #tpu.memory_space<vmem>>
        %dma_wait3A_44 = arith.constant 0 : i32
        %dma_wait3A_45 = arith.constant 0 : i32
        %dma_wait3A_46 = tpu.memref_slice %arg2[%dma_wait3A_44, %dma_wait3A_45] : memref<10000x128xf32, #tpu.memory_space<hbm>> -> memref<10000x128xf32, #tpu.memory_space<hbm>>
        tpu.wait_indirect_dma semaphore(%arg12 : memref<!tpu.dma_semaphore, #tpu.memory_space<semaphore_mem>>) src(%dma_wait3A_46 : memref<10000x128xf32, #tpu.memory_space<hbm>>) dst(%arg9 : memref<128x128xf32, #tpu.memory_space<vmem>>)
        %add3A_47 = arith.constant 2 : i32
        %add3A_48 = arith.addi %add3A_40, %add3A_47 : i32
        %lt3A = arith.constant 160 : i32
        %lt3A_49 = arith.cmpi slt, %add3A_48, %lt3A : i32
        %convert_element_type3A_50 = arith.extui %lt3A_49 : i1 to i32
        %cond3A_51 = arith.constant 0 : i32
        %cond3A_52 = arith.cmpi ne, %convert_element_type3A_50, %cond3A_51 : i32
        scf.if %cond3A_52 {
          %add3A_96 = arith.addi %mul3A_0, %add3A_40 : i32
          %add3A_97 = arith.constant 2 : i32
          %add3A_98 = arith.addi %add3A_96, %add3A_97 : i32
          %dma_start3A_99 = arith.constant 0 : i32
          %dma_start3A_100 = arith.constant 0 : i32
          %dma_start3A_101 = tpu.memref_slice %arg7[%dma_start3A_99, %dma_start3A_100] : memref<2x128xi32, #tpu.memory_space<vmem>> -> memref<1x128xi32, #tpu.memory_space<vmem>>
          %dma_start3A_102 = tpu.memref_squeeze %dma_start3A_101 : memref<1x128xi32, #tpu.memory_space<vmem>> -> memref<128xi32, #tpu.memory_space<vmem>>
          %dma_start3A_103 = arith.constant 0 : i32
          %dma_start3A_104 = tpu.memref_slice %arg3[%add3A_98, %dma_start3A_103] : memref<2560x128xi32, #tpu.memory_space<hbm>> -> memref<1x128xi32, #tpu.memory_space<hbm>>
          %dma_start3A_105 = tpu.memref_squeeze %dma_start3A_104 : memref<1x128xi32, #tpu.memory_space<hbm>> -> memref<128xi32, #tpu.memory_space<hbm>>
          %dma_start3A_106 = arith.constant 0 : i32
          %dma_start3A_107 = tpu.memref_slice %arg7[%dma_start3A_99, %dma_start3A_106] : memref<2x128xi32, #tpu.memory_space<vmem>> -> memref<1x128xi32, #tpu.memory_space<vmem>>
          %dma_start3A_108 = tpu.memref_squeeze %dma_start3A_107 : memref<1x128xi32, #tpu.memory_space<vmem>> -> memref<128xi32, #tpu.memory_space<vmem>>
          %dma_start3A_109 = arith.constant 0 : i32
          %dma_start3A_110 = tpu.memref_slice %arg3[%add3A_98, %dma_start3A_109] : memref<2560x128xi32, #tpu.memory_space<hbm>> -> memref<1x128xi32, #tpu.memory_space<hbm>>
          %dma_start3A_111 = tpu.memref_squeeze %dma_start3A_110 : memref<1x128xi32, #tpu.memory_space<hbm>> -> memref<128xi32, #tpu.memory_space<hbm>>
          tpu.enqueue_dma source(%dma_start3A_111 : memref<128xi32, #tpu.memory_space<hbm>>) target(%dma_start3A_108 : memref<128xi32, #tpu.memory_space<vmem>>) target_semaphore(%arg14 : memref<!tpu.dma_semaphore, #tpu.memory_space<semaphore_mem>>)
        } else {
        }
        %ge3A = arith.constant 2 : i32
        %ge3A_53 = arith.cmpi sge, %add3A_40, %ge3A : i32
        %convert_element_type3A_54 = arith.extui %ge3A_53 : i1 to i32
        %cond3A_55 = arith.constant 0 : i32
        %cond3A_56 = arith.cmpi ne, %convert_element_type3A_54, %cond3A_55 : i32
        scf.if %cond3A_56 {
          %add3A_96 = arith.addi %mul3A_0, %add3A_40 : i32
          %dma_wait3A_97 = arith.constant 0 : i32
          %dma_wait3A_98 = arith.constant 0 : i32
          %dma_wait3A_99 = tpu.memref_slice %arg8[%dma_wait3A_97, %dma_wait3A_98] : memref<2x128xi32, #tpu.memory_space<vmem>> -> memref<1x128xi32, #tpu.memory_space<vmem>>
          %dma_wait3A_100 = tpu.memref_squeeze %dma_wait3A_99 : memref<1x128xi32, #tpu.memory_space<vmem>> -> memref<128xi32, #tpu.memory_space<vmem>>
          %dma_wait3A_101 = arith.constant 0 : i32
          %dma_wait3A_102 = tpu.memref_slice %arg4[%add3A_96, %dma_wait3A_101] : memref<2560x128xi32, #tpu.memory_space<hbm>> -> memref<1x128xi32, #tpu.memory_space<hbm>>
          %dma_wait3A_103 = tpu.memref_squeeze %dma_wait3A_102 : memref<1x128xi32, #tpu.memory_space<hbm>> -> memref<128xi32, #tpu.memory_space<hbm>>
          %dma_wait3A_104 = arith.constant 0 : i32
          %dma_wait3A_105 = tpu.memref_slice %arg8[%dma_wait3A_97, %dma_wait3A_104] : memref<2x128xi32, #tpu.memory_space<vmem>> -> memref<1x128xi32, #tpu.memory_space<vmem>>
          %dma_wait3A_106 = tpu.memref_squeeze %dma_wait3A_105 : memref<1x128xi32, #tpu.memory_space<vmem>> -> memref<128xi32, #tpu.memory_space<vmem>>
          %dma_wait3A_107 = arith.constant 0 : i32
          %dma_wait3A_108 = tpu.memref_slice %arg4[%add3A_96, %dma_wait3A_107] : memref<2560x128xi32, #tpu.memory_space<hbm>> -> memref<1x128xi32, #tpu.memory_space<hbm>>
          %dma_wait3A_109 = tpu.memref_squeeze %dma_wait3A_108 : memref<1x128xi32, #tpu.memory_space<hbm>> -> memref<128xi32, #tpu.memory_space<hbm>>
          tpu.wait_dma2 semaphore(%arg16 : memref<!tpu.dma_semaphore, #tpu.memory_space<semaphore_mem>>) src(%dma_wait3A_109 : memref<128xi32, #tpu.memory_space<hbm>>) dst(%dma_wait3A_106 : memref<128xi32, #tpu.memory_space<vmem>>)
        } else {
        }
        %run_scoped3A_57 = arith.constant 0 : i32
        "tpu.region"() ({
          %run_scoped3A_96 = tpu.sem_alloc : memref<!tpu.dma_semaphore, #tpu.memory_space<semaphore_mem>>
          %dma_start3A_97 = arith.constant 0 : i32
          %dma_start3A_98 = tpu.memref_slice %arg8[%run_scoped3A_57, %dma_start3A_97] : memref<2x128xi32, #tpu.memory_space<vmem>> -> memref<1x128xi32, #tpu.memory_space<vmem>>
          %dma_start3A_99 = tpu.memref_squeeze %dma_start3A_98 : memref<1x128xi32, #tpu.memory_space<vmem>> -> memref<128xi32, #tpu.memory_space<vmem>>
          %dma_start3A_100 = arith.constant 0 : i32
          %dma_start3A_101 = arith.constant 0 : i32
          %dma_start3A_102 = tpu.memref_slice %arg11[%dma_start3A_100, %dma_start3A_101] : memref<10112x128xf32, #tpu.memory_space<vmem_shared>> -> memref<10112x128xf32, #tpu.memory_space<vmem_shared>>
          tpu.enqueue_indirect_dma source(%arg9 : memref<128x128xf32, #tpu.memory_space<vmem>>) target(%dma_start3A_102 : memref<10112x128xf32, #tpu.memory_space<vmem_shared>>) offsets(%dma_start3A_99 : memref<128xi32, #tpu.memory_space<vmem>>) semaphore(%run_scoped3A_96 : memref<!tpu.dma_semaphore, #tpu.memory_space<semaphore_mem>>) {add = true}
          %dma_wait3A_103 = arith.constant 0 : i32
          %dma_wait3A_104 = tpu.memref_slice %arg8[%run_scoped3A_57, %dma_wait3A_103] : memref<2x128xi32, #tpu.memory_space<vmem>> -> memref<1x128xi32, #tpu.memory_space<vmem>>
          %dma_wait3A_105 = tpu.memref_squeeze %dma_wait3A_104 : memref<1x128xi32, #tpu.memory_space<vmem>> -> memref<128xi32, #tpu.memory_space<vmem>>
          %dma_wait3A_106 = arith.constant 0 : i32
          %dma_wait3A_107 = arith.constant 0 : i32
          %dma_wait3A_108 = tpu.memref_slice %arg11[%dma_wait3A_106, %dma_wait3A_107] : memref<10112x128xf32, #tpu.memory_space<vmem_shared>> -> memref<10112x128xf32, #tpu.memory_space<vmem_shared>>
          tpu.wait_indirect_dma semaphore(%run_scoped3A_96 : memref<!tpu.dma_semaphore, #tpu.memory_space<semaphore_mem>>) src(%arg9 : memref<128x128xf32, #tpu.memory_space<vmem>>) dst(%dma_wait3A_108 : memref<10112x128xf32, #tpu.memory_space<vmem_shared>>)
          tpu.yield
        }) : () -> ()
        %add3A_58 = arith.constant 2 : i32
        %add3A_59 = arith.addi %add3A_40, %add3A_58 : i32
        %lt3A_60 = arith.constant 160 : i32
        %lt3A_61 = arith.cmpi slt, %add3A_59, %lt3A_60 : i32
        %convert_element_type3A_62 = arith.extui %lt3A_61 : i1 to i32
        %cond3A_63 = arith.constant 0 : i32
        %cond3A_64 = arith.cmpi ne, %convert_element_type3A_62, %cond3A_63 : i32
        scf.if %cond3A_64 {
          %add3A_96 = arith.addi %mul3A_0, %add3A_40 : i32
          %add3A_97 = arith.constant 2 : i32
          %add3A_98 = arith.addi %add3A_96, %add3A_97 : i32
          %dma_start3A_99 = arith.constant 0 : i32
          %dma_start3A_100 = arith.constant 0 : i32
          %dma_start3A_101 = tpu.memref_slice %arg8[%dma_start3A_99, %dma_start3A_100] : memref<2x128xi32, #tpu.memory_space<vmem>> -> memref<1x128xi32, #tpu.memory_space<vmem>>
          %dma_start3A_102 = tpu.memref_squeeze %dma_start3A_101 : memref<1x128xi32, #tpu.memory_space<vmem>> -> memref<128xi32, #tpu.memory_space<vmem>>
          %dma_start3A_103 = arith.constant 0 : i32
          %dma_start3A_104 = tpu.memref_slice %arg4[%add3A_98, %dma_start3A_103] : memref<2560x128xi32, #tpu.memory_space<hbm>> -> memref<1x128xi32, #tpu.memory_space<hbm>>
          %dma_start3A_105 = tpu.memref_squeeze %dma_start3A_104 : memref<1x128xi32, #tpu.memory_space<hbm>> -> memref<128xi32, #tpu.memory_space<hbm>>
          %dma_start3A_106 = arith.constant 0 : i32
          %dma_start3A_107 = tpu.memref_slice %arg8[%dma_start3A_99, %dma_start3A_106] : memref<2x128xi32, #tpu.memory_space<vmem>> -> memref<1x128xi32, #tpu.memory_space<vmem>>
          %dma_start3A_108 = tpu.memref_squeeze %dma_start3A_107 : memref<1x128xi32, #tpu.memory_space<vmem>> -> memref<128xi32, #tpu.memory_space<vmem>>
          %dma_start3A_109 = arith.constant 0 : i32
          %dma_start3A_110 = tpu.memref_slice %arg4[%add3A_98, %dma_start3A_109] : memref<2560x128xi32, #tpu.memory_space<hbm>> -> memref<1x128xi32, #tpu.memory_space<hbm>>
          %dma_start3A_111 = tpu.memref_squeeze %dma_start3A_110 : memref<1x128xi32, #tpu.memory_space<hbm>> -> memref<128xi32, #tpu.memory_space<hbm>>
          tpu.enqueue_dma source(%dma_start3A_111 : memref<128xi32, #tpu.memory_space<hbm>>) target(%dma_start3A_108 : memref<128xi32, #tpu.memory_space<vmem>>) target_semaphore(%arg16 : memref<!tpu.dma_semaphore, #tpu.memory_space<semaphore_mem>>)
          %add3A_112 = arith.addi %mul3A_0, %add3A_40 : i32
          %add3A_113 = arith.constant 2 : i32
          %add3A_114 = arith.addi %add3A_112, %add3A_113 : i32
          %dma_wait3A_115 = arith.constant 0 : i32
          %dma_wait3A_116 = arith.constant 0 : i32
          %dma_wait3A_117 = tpu.memref_slice %arg7[%dma_wait3A_115, %dma_wait3A_116] : memref<2x128xi32, #tpu.memory_space<vmem>> -> memref<1x128xi32, #tpu.memory_space<vmem>>
          %dma_wait3A_118 = tpu.memref_squeeze %dma_wait3A_117 : memref<1x128xi32, #tpu.memory_space<vmem>> -> memref<128xi32, #tpu.memory_space<vmem>>
          %dma_wait3A_119 = arith.constant 0 : i32
          %dma_wait3A_120 = tpu.memref_slice %arg3[%add3A_114, %dma_wait3A_119] : memref<2560x128xi32, #tpu.memory_space<hbm>> -> memref<1x128xi32, #tpu.memory_space<hbm>>
          %dma_wait3A_121 = tpu.memref_squeeze %dma_wait3A_120 : memref<1x128xi32, #tpu.memory_space<hbm>> -> memref<128xi32, #tpu.memory_space<hbm>>
          %dma_wait3A_122 = arith.constant 0 : i32
          %dma_wait3A_123 = tpu.memref_slice %arg7[%dma_wait3A_115, %dma_wait3A_122] : memref<2x128xi32, #tpu.memory_space<vmem>> -> memref<1x128xi32, #tpu.memory_space<vmem>>
          %dma_wait3A_124 = tpu.memref_squeeze %dma_wait3A_123 : memref<1x128xi32, #tpu.memory_space<vmem>> -> memref<128xi32, #tpu.memory_space<vmem>>
          %dma_wait3A_125 = arith.constant 0 : i32
          %dma_wait3A_126 = tpu.memref_slice %arg3[%add3A_114, %dma_wait3A_125] : memref<2560x128xi32, #tpu.memory_space<hbm>> -> memref<1x128xi32, #tpu.memory_space<hbm>>
          %dma_wait3A_127 = tpu.memref_squeeze %dma_wait3A_126 : memref<1x128xi32, #tpu.memory_space<hbm>> -> memref<128xi32, #tpu.memory_space<hbm>>
          tpu.wait_dma2 semaphore(%arg14 : memref<!tpu.dma_semaphore, #tpu.memory_space<semaphore_mem>>) src(%dma_wait3A_127 : memref<128xi32, #tpu.memory_space<hbm>>) dst(%dma_wait3A_124 : memref<128xi32, #tpu.memory_space<vmem>>)
          %dma_start3A_128 = arith.constant 0 : i32
          %dma_start3A_129 = arith.constant 0 : i32
          %dma_start3A_130 = tpu.memref_slice %arg7[%dma_start3A_128, %dma_start3A_129] : memref<2x128xi32, #tpu.memory_space<vmem>> -> memref<1x128xi32, #tpu.memory_space<vmem>>
          %dma_start3A_131 = tpu.memref_squeeze %dma_start3A_130 : memref<1x128xi32, #tpu.memory_space<vmem>> -> memref<128xi32, #tpu.memory_space<vmem>>
          %dma_start3A_132 = arith.constant 0 : i32
          %dma_start3A_133 = arith.constant 0 : i32
          %dma_start3A_134 = tpu.memref_slice %arg2[%dma_start3A_132, %dma_start3A_133] : memref<10000x128xf32, #tpu.memory_space<hbm>> -> memref<10000x128xf32, #tpu.memory_space<hbm>>
          tpu.enqueue_indirect_dma source(%dma_start3A_134 : memref<10000x128xf32, #tpu.memory_space<hbm>>) target(%arg9 : memref<128x128xf32, #tpu.memory_space<vmem>>) offsets(%dma_start3A_131 : memref<128xi32, #tpu.memory_space<vmem>>) semaphore(%arg12 : memref<!tpu.dma_semaphore, #tpu.memory_space<semaphore_mem>>)
        } else {
        }
        %mul3A_65 = arith.constant 2 : i32
        %mul3A_66 = arith.muli %scan3A_36, %mul3A_65 : i32
        %add3A_67 = arith.constant 1 : i32
        %add3A_68 = arith.addi %mul3A_66, %add3A_67 : i32
        %dma_wait3A_69 = arith.constant 1 : i32
        %dma_wait3A_70 = arith.constant 0 : i32
        %dma_wait3A_71 = tpu.memref_slice %arg7[%dma_wait3A_69, %dma_wait3A_70] : memref<2x128xi32, #tpu.memory_space<vmem>> -> memref<1x128xi32, #tpu.memory_space<vmem>>
        %dma_wait3A_72 = tpu.memref_squeeze %dma_wait3A_71 : memref<1x128xi32, #tpu.memory_space<vmem>> -> memref<128xi32, #tpu.memory_space<vmem>>
        %dma_wait3A_73 = arith.constant 0 : i32
        %dma_wait3A_74 = arith.constant 0 : i32
        %dma_wait3A_75 = tpu.memref_slice %arg2[%dma_wait3A_73, %dma_wait3A_74] : memref<10000x128xf32, #tpu.memory_space<hbm>> -> memref<10000x128xf32, #tpu.memory_space<hbm>>
        tpu.wait_indirect_dma semaphore(%arg13 : memref<!tpu.dma_semaphore, #tpu.memory_space<semaphore_mem>>) src(%dma_wait3A_75 : memref<10000x128xf32, #tpu.memory_space<hbm>>) dst(%arg10 : memref<128x128xf32, #tpu.memory_space<vmem>>)
        %add3A_76 = arith.constant 2 : i32
        %add3A_77 = arith.addi %add3A_68, %add3A_76 : i32
        %lt3A_78 = arith.constant 160 : i32
        %lt3A_79 = arith.cmpi slt, %add3A_77, %lt3A_78 : i32
        %convert_element_type3A_80 = arith.extui %lt3A_79 : i1 to i32
        %cond3A_81 = arith.constant 0 : i32
        %cond3A_82 = arith.cmpi ne, %convert_element_type3A_80, %cond3A_81 : i32
        scf.if %cond3A_82 {
          %add3A_96 = arith.addi %mul3A_0, %add3A_68 : i32
          %add3A_97 = arith.constant 2 : i32
          %add3A_98 = arith.addi %add3A_96, %add3A_97 : i32
          %dma_start3A_99 = arith.constant 1 : i32
          %dma_start3A_100 = arith.constant 0 : i32
          %dma_start3A_101 = tpu.memref_slice %arg7[%dma_start3A_99, %dma_start3A_100] : memref<2x128xi32, #tpu.memory_space<vmem>> -> memref<1x128xi32, #tpu.memory_space<vmem>>
          %dma_start3A_102 = tpu.memref_squeeze %dma_start3A_101 : memref<1x128xi32, #tpu.memory_space<vmem>> -> memref<128xi32, #tpu.memory_space<vmem>>
          %dma_start3A_103 = arith.constant 0 : i32
          %dma_start3A_104 = tpu.memref_slice %arg3[%add3A_98, %dma_start3A_103] : memref<2560x128xi32, #tpu.memory_space<hbm>> -> memref<1x128xi32, #tpu.memory_space<hbm>>
          %dma_start3A_105 = tpu.memref_squeeze %dma_start3A_104 : memref<1x128xi32, #tpu.memory_space<hbm>> -> memref<128xi32, #tpu.memory_space<hbm>>
          %dma_start3A_106 = arith.constant 0 : i32
          %dma_start3A_107 = tpu.memref_slice %arg7[%dma_start3A_99, %dma_start3A_106] : memref<2x128xi32, #tpu.memory_space<vmem>> -> memref<1x128xi32, #tpu.memory_space<vmem>>
          %dma_start3A_108 = tpu.memref_squeeze %dma_start3A_107 : memref<1x128xi32, #tpu.memory_space<vmem>> -> memref<128xi32, #tpu.memory_space<vmem>>
          %dma_start3A_109 = arith.constant 0 : i32
          %dma_start3A_110 = tpu.memref_slice %arg3[%add3A_98, %dma_start3A_109] : memref<2560x128xi32, #tpu.memory_space<hbm>> -> memref<1x128xi32, #tpu.memory_space<hbm>>
          %dma_start3A_111 = tpu.memref_squeeze %dma_start3A_110 : memref<1x128xi32, #tpu.memory_space<hbm>> -> memref<128xi32, #tpu.memory_space<hbm>>
          tpu.enqueue_dma source(%dma_start3A_111 : memref<128xi32, #tpu.memory_space<hbm>>) target(%dma_start3A_108 : memref<128xi32, #tpu.memory_space<vmem>>) target_semaphore(%arg15 : memref<!tpu.dma_semaphore, #tpu.memory_space<semaphore_mem>>)
        } else {
        }
        %ge3A_83 = arith.constant 2 : i32
        %ge3A_84 = arith.cmpi sge, %add3A_68, %ge3A_83 : i32
        %convert_element_type3A_85 = arith.extui %ge3A_84 : i1 to i32
        %cond3A_86 = arith.constant 0 : i32
        %cond3A_87 = arith.cmpi ne, %convert_element_type3A_85, %cond3A_86 : i32
        scf.if %cond3A_87 {
          %add3A_96 = arith.addi %mul3A_0, %add3A_68 : i32
          %dma_wait3A_97 = arith.constant 1 : i32
          %dma_wait3A_98 = arith.constant 0 : i32
          %dma_wait3A_99 = tpu.memref_slice %arg8[%dma_wait3A_97, %dma_wait3A_98] : memref<2x128xi32, #tpu.memory_space<vmem>> -> memref<1x128xi32, #tpu.memory_space<vmem>>
          %dma_wait3A_100 = tpu.memref_squeeze %dma_wait3A_99 : memref<1x128xi32, #tpu.memory_space<vmem>> -> memref<128xi32, #tpu.memory_space<vmem>>
          %dma_wait3A_101 = arith.constant 0 : i32
          %dma_wait3A_102 = tpu.memref_slice %arg4[%add3A_96, %dma_wait3A_101] : memref<2560x128xi32, #tpu.memory_space<hbm>> -> memref<1x128xi32, #tpu.memory_space<hbm>>
          %dma_wait3A_103 = tpu.memref_squeeze %dma_wait3A_102 : memref<1x128xi32, #tpu.memory_space<hbm>> -> memref<128xi32, #tpu.memory_space<hbm>>
          %dma_wait3A_104 = arith.constant 0 : i32
          %dma_wait3A_105 = tpu.memref_slice %arg8[%dma_wait3A_97, %dma_wait3A_104] : memref<2x128xi32, #tpu.memory_space<vmem>> -> memref<1x128xi32, #tpu.memory_space<vmem>>
          %dma_wait3A_106 = tpu.memref_squeeze %dma_wait3A_105 : memref<1x128xi32, #tpu.memory_space<vmem>> -> memref<128xi32, #tpu.memory_space<vmem>>
          %dma_wait3A_107 = arith.constant 0 : i32
          %dma_wait3A_108 = tpu.memref_slice %arg4[%add3A_96, %dma_wait3A_107] : memref<2560x128xi32, #tpu.memory_space<hbm>> -> memref<1x128xi32, #tpu.memory_space<hbm>>
          %dma_wait3A_109 = tpu.memref_squeeze %dma_wait3A_108 : memref<1x128xi32, #tpu.memory_space<hbm>> -> memref<128xi32, #tpu.memory_space<hbm>>
          tpu.wait_dma2 semaphore(%arg17 : memref<!tpu.dma_semaphore, #tpu.memory_space<semaphore_mem>>) src(%dma_wait3A_109 : memref<128xi32, #tpu.memory_space<hbm>>) dst(%dma_wait3A_106 : memref<128xi32, #tpu.memory_space<vmem>>)
        } else {
        }
        %run_scoped3A_88 = arith.constant 1 : i32
        "tpu.region"() ({
          %run_scoped3A_96 = tpu.sem_alloc : memref<!tpu.dma_semaphore, #tpu.memory_space<semaphore_mem>>
          %dma_start3A_97 = arith.constant 0 : i32
          %dma_start3A_98 = tpu.memref_slice %arg8[%run_scoped3A_88, %dma_start3A_97] : memref<2x128xi32, #tpu.memory_space<vmem>> -> memref<1x128xi32, #tpu.memory_space<vmem>>
          %dma_start3A_99 = tpu.memref_squeeze %dma_start3A_98 : memref<1x128xi32, #tpu.memory_space<vmem>> -> memref<128xi32, #tpu.memory_space<vmem>>
          %dma_start3A_100 = arith.constant 0 : i32
          %dma_start3A_101 = arith.constant 0 : i32
          %dma_start3A_102 = tpu.memref_slice %arg11[%dma_start3A_100, %dma_start3A_101] : memref<10112x128xf32, #tpu.memory_space<vmem_shared>> -> memref<10112x128xf32, #tpu.memory_space<vmem_shared>>
          tpu.enqueue_indirect_dma source(%arg10 : memref<128x128xf32, #tpu.memory_space<vmem>>) target(%dma_start3A_102 : memref<10112x128xf32, #tpu.memory_space<vmem_shared>>) offsets(%dma_start3A_99 : memref<128xi32, #tpu.memory_space<vmem>>) semaphore(%run_scoped3A_96 : memref<!tpu.dma_semaphore, #tpu.memory_space<semaphore_mem>>) {add = true}
          %dma_wait3A_103 = arith.constant 0 : i32
          %dma_wait3A_104 = tpu.memref_slice %arg8[%run_scoped3A_88, %dma_wait3A_103] : memref<2x128xi32, #tpu.memory_space<vmem>> -> memref<1x128xi32, #tpu.memory_space<vmem>>
          %dma_wait3A_105 = tpu.memref_squeeze %dma_wait3A_104 : memref<1x128xi32, #tpu.memory_space<vmem>> -> memref<128xi32, #tpu.memory_space<vmem>>
          %dma_wait3A_106 = arith.constant 0 : i32
          %dma_wait3A_107 = arith.constant 0 : i32
          %dma_wait3A_108 = tpu.memref_slice %arg11[%dma_wait3A_106, %dma_wait3A_107] : memref<10112x128xf32, #tpu.memory_space<vmem_shared>> -> memref<10112x128xf32, #tpu.memory_space<vmem_shared>>
          tpu.wait_indirect_dma semaphore(%run_scoped3A_96 : memref<!tpu.dma_semaphore, #tpu.memory_space<semaphore_mem>>) src(%arg10 : memref<128x128xf32, #tpu.memory_space<vmem>>) dst(%dma_wait3A_108 : memref<10112x128xf32, #tpu.memory_space<vmem_shared>>)
          tpu.yield
        }) : () -> ()
        %add3A_89 = arith.constant 2 : i32
        %add3A_90 = arith.addi %add3A_68, %add3A_89 : i32
        %lt3A_91 = arith.constant 160 : i32
        %lt3A_92 = arith.cmpi slt, %add3A_90, %lt3A_91 : i32
        %convert_element_type3A_93 = arith.extui %lt3A_92 : i1 to i32
        %cond3A_94 = arith.constant 0 : i32
        %cond3A_95 = arith.cmpi ne, %convert_element_type3A_93, %cond3A_94 : i32
        scf.if %cond3A_95 {
          %add3A_96 = arith.addi %mul3A_0, %add3A_68 : i32
          %add3A_97 = arith.constant 2 : i32
          %add3A_98 = arith.addi %add3A_96, %add3A_97 : i32
          %dma_start3A_99 = arith.constant 1 : i32
          %dma_start3A_100 = arith.constant 0 : i32
          %dma_start3A_101 = tpu.memref_slice %arg8[%dma_start3A_99, %dma_start3A_100] : memref<2x128xi32, #tpu.memory_space<vmem>> -> memref<1x128xi32, #tpu.memory_space<vmem>>
          %dma_start3A_102 = tpu.memref_squeeze %dma_start3A_101 : memref<1x128xi32, #tpu.memory_space<vmem>> -> memref<128xi32, #tpu.memory_space<vmem>>
          %dma_start3A_103 = arith.constant 0 : i32
          %dma_start3A_104 = tpu.memref_slice %arg4[%add3A_98, %dma_start3A_103] : memref<2560x128xi32, #tpu.memory_space<hbm>> -> memref<1x128xi32, #tpu.memory_space<hbm>>
          %dma_start3A_105 = tpu.memref_squeeze %dma_start3A_104 : memref<1x128xi32, #tpu.memory_space<hbm>> -> memref<128xi32, #tpu.memory_space<hbm>>
          %dma_start3A_106 = arith.constant 0 : i32
          %dma_start3A_107 = tpu.memref_slice %arg8[%dma_start3A_99, %dma_start3A_106] : memref<2x128xi32, #tpu.memory_space<vmem>> -> memref<1x128xi32, #tpu.memory_space<vmem>>
          %dma_start3A_108 = tpu.memref_squeeze %dma_start3A_107 : memref<1x128xi32, #tpu.memory_space<vmem>> -> memref<128xi32, #tpu.memory_space<vmem>>
          %dma_start3A_109 = arith.constant 0 : i32
          %dma_start3A_110 = tpu.memref_slice %arg4[%add3A_98, %dma_start3A_109] : memref<2560x128xi32, #tpu.memory_space<hbm>> -> memref<1x128xi32, #tpu.memory_space<hbm>>
          %dma_start3A_111 = tpu.memref_squeeze %dma_start3A_110 : memref<1x128xi32, #tpu.memory_space<hbm>> -> memref<128xi32, #tpu.memory_space<hbm>>
          tpu.enqueue_dma source(%dma_start3A_111 : memref<128xi32, #tpu.memory_space<hbm>>) target(%dma_start3A_108 : memref<128xi32, #tpu.memory_space<vmem>>) target_semaphore(%arg17 : memref<!tpu.dma_semaphore, #tpu.memory_space<semaphore_mem>>)
          %add3A_112 = arith.addi %mul3A_0, %add3A_68 : i32
          %add3A_113 = arith.constant 2 : i32
          %add3A_114 = arith.addi %add3A_112, %add3A_113 : i32
          %dma_wait3A_115 = arith.constant 1 : i32
          %dma_wait3A_116 = arith.constant 0 : i32
          %dma_wait3A_117 = tpu.memref_slice %arg7[%dma_wait3A_115, %dma_wait3A_116] : memref<2x128xi32, #tpu.memory_space<vmem>> -> memref<1x128xi32, #tpu.memory_space<vmem>>
          %dma_wait3A_118 = tpu.memref_squeeze %dma_wait3A_117 : memref<1x128xi32, #tpu.memory_space<vmem>> -> memref<128xi32, #tpu.memory_space<vmem>>
          %dma_wait3A_119 = arith.constant 0 : i32
          %dma_wait3A_120 = tpu.memref_slice %arg3[%add3A_114, %dma_wait3A_119] : memref<2560x128xi32, #tpu.memory_space<hbm>> -> memref<1x128xi32, #tpu.memory_space<hbm>>
          %dma_wait3A_121 = tpu.memref_squeeze %dma_wait3A_120 : memref<1x128xi32, #tpu.memory_space<hbm>> -> memref<128xi32, #tpu.memory_space<hbm>>
          %dma_wait3A_122 = arith.constant 0 : i32
          %dma_wait3A_123 = tpu.memref_slice %arg7[%dma_wait3A_115, %dma_wait3A_122] : memref<2x128xi32, #tpu.memory_space<vmem>> -> memref<1x128xi32, #tpu.memory_space<vmem>>
          %dma_wait3A_124 = tpu.memref_squeeze %dma_wait3A_123 : memref<1x128xi32, #tpu.memory_space<vmem>> -> memref<128xi32, #tpu.memory_space<vmem>>
          %dma_wait3A_125 = arith.constant 0 : i32
          %dma_wait3A_126 = tpu.memref_slice %arg3[%add3A_114, %dma_wait3A_125] : memref<2560x128xi32, #tpu.memory_space<hbm>> -> memref<1x128xi32, #tpu.memory_space<hbm>>
          %dma_wait3A_127 = tpu.memref_squeeze %dma_wait3A_126 : memref<1x128xi32, #tpu.memory_space<hbm>> -> memref<128xi32, #tpu.memory_space<hbm>>
          tpu.wait_dma2 semaphore(%arg15 : memref<!tpu.dma_semaphore, #tpu.memory_space<semaphore_mem>>) src(%dma_wait3A_127 : memref<128xi32, #tpu.memory_space<hbm>>) dst(%dma_wait3A_124 : memref<128xi32, #tpu.memory_space<vmem>>)
          %dma_start3A_128 = arith.constant 1 : i32
          %dma_start3A_129 = arith.constant 0 : i32
          %dma_start3A_130 = tpu.memref_slice %arg7[%dma_start3A_128, %dma_start3A_129] : memref<2x128xi32, #tpu.memory_space<vmem>> -> memref<1x128xi32, #tpu.memory_space<vmem>>
          %dma_start3A_131 = tpu.memref_squeeze %dma_start3A_130 : memref<1x128xi32, #tpu.memory_space<vmem>> -> memref<128xi32, #tpu.memory_space<vmem>>
          %dma_start3A_132 = arith.constant 0 : i32
          %dma_start3A_133 = arith.constant 0 : i32
          %dma_start3A_134 = tpu.memref_slice %arg2[%dma_start3A_132, %dma_start3A_133] : memref<10000x128xf32, #tpu.memory_space<hbm>> -> memref<10000x128xf32, #tpu.memory_space<hbm>>
          tpu.enqueue_indirect_dma source(%dma_start3A_134 : memref<10000x128xf32, #tpu.memory_space<hbm>>) target(%arg10 : memref<128x128xf32, #tpu.memory_space<vmem>>) offsets(%dma_start3A_131 : memref<128xi32, #tpu.memory_space<vmem>>) semaphore(%arg13 : memref<!tpu.dma_semaphore, #tpu.memory_space<semaphore_mem>>)
        } else {
        }
      }
      %scan3A_30 = arith.constant 80 : i32
      %barrier3A_31 = arith.constant 0 : index
      tpu.barrier barrier_id(%barrier3A_31)
      %mul3A_32 = arith.constant 632 : i32
      %mul3A_33 = arith.muli %arg1, %mul3A_32 : i32
      %mul3A_34 = arith.constant 632 : i32
      %mul3A_35 = arith.muli %arg1, %mul3A_34 : i32
      "tpu.region"() ({
        %run_scoped3A_36 = tpu.sem_alloc : memref<!tpu.dma_semaphore, #tpu.memory_space<semaphore_mem>>
        %dma_start3A_37 = arith.constant 0 : i32
        %dma_start3A_38 = tpu.memref_slice %arg6[%mul3A_35, %dma_start3A_37] : memref<10112x128xf32, #tpu.memory_space<hbm>> -> memref<632x128xf32, #tpu.memory_space<hbm>>
        %dma_start3A_39 = arith.constant 0 : i32
        %dma_start3A_40 = tpu.memref_slice %arg11[%mul3A_33, %dma_start3A_39] : memref<10112x128xf32, #tpu.memory_space<vmem_shared>> -> memref<632x128xf32, #tpu.memory_space<vmem_shared>>
        tpu.enqueue_dma source(%dma_start3A_40 : memref<632x128xf32, #tpu.memory_space<vmem_shared>>) target(%dma_start3A_38 : memref<632x128xf32, #tpu.memory_space<hbm>>) target_semaphore(%run_scoped3A_36 : memref<!tpu.dma_semaphore, #tpu.memory_space<semaphore_mem>>)
        %dma_wait3A = arith.constant 0 : i32
        %dma_wait3A_41 = tpu.memref_slice %arg6[%mul3A_35, %dma_wait3A] : memref<10112x128xf32, #tpu.memory_space<hbm>> -> memref<632x128xf32, #tpu.memory_space<hbm>>
        %dma_wait3A_42 = arith.constant 0 : i32
        %dma_wait3A_43 = tpu.memref_slice %arg11[%mul3A_33, %dma_wait3A_42] : memref<10112x128xf32, #tpu.memory_space<vmem_shared>> -> memref<632x128xf32, #tpu.memory_space<vmem_shared>>
        tpu.wait_dma2 semaphore(%run_scoped3A_36 : memref<!tpu.dma_semaphore, #tpu.memory_space<semaphore_mem>>) src(%dma_wait3A_43 : memref<632x128xf32, #tpu.memory_space<vmem_shared>>) dst(%dma_wait3A_41 : memref<632x128xf32, #tpu.memory_space<hbm>>)
        tpu.yield
      }) : () -> ()
    } else {
    }
    return
  }
}

#map = affine_map<(d0, d1) -> (0, 0)>
module attributes {stable_mosaic.version = 14 : i64} {
  func.func @_spmm_kernel(%arg0: i32, %arg1: i32, %arg2: memref<10000x128xf32, #tpu.memory_space<hbm>>, %arg3: memref<2560x128xi32, #tpu.memory_space<hbm>>, %arg4: memref<2560x128xi32, #tpu.memory_space<hbm>>, %arg5: memref<10112x128xf32, #tpu.memory_space<hbm>>, %arg6: memref<10112x128xf32, #tpu.memory_space<hbm>>, %arg7: memref<2x128xi32, #tpu.memory_space<vmem>>, %arg8: memref<2x128xi32, #tpu.memory_space<vmem>>, %arg9: memref<128x128xf32, #tpu.memory_space<vmem>>, %arg10: memref<128x128xf32, #tpu.memory_space<vmem>>, %arg11: memref<10112x128xf32, #tpu.memory_space<vmem_shared>>, %arg12: memref<!tpu.dma_semaphore, #tpu.memory_space<semaphore_mem>>, %arg13: memref<!tpu.dma_semaphore, #tpu.memory_space<semaphore_mem>>, %arg14: memref<!tpu.dma_semaphore, #tpu.memory_space<semaphore_mem>>, %arg15: memref<!tpu.dma_semaphore, #tpu.memory_space<semaphore_mem>>, %arg16: memref<!tpu.dma_semaphore, #tpu.memory_space<semaphore_mem>>, %arg17: memref<!tpu.dma_semaphore, #tpu.memory_space<semaphore_mem>>) attributes {dimension_semantics = [#tpu.dimension_semantics<core_parallel>, #tpu.dimension_semantics<subcore_parallel>], iteration_bounds = array<i64: 2, 16>, scalar_prefetch = 0 : i64, scratch_operands = 11 : i64, tpu.core_type = #tpu.core_type<sc_vector_subcore>, window_params = [{transform_indices = #map}, {transform_indices = #map}, {transform_indices = #map}, {transform_indices = #map}, {transform_indices = #map}]} {
    %mul3A = arith.constant 160 : i32
    %mul3A_0 = arith.muli %arg1, %mul3A : i32
    %eq3A = arith.constant 0 : i32
    %eq3A_1 = arith.cmpi eq, %arg0, %eq3A : i32
    %convert_element_type3A = arith.extui %eq3A_1 : i1 to i32
    %cond3A = arith.constant 0 : i32
    %cond3A_2 = arith.cmpi ne, %convert_element_type3A, %cond3A : i32
    scf.if %cond3A_2 {
      %mul3A_3 = arith.constant 632 : i32
      %mul3A_4 = arith.muli %arg1, %mul3A_3 : i32
      %mul3A_5 = arith.constant 632 : i32
      %mul3A_6 = arith.muli %arg1, %mul3A_5 : i32
      "tpu.region"() ({
        %run_scoped3A_36 = tpu.sem_alloc : memref<!tpu.dma_semaphore, #tpu.memory_space<semaphore_mem>>
        %dma_start3A_37 = arith.constant 0 : i32
        %dma_start3A_38 = tpu.memref_slice %arg11[%mul3A_6, %dma_start3A_37] : memref<10112x128xf32, #tpu.memory_space<vmem_shared>> -> memref<632x128xf32, #tpu.memory_space<vmem_shared>>
        %dma_start3A_39 = arith.constant 0 : i32
        %dma_start3A_40 = tpu.memref_slice %arg5[%mul3A_4, %dma_start3A_39] : memref<10112x128xf32, #tpu.memory_space<hbm>> -> memref<632x128xf32, #tpu.memory_space<hbm>>
        tpu.enqueue_dma source(%dma_start3A_40 : memref<632x128xf32, #tpu.memory_space<hbm>>) target(%dma_start3A_38 : memref<632x128xf32, #tpu.memory_space<vmem_shared>>) target_semaphore(%run_scoped3A_36 : memref<!tpu.dma_semaphore, #tpu.memory_space<semaphore_mem>>)
        %dma_wait3A = arith.constant 0 : i32
        %dma_wait3A_41 = tpu.memref_slice %arg11[%mul3A_6, %dma_wait3A] : memref<10112x128xf32, #tpu.memory_space<vmem_shared>> -> memref<632x128xf32, #tpu.memory_space<vmem_shared>>
        %dma_wait3A_42 = arith.constant 0 : i32
        %dma_wait3A_43 = tpu.memref_slice %arg5[%mul3A_4, %dma_wait3A_42] : memref<10112x128xf32, #tpu.memory_space<hbm>> -> memref<632x128xf32, #tpu.memory_space<hbm>>
        tpu.wait_dma2 semaphore(%run_scoped3A_36 : memref<!tpu.dma_semaphore, #tpu.memory_space<semaphore_mem>>) src(%dma_wait3A_43 : memref<632x128xf32, #tpu.memory_space<hbm>>) dst(%dma_wait3A_41 : memref<632x128xf32, #tpu.memory_space<vmem_shared>>)
        tpu.yield
      }) : () -> ()
      %run_scoped3A = arith.constant 0 : i32
      "tpu.region"() ({
        %run_scoped3A_36 = tpu.sem_alloc : memref<!tpu.dma_semaphore, #tpu.memory_space<semaphore_mem>>
        %dma_start3A_37 = arith.constant 0 : i32
        %dma_start3A_38 = tpu.memref_slice %arg7[%run_scoped3A, %dma_start3A_37] : memref<2x128xi32, #tpu.memory_space<vmem>> -> memref<1x128xi32, #tpu.memory_space<vmem>>
        %dma_start3A_39 = tpu.memref_squeeze %dma_start3A_38 : memref<1x128xi32, #tpu.memory_space<vmem>> -> memref<128xi32, #tpu.memory_space<vmem>>
        %dma_start3A_40 = arith.constant 0 : i32
        %dma_start3A_41 = tpu.memref_slice %arg3[%mul3A_0, %dma_start3A_40] : memref<2560x128xi32, #tpu.memory_space<hbm>> -> memref<1x128xi32, #tpu.memory_space<hbm>>
        %dma_start3A_42 = tpu.memref_squeeze %dma_start3A_41 : memref<1x128xi32, #tpu.memory_space<hbm>> -> memref<128xi32, #tpu.memory_space<hbm>>
        %dma_start3A_43 = arith.constant 0 : i32
        %dma_start3A_44 = tpu.memref_slice %arg7[%run_scoped3A, %dma_start3A_43] : memref<2x128xi32, #tpu.memory_space<vmem>> -> memref<1x128xi32, #tpu.memory_space<vmem>>
        %dma_start3A_45 = tpu.memref_squeeze %dma_start3A_44 : memref<1x128xi32, #tpu.memory_space<vmem>> -> memref<128xi32, #tpu.memory_space<vmem>>
        %dma_start3A_46 = arith.constant 0 : i32
        %dma_start3A_47 = tpu.memref_slice %arg3[%mul3A_0, %dma_start3A_46] : memref<2560x128xi32, #tpu.memory_space<hbm>> -> memref<1x128xi32, #tpu.memory_space<hbm>>
        %dma_start3A_48 = tpu.memref_squeeze %dma_start3A_47 : memref<1x128xi32, #tpu.memory_space<hbm>> -> memref<128xi32, #tpu.memory_space<hbm>>
        tpu.enqueue_dma source(%dma_start3A_48 : memref<128xi32, #tpu.memory_space<hbm>>) target(%dma_start3A_45 : memref<128xi32, #tpu.memory_space<vmem>>) target_semaphore(%run_scoped3A_36 : memref<!tpu.dma_semaphore, #tpu.memory_space<semaphore_mem>>)
        %dma_wait3A = arith.constant 0 : i32
        %dma_wait3A_49 = tpu.memref_slice %arg7[%run_scoped3A, %dma_wait3A] : memref<2x128xi32, #tpu.memory_space<vmem>> -> memref<1x128xi32, #tpu.memory_space<vmem>>
        %dma_wait3A_50 = tpu.memref_squeeze %dma_wait3A_49 : memref<1x128xi32, #tpu.memory_space<vmem>> -> memref<128xi32, #tpu.memory_space<vmem>>
        %dma_wait3A_51 = arith.constant 0 : i32
        %dma_wait3A_52 = tpu.memref_slice %arg3[%mul3A_0, %dma_wait3A_51] : memref<2560x128xi32, #tpu.memory_space<hbm>> -> memref<1x128xi32, #tpu.memory_space<hbm>>
        %dma_wait3A_53 = tpu.memref_squeeze %dma_wait3A_52 : memref<1x128xi32, #tpu.memory_space<hbm>> -> memref<128xi32, #tpu.memory_space<hbm>>
        %dma_wait3A_54 = arith.constant 0 : i32
        %dma_wait3A_55 = tpu.memref_slice %arg7[%run_scoped3A, %dma_wait3A_54] : memref<2x128xi32, #tpu.memory_space<vmem>> -> memref<1x128xi32, #tpu.memory_space<vmem>>
        %dma_wait3A_56 = tpu.memref_squeeze %dma_wait3A_55 : memref<1x128xi32, #tpu.memory_space<vmem>> -> memref<128xi32, #tpu.memory_space<vmem>>
        %dma_wait3A_57 = arith.constant 0 : i32
        %dma_wait3A_58 = tpu.memref_slice %arg3[%mul3A_0, %dma_wait3A_57] : memref<2560x128xi32, #tpu.memory_space<hbm>> -> memref<1x128xi32, #tpu.memory_space<hbm>>
        %dma_wait3A_59 = tpu.memref_squeeze %dma_wait3A_58 : memref<1x128xi32, #tpu.memory_space<hbm>> -> memref<128xi32, #tpu.memory_space<hbm>>
        tpu.wait_dma2 semaphore(%run_scoped3A_36 : memref<!tpu.dma_semaphore, #tpu.memory_space<semaphore_mem>>) src(%dma_wait3A_59 : memref<128xi32, #tpu.memory_space<hbm>>) dst(%dma_wait3A_56 : memref<128xi32, #tpu.memory_space<vmem>>)
        tpu.yield
      }) : () -> ()
      %add3A = arith.constant 1 : i32
      %add3A_7 = arith.addi %mul3A_0, %add3A : i32
      %run_scoped3A_8 = arith.constant 1 : i32
      "tpu.region"() ({
        %run_scoped3A_36 = tpu.sem_alloc : memref<!tpu.dma_semaphore, #tpu.memory_space<semaphore_mem>>
        %dma_start3A_37 = arith.constant 0 : i32
        %dma_start3A_38 = tpu.memref_slice %arg7[%run_scoped3A_8, %dma_start3A_37] : memref<2x128xi32, #tpu.memory_space<vmem>> -> memref<1x128xi32, #tpu.memory_space<vmem>>
        %dma_start3A_39 = tpu.memref_squeeze %dma_start3A_38 : memref<1x128xi32, #tpu.memory_space<vmem>> -> memref<128xi32, #tpu.memory_space<vmem>>
        %dma_start3A_40 = arith.constant 0 : i32
        %dma_start3A_41 = tpu.memref_slice %arg3[%add3A_7, %dma_start3A_40] : memref<2560x128xi32, #tpu.memory_space<hbm>> -> memref<1x128xi32, #tpu.memory_space<hbm>>
        %dma_start3A_42 = tpu.memref_squeeze %dma_start3A_41 : memref<1x128xi32, #tpu.memory_space<hbm>> -> memref<128xi32, #tpu.memory_space<hbm>>
        %dma_start3A_43 = arith.constant 0 : i32
        %dma_start3A_44 = tpu.memref_slice %arg7[%run_scoped3A_8, %dma_start3A_43] : memref<2x128xi32, #tpu.memory_space<vmem>> -> memref<1x128xi32, #tpu.memory_space<vmem>>
        %dma_start3A_45 = tpu.memref_squeeze %dma_start3A_44 : memref<1x128xi32, #tpu.memory_space<vmem>> -> memref<128xi32, #tpu.memory_space<vmem>>
        %dma_start3A_46 = arith.constant 0 : i32
        %dma_start3A_47 = tpu.memref_slice %arg3[%add3A_7, %dma_start3A_46] : memref<2560x128xi32, #tpu.memory_space<hbm>> -> memref<1x128xi32, #tpu.memory_space<hbm>>
        %dma_start3A_48 = tpu.memref_squeeze %dma_start3A_47 : memref<1x128xi32, #tpu.memory_space<hbm>> -> memref<128xi32, #tpu.memory_space<hbm>>
        tpu.enqueue_dma source(%dma_start3A_48 : memref<128xi32, #tpu.memory_space<hbm>>) target(%dma_start3A_45 : memref<128xi32, #tpu.memory_space<vmem>>) target_semaphore(%run_scoped3A_36 : memref<!tpu.dma_semaphore, #tpu.memory_space<semaphore_mem>>)
        %dma_wait3A = arith.constant 0 : i32
        %dma_wait3A_49 = tpu.memref_slice %arg7[%run_scoped3A_8, %dma_wait3A] : memref<2x128xi32, #tpu.memory_space<vmem>> -> memref<1x128xi32, #tpu.memory_space<vmem>>
        %dma_wait3A_50 = tpu.memref_squeeze %dma_wait3A_49 : memref<1x128xi32, #tpu.memory_space<vmem>> -> memref<128xi32, #tpu.memory_space<vmem>>
        %dma_wait3A_51 = arith.constant 0 : i32
        %dma_wait3A_52 = tpu.memref_slice %arg3[%add3A_7, %dma_wait3A_51] : memref<2560x128xi32, #tpu.memory_space<hbm>> -> memref<1x128xi32, #tpu.memory_space<hbm>>
        %dma_wait3A_53 = tpu.memref_squeeze %dma_wait3A_52 : memref<1x128xi32, #tpu.memory_space<hbm>> -> memref<128xi32, #tpu.memory_space<hbm>>
        %dma_wait3A_54 = arith.constant 0 : i32
        %dma_wait3A_55 = tpu.memref_slice %arg7[%run_scoped3A_8, %dma_wait3A_54] : memref<2x128xi32, #tpu.memory_space<vmem>> -> memref<1x128xi32, #tpu.memory_space<vmem>>
        %dma_wait3A_56 = tpu.memref_squeeze %dma_wait3A_55 : memref<1x128xi32, #tpu.memory_space<vmem>> -> memref<128xi32, #tpu.memory_space<vmem>>
        %dma_wait3A_57 = arith.constant 0 : i32
        %dma_wait3A_58 = tpu.memref_slice %arg3[%add3A_7, %dma_wait3A_57] : memref<2560x128xi32, #tpu.memory_space<hbm>> -> memref<1x128xi32, #tpu.memory_space<hbm>>
        %dma_wait3A_59 = tpu.memref_squeeze %dma_wait3A_58 : memref<1x128xi32, #tpu.memory_space<hbm>> -> memref<128xi32, #tpu.memory_space<hbm>>
        tpu.wait_dma2 semaphore(%run_scoped3A_36 : memref<!tpu.dma_semaphore, #tpu.memory_space<semaphore_mem>>) src(%dma_wait3A_59 : memref<128xi32, #tpu.memory_space<hbm>>) dst(%dma_wait3A_56 : memref<128xi32, #tpu.memory_space<vmem>>)
        tpu.yield
      }) : () -> ()
      %run_scoped3A_9 = arith.constant 0 : i32
      "tpu.region"() ({
        %run_scoped3A_36 = tpu.sem_alloc : memref<!tpu.dma_semaphore, #tpu.memory_space<semaphore_mem>>
        %dma_start3A_37 = arith.constant 0 : i32
        %dma_start3A_38 = tpu.memref_slice %arg8[%run_scoped3A_9, %dma_start3A_37] : memref<2x128xi32, #tpu.memory_space<vmem>> -> memref<1x128xi32, #tpu.memory_space<vmem>>
        %dma_start3A_39 = tpu.memref_squeeze %dma_start3A_38 : memref<1x128xi32, #tpu.memory_space<vmem>> -> memref<128xi32, #tpu.memory_space<vmem>>
        %dma_start3A_40 = arith.constant 0 : i32
        %dma_start3A_41 = tpu.memref_slice %arg4[%mul3A_0, %dma_start3A_40] : memref<2560x128xi32, #tpu.memory_space<hbm>> -> memref<1x128xi32, #tpu.memory_space<hbm>>
        %dma_start3A_42 = tpu.memref_squeeze %dma_start3A_41 : memref<1x128xi32, #tpu.memory_space<hbm>> -> memref<128xi32, #tpu.memory_space<hbm>>
        %dma_start3A_43 = arith.constant 0 : i32
        %dma_start3A_44 = tpu.memref_slice %arg8[%run_scoped3A_9, %dma_start3A_43] : memref<2x128xi32, #tpu.memory_space<vmem>> -> memref<1x128xi32, #tpu.memory_space<vmem>>
        %dma_start3A_45 = tpu.memref_squeeze %dma_start3A_44 : memref<1x128xi32, #tpu.memory_space<vmem>> -> memref<128xi32, #tpu.memory_space<vmem>>
        %dma_start3A_46 = arith.constant 0 : i32
        %dma_start3A_47 = tpu.memref_slice %arg4[%mul3A_0, %dma_start3A_46] : memref<2560x128xi32, #tpu.memory_space<hbm>> -> memref<1x128xi32, #tpu.memory_space<hbm>>
        %dma_start3A_48 = tpu.memref_squeeze %dma_start3A_47 : memref<1x128xi32, #tpu.memory_space<hbm>> -> memref<128xi32, #tpu.memory_space<hbm>>
        tpu.enqueue_dma source(%dma_start3A_48 : memref<128xi32, #tpu.memory_space<hbm>>) target(%dma_start3A_45 : memref<128xi32, #tpu.memory_space<vmem>>) target_semaphore(%run_scoped3A_36 : memref<!tpu.dma_semaphore, #tpu.memory_space<semaphore_mem>>)
        %dma_wait3A = arith.constant 0 : i32
        %dma_wait3A_49 = tpu.memref_slice %arg8[%run_scoped3A_9, %dma_wait3A] : memref<2x128xi32, #tpu.memory_space<vmem>> -> memref<1x128xi32, #tpu.memory_space<vmem>>
        %dma_wait3A_50 = tpu.memref_squeeze %dma_wait3A_49 : memref<1x128xi32, #tpu.memory_space<vmem>> -> memref<128xi32, #tpu.memory_space<vmem>>
        %dma_wait3A_51 = arith.constant 0 : i32
        %dma_wait3A_52 = tpu.memref_slice %arg4[%mul3A_0, %dma_wait3A_51] : memref<2560x128xi32, #tpu.memory_space<hbm>> -> memref<1x128xi32, #tpu.memory_space<hbm>>
        %dma_wait3A_53 = tpu.memref_squeeze %dma_wait3A_52 : memref<1x128xi32, #tpu.memory_space<hbm>> -> memref<128xi32, #tpu.memory_space<hbm>>
        %dma_wait3A_54 = arith.constant 0 : i32
        %dma_wait3A_55 = tpu.memref_slice %arg8[%run_scoped3A_9, %dma_wait3A_54] : memref<2x128xi32, #tpu.memory_space<vmem>> -> memref<1x128xi32, #tpu.memory_space<vmem>>
        %dma_wait3A_56 = tpu.memref_squeeze %dma_wait3A_55 : memref<1x128xi32, #tpu.memory_space<vmem>> -> memref<128xi32, #tpu.memory_space<vmem>>
        %dma_wait3A_57 = arith.constant 0 : i32
        %dma_wait3A_58 = tpu.memref_slice %arg4[%mul3A_0, %dma_wait3A_57] : memref<2560x128xi32, #tpu.memory_space<hbm>> -> memref<1x128xi32, #tpu.memory_space<hbm>>
        %dma_wait3A_59 = tpu.memref_squeeze %dma_wait3A_58 : memref<1x128xi32, #tpu.memory_space<hbm>> -> memref<128xi32, #tpu.memory_space<hbm>>
        tpu.wait_dma2 semaphore(%run_scoped3A_36 : memref<!tpu.dma_semaphore, #tpu.memory_space<semaphore_mem>>) src(%dma_wait3A_59 : memref<128xi32, #tpu.memory_space<hbm>>) dst(%dma_wait3A_56 : memref<128xi32, #tpu.memory_space<vmem>>)
        tpu.yield
      }) : () -> ()
      %add3A_10 = arith.constant 1 : i32
      %add3A_11 = arith.addi %mul3A_0, %add3A_10 : i32
      %run_scoped3A_12 = arith.constant 1 : i32
      "tpu.region"() ({
        %run_scoped3A_36 = tpu.sem_alloc : memref<!tpu.dma_semaphore, #tpu.memory_space<semaphore_mem>>
        %dma_start3A_37 = arith.constant 0 : i32
        %dma_start3A_38 = tpu.memref_slice %arg8[%run_scoped3A_12, %dma_start3A_37] : memref<2x128xi32, #tpu.memory_space<vmem>> -> memref<1x128xi32, #tpu.memory_space<vmem>>
        %dma_start3A_39 = tpu.memref_squeeze %dma_start3A_38 : memref<1x128xi32, #tpu.memory_space<vmem>> -> memref<128xi32, #tpu.memory_space<vmem>>
        %dma_start3A_40 = arith.constant 0 : i32
        %dma_start3A_41 = tpu.memref_slice %arg4[%add3A_11, %dma_start3A_40] : memref<2560x128xi32, #tpu.memory_space<hbm>> -> memref<1x128xi32, #tpu.memory_space<hbm>>
        %dma_start3A_42 = tpu.memref_squeeze %dma_start3A_41 : memref<1x128xi32, #tpu.memory_space<hbm>> -> memref<128xi32, #tpu.memory_space<hbm>>
        %dma_start3A_43 = arith.constant 0 : i32
        %dma_start3A_44 = tpu.memref_slice %arg8[%run_scoped3A_12, %dma_start3A_43] : memref<2x128xi32, #tpu.memory_space<vmem>> -> memref<1x128xi32, #tpu.memory_space<vmem>>
        %dma_start3A_45 = tpu.memref_squeeze %dma_start3A_44 : memref<1x128xi32, #tpu.memory_space<vmem>> -> memref<128xi32, #tpu.memory_space<vmem>>
        %dma_start3A_46 = arith.constant 0 : i32
        %dma_start3A_47 = tpu.memref_slice %arg4[%add3A_11, %dma_start3A_46] : memref<2560x128xi32, #tpu.memory_space<hbm>> -> memref<1x128xi32, #tpu.memory_space<hbm>>
        %dma_start3A_48 = tpu.memref_squeeze %dma_start3A_47 : memref<1x128xi32, #tpu.memory_space<hbm>> -> memref<128xi32, #tpu.memory_space<hbm>>
        tpu.enqueue_dma source(%dma_start3A_48 : memref<128xi32, #tpu.memory_space<hbm>>) target(%dma_start3A_45 : memref<128xi32, #tpu.memory_space<vmem>>) target_semaphore(%run_scoped3A_36 : memref<!tpu.dma_semaphore, #tpu.memory_space<semaphore_mem>>)
        %dma_wait3A = arith.constant 0 : i32
        %dma_wait3A_49 = tpu.memref_slice %arg8[%run_scoped3A_12, %dma_wait3A] : memref<2x128xi32, #tpu.memory_space<vmem>> -> memref<1x128xi32, #tpu.memory_space<vmem>>
        %dma_wait3A_50 = tpu.memref_squeeze %dma_wait3A_49 : memref<1x128xi32, #tpu.memory_space<vmem>> -> memref<128xi32, #tpu.memory_space<vmem>>
        %dma_wait3A_51 = arith.constant 0 : i32
        %dma_wait3A_52 = tpu.memref_slice %arg4[%add3A_11, %dma_wait3A_51] : memref<2560x128xi32, #tpu.memory_space<hbm>> -> memref<1x128xi32, #tpu.memory_space<hbm>>
        %dma_wait3A_53 = tpu.memref_squeeze %dma_wait3A_52 : memref<1x128xi32, #tpu.memory_space<hbm>> -> memref<128xi32, #tpu.memory_space<hbm>>
        %dma_wait3A_54 = arith.constant 0 : i32
        %dma_wait3A_55 = tpu.memref_slice %arg8[%run_scoped3A_12, %dma_wait3A_54] : memref<2x128xi32, #tpu.memory_space<vmem>> -> memref<1x128xi32, #tpu.memory_space<vmem>>
        %dma_wait3A_56 = tpu.memref_squeeze %dma_wait3A_55 : memref<1x128xi32, #tpu.memory_space<vmem>> -> memref<128xi32, #tpu.memory_space<vmem>>
        %dma_wait3A_57 = arith.constant 0 : i32
        %dma_wait3A_58 = tpu.memref_slice %arg4[%add3A_11, %dma_wait3A_57] : memref<2560x128xi32, #tpu.memory_space<hbm>> -> memref<1x128xi32, #tpu.memory_space<hbm>>
        %dma_wait3A_59 = tpu.memref_squeeze %dma_wait3A_58 : memref<1x128xi32, #tpu.memory_space<hbm>> -> memref<128xi32, #tpu.memory_space<hbm>>
        tpu.wait_dma2 semaphore(%run_scoped3A_36 : memref<!tpu.dma_semaphore, #tpu.memory_space<semaphore_mem>>) src(%dma_wait3A_59 : memref<128xi32, #tpu.memory_space<hbm>>) dst(%dma_wait3A_56 : memref<128xi32, #tpu.memory_space<vmem>>)
        tpu.yield
      }) : () -> ()
      %barrier3A = arith.constant 0 : index
      tpu.barrier barrier_id(%barrier3A)
      %dma_start3A = arith.constant 0 : i32
      %dma_start3A_13 = arith.constant 0 : i32
      %dma_start3A_14 = tpu.memref_slice %arg7[%dma_start3A, %dma_start3A_13] : memref<2x128xi32, #tpu.memory_space<vmem>> -> memref<1x128xi32, #tpu.memory_space<vmem>>
      %dma_start3A_15 = tpu.memref_squeeze %dma_start3A_14 : memref<1x128xi32, #tpu.memory_space<vmem>> -> memref<128xi32, #tpu.memory_space<vmem>>
      %dma_start3A_16 = arith.constant 0 : i32
      %dma_start3A_17 = arith.constant 0 : i32
      %dma_start3A_18 = tpu.memref_slice %arg2[%dma_start3A_16, %dma_start3A_17] : memref<10000x128xf32, #tpu.memory_space<hbm>> -> memref<10000x128xf32, #tpu.memory_space<hbm>>
      tpu.enqueue_indirect_dma source(%dma_start3A_18 : memref<10000x128xf32, #tpu.memory_space<hbm>>) target(%arg9 : memref<128x128xf32, #tpu.memory_space<vmem>>) offsets(%dma_start3A_15 : memref<128xi32, #tpu.memory_space<vmem>>) semaphore(%arg12 : memref<!tpu.dma_semaphore, #tpu.memory_space<semaphore_mem>>)
      %dma_start3A_19 = arith.constant 1 : i32
      %dma_start3A_20 = arith.constant 0 : i32
      %dma_start3A_21 = tpu.memref_slice %arg7[%dma_start3A_19, %dma_start3A_20] : memref<2x128xi32, #tpu.memory_space<vmem>> -> memref<1x128xi32, #tpu.memory_space<vmem>>
      %dma_start3A_22 = tpu.memref_squeeze %dma_start3A_21 : memref<1x128xi32, #tpu.memory_space<vmem>> -> memref<128xi32, #tpu.memory_space<vmem>>
      %dma_start3A_23 = arith.constant 0 : i32
      %dma_start3A_24 = arith.constant 0 : i32
      %dma_start3A_25 = tpu.memref_slice %arg2[%dma_start3A_23, %dma_start3A_24] : memref<10000x128xf32, #tpu.memory_space<hbm>> -> memref<10000x128xf32, #tpu.memory_space<hbm>>
      tpu.enqueue_indirect_dma source(%dma_start3A_25 : memref<10000x128xf32, #tpu.memory_space<hbm>>) target(%arg10 : memref<128x128xf32, #tpu.memory_space<vmem>>) offsets(%dma_start3A_22 : memref<128xi32, #tpu.memory_space<vmem>>) semaphore(%arg13 : memref<!tpu.dma_semaphore, #tpu.memory_space<semaphore_mem>>)
      %scan3A = arith.constant 0 : i32
      %scan3A_26 = arith.constant 0 : i32
      %scan3A_27 = arith.constant 80 : i32
      %scan3A_28 = arith.addi %scan3A_26, %scan3A_27 : i32
      %scan3A_29 = arith.constant 1 : i32
      scf.for %scan3A_36 = %scan3A_26 to %scan3A_28 step %scan3A_29  : i32 {
        %mul3A_37 = arith.constant 2 : i32
        %mul3A_38 = arith.muli %scan3A_36, %mul3A_37 : i32
        %add3A_39 = arith.constant 0 : i32
        %add3A_40 = arith.addi %mul3A_38, %add3A_39 : i32
        %dma_wait3A = arith.constant 0 : i32
        %dma_wait3A_41 = arith.constant 0 : i32
        %dma_wait3A_42 = tpu.memref_slice %arg7[%dma_wait3A, %dma_wait3A_41] : memref<2x128xi32, #tpu.memory_space<vmem>> -> memref<1x128xi32, #tpu.memory_space<vmem>>
        %dma_wait3A_43 = tpu.memref_squeeze %dma_wait3A_42 : memref<1x128xi32, #tpu.memory_space<vmem>> -> memref<128xi32, #tpu.memory_space<vmem>>
        %dma_wait3A_44 = arith.constant 0 : i32
        %dma_wait3A_45 = arith.constant 0 : i32
        %dma_wait3A_46 = tpu.memref_slice %arg2[%dma_wait3A_44, %dma_wait3A_45] : memref<10000x128xf32, #tpu.memory_space<hbm>> -> memref<10000x128xf32, #tpu.memory_space<hbm>>
        tpu.wait_indirect_dma semaphore(%arg12 : memref<!tpu.dma_semaphore, #tpu.memory_space<semaphore_mem>>) src(%dma_wait3A_46 : memref<10000x128xf32, #tpu.memory_space<hbm>>) dst(%arg9 : memref<128x128xf32, #tpu.memory_space<vmem>>)
        %add3A_47 = arith.constant 2 : i32
        %add3A_48 = arith.addi %add3A_40, %add3A_47 : i32
        %lt3A = arith.constant 160 : i32
        %lt3A_49 = arith.cmpi slt, %add3A_48, %lt3A : i32
        %convert_element_type3A_50 = arith.extui %lt3A_49 : i1 to i32
        %cond3A_51 = arith.constant 0 : i32
        %cond3A_52 = arith.cmpi ne, %convert_element_type3A_50, %cond3A_51 : i32
        scf.if %cond3A_52 {
          %add3A_96 = arith.addi %mul3A_0, %add3A_40 : i32
          %add3A_97 = arith.constant 2 : i32
          %add3A_98 = arith.addi %add3A_96, %add3A_97 : i32
          %dma_start3A_99 = arith.constant 0 : i32
          %dma_start3A_100 = arith.constant 0 : i32
          %dma_start3A_101 = tpu.memref_slice %arg7[%dma_start3A_99, %dma_start3A_100] : memref<2x128xi32, #tpu.memory_space<vmem>> -> memref<1x128xi32, #tpu.memory_space<vmem>>
          %dma_start3A_102 = tpu.memref_squeeze %dma_start3A_101 : memref<1x128xi32, #tpu.memory_space<vmem>> -> memref<128xi32, #tpu.memory_space<vmem>>
          %dma_start3A_103 = arith.constant 0 : i32
          %dma_start3A_104 = tpu.memref_slice %arg3[%add3A_98, %dma_start3A_103] : memref<2560x128xi32, #tpu.memory_space<hbm>> -> memref<1x128xi32, #tpu.memory_space<hbm>>
          %dma_start3A_105 = tpu.memref_squeeze %dma_start3A_104 : memref<1x128xi32, #tpu.memory_space<hbm>> -> memref<128xi32, #tpu.memory_space<hbm>>
          %dma_start3A_106 = arith.constant 0 : i32
          %dma_start3A_107 = tpu.memref_slice %arg7[%dma_start3A_99, %dma_start3A_106] : memref<2x128xi32, #tpu.memory_space<vmem>> -> memref<1x128xi32, #tpu.memory_space<vmem>>
          %dma_start3A_108 = tpu.memref_squeeze %dma_start3A_107 : memref<1x128xi32, #tpu.memory_space<vmem>> -> memref<128xi32, #tpu.memory_space<vmem>>
          %dma_start3A_109 = arith.constant 0 : i32
          %dma_start3A_110 = tpu.memref_slice %arg3[%add3A_98, %dma_start3A_109] : memref<2560x128xi32, #tpu.memory_space<hbm>> -> memref<1x128xi32, #tpu.memory_space<hbm>>
          %dma_start3A_111 = tpu.memref_squeeze %dma_start3A_110 : memref<1x128xi32, #tpu.memory_space<hbm>> -> memref<128xi32, #tpu.memory_space<hbm>>
          tpu.enqueue_dma source(%dma_start3A_111 : memref<128xi32, #tpu.memory_space<hbm>>) target(%dma_start3A_108 : memref<128xi32, #tpu.memory_space<vmem>>) target_semaphore(%arg14 : memref<!tpu.dma_semaphore, #tpu.memory_space<semaphore_mem>>)
        } else {
        }
        %ge3A = arith.constant 2 : i32
        %ge3A_53 = arith.cmpi sge, %add3A_40, %ge3A : i32
        %convert_element_type3A_54 = arith.extui %ge3A_53 : i1 to i32
        %cond3A_55 = arith.constant 0 : i32
        %cond3A_56 = arith.cmpi ne, %convert_element_type3A_54, %cond3A_55 : i32
        scf.if %cond3A_56 {
          %add3A_96 = arith.addi %mul3A_0, %add3A_40 : i32
          %dma_wait3A_97 = arith.constant 0 : i32
          %dma_wait3A_98 = arith.constant 0 : i32
          %dma_wait3A_99 = tpu.memref_slice %arg8[%dma_wait3A_97, %dma_wait3A_98] : memref<2x128xi32, #tpu.memory_space<vmem>> -> memref<1x128xi32, #tpu.memory_space<vmem>>
          %dma_wait3A_100 = tpu.memref_squeeze %dma_wait3A_99 : memref<1x128xi32, #tpu.memory_space<vmem>> -> memref<128xi32, #tpu.memory_space<vmem>>
          %dma_wait3A_101 = arith.constant 0 : i32
          %dma_wait3A_102 = tpu.memref_slice %arg4[%add3A_96, %dma_wait3A_101] : memref<2560x128xi32, #tpu.memory_space<hbm>> -> memref<1x128xi32, #tpu.memory_space<hbm>>
          %dma_wait3A_103 = tpu.memref_squeeze %dma_wait3A_102 : memref<1x128xi32, #tpu.memory_space<hbm>> -> memref<128xi32, #tpu.memory_space<hbm>>
          %dma_wait3A_104 = arith.constant 0 : i32
          %dma_wait3A_105 = tpu.memref_slice %arg8[%dma_wait3A_97, %dma_wait3A_104] : memref<2x128xi32, #tpu.memory_space<vmem>> -> memref<1x128xi32, #tpu.memory_space<vmem>>
          %dma_wait3A_106 = tpu.memref_squeeze %dma_wait3A_105 : memref<1x128xi32, #tpu.memory_space<vmem>> -> memref<128xi32, #tpu.memory_space<vmem>>
          %dma_wait3A_107 = arith.constant 0 : i32
          %dma_wait3A_108 = tpu.memref_slice %arg4[%add3A_96, %dma_wait3A_107] : memref<2560x128xi32, #tpu.memory_space<hbm>> -> memref<1x128xi32, #tpu.memory_space<hbm>>
          %dma_wait3A_109 = tpu.memref_squeeze %dma_wait3A_108 : memref<1x128xi32, #tpu.memory_space<hbm>> -> memref<128xi32, #tpu.memory_space<hbm>>
          tpu.wait_dma2 semaphore(%arg16 : memref<!tpu.dma_semaphore, #tpu.memory_space<semaphore_mem>>) src(%dma_wait3A_109 : memref<128xi32, #tpu.memory_space<hbm>>) dst(%dma_wait3A_106 : memref<128xi32, #tpu.memory_space<vmem>>)
        } else {
        }
        %run_scoped3A_57 = arith.constant 0 : i32
        "tpu.region"() ({
          %run_scoped3A_96 = tpu.sem_alloc : memref<!tpu.dma_semaphore, #tpu.memory_space<semaphore_mem>>
          %dma_start3A_97 = arith.constant 0 : i32
          %dma_start3A_98 = tpu.memref_slice %arg8[%run_scoped3A_57, %dma_start3A_97] : memref<2x128xi32, #tpu.memory_space<vmem>> -> memref<1x128xi32, #tpu.memory_space<vmem>>
          %dma_start3A_99 = tpu.memref_squeeze %dma_start3A_98 : memref<1x128xi32, #tpu.memory_space<vmem>> -> memref<128xi32, #tpu.memory_space<vmem>>
          %dma_start3A_100 = arith.constant 0 : i32
          %dma_start3A_101 = arith.constant 0 : i32
          %dma_start3A_102 = tpu.memref_slice %arg11[%dma_start3A_100, %dma_start3A_101] : memref<10112x128xf32, #tpu.memory_space<vmem_shared>> -> memref<10112x128xf32, #tpu.memory_space<vmem_shared>>
          tpu.enqueue_indirect_dma source(%arg9 : memref<128x128xf32, #tpu.memory_space<vmem>>) target(%dma_start3A_102 : memref<10112x128xf32, #tpu.memory_space<vmem_shared>>) offsets(%dma_start3A_99 : memref<128xi32, #tpu.memory_space<vmem>>) semaphore(%run_scoped3A_96 : memref<!tpu.dma_semaphore, #tpu.memory_space<semaphore_mem>>) {add = true}
          %dma_wait3A_103 = arith.constant 0 : i32
          %dma_wait3A_104 = tpu.memref_slice %arg8[%run_scoped3A_57, %dma_wait3A_103] : memref<2x128xi32, #tpu.memory_space<vmem>> -> memref<1x128xi32, #tpu.memory_space<vmem>>
          %dma_wait3A_105 = tpu.memref_squeeze %dma_wait3A_104 : memref<1x128xi32, #tpu.memory_space<vmem>> -> memref<128xi32, #tpu.memory_space<vmem>>
          %dma_wait3A_106 = arith.constant 0 : i32
          %dma_wait3A_107 = arith.constant 0 : i32
          %dma_wait3A_108 = tpu.memref_slice %arg11[%dma_wait3A_106, %dma_wait3A_107] : memref<10112x128xf32, #tpu.memory_space<vmem_shared>> -> memref<10112x128xf32, #tpu.memory_space<vmem_shared>>
          tpu.wait_indirect_dma semaphore(%run_scoped3A_96 : memref<!tpu.dma_semaphore, #tpu.memory_space<semaphore_mem>>) src(%arg9 : memref<128x128xf32, #tpu.memory_space<vmem>>) dst(%dma_wait3A_108 : memref<10112x128xf32, #tpu.memory_space<vmem_shared>>)
          tpu.yield
        }) : () -> ()
        %add3A_58 = arith.constant 2 : i32
        %add3A_59 = arith.addi %add3A_40, %add3A_58 : i32
        %lt3A_60 = arith.constant 160 : i32
        %lt3A_61 = arith.cmpi slt, %add3A_59, %lt3A_60 : i32
        %convert_element_type3A_62 = arith.extui %lt3A_61 : i1 to i32
        %cond3A_63 = arith.constant 0 : i32
        %cond3A_64 = arith.cmpi ne, %convert_element_type3A_62, %cond3A_63 : i32
        scf.if %cond3A_64 {
          %add3A_96 = arith.addi %mul3A_0, %add3A_40 : i32
          %add3A_97 = arith.constant 2 : i32
          %add3A_98 = arith.addi %add3A_96, %add3A_97 : i32
          %dma_start3A_99 = arith.constant 0 : i32
          %dma_start3A_100 = arith.constant 0 : i32
          %dma_start3A_101 = tpu.memref_slice %arg8[%dma_start3A_99, %dma_start3A_100] : memref<2x128xi32, #tpu.memory_space<vmem>> -> memref<1x128xi32, #tpu.memory_space<vmem>>
          %dma_start3A_102 = tpu.memref_squeeze %dma_start3A_101 : memref<1x128xi32, #tpu.memory_space<vmem>> -> memref<128xi32, #tpu.memory_space<vmem>>
          %dma_start3A_103 = arith.constant 0 : i32
          %dma_start3A_104 = tpu.memref_slice %arg4[%add3A_98, %dma_start3A_103] : memref<2560x128xi32, #tpu.memory_space<hbm>> -> memref<1x128xi32, #tpu.memory_space<hbm>>
          %dma_start3A_105 = tpu.memref_squeeze %dma_start3A_104 : memref<1x128xi32, #tpu.memory_space<hbm>> -> memref<128xi32, #tpu.memory_space<hbm>>
          %dma_start3A_106 = arith.constant 0 : i32
          %dma_start3A_107 = tpu.memref_slice %arg8[%dma_start3A_99, %dma_start3A_106] : memref<2x128xi32, #tpu.memory_space<vmem>> -> memref<1x128xi32, #tpu.memory_space<vmem>>
          %dma_start3A_108 = tpu.memref_squeeze %dma_start3A_107 : memref<1x128xi32, #tpu.memory_space<vmem>> -> memref<128xi32, #tpu.memory_space<vmem>>
          %dma_start3A_109 = arith.constant 0 : i32
          %dma_start3A_110 = tpu.memref_slice %arg4[%add3A_98, %dma_start3A_109] : memref<2560x128xi32, #tpu.memory_space<hbm>> -> memref<1x128xi32, #tpu.memory_space<hbm>>
          %dma_start3A_111 = tpu.memref_squeeze %dma_start3A_110 : memref<1x128xi32, #tpu.memory_space<hbm>> -> memref<128xi32, #tpu.memory_space<hbm>>
          tpu.enqueue_dma source(%dma_start3A_111 : memref<128xi32, #tpu.memory_space<hbm>>) target(%dma_start3A_108 : memref<128xi32, #tpu.memory_space<vmem>>) target_semaphore(%arg16 : memref<!tpu.dma_semaphore, #tpu.memory_space<semaphore_mem>>)
          %add3A_112 = arith.addi %mul3A_0, %add3A_40 : i32
          %add3A_113 = arith.constant 2 : i32
          %add3A_114 = arith.addi %add3A_112, %add3A_113 : i32
          %dma_wait3A_115 = arith.constant 0 : i32
          %dma_wait3A_116 = arith.constant 0 : i32
          %dma_wait3A_117 = tpu.memref_slice %arg7[%dma_wait3A_115, %dma_wait3A_116] : memref<2x128xi32, #tpu.memory_space<vmem>> -> memref<1x128xi32, #tpu.memory_space<vmem>>
          %dma_wait3A_118 = tpu.memref_squeeze %dma_wait3A_117 : memref<1x128xi32, #tpu.memory_space<vmem>> -> memref<128xi32, #tpu.memory_space<vmem>>
          %dma_wait3A_119 = arith.constant 0 : i32
          %dma_wait3A_120 = tpu.memref_slice %arg3[%add3A_114, %dma_wait3A_119] : memref<2560x128xi32, #tpu.memory_space<hbm>> -> memref<1x128xi32, #tpu.memory_space<hbm>>
          %dma_wait3A_121 = tpu.memref_squeeze %dma_wait3A_120 : memref<1x128xi32, #tpu.memory_space<hbm>> -> memref<128xi32, #tpu.memory_space<hbm>>
          %dma_wait3A_122 = arith.constant 0 : i32
          %dma_wait3A_123 = tpu.memref_slice %arg7[%dma_wait3A_115, %dma_wait3A_122] : memref<2x128xi32, #tpu.memory_space<vmem>> -> memref<1x128xi32, #tpu.memory_space<vmem>>
          %dma_wait3A_124 = tpu.memref_squeeze %dma_wait3A_123 : memref<1x128xi32, #tpu.memory_space<vmem>> -> memref<128xi32, #tpu.memory_space<vmem>>
          %dma_wait3A_125 = arith.constant 0 : i32
          %dma_wait3A_126 = tpu.memref_slice %arg3[%add3A_114, %dma_wait3A_125] : memref<2560x128xi32, #tpu.memory_space<hbm>> -> memref<1x128xi32, #tpu.memory_space<hbm>>
          %dma_wait3A_127 = tpu.memref_squeeze %dma_wait3A_126 : memref<1x128xi32, #tpu.memory_space<hbm>> -> memref<128xi32, #tpu.memory_space<hbm>>
          tpu.wait_dma2 semaphore(%arg14 : memref<!tpu.dma_semaphore, #tpu.memory_space<semaphore_mem>>) src(%dma_wait3A_127 : memref<128xi32, #tpu.memory_space<hbm>>) dst(%dma_wait3A_124 : memref<128xi32, #tpu.memory_space<vmem>>)
          %dma_start3A_128 = arith.constant 0 : i32
          %dma_start3A_129 = arith.constant 0 : i32
          %dma_start3A_130 = tpu.memref_slice %arg7[%dma_start3A_128, %dma_start3A_129] : memref<2x128xi32, #tpu.memory_space<vmem>> -> memref<1x128xi32, #tpu.memory_space<vmem>>
          %dma_start3A_131 = tpu.memref_squeeze %dma_start3A_130 : memref<1x128xi32, #tpu.memory_space<vmem>> -> memref<128xi32, #tpu.memory_space<vmem>>
          %dma_start3A_132 = arith.constant 0 : i32
          %dma_start3A_133 = arith.constant 0 : i32
          %dma_start3A_134 = tpu.memref_slice %arg2[%dma_start3A_132, %dma_start3A_133] : memref<10000x128xf32, #tpu.memory_space<hbm>> -> memref<10000x128xf32, #tpu.memory_space<hbm>>
          tpu.enqueue_indirect_dma source(%dma_start3A_134 : memref<10000x128xf32, #tpu.memory_space<hbm>>) target(%arg9 : memref<128x128xf32, #tpu.memory_space<vmem>>) offsets(%dma_start3A_131 : memref<128xi32, #tpu.memory_space<vmem>>) semaphore(%arg12 : memref<!tpu.dma_semaphore, #tpu.memory_space<semaphore_mem>>)
        } else {
        }
        %mul3A_65 = arith.constant 2 : i32
        %mul3A_66 = arith.muli %scan3A_36, %mul3A_65 : i32
        %add3A_67 = arith.constant 1 : i32
        %add3A_68 = arith.addi %mul3A_66, %add3A_67 : i32
        %dma_wait3A_69 = arith.constant 1 : i32
        %dma_wait3A_70 = arith.constant 0 : i32
        %dma_wait3A_71 = tpu.memref_slice %arg7[%dma_wait3A_69, %dma_wait3A_70] : memref<2x128xi32, #tpu.memory_space<vmem>> -> memref<1x128xi32, #tpu.memory_space<vmem>>
        %dma_wait3A_72 = tpu.memref_squeeze %dma_wait3A_71 : memref<1x128xi32, #tpu.memory_space<vmem>> -> memref<128xi32, #tpu.memory_space<vmem>>
        %dma_wait3A_73 = arith.constant 0 : i32
        %dma_wait3A_74 = arith.constant 0 : i32
        %dma_wait3A_75 = tpu.memref_slice %arg2[%dma_wait3A_73, %dma_wait3A_74] : memref<10000x128xf32, #tpu.memory_space<hbm>> -> memref<10000x128xf32, #tpu.memory_space<hbm>>
        tpu.wait_indirect_dma semaphore(%arg13 : memref<!tpu.dma_semaphore, #tpu.memory_space<semaphore_mem>>) src(%dma_wait3A_75 : memref<10000x128xf32, #tpu.memory_space<hbm>>) dst(%arg10 : memref<128x128xf32, #tpu.memory_space<vmem>>)
        %add3A_76 = arith.constant 2 : i32
        %add3A_77 = arith.addi %add3A_68, %add3A_76 : i32
        %lt3A_78 = arith.constant 160 : i32
        %lt3A_79 = arith.cmpi slt, %add3A_77, %lt3A_78 : i32
        %convert_element_type3A_80 = arith.extui %lt3A_79 : i1 to i32
        %cond3A_81 = arith.constant 0 : i32
        %cond3A_82 = arith.cmpi ne, %convert_element_type3A_80, %cond3A_81 : i32
        scf.if %cond3A_82 {
          %add3A_96 = arith.addi %mul3A_0, %add3A_68 : i32
          %add3A_97 = arith.constant 2 : i32
          %add3A_98 = arith.addi %add3A_96, %add3A_97 : i32
          %dma_start3A_99 = arith.constant 1 : i32
          %dma_start3A_100 = arith.constant 0 : i32
          %dma_start3A_101 = tpu.memref_slice %arg7[%dma_start3A_99, %dma_start3A_100] : memref<2x128xi32, #tpu.memory_space<vmem>> -> memref<1x128xi32, #tpu.memory_space<vmem>>
          %dma_start3A_102 = tpu.memref_squeeze %dma_start3A_101 : memref<1x128xi32, #tpu.memory_space<vmem>> -> memref<128xi32, #tpu.memory_space<vmem>>
          %dma_start3A_103 = arith.constant 0 : i32
          %dma_start3A_104 = tpu.memref_slice %arg3[%add3A_98, %dma_start3A_103] : memref<2560x128xi32, #tpu.memory_space<hbm>> -> memref<1x128xi32, #tpu.memory_space<hbm>>
          %dma_start3A_105 = tpu.memref_squeeze %dma_start3A_104 : memref<1x128xi32, #tpu.memory_space<hbm>> -> memref<128xi32, #tpu.memory_space<hbm>>
          %dma_start3A_106 = arith.constant 0 : i32
          %dma_start3A_107 = tpu.memref_slice %arg7[%dma_start3A_99, %dma_start3A_106] : memref<2x128xi32, #tpu.memory_space<vmem>> -> memref<1x128xi32, #tpu.memory_space<vmem>>
          %dma_start3A_108 = tpu.memref_squeeze %dma_start3A_107 : memref<1x128xi32, #tpu.memory_space<vmem>> -> memref<128xi32, #tpu.memory_space<vmem>>
          %dma_start3A_109 = arith.constant 0 : i32
          %dma_start3A_110 = tpu.memref_slice %arg3[%add3A_98, %dma_start3A_109] : memref<2560x128xi32, #tpu.memory_space<hbm>> -> memref<1x128xi32, #tpu.memory_space<hbm>>
          %dma_start3A_111 = tpu.memref_squeeze %dma_start3A_110 : memref<1x128xi32, #tpu.memory_space<hbm>> -> memref<128xi32, #tpu.memory_space<hbm>>
          tpu.enqueue_dma source(%dma_start3A_111 : memref<128xi32, #tpu.memory_space<hbm>>) target(%dma_start3A_108 : memref<128xi32, #tpu.memory_space<vmem>>) target_semaphore(%arg15 : memref<!tpu.dma_semaphore, #tpu.memory_space<semaphore_mem>>)
        } else {
        }
        %ge3A_83 = arith.constant 2 : i32
        %ge3A_84 = arith.cmpi sge, %add3A_68, %ge3A_83 : i32
        %convert_element_type3A_85 = arith.extui %ge3A_84 : i1 to i32
        %cond3A_86 = arith.constant 0 : i32
        %cond3A_87 = arith.cmpi ne, %convert_element_type3A_85, %cond3A_86 : i32
        scf.if %cond3A_87 {
          %add3A_96 = arith.addi %mul3A_0, %add3A_68 : i32
          %dma_wait3A_97 = arith.constant 1 : i32
          %dma_wait3A_98 = arith.constant 0 : i32
          %dma_wait3A_99 = tpu.memref_slice %arg8[%dma_wait3A_97, %dma_wait3A_98] : memref<2x128xi32, #tpu.memory_space<vmem>> -> memref<1x128xi32, #tpu.memory_space<vmem>>
          %dma_wait3A_100 = tpu.memref_squeeze %dma_wait3A_99 : memref<1x128xi32, #tpu.memory_space<vmem>> -> memref<128xi32, #tpu.memory_space<vmem>>
          %dma_wait3A_101 = arith.constant 0 : i32
          %dma_wait3A_102 = tpu.memref_slice %arg4[%add3A_96, %dma_wait3A_101] : memref<2560x128xi32, #tpu.memory_space<hbm>> -> memref<1x128xi32, #tpu.memory_space<hbm>>
          %dma_wait3A_103 = tpu.memref_squeeze %dma_wait3A_102 : memref<1x128xi32, #tpu.memory_space<hbm>> -> memref<128xi32, #tpu.memory_space<hbm>>
          %dma_wait3A_104 = arith.constant 0 : i32
          %dma_wait3A_105 = tpu.memref_slice %arg8[%dma_wait3A_97, %dma_wait3A_104] : memref<2x128xi32, #tpu.memory_space<vmem>> -> memref<1x128xi32, #tpu.memory_space<vmem>>
          %dma_wait3A_106 = tpu.memref_squeeze %dma_wait3A_105 : memref<1x128xi32, #tpu.memory_space<vmem>> -> memref<128xi32, #tpu.memory_space<vmem>>
          %dma_wait3A_107 = arith.constant 0 : i32
          %dma_wait3A_108 = tpu.memref_slice %arg4[%add3A_96, %dma_wait3A_107] : memref<2560x128xi32, #tpu.memory_space<hbm>> -> memref<1x128xi32, #tpu.memory_space<hbm>>
          %dma_wait3A_109 = tpu.memref_squeeze %dma_wait3A_108 : memref<1x128xi32, #tpu.memory_space<hbm>> -> memref<128xi32, #tpu.memory_space<hbm>>
          tpu.wait_dma2 semaphore(%arg17 : memref<!tpu.dma_semaphore, #tpu.memory_space<semaphore_mem>>) src(%dma_wait3A_109 : memref<128xi32, #tpu.memory_space<hbm>>) dst(%dma_wait3A_106 : memref<128xi32, #tpu.memory_space<vmem>>)
        } else {
        }
        %run_scoped3A_88 = arith.constant 1 : i32
        "tpu.region"() ({
          %run_scoped3A_96 = tpu.sem_alloc : memref<!tpu.dma_semaphore, #tpu.memory_space<semaphore_mem>>
          %dma_start3A_97 = arith.constant 0 : i32
          %dma_start3A_98 = tpu.memref_slice %arg8[%run_scoped3A_88, %dma_start3A_97] : memref<2x128xi32, #tpu.memory_space<vmem>> -> memref<1x128xi32, #tpu.memory_space<vmem>>
          %dma_start3A_99 = tpu.memref_squeeze %dma_start3A_98 : memref<1x128xi32, #tpu.memory_space<vmem>> -> memref<128xi32, #tpu.memory_space<vmem>>
          %dma_start3A_100 = arith.constant 0 : i32
          %dma_start3A_101 = arith.constant 0 : i32
          %dma_start3A_102 = tpu.memref_slice %arg11[%dma_start3A_100, %dma_start3A_101] : memref<10112x128xf32, #tpu.memory_space<vmem_shared>> -> memref<10112x128xf32, #tpu.memory_space<vmem_shared>>
          tpu.enqueue_indirect_dma source(%arg10 : memref<128x128xf32, #tpu.memory_space<vmem>>) target(%dma_start3A_102 : memref<10112x128xf32, #tpu.memory_space<vmem_shared>>) offsets(%dma_start3A_99 : memref<128xi32, #tpu.memory_space<vmem>>) semaphore(%run_scoped3A_96 : memref<!tpu.dma_semaphore, #tpu.memory_space<semaphore_mem>>) {add = true}
          %dma_wait3A_103 = arith.constant 0 : i32
          %dma_wait3A_104 = tpu.memref_slice %arg8[%run_scoped3A_88, %dma_wait3A_103] : memref<2x128xi32, #tpu.memory_space<vmem>> -> memref<1x128xi32, #tpu.memory_space<vmem>>
          %dma_wait3A_105 = tpu.memref_squeeze %dma_wait3A_104 : memref<1x128xi32, #tpu.memory_space<vmem>> -> memref<128xi32, #tpu.memory_space<vmem>>
          %dma_wait3A_106 = arith.constant 0 : i32
          %dma_wait3A_107 = arith.constant 0 : i32
          %dma_wait3A_108 = tpu.memref_slice %arg11[%dma_wait3A_106, %dma_wait3A_107] : memref<10112x128xf32, #tpu.memory_space<vmem_shared>> -> memref<10112x128xf32, #tpu.memory_space<vmem_shared>>
          tpu.wait_indirect_dma semaphore(%run_scoped3A_96 : memref<!tpu.dma_semaphore, #tpu.memory_space<semaphore_mem>>) src(%arg10 : memref<128x128xf32, #tpu.memory_space<vmem>>) dst(%dma_wait3A_108 : memref<10112x128xf32, #tpu.memory_space<vmem_shared>>)
          tpu.yield
        }) : () -> ()
        %add3A_89 = arith.constant 2 : i32
        %add3A_90 = arith.addi %add3A_68, %add3A_89 : i32
        %lt3A_91 = arith.constant 160 : i32
        %lt3A_92 = arith.cmpi slt, %add3A_90, %lt3A_91 : i32
        %convert_element_type3A_93 = arith.extui %lt3A_92 : i1 to i32
        %cond3A_94 = arith.constant 0 : i32
        %cond3A_95 = arith.cmpi ne, %convert_element_type3A_93, %cond3A_94 : i32
        scf.if %cond3A_95 {
          %add3A_96 = arith.addi %mul3A_0, %add3A_68 : i32
          %add3A_97 = arith.constant 2 : i32
          %add3A_98 = arith.addi %add3A_96, %add3A_97 : i32
          %dma_start3A_99 = arith.constant 1 : i32
          %dma_start3A_100 = arith.constant 0 : i32
          %dma_start3A_101 = tpu.memref_slice %arg8[%dma_start3A_99, %dma_start3A_100] : memref<2x128xi32, #tpu.memory_space<vmem>> -> memref<1x128xi32, #tpu.memory_space<vmem>>
          %dma_start3A_102 = tpu.memref_squeeze %dma_start3A_101 : memref<1x128xi32, #tpu.memory_space<vmem>> -> memref<128xi32, #tpu.memory_space<vmem>>
          %dma_start3A_103 = arith.constant 0 : i32
          %dma_start3A_104 = tpu.memref_slice %arg4[%add3A_98, %dma_start3A_103] : memref<2560x128xi32, #tpu.memory_space<hbm>> -> memref<1x128xi32, #tpu.memory_space<hbm>>
          %dma_start3A_105 = tpu.memref_squeeze %dma_start3A_104 : memref<1x128xi32, #tpu.memory_space<hbm>> -> memref<128xi32, #tpu.memory_space<hbm>>
          %dma_start3A_106 = arith.constant 0 : i32
          %dma_start3A_107 = tpu.memref_slice %arg8[%dma_start3A_99, %dma_start3A_106] : memref<2x128xi32, #tpu.memory_space<vmem>> -> memref<1x128xi32, #tpu.memory_space<vmem>>
          %dma_start3A_108 = tpu.memref_squeeze %dma_start3A_107 : memref<1x128xi32, #tpu.memory_space<vmem>> -> memref<128xi32, #tpu.memory_space<vmem>>
          %dma_start3A_109 = arith.constant 0 : i32
          %dma_start3A_110 = tpu.memref_slice %arg4[%add3A_98, %dma_start3A_109] : memref<2560x128xi32, #tpu.memory_space<hbm>> -> memref<1x128xi32, #tpu.memory_space<hbm>>
          %dma_start3A_111 = tpu.memref_squeeze %dma_start3A_110 : memref<1x128xi32, #tpu.memory_space<hbm>> -> memref<128xi32, #tpu.memory_space<hbm>>
          tpu.enqueue_dma source(%dma_start3A_111 : memref<128xi32, #tpu.memory_space<hbm>>) target(%dma_start3A_108 : memref<128xi32, #tpu.memory_space<vmem>>) target_semaphore(%arg17 : memref<!tpu.dma_semaphore, #tpu.memory_space<semaphore_mem>>)
          %add3A_112 = arith.addi %mul3A_0, %add3A_68 : i32
          %add3A_113 = arith.constant 2 : i32
          %add3A_114 = arith.addi %add3A_112, %add3A_113 : i32
          %dma_wait3A_115 = arith.constant 1 : i32
          %dma_wait3A_116 = arith.constant 0 : i32
          %dma_wait3A_117 = tpu.memref_slice %arg7[%dma_wait3A_115, %dma_wait3A_116] : memref<2x128xi32, #tpu.memory_space<vmem>> -> memref<1x128xi32, #tpu.memory_space<vmem>>
          %dma_wait3A_118 = tpu.memref_squeeze %dma_wait3A_117 : memref<1x128xi32, #tpu.memory_space<vmem>> -> memref<128xi32, #tpu.memory_space<vmem>>
          %dma_wait3A_119 = arith.constant 0 : i32
          %dma_wait3A_120 = tpu.memref_slice %arg3[%add3A_114, %dma_wait3A_119] : memref<2560x128xi32, #tpu.memory_space<hbm>> -> memref<1x128xi32, #tpu.memory_space<hbm>>
          %dma_wait3A_121 = tpu.memref_squeeze %dma_wait3A_120 : memref<1x128xi32, #tpu.memory_space<hbm>> -> memref<128xi32, #tpu.memory_space<hbm>>
          %dma_wait3A_122 = arith.constant 0 : i32
          %dma_wait3A_123 = tpu.memref_slice %arg7[%dma_wait3A_115, %dma_wait3A_122] : memref<2x128xi32, #tpu.memory_space<vmem>> -> memref<1x128xi32, #tpu.memory_space<vmem>>
          %dma_wait3A_124 = tpu.memref_squeeze %dma_wait3A_123 : memref<1x128xi32, #tpu.memory_space<vmem>> -> memref<128xi32, #tpu.memory_space<vmem>>
          %dma_wait3A_125 = arith.constant 0 : i32
          %dma_wait3A_126 = tpu.memref_slice %arg3[%add3A_114, %dma_wait3A_125] : memref<2560x128xi32, #tpu.memory_space<hbm>> -> memref<1x128xi32, #tpu.memory_space<hbm>>
          %dma_wait3A_127 = tpu.memref_squeeze %dma_wait3A_126 : memref<1x128xi32, #tpu.memory_space<hbm>> -> memref<128xi32, #tpu.memory_space<hbm>>
          tpu.wait_dma2 semaphore(%arg15 : memref<!tpu.dma_semaphore, #tpu.memory_space<semaphore_mem>>) src(%dma_wait3A_127 : memref<128xi32, #tpu.memory_space<hbm>>) dst(%dma_wait3A_124 : memref<128xi32, #tpu.memory_space<vmem>>)
          %dma_start3A_128 = arith.constant 1 : i32
          %dma_start3A_129 = arith.constant 0 : i32
          %dma_start3A_130 = tpu.memref_slice %arg7[%dma_start3A_128, %dma_start3A_129] : memref<2x128xi32, #tpu.memory_space<vmem>> -> memref<1x128xi32, #tpu.memory_space<vmem>>
          %dma_start3A_131 = tpu.memref_squeeze %dma_start3A_130 : memref<1x128xi32, #tpu.memory_space<vmem>> -> memref<128xi32, #tpu.memory_space<vmem>>
          %dma_start3A_132 = arith.constant 0 : i32
          %dma_start3A_133 = arith.constant 0 : i32
          %dma_start3A_134 = tpu.memref_slice %arg2[%dma_start3A_132, %dma_start3A_133] : memref<10000x128xf32, #tpu.memory_space<hbm>> -> memref<10000x128xf32, #tpu.memory_space<hbm>>
          tpu.enqueue_indirect_dma source(%dma_start3A_134 : memref<10000x128xf32, #tpu.memory_space<hbm>>) target(%arg10 : memref<128x128xf32, #tpu.memory_space<vmem>>) offsets(%dma_start3A_131 : memref<128xi32, #tpu.memory_space<vmem>>) semaphore(%arg13 : memref<!tpu.dma_semaphore, #tpu.memory_space<semaphore_mem>>)
        } else {
        }
      }
      %scan3A_30 = arith.constant 80 : i32
      %barrier3A_31 = arith.constant 0 : index
      tpu.barrier barrier_id(%barrier3A_31)
      %mul3A_32 = arith.constant 632 : i32
      %mul3A_33 = arith.muli %arg1, %mul3A_32 : i32
      %mul3A_34 = arith.constant 632 : i32
      %mul3A_35 = arith.muli %arg1, %mul3A_34 : i32
      "tpu.region"() ({
        %run_scoped3A_36 = tpu.sem_alloc : memref<!tpu.dma_semaphore, #tpu.memory_space<semaphore_mem>>
        %dma_start3A_37 = arith.constant 0 : i32
        %dma_start3A_38 = tpu.memref_slice %arg6[%mul3A_35, %dma_start3A_37] : memref<10112x128xf32, #tpu.memory_space<hbm>> -> memref<632x128xf32, #tpu.memory_space<hbm>>
        %dma_start3A_39 = arith.constant 0 : i32
        %dma_start3A_40 = tpu.memref_slice %arg11[%mul3A_33, %dma_start3A_39] : memref<10112x128xf32, #tpu.memory_space<vmem_shared>> -> memref<632x128xf32, #tpu.memory_space<vmem_shared>>
        tpu.enqueue_dma source(%dma_start3A_40 : memref<632x128xf32, #tpu.memory_space<vmem_shared>>) target(%dma_start3A_38 : memref<632x128xf32, #tpu.memory_space<hbm>>) target_semaphore(%run_scoped3A_36 : memref<!tpu.dma_semaphore, #tpu.memory_space<semaphore_mem>>)
        %dma_wait3A = arith.constant 0 : i32
        %dma_wait3A_41 = tpu.memref_slice %arg6[%mul3A_35, %dma_wait3A] : memref<10112x128xf32, #tpu.memory_space<hbm>> -> memref<632x128xf32, #tpu.memory_space<hbm>>
        %dma_wait3A_42 = arith.constant 0 : i32
        %dma_wait3A_43 = tpu.memref_slice %arg11[%mul3A_33, %dma_wait3A_42] : memref<10112x128xf32, #tpu.memory_space<vmem_shared>> -> memref<632x128xf32, #tpu.memory_space<vmem_shared>>
        tpu.wait_dma2 semaphore(%run_scoped3A_36 : memref<!tpu.dma_semaphore, #tpu.memory_space<semaphore_mem>>) src(%dma_wait3A_43 : memref<632x128xf32, #tpu.memory_space<vmem_shared>>) dst(%dma_wait3A_41 : memref<632x128xf32, #tpu.memory_space<hbm>>)
        tpu.yield
      }) : () -> ()
    } else {
    }
    return
  }
}

#map = affine_map<(d0, d1) -> (0, 0)>
module attributes {stable_mosaic.version = 14 : i64} {
  func.func @_spmm_kernel(%arg0: i32, %arg1: i32, %arg2: memref<10000x128xf32, #tpu.memory_space<hbm>>, %arg3: memref<2560x128xi32, #tpu.memory_space<hbm>>, %arg4: memref<2560x128xi32, #tpu.memory_space<hbm>>, %arg5: memref<10112x128xf32, #tpu.memory_space<hbm>>, %arg6: memref<10112x128xf32, #tpu.memory_space<hbm>>, %arg7: memref<2x128xi32, #tpu.memory_space<vmem>>, %arg8: memref<2x128xi32, #tpu.memory_space<vmem>>, %arg9: memref<128x128xf32, #tpu.memory_space<vmem>>, %arg10: memref<128x128xf32, #tpu.memory_space<vmem>>, %arg11: memref<10112x128xf32, #tpu.memory_space<vmem_shared>>, %arg12: memref<!tpu.dma_semaphore, #tpu.memory_space<semaphore_mem>>, %arg13: memref<!tpu.dma_semaphore, #tpu.memory_space<semaphore_mem>>, %arg14: memref<!tpu.dma_semaphore, #tpu.memory_space<semaphore_mem>>, %arg15: memref<!tpu.dma_semaphore, #tpu.memory_space<semaphore_mem>>, %arg16: memref<!tpu.dma_semaphore, #tpu.memory_space<semaphore_mem>>, %arg17: memref<!tpu.dma_semaphore, #tpu.memory_space<semaphore_mem>>) attributes {dimension_semantics = [#tpu.dimension_semantics<core_parallel>, #tpu.dimension_semantics<subcore_parallel>], iteration_bounds = array<i64: 2, 16>, scalar_prefetch = 0 : i64, scratch_operands = 11 : i64, tpu.core_type = #tpu.core_type<sc_vector_subcore>, window_params = [{transform_indices = #map}, {transform_indices = #map}, {transform_indices = #map}, {transform_indices = #map}, {transform_indices = #map}]} {
    %mul3A = arith.constant 160 : i32
    %mul3A_0 = arith.muli %arg1, %mul3A : i32
    %eq3A = arith.constant 0 : i32
    %eq3A_1 = arith.cmpi eq, %arg0, %eq3A : i32
    %convert_element_type3A = arith.extui %eq3A_1 : i1 to i32
    %cond3A = arith.constant 0 : i32
    %cond3A_2 = arith.cmpi ne, %convert_element_type3A, %cond3A : i32
    scf.if %cond3A_2 {
      %mul3A_3 = arith.constant 632 : i32
      %mul3A_4 = arith.muli %arg1, %mul3A_3 : i32
      %mul3A_5 = arith.constant 632 : i32
      %mul3A_6 = arith.muli %arg1, %mul3A_5 : i32
      "tpu.region"() ({
        %run_scoped3A_36 = tpu.sem_alloc : memref<!tpu.dma_semaphore, #tpu.memory_space<semaphore_mem>>
        %dma_start3A_37 = arith.constant 0 : i32
        %dma_start3A_38 = tpu.memref_slice %arg11[%mul3A_6, %dma_start3A_37] : memref<10112x128xf32, #tpu.memory_space<vmem_shared>> -> memref<632x128xf32, #tpu.memory_space<vmem_shared>>
        %dma_start3A_39 = arith.constant 0 : i32
        %dma_start3A_40 = tpu.memref_slice %arg5[%mul3A_4, %dma_start3A_39] : memref<10112x128xf32, #tpu.memory_space<hbm>> -> memref<632x128xf32, #tpu.memory_space<hbm>>
        tpu.enqueue_dma source(%dma_start3A_40 : memref<632x128xf32, #tpu.memory_space<hbm>>) target(%dma_start3A_38 : memref<632x128xf32, #tpu.memory_space<vmem_shared>>) target_semaphore(%run_scoped3A_36 : memref<!tpu.dma_semaphore, #tpu.memory_space<semaphore_mem>>)
        %dma_wait3A = arith.constant 0 : i32
        %dma_wait3A_41 = tpu.memref_slice %arg11[%mul3A_6, %dma_wait3A] : memref<10112x128xf32, #tpu.memory_space<vmem_shared>> -> memref<632x128xf32, #tpu.memory_space<vmem_shared>>
        %dma_wait3A_42 = arith.constant 0 : i32
        %dma_wait3A_43 = tpu.memref_slice %arg5[%mul3A_4, %dma_wait3A_42] : memref<10112x128xf32, #tpu.memory_space<hbm>> -> memref<632x128xf32, #tpu.memory_space<hbm>>
        tpu.wait_dma2 semaphore(%run_scoped3A_36 : memref<!tpu.dma_semaphore, #tpu.memory_space<semaphore_mem>>) src(%dma_wait3A_43 : memref<632x128xf32, #tpu.memory_space<hbm>>) dst(%dma_wait3A_41 : memref<632x128xf32, #tpu.memory_space<vmem_shared>>)
        tpu.yield
      }) : () -> ()
      %run_scoped3A = arith.constant 0 : i32
      "tpu.region"() ({
        %run_scoped3A_36 = tpu.sem_alloc : memref<!tpu.dma_semaphore, #tpu.memory_space<semaphore_mem>>
        %dma_start3A_37 = arith.constant 0 : i32
        %dma_start3A_38 = tpu.memref_slice %arg7[%run_scoped3A, %dma_start3A_37] : memref<2x128xi32, #tpu.memory_space<vmem>> -> memref<1x128xi32, #tpu.memory_space<vmem>>
        %dma_start3A_39 = tpu.memref_squeeze %dma_start3A_38 : memref<1x128xi32, #tpu.memory_space<vmem>> -> memref<128xi32, #tpu.memory_space<vmem>>
        %dma_start3A_40 = arith.constant 0 : i32
        %dma_start3A_41 = tpu.memref_slice %arg3[%mul3A_0, %dma_start3A_40] : memref<2560x128xi32, #tpu.memory_space<hbm>> -> memref<1x128xi32, #tpu.memory_space<hbm>>
        %dma_start3A_42 = tpu.memref_squeeze %dma_start3A_41 : memref<1x128xi32, #tpu.memory_space<hbm>> -> memref<128xi32, #tpu.memory_space<hbm>>
        %dma_start3A_43 = arith.constant 0 : i32
        %dma_start3A_44 = tpu.memref_slice %arg7[%run_scoped3A, %dma_start3A_43] : memref<2x128xi32, #tpu.memory_space<vmem>> -> memref<1x128xi32, #tpu.memory_space<vmem>>
        %dma_start3A_45 = tpu.memref_squeeze %dma_start3A_44 : memref<1x128xi32, #tpu.memory_space<vmem>> -> memref<128xi32, #tpu.memory_space<vmem>>
        %dma_start3A_46 = arith.constant 0 : i32
        %dma_start3A_47 = tpu.memref_slice %arg3[%mul3A_0, %dma_start3A_46] : memref<2560x128xi32, #tpu.memory_space<hbm>> -> memref<1x128xi32, #tpu.memory_space<hbm>>
        %dma_start3A_48 = tpu.memref_squeeze %dma_start3A_47 : memref<1x128xi32, #tpu.memory_space<hbm>> -> memref<128xi32, #tpu.memory_space<hbm>>
        tpu.enqueue_dma source(%dma_start3A_48 : memref<128xi32, #tpu.memory_space<hbm>>) target(%dma_start3A_45 : memref<128xi32, #tpu.memory_space<vmem>>) target_semaphore(%run_scoped3A_36 : memref<!tpu.dma_semaphore, #tpu.memory_space<semaphore_mem>>)
        %dma_wait3A = arith.constant 0 : i32
        %dma_wait3A_49 = tpu.memref_slice %arg7[%run_scoped3A, %dma_wait3A] : memref<2x128xi32, #tpu.memory_space<vmem>> -> memref<1x128xi32, #tpu.memory_space<vmem>>
        %dma_wait3A_50 = tpu.memref_squeeze %dma_wait3A_49 : memref<1x128xi32, #tpu.memory_space<vmem>> -> memref<128xi32, #tpu.memory_space<vmem>>
        %dma_wait3A_51 = arith.constant 0 : i32
        %dma_wait3A_52 = tpu.memref_slice %arg3[%mul3A_0, %dma_wait3A_51] : memref<2560x128xi32, #tpu.memory_space<hbm>> -> memref<1x128xi32, #tpu.memory_space<hbm>>
        %dma_wait3A_53 = tpu.memref_squeeze %dma_wait3A_52 : memref<1x128xi32, #tpu.memory_space<hbm>> -> memref<128xi32, #tpu.memory_space<hbm>>
        %dma_wait3A_54 = arith.constant 0 : i32
        %dma_wait3A_55 = tpu.memref_slice %arg7[%run_scoped3A, %dma_wait3A_54] : memref<2x128xi32, #tpu.memory_space<vmem>> -> memref<1x128xi32, #tpu.memory_space<vmem>>
        %dma_wait3A_56 = tpu.memref_squeeze %dma_wait3A_55 : memref<1x128xi32, #tpu.memory_space<vmem>> -> memref<128xi32, #tpu.memory_space<vmem>>
        %dma_wait3A_57 = arith.constant 0 : i32
        %dma_wait3A_58 = tpu.memref_slice %arg3[%mul3A_0, %dma_wait3A_57] : memref<2560x128xi32, #tpu.memory_space<hbm>> -> memref<1x128xi32, #tpu.memory_space<hbm>>
        %dma_wait3A_59 = tpu.memref_squeeze %dma_wait3A_58 : memref<1x128xi32, #tpu.memory_space<hbm>> -> memref<128xi32, #tpu.memory_space<hbm>>
        tpu.wait_dma2 semaphore(%run_scoped3A_36 : memref<!tpu.dma_semaphore, #tpu.memory_space<semaphore_mem>>) src(%dma_wait3A_59 : memref<128xi32, #tpu.memory_space<hbm>>) dst(%dma_wait3A_56 : memref<128xi32, #tpu.memory_space<vmem>>)
        tpu.yield
      }) : () -> ()
      %add3A = arith.constant 1 : i32
      %add3A_7 = arith.addi %mul3A_0, %add3A : i32
      %run_scoped3A_8 = arith.constant 1 : i32
      "tpu.region"() ({
        %run_scoped3A_36 = tpu.sem_alloc : memref<!tpu.dma_semaphore, #tpu.memory_space<semaphore_mem>>
        %dma_start3A_37 = arith.constant 0 : i32
        %dma_start3A_38 = tpu.memref_slice %arg7[%run_scoped3A_8, %dma_start3A_37] : memref<2x128xi32, #tpu.memory_space<vmem>> -> memref<1x128xi32, #tpu.memory_space<vmem>>
        %dma_start3A_39 = tpu.memref_squeeze %dma_start3A_38 : memref<1x128xi32, #tpu.memory_space<vmem>> -> memref<128xi32, #tpu.memory_space<vmem>>
        %dma_start3A_40 = arith.constant 0 : i32
        %dma_start3A_41 = tpu.memref_slice %arg3[%add3A_7, %dma_start3A_40] : memref<2560x128xi32, #tpu.memory_space<hbm>> -> memref<1x128xi32, #tpu.memory_space<hbm>>
        %dma_start3A_42 = tpu.memref_squeeze %dma_start3A_41 : memref<1x128xi32, #tpu.memory_space<hbm>> -> memref<128xi32, #tpu.memory_space<hbm>>
        %dma_start3A_43 = arith.constant 0 : i32
        %dma_start3A_44 = tpu.memref_slice %arg7[%run_scoped3A_8, %dma_start3A_43] : memref<2x128xi32, #tpu.memory_space<vmem>> -> memref<1x128xi32, #tpu.memory_space<vmem>>
        %dma_start3A_45 = tpu.memref_squeeze %dma_start3A_44 : memref<1x128xi32, #tpu.memory_space<vmem>> -> memref<128xi32, #tpu.memory_space<vmem>>
        %dma_start3A_46 = arith.constant 0 : i32
        %dma_start3A_47 = tpu.memref_slice %arg3[%add3A_7, %dma_start3A_46] : memref<2560x128xi32, #tpu.memory_space<hbm>> -> memref<1x128xi32, #tpu.memory_space<hbm>>
        %dma_start3A_48 = tpu.memref_squeeze %dma_start3A_47 : memref<1x128xi32, #tpu.memory_space<hbm>> -> memref<128xi32, #tpu.memory_space<hbm>>
        tpu.enqueue_dma source(%dma_start3A_48 : memref<128xi32, #tpu.memory_space<hbm>>) target(%dma_start3A_45 : memref<128xi32, #tpu.memory_space<vmem>>) target_semaphore(%run_scoped3A_36 : memref<!tpu.dma_semaphore, #tpu.memory_space<semaphore_mem>>)
        %dma_wait3A = arith.constant 0 : i32
        %dma_wait3A_49 = tpu.memref_slice %arg7[%run_scoped3A_8, %dma_wait3A] : memref<2x128xi32, #tpu.memory_space<vmem>> -> memref<1x128xi32, #tpu.memory_space<vmem>>
        %dma_wait3A_50 = tpu.memref_squeeze %dma_wait3A_49 : memref<1x128xi32, #tpu.memory_space<vmem>> -> memref<128xi32, #tpu.memory_space<vmem>>
        %dma_wait3A_51 = arith.constant 0 : i32
        %dma_wait3A_52 = tpu.memref_slice %arg3[%add3A_7, %dma_wait3A_51] : memref<2560x128xi32, #tpu.memory_space<hbm>> -> memref<1x128xi32, #tpu.memory_space<hbm>>
        %dma_wait3A_53 = tpu.memref_squeeze %dma_wait3A_52 : memref<1x128xi32, #tpu.memory_space<hbm>> -> memref<128xi32, #tpu.memory_space<hbm>>
        %dma_wait3A_54 = arith.constant 0 : i32
        %dma_wait3A_55 = tpu.memref_slice %arg7[%run_scoped3A_8, %dma_wait3A_54] : memref<2x128xi32, #tpu.memory_space<vmem>> -> memref<1x128xi32, #tpu.memory_space<vmem>>
        %dma_wait3A_56 = tpu.memref_squeeze %dma_wait3A_55 : memref<1x128xi32, #tpu.memory_space<vmem>> -> memref<128xi32, #tpu.memory_space<vmem>>
        %dma_wait3A_57 = arith.constant 0 : i32
        %dma_wait3A_58 = tpu.memref_slice %arg3[%add3A_7, %dma_wait3A_57] : memref<2560x128xi32, #tpu.memory_space<hbm>> -> memref<1x128xi32, #tpu.memory_space<hbm>>
        %dma_wait3A_59 = tpu.memref_squeeze %dma_wait3A_58 : memref<1x128xi32, #tpu.memory_space<hbm>> -> memref<128xi32, #tpu.memory_space<hbm>>
        tpu.wait_dma2 semaphore(%run_scoped3A_36 : memref<!tpu.dma_semaphore, #tpu.memory_space<semaphore_mem>>) src(%dma_wait3A_59 : memref<128xi32, #tpu.memory_space<hbm>>) dst(%dma_wait3A_56 : memref<128xi32, #tpu.memory_space<vmem>>)
        tpu.yield
      }) : () -> ()
      %run_scoped3A_9 = arith.constant 0 : i32
      "tpu.region"() ({
        %run_scoped3A_36 = tpu.sem_alloc : memref<!tpu.dma_semaphore, #tpu.memory_space<semaphore_mem>>
        %dma_start3A_37 = arith.constant 0 : i32
        %dma_start3A_38 = tpu.memref_slice %arg8[%run_scoped3A_9, %dma_start3A_37] : memref<2x128xi32, #tpu.memory_space<vmem>> -> memref<1x128xi32, #tpu.memory_space<vmem>>
        %dma_start3A_39 = tpu.memref_squeeze %dma_start3A_38 : memref<1x128xi32, #tpu.memory_space<vmem>> -> memref<128xi32, #tpu.memory_space<vmem>>
        %dma_start3A_40 = arith.constant 0 : i32
        %dma_start3A_41 = tpu.memref_slice %arg4[%mul3A_0, %dma_start3A_40] : memref<2560x128xi32, #tpu.memory_space<hbm>> -> memref<1x128xi32, #tpu.memory_space<hbm>>
        %dma_start3A_42 = tpu.memref_squeeze %dma_start3A_41 : memref<1x128xi32, #tpu.memory_space<hbm>> -> memref<128xi32, #tpu.memory_space<hbm>>
        %dma_start3A_43 = arith.constant 0 : i32
        %dma_start3A_44 = tpu.memref_slice %arg8[%run_scoped3A_9, %dma_start3A_43] : memref<2x128xi32, #tpu.memory_space<vmem>> -> memref<1x128xi32, #tpu.memory_space<vmem>>
        %dma_start3A_45 = tpu.memref_squeeze %dma_start3A_44 : memref<1x128xi32, #tpu.memory_space<vmem>> -> memref<128xi32, #tpu.memory_space<vmem>>
        %dma_start3A_46 = arith.constant 0 : i32
        %dma_start3A_47 = tpu.memref_slice %arg4[%mul3A_0, %dma_start3A_46] : memref<2560x128xi32, #tpu.memory_space<hbm>> -> memref<1x128xi32, #tpu.memory_space<hbm>>
        %dma_start3A_48 = tpu.memref_squeeze %dma_start3A_47 : memref<1x128xi32, #tpu.memory_space<hbm>> -> memref<128xi32, #tpu.memory_space<hbm>>
        tpu.enqueue_dma source(%dma_start3A_48 : memref<128xi32, #tpu.memory_space<hbm>>) target(%dma_start3A_45 : memref<128xi32, #tpu.memory_space<vmem>>) target_semaphore(%run_scoped3A_36 : memref<!tpu.dma_semaphore, #tpu.memory_space<semaphore_mem>>)
        %dma_wait3A = arith.constant 0 : i32
        %dma_wait3A_49 = tpu.memref_slice %arg8[%run_scoped3A_9, %dma_wait3A] : memref<2x128xi32, #tpu.memory_space<vmem>> -> memref<1x128xi32, #tpu.memory_space<vmem>>
        %dma_wait3A_50 = tpu.memref_squeeze %dma_wait3A_49 : memref<1x128xi32, #tpu.memory_space<vmem>> -> memref<128xi32, #tpu.memory_space<vmem>>
        %dma_wait3A_51 = arith.constant 0 : i32
        %dma_wait3A_52 = tpu.memref_slice %arg4[%mul3A_0, %dma_wait3A_51] : memref<2560x128xi32, #tpu.memory_space<hbm>> -> memref<1x128xi32, #tpu.memory_space<hbm>>
        %dma_wait3A_53 = tpu.memref_squeeze %dma_wait3A_52 : memref<1x128xi32, #tpu.memory_space<hbm>> -> memref<128xi32, #tpu.memory_space<hbm>>
        %dma_wait3A_54 = arith.constant 0 : i32
        %dma_wait3A_55 = tpu.memref_slice %arg8[%run_scoped3A_9, %dma_wait3A_54] : memref<2x128xi32, #tpu.memory_space<vmem>> -> memref<1x128xi32, #tpu.memory_space<vmem>>
        %dma_wait3A_56 = tpu.memref_squeeze %dma_wait3A_55 : memref<1x128xi32, #tpu.memory_space<vmem>> -> memref<128xi32, #tpu.memory_space<vmem>>
        %dma_wait3A_57 = arith.constant 0 : i32
        %dma_wait3A_58 = tpu.memref_slice %arg4[%mul3A_0, %dma_wait3A_57] : memref<2560x128xi32, #tpu.memory_space<hbm>> -> memref<1x128xi32, #tpu.memory_space<hbm>>
        %dma_wait3A_59 = tpu.memref_squeeze %dma_wait3A_58 : memref<1x128xi32, #tpu.memory_space<hbm>> -> memref<128xi32, #tpu.memory_space<hbm>>
        tpu.wait_dma2 semaphore(%run_scoped3A_36 : memref<!tpu.dma_semaphore, #tpu.memory_space<semaphore_mem>>) src(%dma_wait3A_59 : memref<128xi32, #tpu.memory_space<hbm>>) dst(%dma_wait3A_56 : memref<128xi32, #tpu.memory_space<vmem>>)
        tpu.yield
      }) : () -> ()
      %add3A_10 = arith.constant 1 : i32
      %add3A_11 = arith.addi %mul3A_0, %add3A_10 : i32
      %run_scoped3A_12 = arith.constant 1 : i32
      "tpu.region"() ({
        %run_scoped3A_36 = tpu.sem_alloc : memref<!tpu.dma_semaphore, #tpu.memory_space<semaphore_mem>>
        %dma_start3A_37 = arith.constant 0 : i32
        %dma_start3A_38 = tpu.memref_slice %arg8[%run_scoped3A_12, %dma_start3A_37] : memref<2x128xi32, #tpu.memory_space<vmem>> -> memref<1x128xi32, #tpu.memory_space<vmem>>
        %dma_start3A_39 = tpu.memref_squeeze %dma_start3A_38 : memref<1x128xi32, #tpu.memory_space<vmem>> -> memref<128xi32, #tpu.memory_space<vmem>>
        %dma_start3A_40 = arith.constant 0 : i32
        %dma_start3A_41 = tpu.memref_slice %arg4[%add3A_11, %dma_start3A_40] : memref<2560x128xi32, #tpu.memory_space<hbm>> -> memref<1x128xi32, #tpu.memory_space<hbm>>
        %dma_start3A_42 = tpu.memref_squeeze %dma_start3A_41 : memref<1x128xi32, #tpu.memory_space<hbm>> -> memref<128xi32, #tpu.memory_space<hbm>>
        %dma_start3A_43 = arith.constant 0 : i32
        %dma_start3A_44 = tpu.memref_slice %arg8[%run_scoped3A_12, %dma_start3A_43] : memref<2x128xi32, #tpu.memory_space<vmem>> -> memref<1x128xi32, #tpu.memory_space<vmem>>
        %dma_start3A_45 = tpu.memref_squeeze %dma_start3A_44 : memref<1x128xi32, #tpu.memory_space<vmem>> -> memref<128xi32, #tpu.memory_space<vmem>>
        %dma_start3A_46 = arith.constant 0 : i32
        %dma_start3A_47 = tpu.memref_slice %arg4[%add3A_11, %dma_start3A_46] : memref<2560x128xi32, #tpu.memory_space<hbm>> -> memref<1x128xi32, #tpu.memory_space<hbm>>
        %dma_start3A_48 = tpu.memref_squeeze %dma_start3A_47 : memref<1x128xi32, #tpu.memory_space<hbm>> -> memref<128xi32, #tpu.memory_space<hbm>>
        tpu.enqueue_dma source(%dma_start3A_48 : memref<128xi32, #tpu.memory_space<hbm>>) target(%dma_start3A_45 : memref<128xi32, #tpu.memory_space<vmem>>) target_semaphore(%run_scoped3A_36 : memref<!tpu.dma_semaphore, #tpu.memory_space<semaphore_mem>>)
        %dma_wait3A = arith.constant 0 : i32
        %dma_wait3A_49 = tpu.memref_slice %arg8[%run_scoped3A_12, %dma_wait3A] : memref<2x128xi32, #tpu.memory_space<vmem>> -> memref<1x128xi32, #tpu.memory_space<vmem>>
        %dma_wait3A_50 = tpu.memref_squeeze %dma_wait3A_49 : memref<1x128xi32, #tpu.memory_space<vmem>> -> memref<128xi32, #tpu.memory_space<vmem>>
        %dma_wait3A_51 = arith.constant 0 : i32
        %dma_wait3A_52 = tpu.memref_slice %arg4[%add3A_11, %dma_wait3A_51] : memref<2560x128xi32, #tpu.memory_space<hbm>> -> memref<1x128xi32, #tpu.memory_space<hbm>>
        %dma_wait3A_53 = tpu.memref_squeeze %dma_wait3A_52 : memref<1x128xi32, #tpu.memory_space<hbm>> -> memref<128xi32, #tpu.memory_space<hbm>>
        %dma_wait3A_54 = arith.constant 0 : i32
        %dma_wait3A_55 = tpu.memref_slice %arg8[%run_scoped3A_12, %dma_wait3A_54] : memref<2x128xi32, #tpu.memory_space<vmem>> -> memref<1x128xi32, #tpu.memory_space<vmem>>
        %dma_wait3A_56 = tpu.memref_squeeze %dma_wait3A_55 : memref<1x128xi32, #tpu.memory_space<vmem>> -> memref<128xi32, #tpu.memory_space<vmem>>
        %dma_wait3A_57 = arith.constant 0 : i32
        %dma_wait3A_58 = tpu.memref_slice %arg4[%add3A_11, %dma_wait3A_57] : memref<2560x128xi32, #tpu.memory_space<hbm>> -> memref<1x128xi32, #tpu.memory_space<hbm>>
        %dma_wait3A_59 = tpu.memref_squeeze %dma_wait3A_58 : memref<1x128xi32, #tpu.memory_space<hbm>> -> memref<128xi32, #tpu.memory_space<hbm>>
        tpu.wait_dma2 semaphore(%run_scoped3A_36 : memref<!tpu.dma_semaphore, #tpu.memory_space<semaphore_mem>>) src(%dma_wait3A_59 : memref<128xi32, #tpu.memory_space<hbm>>) dst(%dma_wait3A_56 : memref<128xi32, #tpu.memory_space<vmem>>)
        tpu.yield
      }) : () -> ()
      %barrier3A = arith.constant 0 : index
      tpu.barrier barrier_id(%barrier3A)
      %dma_start3A = arith.constant 0 : i32
      %dma_start3A_13 = arith.constant 0 : i32
      %dma_start3A_14 = tpu.memref_slice %arg7[%dma_start3A, %dma_start3A_13] : memref<2x128xi32, #tpu.memory_space<vmem>> -> memref<1x128xi32, #tpu.memory_space<vmem>>
      %dma_start3A_15 = tpu.memref_squeeze %dma_start3A_14 : memref<1x128xi32, #tpu.memory_space<vmem>> -> memref<128xi32, #tpu.memory_space<vmem>>
      %dma_start3A_16 = arith.constant 0 : i32
      %dma_start3A_17 = arith.constant 0 : i32
      %dma_start3A_18 = tpu.memref_slice %arg2[%dma_start3A_16, %dma_start3A_17] : memref<10000x128xf32, #tpu.memory_space<hbm>> -> memref<10000x128xf32, #tpu.memory_space<hbm>>
      tpu.enqueue_indirect_dma source(%dma_start3A_18 : memref<10000x128xf32, #tpu.memory_space<hbm>>) target(%arg9 : memref<128x128xf32, #tpu.memory_space<vmem>>) offsets(%dma_start3A_15 : memref<128xi32, #tpu.memory_space<vmem>>) semaphore(%arg12 : memref<!tpu.dma_semaphore, #tpu.memory_space<semaphore_mem>>)
      %dma_start3A_19 = arith.constant 1 : i32
      %dma_start3A_20 = arith.constant 0 : i32
      %dma_start3A_21 = tpu.memref_slice %arg7[%dma_start3A_19, %dma_start3A_20] : memref<2x128xi32, #tpu.memory_space<vmem>> -> memref<1x128xi32, #tpu.memory_space<vmem>>
      %dma_start3A_22 = tpu.memref_squeeze %dma_start3A_21 : memref<1x128xi32, #tpu.memory_space<vmem>> -> memref<128xi32, #tpu.memory_space<vmem>>
      %dma_start3A_23 = arith.constant 0 : i32
      %dma_start3A_24 = arith.constant 0 : i32
      %dma_start3A_25 = tpu.memref_slice %arg2[%dma_start3A_23, %dma_start3A_24] : memref<10000x128xf32, #tpu.memory_space<hbm>> -> memref<10000x128xf32, #tpu.memory_space<hbm>>
      tpu.enqueue_indirect_dma source(%dma_start3A_25 : memref<10000x128xf32, #tpu.memory_space<hbm>>) target(%arg10 : memref<128x128xf32, #tpu.memory_space<vmem>>) offsets(%dma_start3A_22 : memref<128xi32, #tpu.memory_space<vmem>>) semaphore(%arg13 : memref<!tpu.dma_semaphore, #tpu.memory_space<semaphore_mem>>)
      %scan3A = arith.constant 0 : i32
      %scan3A_26 = arith.constant 0 : i32
      %scan3A_27 = arith.constant 80 : i32
      %scan3A_28 = arith.addi %scan3A_26, %scan3A_27 : i32
      %scan3A_29 = arith.constant 1 : i32
      scf.for %scan3A_36 = %scan3A_26 to %scan3A_28 step %scan3A_29  : i32 {
        %mul3A_37 = arith.constant 2 : i32
        %mul3A_38 = arith.muli %scan3A_36, %mul3A_37 : i32
        %add3A_39 = arith.constant 0 : i32
        %add3A_40 = arith.addi %mul3A_38, %add3A_39 : i32
        %dma_wait3A = arith.constant 0 : i32
        %dma_wait3A_41 = arith.constant 0 : i32
        %dma_wait3A_42 = tpu.memref_slice %arg7[%dma_wait3A, %dma_wait3A_41] : memref<2x128xi32, #tpu.memory_space<vmem>> -> memref<1x128xi32, #tpu.memory_space<vmem>>
        %dma_wait3A_43 = tpu.memref_squeeze %dma_wait3A_42 : memref<1x128xi32, #tpu.memory_space<vmem>> -> memref<128xi32, #tpu.memory_space<vmem>>
        %dma_wait3A_44 = arith.constant 0 : i32
        %dma_wait3A_45 = arith.constant 0 : i32
        %dma_wait3A_46 = tpu.memref_slice %arg2[%dma_wait3A_44, %dma_wait3A_45] : memref<10000x128xf32, #tpu.memory_space<hbm>> -> memref<10000x128xf32, #tpu.memory_space<hbm>>
        tpu.wait_indirect_dma semaphore(%arg12 : memref<!tpu.dma_semaphore, #tpu.memory_space<semaphore_mem>>) src(%dma_wait3A_46 : memref<10000x128xf32, #tpu.memory_space<hbm>>) dst(%arg9 : memref<128x128xf32, #tpu.memory_space<vmem>>)
        %add3A_47 = arith.constant 2 : i32
        %add3A_48 = arith.addi %add3A_40, %add3A_47 : i32
        %lt3A = arith.constant 160 : i32
        %lt3A_49 = arith.cmpi slt, %add3A_48, %lt3A : i32
        %convert_element_type3A_50 = arith.extui %lt3A_49 : i1 to i32
        %cond3A_51 = arith.constant 0 : i32
        %cond3A_52 = arith.cmpi ne, %convert_element_type3A_50, %cond3A_51 : i32
        scf.if %cond3A_52 {
          %add3A_96 = arith.addi %mul3A_0, %add3A_40 : i32
          %add3A_97 = arith.constant 2 : i32
          %add3A_98 = arith.addi %add3A_96, %add3A_97 : i32
          %dma_start3A_99 = arith.constant 0 : i32
          %dma_start3A_100 = arith.constant 0 : i32
          %dma_start3A_101 = tpu.memref_slice %arg7[%dma_start3A_99, %dma_start3A_100] : memref<2x128xi32, #tpu.memory_space<vmem>> -> memref<1x128xi32, #tpu.memory_space<vmem>>
          %dma_start3A_102 = tpu.memref_squeeze %dma_start3A_101 : memref<1x128xi32, #tpu.memory_space<vmem>> -> memref<128xi32, #tpu.memory_space<vmem>>
          %dma_start3A_103 = arith.constant 0 : i32
          %dma_start3A_104 = tpu.memref_slice %arg3[%add3A_98, %dma_start3A_103] : memref<2560x128xi32, #tpu.memory_space<hbm>> -> memref<1x128xi32, #tpu.memory_space<hbm>>
          %dma_start3A_105 = tpu.memref_squeeze %dma_start3A_104 : memref<1x128xi32, #tpu.memory_space<hbm>> -> memref<128xi32, #tpu.memory_space<hbm>>
          %dma_start3A_106 = arith.constant 0 : i32
          %dma_start3A_107 = tpu.memref_slice %arg7[%dma_start3A_99, %dma_start3A_106] : memref<2x128xi32, #tpu.memory_space<vmem>> -> memref<1x128xi32, #tpu.memory_space<vmem>>
          %dma_start3A_108 = tpu.memref_squeeze %dma_start3A_107 : memref<1x128xi32, #tpu.memory_space<vmem>> -> memref<128xi32, #tpu.memory_space<vmem>>
          %dma_start3A_109 = arith.constant 0 : i32
          %dma_start3A_110 = tpu.memref_slice %arg3[%add3A_98, %dma_start3A_109] : memref<2560x128xi32, #tpu.memory_space<hbm>> -> memref<1x128xi32, #tpu.memory_space<hbm>>
          %dma_start3A_111 = tpu.memref_squeeze %dma_start3A_110 : memref<1x128xi32, #tpu.memory_space<hbm>> -> memref<128xi32, #tpu.memory_space<hbm>>
          tpu.enqueue_dma source(%dma_start3A_111 : memref<128xi32, #tpu.memory_space<hbm>>) target(%dma_start3A_108 : memref<128xi32, #tpu.memory_space<vmem>>) target_semaphore(%arg14 : memref<!tpu.dma_semaphore, #tpu.memory_space<semaphore_mem>>)
        } else {
        }
        %ge3A = arith.constant 2 : i32
        %ge3A_53 = arith.cmpi sge, %add3A_40, %ge3A : i32
        %convert_element_type3A_54 = arith.extui %ge3A_53 : i1 to i32
        %cond3A_55 = arith.constant 0 : i32
        %cond3A_56 = arith.cmpi ne, %convert_element_type3A_54, %cond3A_55 : i32
        scf.if %cond3A_56 {
          %add3A_96 = arith.addi %mul3A_0, %add3A_40 : i32
          %dma_wait3A_97 = arith.constant 0 : i32
          %dma_wait3A_98 = arith.constant 0 : i32
          %dma_wait3A_99 = tpu.memref_slice %arg8[%dma_wait3A_97, %dma_wait3A_98] : memref<2x128xi32, #tpu.memory_space<vmem>> -> memref<1x128xi32, #tpu.memory_space<vmem>>
          %dma_wait3A_100 = tpu.memref_squeeze %dma_wait3A_99 : memref<1x128xi32, #tpu.memory_space<vmem>> -> memref<128xi32, #tpu.memory_space<vmem>>
          %dma_wait3A_101 = arith.constant 0 : i32
          %dma_wait3A_102 = tpu.memref_slice %arg4[%add3A_96, %dma_wait3A_101] : memref<2560x128xi32, #tpu.memory_space<hbm>> -> memref<1x128xi32, #tpu.memory_space<hbm>>
          %dma_wait3A_103 = tpu.memref_squeeze %dma_wait3A_102 : memref<1x128xi32, #tpu.memory_space<hbm>> -> memref<128xi32, #tpu.memory_space<hbm>>
          %dma_wait3A_104 = arith.constant 0 : i32
          %dma_wait3A_105 = tpu.memref_slice %arg8[%dma_wait3A_97, %dma_wait3A_104] : memref<2x128xi32, #tpu.memory_space<vmem>> -> memref<1x128xi32, #tpu.memory_space<vmem>>
          %dma_wait3A_106 = tpu.memref_squeeze %dma_wait3A_105 : memref<1x128xi32, #tpu.memory_space<vmem>> -> memref<128xi32, #tpu.memory_space<vmem>>
          %dma_wait3A_107 = arith.constant 0 : i32
          %dma_wait3A_108 = tpu.memref_slice %arg4[%add3A_96, %dma_wait3A_107] : memref<2560x128xi32, #tpu.memory_space<hbm>> -> memref<1x128xi32, #tpu.memory_space<hbm>>
          %dma_wait3A_109 = tpu.memref_squeeze %dma_wait3A_108 : memref<1x128xi32, #tpu.memory_space<hbm>> -> memref<128xi32, #tpu.memory_space<hbm>>
          tpu.wait_dma2 semaphore(%arg16 : memref<!tpu.dma_semaphore, #tpu.memory_space<semaphore_mem>>) src(%dma_wait3A_109 : memref<128xi32, #tpu.memory_space<hbm>>) dst(%dma_wait3A_106 : memref<128xi32, #tpu.memory_space<vmem>>)
        } else {
        }
        %run_scoped3A_57 = arith.constant 0 : i32
        "tpu.region"() ({
          %run_scoped3A_96 = tpu.sem_alloc : memref<!tpu.dma_semaphore, #tpu.memory_space<semaphore_mem>>
          %dma_start3A_97 = arith.constant 0 : i32
          %dma_start3A_98 = tpu.memref_slice %arg8[%run_scoped3A_57, %dma_start3A_97] : memref<2x128xi32, #tpu.memory_space<vmem>> -> memref<1x128xi32, #tpu.memory_space<vmem>>
          %dma_start3A_99 = tpu.memref_squeeze %dma_start3A_98 : memref<1x128xi32, #tpu.memory_space<vmem>> -> memref<128xi32, #tpu.memory_space<vmem>>
          %dma_start3A_100 = arith.constant 0 : i32
          %dma_start3A_101 = arith.constant 0 : i32
          %dma_start3A_102 = tpu.memref_slice %arg11[%dma_start3A_100, %dma_start3A_101] : memref<10112x128xf32, #tpu.memory_space<vmem_shared>> -> memref<10112x128xf32, #tpu.memory_space<vmem_shared>>
          tpu.enqueue_indirect_dma source(%arg9 : memref<128x128xf32, #tpu.memory_space<vmem>>) target(%dma_start3A_102 : memref<10112x128xf32, #tpu.memory_space<vmem_shared>>) offsets(%dma_start3A_99 : memref<128xi32, #tpu.memory_space<vmem>>) semaphore(%run_scoped3A_96 : memref<!tpu.dma_semaphore, #tpu.memory_space<semaphore_mem>>) {add = true}
          %dma_wait3A_103 = arith.constant 0 : i32
          %dma_wait3A_104 = tpu.memref_slice %arg8[%run_scoped3A_57, %dma_wait3A_103] : memref<2x128xi32, #tpu.memory_space<vmem>> -> memref<1x128xi32, #tpu.memory_space<vmem>>
          %dma_wait3A_105 = tpu.memref_squeeze %dma_wait3A_104 : memref<1x128xi32, #tpu.memory_space<vmem>> -> memref<128xi32, #tpu.memory_space<vmem>>
          %dma_wait3A_106 = arith.constant 0 : i32
          %dma_wait3A_107 = arith.constant 0 : i32
          %dma_wait3A_108 = tpu.memref_slice %arg11[%dma_wait3A_106, %dma_wait3A_107] : memref<10112x128xf32, #tpu.memory_space<vmem_shared>> -> memref<10112x128xf32, #tpu.memory_space<vmem_shared>>
          tpu.wait_indirect_dma semaphore(%run_scoped3A_96 : memref<!tpu.dma_semaphore, #tpu.memory_space<semaphore_mem>>) src(%arg9 : memref<128x128xf32, #tpu.memory_space<vmem>>) dst(%dma_wait3A_108 : memref<10112x128xf32, #tpu.memory_space<vmem_shared>>)
          tpu.yield
        }) : () -> ()
        %add3A_58 = arith.constant 2 : i32
        %add3A_59 = arith.addi %add3A_40, %add3A_58 : i32
        %lt3A_60 = arith.constant 160 : i32
        %lt3A_61 = arith.cmpi slt, %add3A_59, %lt3A_60 : i32
        %convert_element_type3A_62 = arith.extui %lt3A_61 : i1 to i32
        %cond3A_63 = arith.constant 0 : i32
        %cond3A_64 = arith.cmpi ne, %convert_element_type3A_62, %cond3A_63 : i32
        scf.if %cond3A_64 {
          %add3A_96 = arith.addi %mul3A_0, %add3A_40 : i32
          %add3A_97 = arith.constant 2 : i32
          %add3A_98 = arith.addi %add3A_96, %add3A_97 : i32
          %dma_start3A_99 = arith.constant 0 : i32
          %dma_start3A_100 = arith.constant 0 : i32
          %dma_start3A_101 = tpu.memref_slice %arg8[%dma_start3A_99, %dma_start3A_100] : memref<2x128xi32, #tpu.memory_space<vmem>> -> memref<1x128xi32, #tpu.memory_space<vmem>>
          %dma_start3A_102 = tpu.memref_squeeze %dma_start3A_101 : memref<1x128xi32, #tpu.memory_space<vmem>> -> memref<128xi32, #tpu.memory_space<vmem>>
          %dma_start3A_103 = arith.constant 0 : i32
          %dma_start3A_104 = tpu.memref_slice %arg4[%add3A_98, %dma_start3A_103] : memref<2560x128xi32, #tpu.memory_space<hbm>> -> memref<1x128xi32, #tpu.memory_space<hbm>>
          %dma_start3A_105 = tpu.memref_squeeze %dma_start3A_104 : memref<1x128xi32, #tpu.memory_space<hbm>> -> memref<128xi32, #tpu.memory_space<hbm>>
          %dma_start3A_106 = arith.constant 0 : i32
          %dma_start3A_107 = tpu.memref_slice %arg8[%dma_start3A_99, %dma_start3A_106] : memref<2x128xi32, #tpu.memory_space<vmem>> -> memref<1x128xi32, #tpu.memory_space<vmem>>
          %dma_start3A_108 = tpu.memref_squeeze %dma_start3A_107 : memref<1x128xi32, #tpu.memory_space<vmem>> -> memref<128xi32, #tpu.memory_space<vmem>>
          %dma_start3A_109 = arith.constant 0 : i32
          %dma_start3A_110 = tpu.memref_slice %arg4[%add3A_98, %dma_start3A_109] : memref<2560x128xi32, #tpu.memory_space<hbm>> -> memref<1x128xi32, #tpu.memory_space<hbm>>
          %dma_start3A_111 = tpu.memref_squeeze %dma_start3A_110 : memref<1x128xi32, #tpu.memory_space<hbm>> -> memref<128xi32, #tpu.memory_space<hbm>>
          tpu.enqueue_dma source(%dma_start3A_111 : memref<128xi32, #tpu.memory_space<hbm>>) target(%dma_start3A_108 : memref<128xi32, #tpu.memory_space<vmem>>) target_semaphore(%arg16 : memref<!tpu.dma_semaphore, #tpu.memory_space<semaphore_mem>>)
          %add3A_112 = arith.addi %mul3A_0, %add3A_40 : i32
          %add3A_113 = arith.constant 2 : i32
          %add3A_114 = arith.addi %add3A_112, %add3A_113 : i32
          %dma_wait3A_115 = arith.constant 0 : i32
          %dma_wait3A_116 = arith.constant 0 : i32
          %dma_wait3A_117 = tpu.memref_slice %arg7[%dma_wait3A_115, %dma_wait3A_116] : memref<2x128xi32, #tpu.memory_space<vmem>> -> memref<1x128xi32, #tpu.memory_space<vmem>>
          %dma_wait3A_118 = tpu.memref_squeeze %dma_wait3A_117 : memref<1x128xi32, #tpu.memory_space<vmem>> -> memref<128xi32, #tpu.memory_space<vmem>>
          %dma_wait3A_119 = arith.constant 0 : i32
          %dma_wait3A_120 = tpu.memref_slice %arg3[%add3A_114, %dma_wait3A_119] : memref<2560x128xi32, #tpu.memory_space<hbm>> -> memref<1x128xi32, #tpu.memory_space<hbm>>
          %dma_wait3A_121 = tpu.memref_squeeze %dma_wait3A_120 : memref<1x128xi32, #tpu.memory_space<hbm>> -> memref<128xi32, #tpu.memory_space<hbm>>
          %dma_wait3A_122 = arith.constant 0 : i32
          %dma_wait3A_123 = tpu.memref_slice %arg7[%dma_wait3A_115, %dma_wait3A_122] : memref<2x128xi32, #tpu.memory_space<vmem>> -> memref<1x128xi32, #tpu.memory_space<vmem>>
          %dma_wait3A_124 = tpu.memref_squeeze %dma_wait3A_123 : memref<1x128xi32, #tpu.memory_space<vmem>> -> memref<128xi32, #tpu.memory_space<vmem>>
          %dma_wait3A_125 = arith.constant 0 : i32
          %dma_wait3A_126 = tpu.memref_slice %arg3[%add3A_114, %dma_wait3A_125] : memref<2560x128xi32, #tpu.memory_space<hbm>> -> memref<1x128xi32, #tpu.memory_space<hbm>>
          %dma_wait3A_127 = tpu.memref_squeeze %dma_wait3A_126 : memref<1x128xi32, #tpu.memory_space<hbm>> -> memref<128xi32, #tpu.memory_space<hbm>>
          tpu.wait_dma2 semaphore(%arg14 : memref<!tpu.dma_semaphore, #tpu.memory_space<semaphore_mem>>) src(%dma_wait3A_127 : memref<128xi32, #tpu.memory_space<hbm>>) dst(%dma_wait3A_124 : memref<128xi32, #tpu.memory_space<vmem>>)
          %dma_start3A_128 = arith.constant 0 : i32
          %dma_start3A_129 = arith.constant 0 : i32
          %dma_start3A_130 = tpu.memref_slice %arg7[%dma_start3A_128, %dma_start3A_129] : memref<2x128xi32, #tpu.memory_space<vmem>> -> memref<1x128xi32, #tpu.memory_space<vmem>>
          %dma_start3A_131 = tpu.memref_squeeze %dma_start3A_130 : memref<1x128xi32, #tpu.memory_space<vmem>> -> memref<128xi32, #tpu.memory_space<vmem>>
          %dma_start3A_132 = arith.constant 0 : i32
          %dma_start3A_133 = arith.constant 0 : i32
          %dma_start3A_134 = tpu.memref_slice %arg2[%dma_start3A_132, %dma_start3A_133] : memref<10000x128xf32, #tpu.memory_space<hbm>> -> memref<10000x128xf32, #tpu.memory_space<hbm>>
          tpu.enqueue_indirect_dma source(%dma_start3A_134 : memref<10000x128xf32, #tpu.memory_space<hbm>>) target(%arg9 : memref<128x128xf32, #tpu.memory_space<vmem>>) offsets(%dma_start3A_131 : memref<128xi32, #tpu.memory_space<vmem>>) semaphore(%arg12 : memref<!tpu.dma_semaphore, #tpu.memory_space<semaphore_mem>>)
        } else {
        }
        %mul3A_65 = arith.constant 2 : i32
        %mul3A_66 = arith.muli %scan3A_36, %mul3A_65 : i32
        %add3A_67 = arith.constant 1 : i32
        %add3A_68 = arith.addi %mul3A_66, %add3A_67 : i32
        %dma_wait3A_69 = arith.constant 1 : i32
        %dma_wait3A_70 = arith.constant 0 : i32
        %dma_wait3A_71 = tpu.memref_slice %arg7[%dma_wait3A_69, %dma_wait3A_70] : memref<2x128xi32, #tpu.memory_space<vmem>> -> memref<1x128xi32, #tpu.memory_space<vmem>>
        %dma_wait3A_72 = tpu.memref_squeeze %dma_wait3A_71 : memref<1x128xi32, #tpu.memory_space<vmem>> -> memref<128xi32, #tpu.memory_space<vmem>>
        %dma_wait3A_73 = arith.constant 0 : i32
        %dma_wait3A_74 = arith.constant 0 : i32
        %dma_wait3A_75 = tpu.memref_slice %arg2[%dma_wait3A_73, %dma_wait3A_74] : memref<10000x128xf32, #tpu.memory_space<hbm>> -> memref<10000x128xf32, #tpu.memory_space<hbm>>
        tpu.wait_indirect_dma semaphore(%arg13 : memref<!tpu.dma_semaphore, #tpu.memory_space<semaphore_mem>>) src(%dma_wait3A_75 : memref<10000x128xf32, #tpu.memory_space<hbm>>) dst(%arg10 : memref<128x128xf32, #tpu.memory_space<vmem>>)
        %add3A_76 = arith.constant 2 : i32
        %add3A_77 = arith.addi %add3A_68, %add3A_76 : i32
        %lt3A_78 = arith.constant 160 : i32
        %lt3A_79 = arith.cmpi slt, %add3A_77, %lt3A_78 : i32
        %convert_element_type3A_80 = arith.extui %lt3A_79 : i1 to i32
        %cond3A_81 = arith.constant 0 : i32
        %cond3A_82 = arith.cmpi ne, %convert_element_type3A_80, %cond3A_81 : i32
        scf.if %cond3A_82 {
          %add3A_96 = arith.addi %mul3A_0, %add3A_68 : i32
          %add3A_97 = arith.constant 2 : i32
          %add3A_98 = arith.addi %add3A_96, %add3A_97 : i32
          %dma_start3A_99 = arith.constant 1 : i32
          %dma_start3A_100 = arith.constant 0 : i32
          %dma_start3A_101 = tpu.memref_slice %arg7[%dma_start3A_99, %dma_start3A_100] : memref<2x128xi32, #tpu.memory_space<vmem>> -> memref<1x128xi32, #tpu.memory_space<vmem>>
          %dma_start3A_102 = tpu.memref_squeeze %dma_start3A_101 : memref<1x128xi32, #tpu.memory_space<vmem>> -> memref<128xi32, #tpu.memory_space<vmem>>
          %dma_start3A_103 = arith.constant 0 : i32
          %dma_start3A_104 = tpu.memref_slice %arg3[%add3A_98, %dma_start3A_103] : memref<2560x128xi32, #tpu.memory_space<hbm>> -> memref<1x128xi32, #tpu.memory_space<hbm>>
          %dma_start3A_105 = tpu.memref_squeeze %dma_start3A_104 : memref<1x128xi32, #tpu.memory_space<hbm>> -> memref<128xi32, #tpu.memory_space<hbm>>
          %dma_start3A_106 = arith.constant 0 : i32
          %dma_start3A_107 = tpu.memref_slice %arg7[%dma_start3A_99, %dma_start3A_106] : memref<2x128xi32, #tpu.memory_space<vmem>> -> memref<1x128xi32, #tpu.memory_space<vmem>>
          %dma_start3A_108 = tpu.memref_squeeze %dma_start3A_107 : memref<1x128xi32, #tpu.memory_space<vmem>> -> memref<128xi32, #tpu.memory_space<vmem>>
          %dma_start3A_109 = arith.constant 0 : i32
          %dma_start3A_110 = tpu.memref_slice %arg3[%add3A_98, %dma_start3A_109] : memref<2560x128xi32, #tpu.memory_space<hbm>> -> memref<1x128xi32, #tpu.memory_space<hbm>>
          %dma_start3A_111 = tpu.memref_squeeze %dma_start3A_110 : memref<1x128xi32, #tpu.memory_space<hbm>> -> memref<128xi32, #tpu.memory_space<hbm>>
          tpu.enqueue_dma source(%dma_start3A_111 : memref<128xi32, #tpu.memory_space<hbm>>) target(%dma_start3A_108 : memref<128xi32, #tpu.memory_space<vmem>>) target_semaphore(%arg15 : memref<!tpu.dma_semaphore, #tpu.memory_space<semaphore_mem>>)
        } else {
        }
        %ge3A_83 = arith.constant 2 : i32
        %ge3A_84 = arith.cmpi sge, %add3A_68, %ge3A_83 : i32
        %convert_element_type3A_85 = arith.extui %ge3A_84 : i1 to i32
        %cond3A_86 = arith.constant 0 : i32
        %cond3A_87 = arith.cmpi ne, %convert_element_type3A_85, %cond3A_86 : i32
        scf.if %cond3A_87 {
          %add3A_96 = arith.addi %mul3A_0, %add3A_68 : i32
          %dma_wait3A_97 = arith.constant 1 : i32
          %dma_wait3A_98 = arith.constant 0 : i32
          %dma_wait3A_99 = tpu.memref_slice %arg8[%dma_wait3A_97, %dma_wait3A_98] : memref<2x128xi32, #tpu.memory_space<vmem>> -> memref<1x128xi32, #tpu.memory_space<vmem>>
          %dma_wait3A_100 = tpu.memref_squeeze %dma_wait3A_99 : memref<1x128xi32, #tpu.memory_space<vmem>> -> memref<128xi32, #tpu.memory_space<vmem>>
          %dma_wait3A_101 = arith.constant 0 : i32
          %dma_wait3A_102 = tpu.memref_slice %arg4[%add3A_96, %dma_wait3A_101] : memref<2560x128xi32, #tpu.memory_space<hbm>> -> memref<1x128xi32, #tpu.memory_space<hbm>>
          %dma_wait3A_103 = tpu.memref_squeeze %dma_wait3A_102 : memref<1x128xi32, #tpu.memory_space<hbm>> -> memref<128xi32, #tpu.memory_space<hbm>>
          %dma_wait3A_104 = arith.constant 0 : i32
          %dma_wait3A_105 = tpu.memref_slice %arg8[%dma_wait3A_97, %dma_wait3A_104] : memref<2x128xi32, #tpu.memory_space<vmem>> -> memref<1x128xi32, #tpu.memory_space<vmem>>
          %dma_wait3A_106 = tpu.memref_squeeze %dma_wait3A_105 : memref<1x128xi32, #tpu.memory_space<vmem>> -> memref<128xi32, #tpu.memory_space<vmem>>
          %dma_wait3A_107 = arith.constant 0 : i32
          %dma_wait3A_108 = tpu.memref_slice %arg4[%add3A_96, %dma_wait3A_107] : memref<2560x128xi32, #tpu.memory_space<hbm>> -> memref<1x128xi32, #tpu.memory_space<hbm>>
          %dma_wait3A_109 = tpu.memref_squeeze %dma_wait3A_108 : memref<1x128xi32, #tpu.memory_space<hbm>> -> memref<128xi32, #tpu.memory_space<hbm>>
          tpu.wait_dma2 semaphore(%arg17 : memref<!tpu.dma_semaphore, #tpu.memory_space<semaphore_mem>>) src(%dma_wait3A_109 : memref<128xi32, #tpu.memory_space<hbm>>) dst(%dma_wait3A_106 : memref<128xi32, #tpu.memory_space<vmem>>)
        } else {
        }
        %run_scoped3A_88 = arith.constant 1 : i32
        "tpu.region"() ({
          %run_scoped3A_96 = tpu.sem_alloc : memref<!tpu.dma_semaphore, #tpu.memory_space<semaphore_mem>>
          %dma_start3A_97 = arith.constant 0 : i32
          %dma_start3A_98 = tpu.memref_slice %arg8[%run_scoped3A_88, %dma_start3A_97] : memref<2x128xi32, #tpu.memory_space<vmem>> -> memref<1x128xi32, #tpu.memory_space<vmem>>
          %dma_start3A_99 = tpu.memref_squeeze %dma_start3A_98 : memref<1x128xi32, #tpu.memory_space<vmem>> -> memref<128xi32, #tpu.memory_space<vmem>>
          %dma_start3A_100 = arith.constant 0 : i32
          %dma_start3A_101 = arith.constant 0 : i32
          %dma_start3A_102 = tpu.memref_slice %arg11[%dma_start3A_100, %dma_start3A_101] : memref<10112x128xf32, #tpu.memory_space<vmem_shared>> -> memref<10112x128xf32, #tpu.memory_space<vmem_shared>>
          tpu.enqueue_indirect_dma source(%arg10 : memref<128x128xf32, #tpu.memory_space<vmem>>) target(%dma_start3A_102 : memref<10112x128xf32, #tpu.memory_space<vmem_shared>>) offsets(%dma_start3A_99 : memref<128xi32, #tpu.memory_space<vmem>>) semaphore(%run_scoped3A_96 : memref<!tpu.dma_semaphore, #tpu.memory_space<semaphore_mem>>) {add = true}
          %dma_wait3A_103 = arith.constant 0 : i32
          %dma_wait3A_104 = tpu.memref_slice %arg8[%run_scoped3A_88, %dma_wait3A_103] : memref<2x128xi32, #tpu.memory_space<vmem>> -> memref<1x128xi32, #tpu.memory_space<vmem>>
          %dma_wait3A_105 = tpu.memref_squeeze %dma_wait3A_104 : memref<1x128xi32, #tpu.memory_space<vmem>> -> memref<128xi32, #tpu.memory_space<vmem>>
          %dma_wait3A_106 = arith.constant 0 : i32
          %dma_wait3A_107 = arith.constant 0 : i32
          %dma_wait3A_108 = tpu.memref_slice %arg11[%dma_wait3A_106, %dma_wait3A_107] : memref<10112x128xf32, #tpu.memory_space<vmem_shared>> -> memref<10112x128xf32, #tpu.memory_space<vmem_shared>>
          tpu.wait_indirect_dma semaphore(%run_scoped3A_96 : memref<!tpu.dma_semaphore, #tpu.memory_space<semaphore_mem>>) src(%arg10 : memref<128x128xf32, #tpu.memory_space<vmem>>) dst(%dma_wait3A_108 : memref<10112x128xf32, #tpu.memory_space<vmem_shared>>)
          tpu.yield
        }) : () -> ()
        %add3A_89 = arith.constant 2 : i32
        %add3A_90 = arith.addi %add3A_68, %add3A_89 : i32
        %lt3A_91 = arith.constant 160 : i32
        %lt3A_92 = arith.cmpi slt, %add3A_90, %lt3A_91 : i32
        %convert_element_type3A_93 = arith.extui %lt3A_92 : i1 to i32
        %cond3A_94 = arith.constant 0 : i32
        %cond3A_95 = arith.cmpi ne, %convert_element_type3A_93, %cond3A_94 : i32
        scf.if %cond3A_95 {
          %add3A_96 = arith.addi %mul3A_0, %add3A_68 : i32
          %add3A_97 = arith.constant 2 : i32
          %add3A_98 = arith.addi %add3A_96, %add3A_97 : i32
          %dma_start3A_99 = arith.constant 1 : i32
          %dma_start3A_100 = arith.constant 0 : i32
          %dma_start3A_101 = tpu.memref_slice %arg8[%dma_start3A_99, %dma_start3A_100] : memref<2x128xi32, #tpu.memory_space<vmem>> -> memref<1x128xi32, #tpu.memory_space<vmem>>
          %dma_start3A_102 = tpu.memref_squeeze %dma_start3A_101 : memref<1x128xi32, #tpu.memory_space<vmem>> -> memref<128xi32, #tpu.memory_space<vmem>>
          %dma_start3A_103 = arith.constant 0 : i32
          %dma_start3A_104 = tpu.memref_slice %arg4[%add3A_98, %dma_start3A_103] : memref<2560x128xi32, #tpu.memory_space<hbm>> -> memref<1x128xi32, #tpu.memory_space<hbm>>
          %dma_start3A_105 = tpu.memref_squeeze %dma_start3A_104 : memref<1x128xi32, #tpu.memory_space<hbm>> -> memref<128xi32, #tpu.memory_space<hbm>>
          %dma_start3A_106 = arith.constant 0 : i32
          %dma_start3A_107 = tpu.memref_slice %arg8[%dma_start3A_99, %dma_start3A_106] : memref<2x128xi32, #tpu.memory_space<vmem>> -> memref<1x128xi32, #tpu.memory_space<vmem>>
          %dma_start3A_108 = tpu.memref_squeeze %dma_start3A_107 : memref<1x128xi32, #tpu.memory_space<vmem>> -> memref<128xi32, #tpu.memory_space<vmem>>
          %dma_start3A_109 = arith.constant 0 : i32
          %dma_start3A_110 = tpu.memref_slice %arg4[%add3A_98, %dma_start3A_109] : memref<2560x128xi32, #tpu.memory_space<hbm>> -> memref<1x128xi32, #tpu.memory_space<hbm>>
          %dma_start3A_111 = tpu.memref_squeeze %dma_start3A_110 : memref<1x128xi32, #tpu.memory_space<hbm>> -> memref<128xi32, #tpu.memory_space<hbm>>
          tpu.enqueue_dma source(%dma_start3A_111 : memref<128xi32, #tpu.memory_space<hbm>>) target(%dma_start3A_108 : memref<128xi32, #tpu.memory_space<vmem>>) target_semaphore(%arg17 : memref<!tpu.dma_semaphore, #tpu.memory_space<semaphore_mem>>)
          %add3A_112 = arith.addi %mul3A_0, %add3A_68 : i32
          %add3A_113 = arith.constant 2 : i32
          %add3A_114 = arith.addi %add3A_112, %add3A_113 : i32
          %dma_wait3A_115 = arith.constant 1 : i32
          %dma_wait3A_116 = arith.constant 0 : i32
          %dma_wait3A_117 = tpu.memref_slice %arg7[%dma_wait3A_115, %dma_wait3A_116] : memref<2x128xi32, #tpu.memory_space<vmem>> -> memref<1x128xi32, #tpu.memory_space<vmem>>
          %dma_wait3A_118 = tpu.memref_squeeze %dma_wait3A_117 : memref<1x128xi32, #tpu.memory_space<vmem>> -> memref<128xi32, #tpu.memory_space<vmem>>
          %dma_wait3A_119 = arith.constant 0 : i32
          %dma_wait3A_120 = tpu.memref_slice %arg3[%add3A_114, %dma_wait3A_119] : memref<2560x128xi32, #tpu.memory_space<hbm>> -> memref<1x128xi32, #tpu.memory_space<hbm>>
          %dma_wait3A_121 = tpu.memref_squeeze %dma_wait3A_120 : memref<1x128xi32, #tpu.memory_space<hbm>> -> memref<128xi32, #tpu.memory_space<hbm>>
          %dma_wait3A_122 = arith.constant 0 : i32
          %dma_wait3A_123 = tpu.memref_slice %arg7[%dma_wait3A_115, %dma_wait3A_122] : memref<2x128xi32, #tpu.memory_space<vmem>> -> memref<1x128xi32, #tpu.memory_space<vmem>>
          %dma_wait3A_124 = tpu.memref_squeeze %dma_wait3A_123 : memref<1x128xi32, #tpu.memory_space<vmem>> -> memref<128xi32, #tpu.memory_space<vmem>>
          %dma_wait3A_125 = arith.constant 0 : i32
          %dma_wait3A_126 = tpu.memref_slice %arg3[%add3A_114, %dma_wait3A_125] : memref<2560x128xi32, #tpu.memory_space<hbm>> -> memref<1x128xi32, #tpu.memory_space<hbm>>
          %dma_wait3A_127 = tpu.memref_squeeze %dma_wait3A_126 : memref<1x128xi32, #tpu.memory_space<hbm>> -> memref<128xi32, #tpu.memory_space<hbm>>
          tpu.wait_dma2 semaphore(%arg15 : memref<!tpu.dma_semaphore, #tpu.memory_space<semaphore_mem>>) src(%dma_wait3A_127 : memref<128xi32, #tpu.memory_space<hbm>>) dst(%dma_wait3A_124 : memref<128xi32, #tpu.memory_space<vmem>>)
          %dma_start3A_128 = arith.constant 1 : i32
          %dma_start3A_129 = arith.constant 0 : i32
          %dma_start3A_130 = tpu.memref_slice %arg7[%dma_start3A_128, %dma_start3A_129] : memref<2x128xi32, #tpu.memory_space<vmem>> -> memref<1x128xi32, #tpu.memory_space<vmem>>
          %dma_start3A_131 = tpu.memref_squeeze %dma_start3A_130 : memref<1x128xi32, #tpu.memory_space<vmem>> -> memref<128xi32, #tpu.memory_space<vmem>>
          %dma_start3A_132 = arith.constant 0 : i32
          %dma_start3A_133 = arith.constant 0 : i32
          %dma_start3A_134 = tpu.memref_slice %arg2[%dma_start3A_132, %dma_start3A_133] : memref<10000x128xf32, #tpu.memory_space<hbm>> -> memref<10000x128xf32, #tpu.memory_space<hbm>>
          tpu.enqueue_indirect_dma source(%dma_start3A_134 : memref<10000x128xf32, #tpu.memory_space<hbm>>) target(%arg10 : memref<128x128xf32, #tpu.memory_space<vmem>>) offsets(%dma_start3A_131 : memref<128xi32, #tpu.memory_space<vmem>>) semaphore(%arg13 : memref<!tpu.dma_semaphore, #tpu.memory_space<semaphore_mem>>)
        } else {
        }
      }
      %scan3A_30 = arith.constant 80 : i32
      %barrier3A_31 = arith.constant 0 : index
      tpu.barrier barrier_id(%barrier3A_31)
      %mul3A_32 = arith.constant 632 : i32
      %mul3A_33 = arith.muli %arg1, %mul3A_32 : i32
      %mul3A_34 = arith.constant 632 : i32
      %mul3A_35 = arith.muli %arg1, %mul3A_34 : i32
      "tpu.region"() ({
        %run_scoped3A_36 = tpu.sem_alloc : memref<!tpu.dma_semaphore, #tpu.memory_space<semaphore_mem>>
        %dma_start3A_37 = arith.constant 0 : i32
        %dma_start3A_38 = tpu.memref_slice %arg6[%mul3A_35, %dma_start3A_37] : memref<10112x128xf32, #tpu.memory_space<hbm>> -> memref<632x128xf32, #tpu.memory_space<hbm>>
        %dma_start3A_39 = arith.constant 0 : i32
        %dma_start3A_40 = tpu.memref_slice %arg11[%mul3A_33, %dma_start3A_39] : memref<10112x128xf32, #tpu.memory_space<vmem_shared>> -> memref<632x128xf32, #tpu.memory_space<vmem_shared>>
        tpu.enqueue_dma source(%dma_start3A_40 : memref<632x128xf32, #tpu.memory_space<vmem_shared>>) target(%dma_start3A_38 : memref<632x128xf32, #tpu.memory_space<hbm>>) target_semaphore(%run_scoped3A_36 : memref<!tpu.dma_semaphore, #tpu.memory_space<semaphore_mem>>)
        %dma_wait3A = arith.constant 0 : i32
        %dma_wait3A_41 = tpu.memref_slice %arg6[%mul3A_35, %dma_wait3A] : memref<10112x128xf32, #tpu.memory_space<hbm>> -> memref<632x128xf32, #tpu.memory_space<hbm>>
        %dma_wait3A_42 = arith.constant 0 : i32
        %dma_wait3A_43 = tpu.memref_slice %arg11[%mul3A_33, %dma_wait3A_42] : memref<10112x128xf32, #tpu.memory_space<vmem_shared>> -> memref<632x128xf32, #tpu.memory_space<vmem_shared>>
        tpu.wait_dma2 semaphore(%run_scoped3A_36 : memref<!tpu.dma_semaphore, #tpu.memory_space<semaphore_mem>>) src(%dma_wait3A_43 : memref<632x128xf32, #tpu.memory_space<vmem_shared>>) dst(%dma_wait3A_41 : memref<632x128xf32, #tpu.memory_space<hbm>>)
        tpu.yield
      }) : () -> ()
    } else {
    }
    return
  }
}

#map = affine_map<(d0, d1) -> (0, 0)>
module attributes {stable_mosaic.version = 14 : i64} {
  func.func @_spmm_kernel(%arg0: i32, %arg1: i32, %arg2: memref<10000x128xf32, #tpu.memory_space<hbm>>, %arg3: memref<2560x128xi32, #tpu.memory_space<hbm>>, %arg4: memref<2560x128xi32, #tpu.memory_space<hbm>>, %arg5: memref<10112x128xf32, #tpu.memory_space<hbm>>, %arg6: memref<10112x128xf32, #tpu.memory_space<hbm>>, %arg7: memref<2x128xi32, #tpu.memory_space<vmem>>, %arg8: memref<2x128xi32, #tpu.memory_space<vmem>>, %arg9: memref<128x128xf32, #tpu.memory_space<vmem>>, %arg10: memref<128x128xf32, #tpu.memory_space<vmem>>, %arg11: memref<10112x128xf32, #tpu.memory_space<vmem_shared>>, %arg12: memref<!tpu.dma_semaphore, #tpu.memory_space<semaphore_mem>>, %arg13: memref<!tpu.dma_semaphore, #tpu.memory_space<semaphore_mem>>, %arg14: memref<!tpu.dma_semaphore, #tpu.memory_space<semaphore_mem>>, %arg15: memref<!tpu.dma_semaphore, #tpu.memory_space<semaphore_mem>>, %arg16: memref<!tpu.dma_semaphore, #tpu.memory_space<semaphore_mem>>, %arg17: memref<!tpu.dma_semaphore, #tpu.memory_space<semaphore_mem>>) attributes {dimension_semantics = [#tpu.dimension_semantics<core_parallel>, #tpu.dimension_semantics<subcore_parallel>], iteration_bounds = array<i64: 2, 16>, scalar_prefetch = 0 : i64, scratch_operands = 11 : i64, tpu.core_type = #tpu.core_type<sc_vector_subcore>, window_params = [{transform_indices = #map}, {transform_indices = #map}, {transform_indices = #map}, {transform_indices = #map}, {transform_indices = #map}]} {
    %mul3A = arith.constant 160 : i32
    %mul3A_0 = arith.muli %arg1, %mul3A : i32
    %eq3A = arith.constant 0 : i32
    %eq3A_1 = arith.cmpi eq, %arg0, %eq3A : i32
    %convert_element_type3A = arith.extui %eq3A_1 : i1 to i32
    %cond3A = arith.constant 0 : i32
    %cond3A_2 = arith.cmpi ne, %convert_element_type3A, %cond3A : i32
    scf.if %cond3A_2 {
      %mul3A_3 = arith.constant 632 : i32
      %mul3A_4 = arith.muli %arg1, %mul3A_3 : i32
      %mul3A_5 = arith.constant 632 : i32
      %mul3A_6 = arith.muli %arg1, %mul3A_5 : i32
      "tpu.region"() ({
        %run_scoped3A_36 = tpu.sem_alloc : memref<!tpu.dma_semaphore, #tpu.memory_space<semaphore_mem>>
        %dma_start3A_37 = arith.constant 0 : i32
        %dma_start3A_38 = tpu.memref_slice %arg11[%mul3A_6, %dma_start3A_37] : memref<10112x128xf32, #tpu.memory_space<vmem_shared>> -> memref<632x128xf32, #tpu.memory_space<vmem_shared>>
        %dma_start3A_39 = arith.constant 0 : i32
        %dma_start3A_40 = tpu.memref_slice %arg5[%mul3A_4, %dma_start3A_39] : memref<10112x128xf32, #tpu.memory_space<hbm>> -> memref<632x128xf32, #tpu.memory_space<hbm>>
        tpu.enqueue_dma source(%dma_start3A_40 : memref<632x128xf32, #tpu.memory_space<hbm>>) target(%dma_start3A_38 : memref<632x128xf32, #tpu.memory_space<vmem_shared>>) target_semaphore(%run_scoped3A_36 : memref<!tpu.dma_semaphore, #tpu.memory_space<semaphore_mem>>)
        %dma_wait3A = arith.constant 0 : i32
        %dma_wait3A_41 = tpu.memref_slice %arg11[%mul3A_6, %dma_wait3A] : memref<10112x128xf32, #tpu.memory_space<vmem_shared>> -> memref<632x128xf32, #tpu.memory_space<vmem_shared>>
        %dma_wait3A_42 = arith.constant 0 : i32
        %dma_wait3A_43 = tpu.memref_slice %arg5[%mul3A_4, %dma_wait3A_42] : memref<10112x128xf32, #tpu.memory_space<hbm>> -> memref<632x128xf32, #tpu.memory_space<hbm>>
        tpu.wait_dma2 semaphore(%run_scoped3A_36 : memref<!tpu.dma_semaphore, #tpu.memory_space<semaphore_mem>>) src(%dma_wait3A_43 : memref<632x128xf32, #tpu.memory_space<hbm>>) dst(%dma_wait3A_41 : memref<632x128xf32, #tpu.memory_space<vmem_shared>>)
        tpu.yield
      }) : () -> ()
      %run_scoped3A = arith.constant 0 : i32
      "tpu.region"() ({
        %run_scoped3A_36 = tpu.sem_alloc : memref<!tpu.dma_semaphore, #tpu.memory_space<semaphore_mem>>
        %dma_start3A_37 = arith.constant 0 : i32
        %dma_start3A_38 = tpu.memref_slice %arg7[%run_scoped3A, %dma_start3A_37] : memref<2x128xi32, #tpu.memory_space<vmem>> -> memref<1x128xi32, #tpu.memory_space<vmem>>
        %dma_start3A_39 = tpu.memref_squeeze %dma_start3A_38 : memref<1x128xi32, #tpu.memory_space<vmem>> -> memref<128xi32, #tpu.memory_space<vmem>>
        %dma_start3A_40 = arith.constant 0 : i32
        %dma_start3A_41 = tpu.memref_slice %arg3[%mul3A_0, %dma_start3A_40] : memref<2560x128xi32, #tpu.memory_space<hbm>> -> memref<1x128xi32, #tpu.memory_space<hbm>>
        %dma_start3A_42 = tpu.memref_squeeze %dma_start3A_41 : memref<1x128xi32, #tpu.memory_space<hbm>> -> memref<128xi32, #tpu.memory_space<hbm>>
        %dma_start3A_43 = arith.constant 0 : i32
        %dma_start3A_44 = tpu.memref_slice %arg7[%run_scoped3A, %dma_start3A_43] : memref<2x128xi32, #tpu.memory_space<vmem>> -> memref<1x128xi32, #tpu.memory_space<vmem>>
        %dma_start3A_45 = tpu.memref_squeeze %dma_start3A_44 : memref<1x128xi32, #tpu.memory_space<vmem>> -> memref<128xi32, #tpu.memory_space<vmem>>
        %dma_start3A_46 = arith.constant 0 : i32
        %dma_start3A_47 = tpu.memref_slice %arg3[%mul3A_0, %dma_start3A_46] : memref<2560x128xi32, #tpu.memory_space<hbm>> -> memref<1x128xi32, #tpu.memory_space<hbm>>
        %dma_start3A_48 = tpu.memref_squeeze %dma_start3A_47 : memref<1x128xi32, #tpu.memory_space<hbm>> -> memref<128xi32, #tpu.memory_space<hbm>>
        tpu.enqueue_dma source(%dma_start3A_48 : memref<128xi32, #tpu.memory_space<hbm>>) target(%dma_start3A_45 : memref<128xi32, #tpu.memory_space<vmem>>) target_semaphore(%run_scoped3A_36 : memref<!tpu.dma_semaphore, #tpu.memory_space<semaphore_mem>>)
        %dma_wait3A = arith.constant 0 : i32
        %dma_wait3A_49 = tpu.memref_slice %arg7[%run_scoped3A, %dma_wait3A] : memref<2x128xi32, #tpu.memory_space<vmem>> -> memref<1x128xi32, #tpu.memory_space<vmem>>
        %dma_wait3A_50 = tpu.memref_squeeze %dma_wait3A_49 : memref<1x128xi32, #tpu.memory_space<vmem>> -> memref<128xi32, #tpu.memory_space<vmem>>
        %dma_wait3A_51 = arith.constant 0 : i32
        %dma_wait3A_52 = tpu.memref_slice %arg3[%mul3A_0, %dma_wait3A_51] : memref<2560x128xi32, #tpu.memory_space<hbm>> -> memref<1x128xi32, #tpu.memory_space<hbm>>
        %dma_wait3A_53 = tpu.memref_squeeze %dma_wait3A_52 : memref<1x128xi32, #tpu.memory_space<hbm>> -> memref<128xi32, #tpu.memory_space<hbm>>
        %dma_wait3A_54 = arith.constant 0 : i32
        %dma_wait3A_55 = tpu.memref_slice %arg7[%run_scoped3A, %dma_wait3A_54] : memref<2x128xi32, #tpu.memory_space<vmem>> -> memref<1x128xi32, #tpu.memory_space<vmem>>
        %dma_wait3A_56 = tpu.memref_squeeze %dma_wait3A_55 : memref<1x128xi32, #tpu.memory_space<vmem>> -> memref<128xi32, #tpu.memory_space<vmem>>
        %dma_wait3A_57 = arith.constant 0 : i32
        %dma_wait3A_58 = tpu.memref_slice %arg3[%mul3A_0, %dma_wait3A_57] : memref<2560x128xi32, #tpu.memory_space<hbm>> -> memref<1x128xi32, #tpu.memory_space<hbm>>
        %dma_wait3A_59 = tpu.memref_squeeze %dma_wait3A_58 : memref<1x128xi32, #tpu.memory_space<hbm>> -> memref<128xi32, #tpu.memory_space<hbm>>
        tpu.wait_dma2 semaphore(%run_scoped3A_36 : memref<!tpu.dma_semaphore, #tpu.memory_space<semaphore_mem>>) src(%dma_wait3A_59 : memref<128xi32, #tpu.memory_space<hbm>>) dst(%dma_wait3A_56 : memref<128xi32, #tpu.memory_space<vmem>>)
        tpu.yield
      }) : () -> ()
      %add3A = arith.constant 1 : i32
      %add3A_7 = arith.addi %mul3A_0, %add3A : i32
      %run_scoped3A_8 = arith.constant 1 : i32
      "tpu.region"() ({
        %run_scoped3A_36 = tpu.sem_alloc : memref<!tpu.dma_semaphore, #tpu.memory_space<semaphore_mem>>
        %dma_start3A_37 = arith.constant 0 : i32
        %dma_start3A_38 = tpu.memref_slice %arg7[%run_scoped3A_8, %dma_start3A_37] : memref<2x128xi32, #tpu.memory_space<vmem>> -> memref<1x128xi32, #tpu.memory_space<vmem>>
        %dma_start3A_39 = tpu.memref_squeeze %dma_start3A_38 : memref<1x128xi32, #tpu.memory_space<vmem>> -> memref<128xi32, #tpu.memory_space<vmem>>
        %dma_start3A_40 = arith.constant 0 : i32
        %dma_start3A_41 = tpu.memref_slice %arg3[%add3A_7, %dma_start3A_40] : memref<2560x128xi32, #tpu.memory_space<hbm>> -> memref<1x128xi32, #tpu.memory_space<hbm>>
        %dma_start3A_42 = tpu.memref_squeeze %dma_start3A_41 : memref<1x128xi32, #tpu.memory_space<hbm>> -> memref<128xi32, #tpu.memory_space<hbm>>
        %dma_start3A_43 = arith.constant 0 : i32
        %dma_start3A_44 = tpu.memref_slice %arg7[%run_scoped3A_8, %dma_start3A_43] : memref<2x128xi32, #tpu.memory_space<vmem>> -> memref<1x128xi32, #tpu.memory_space<vmem>>
        %dma_start3A_45 = tpu.memref_squeeze %dma_start3A_44 : memref<1x128xi32, #tpu.memory_space<vmem>> -> memref<128xi32, #tpu.memory_space<vmem>>
        %dma_start3A_46 = arith.constant 0 : i32
        %dma_start3A_47 = tpu.memref_slice %arg3[%add3A_7, %dma_start3A_46] : memref<2560x128xi32, #tpu.memory_space<hbm>> -> memref<1x128xi32, #tpu.memory_space<hbm>>
        %dma_start3A_48 = tpu.memref_squeeze %dma_start3A_47 : memref<1x128xi32, #tpu.memory_space<hbm>> -> memref<128xi32, #tpu.memory_space<hbm>>
        tpu.enqueue_dma source(%dma_start3A_48 : memref<128xi32, #tpu.memory_space<hbm>>) target(%dma_start3A_45 : memref<128xi32, #tpu.memory_space<vmem>>) target_semaphore(%run_scoped3A_36 : memref<!tpu.dma_semaphore, #tpu.memory_space<semaphore_mem>>)
        %dma_wait3A = arith.constant 0 : i32
        %dma_wait3A_49 = tpu.memref_slice %arg7[%run_scoped3A_8, %dma_wait3A] : memref<2x128xi32, #tpu.memory_space<vmem>> -> memref<1x128xi32, #tpu.memory_space<vmem>>
        %dma_wait3A_50 = tpu.memref_squeeze %dma_wait3A_49 : memref<1x128xi32, #tpu.memory_space<vmem>> -> memref<128xi32, #tpu.memory_space<vmem>>
        %dma_wait3A_51 = arith.constant 0 : i32
        %dma_wait3A_52 = tpu.memref_slice %arg3[%add3A_7, %dma_wait3A_51] : memref<2560x128xi32, #tpu.memory_space<hbm>> -> memref<1x128xi32, #tpu.memory_space<hbm>>
        %dma_wait3A_53 = tpu.memref_squeeze %dma_wait3A_52 : memref<1x128xi32, #tpu.memory_space<hbm>> -> memref<128xi32, #tpu.memory_space<hbm>>
        %dma_wait3A_54 = arith.constant 0 : i32
        %dma_wait3A_55 = tpu.memref_slice %arg7[%run_scoped3A_8, %dma_wait3A_54] : memref<2x128xi32, #tpu.memory_space<vmem>> -> memref<1x128xi32, #tpu.memory_space<vmem>>
        %dma_wait3A_56 = tpu.memref_squeeze %dma_wait3A_55 : memref<1x128xi32, #tpu.memory_space<vmem>> -> memref<128xi32, #tpu.memory_space<vmem>>
        %dma_wait3A_57 = arith.constant 0 : i32
        %dma_wait3A_58 = tpu.memref_slice %arg3[%add3A_7, %dma_wait3A_57] : memref<2560x128xi32, #tpu.memory_space<hbm>> -> memref<1x128xi32, #tpu.memory_space<hbm>>
        %dma_wait3A_59 = tpu.memref_squeeze %dma_wait3A_58 : memref<1x128xi32, #tpu.memory_space<hbm>> -> memref<128xi32, #tpu.memory_space<hbm>>
        tpu.wait_dma2 semaphore(%run_scoped3A_36 : memref<!tpu.dma_semaphore, #tpu.memory_space<semaphore_mem>>) src(%dma_wait3A_59 : memref<128xi32, #tpu.memory_space<hbm>>) dst(%dma_wait3A_56 : memref<128xi32, #tpu.memory_space<vmem>>)
        tpu.yield
      }) : () -> ()
      %run_scoped3A_9 = arith.constant 0 : i32
      "tpu.region"() ({
        %run_scoped3A_36 = tpu.sem_alloc : memref<!tpu.dma_semaphore, #tpu.memory_space<semaphore_mem>>
        %dma_start3A_37 = arith.constant 0 : i32
        %dma_start3A_38 = tpu.memref_slice %arg8[%run_scoped3A_9, %dma_start3A_37] : memref<2x128xi32, #tpu.memory_space<vmem>> -> memref<1x128xi32, #tpu.memory_space<vmem>>
        %dma_start3A_39 = tpu.memref_squeeze %dma_start3A_38 : memref<1x128xi32, #tpu.memory_space<vmem>> -> memref<128xi32, #tpu.memory_space<vmem>>
        %dma_start3A_40 = arith.constant 0 : i32
        %dma_start3A_41 = tpu.memref_slice %arg4[%mul3A_0, %dma_start3A_40] : memref<2560x128xi32, #tpu.memory_space<hbm>> -> memref<1x128xi32, #tpu.memory_space<hbm>>
        %dma_start3A_42 = tpu.memref_squeeze %dma_start3A_41 : memref<1x128xi32, #tpu.memory_space<hbm>> -> memref<128xi32, #tpu.memory_space<hbm>>
        %dma_start3A_43 = arith.constant 0 : i32
        %dma_start3A_44 = tpu.memref_slice %arg8[%run_scoped3A_9, %dma_start3A_43] : memref<2x128xi32, #tpu.memory_space<vmem>> -> memref<1x128xi32, #tpu.memory_space<vmem>>
        %dma_start3A_45 = tpu.memref_squeeze %dma_start3A_44 : memref<1x128xi32, #tpu.memory_space<vmem>> -> memref<128xi32, #tpu.memory_space<vmem>>
        %dma_start3A_46 = arith.constant 0 : i32
        %dma_start3A_47 = tpu.memref_slice %arg4[%mul3A_0, %dma_start3A_46] : memref<2560x128xi32, #tpu.memory_space<hbm>> -> memref<1x128xi32, #tpu.memory_space<hbm>>
        %dma_start3A_48 = tpu.memref_squeeze %dma_start3A_47 : memref<1x128xi32, #tpu.memory_space<hbm>> -> memref<128xi32, #tpu.memory_space<hbm>>
        tpu.enqueue_dma source(%dma_start3A_48 : memref<128xi32, #tpu.memory_space<hbm>>) target(%dma_start3A_45 : memref<128xi32, #tpu.memory_space<vmem>>) target_semaphore(%run_scoped3A_36 : memref<!tpu.dma_semaphore, #tpu.memory_space<semaphore_mem>>)
        %dma_wait3A = arith.constant 0 : i32
        %dma_wait3A_49 = tpu.memref_slice %arg8[%run_scoped3A_9, %dma_wait3A] : memref<2x128xi32, #tpu.memory_space<vmem>> -> memref<1x128xi32, #tpu.memory_space<vmem>>
        %dma_wait3A_50 = tpu.memref_squeeze %dma_wait3A_49 : memref<1x128xi32, #tpu.memory_space<vmem>> -> memref<128xi32, #tpu.memory_space<vmem>>
        %dma_wait3A_51 = arith.constant 0 : i32
        %dma_wait3A_52 = tpu.memref_slice %arg4[%mul3A_0, %dma_wait3A_51] : memref<2560x128xi32, #tpu.memory_space<hbm>> -> memref<1x128xi32, #tpu.memory_space<hbm>>
        %dma_wait3A_53 = tpu.memref_squeeze %dma_wait3A_52 : memref<1x128xi32, #tpu.memory_space<hbm>> -> memref<128xi32, #tpu.memory_space<hbm>>
        %dma_wait3A_54 = arith.constant 0 : i32
        %dma_wait3A_55 = tpu.memref_slice %arg8[%run_scoped3A_9, %dma_wait3A_54] : memref<2x128xi32, #tpu.memory_space<vmem>> -> memref<1x128xi32, #tpu.memory_space<vmem>>
        %dma_wait3A_56 = tpu.memref_squeeze %dma_wait3A_55 : memref<1x128xi32, #tpu.memory_space<vmem>> -> memref<128xi32, #tpu.memory_space<vmem>>
        %dma_wait3A_57 = arith.constant 0 : i32
        %dma_wait3A_58 = tpu.memref_slice %arg4[%mul3A_0, %dma_wait3A_57] : memref<2560x128xi32, #tpu.memory_space<hbm>> -> memref<1x128xi32, #tpu.memory_space<hbm>>
        %dma_wait3A_59 = tpu.memref_squeeze %dma_wait3A_58 : memref<1x128xi32, #tpu.memory_space<hbm>> -> memref<128xi32, #tpu.memory_space<hbm>>
        tpu.wait_dma2 semaphore(%run_scoped3A_36 : memref<!tpu.dma_semaphore, #tpu.memory_space<semaphore_mem>>) src(%dma_wait3A_59 : memref<128xi32, #tpu.memory_space<hbm>>) dst(%dma_wait3A_56 : memref<128xi32, #tpu.memory_space<vmem>>)
        tpu.yield
      }) : () -> ()
      %add3A_10 = arith.constant 1 : i32
      %add3A_11 = arith.addi %mul3A_0, %add3A_10 : i32
      %run_scoped3A_12 = arith.constant 1 : i32
      "tpu.region"() ({
        %run_scoped3A_36 = tpu.sem_alloc : memref<!tpu.dma_semaphore, #tpu.memory_space<semaphore_mem>>
        %dma_start3A_37 = arith.constant 0 : i32
        %dma_start3A_38 = tpu.memref_slice %arg8[%run_scoped3A_12, %dma_start3A_37] : memref<2x128xi32, #tpu.memory_space<vmem>> -> memref<1x128xi32, #tpu.memory_space<vmem>>
        %dma_start3A_39 = tpu.memref_squeeze %dma_start3A_38 : memref<1x128xi32, #tpu.memory_space<vmem>> -> memref<128xi32, #tpu.memory_space<vmem>>
        %dma_start3A_40 = arith.constant 0 : i32
        %dma_start3A_41 = tpu.memref_slice %arg4[%add3A_11, %dma_start3A_40] : memref<2560x128xi32, #tpu.memory_space<hbm>> -> memref<1x128xi32, #tpu.memory_space<hbm>>
        %dma_start3A_42 = tpu.memref_squeeze %dma_start3A_41 : memref<1x128xi32, #tpu.memory_space<hbm>> -> memref<128xi32, #tpu.memory_space<hbm>>
        %dma_start3A_43 = arith.constant 0 : i32
        %dma_start3A_44 = tpu.memref_slice %arg8[%run_scoped3A_12, %dma_start3A_43] : memref<2x128xi32, #tpu.memory_space<vmem>> -> memref<1x128xi32, #tpu.memory_space<vmem>>
        %dma_start3A_45 = tpu.memref_squeeze %dma_start3A_44 : memref<1x128xi32, #tpu.memory_space<vmem>> -> memref<128xi32, #tpu.memory_space<vmem>>
        %dma_start3A_46 = arith.constant 0 : i32
        %dma_start3A_47 = tpu.memref_slice %arg4[%add3A_11, %dma_start3A_46] : memref<2560x128xi32, #tpu.memory_space<hbm>> -> memref<1x128xi32, #tpu.memory_space<hbm>>
        %dma_start3A_48 = tpu.memref_squeeze %dma_start3A_47 : memref<1x128xi32, #tpu.memory_space<hbm>> -> memref<128xi32, #tpu.memory_space<hbm>>
        tpu.enqueue_dma source(%dma_start3A_48 : memref<128xi32, #tpu.memory_space<hbm>>) target(%dma_start3A_45 : memref<128xi32, #tpu.memory_space<vmem>>) target_semaphore(%run_scoped3A_36 : memref<!tpu.dma_semaphore, #tpu.memory_space<semaphore_mem>>)
        %dma_wait3A = arith.constant 0 : i32
        %dma_wait3A_49 = tpu.memref_slice %arg8[%run_scoped3A_12, %dma_wait3A] : memref<2x128xi32, #tpu.memory_space<vmem>> -> memref<1x128xi32, #tpu.memory_space<vmem>>
        %dma_wait3A_50 = tpu.memref_squeeze %dma_wait3A_49 : memref<1x128xi32, #tpu.memory_space<vmem>> -> memref<128xi32, #tpu.memory_space<vmem>>
        %dma_wait3A_51 = arith.constant 0 : i32
        %dma_wait3A_52 = tpu.memref_slice %arg4[%add3A_11, %dma_wait3A_51] : memref<2560x128xi32, #tpu.memory_space<hbm>> -> memref<1x128xi32, #tpu.memory_space<hbm>>
        %dma_wait3A_53 = tpu.memref_squeeze %dma_wait3A_52 : memref<1x128xi32, #tpu.memory_space<hbm>> -> memref<128xi32, #tpu.memory_space<hbm>>
        %dma_wait3A_54 = arith.constant 0 : i32
        %dma_wait3A_55 = tpu.memref_slice %arg8[%run_scoped3A_12, %dma_wait3A_54] : memref<2x128xi32, #tpu.memory_space<vmem>> -> memref<1x128xi32, #tpu.memory_space<vmem>>
        %dma_wait3A_56 = tpu.memref_squeeze %dma_wait3A_55 : memref<1x128xi32, #tpu.memory_space<vmem>> -> memref<128xi32, #tpu.memory_space<vmem>>
        %dma_wait3A_57 = arith.constant 0 : i32
        %dma_wait3A_58 = tpu.memref_slice %arg4[%add3A_11, %dma_wait3A_57] : memref<2560x128xi32, #tpu.memory_space<hbm>> -> memref<1x128xi32, #tpu.memory_space<hbm>>
        %dma_wait3A_59 = tpu.memref_squeeze %dma_wait3A_58 : memref<1x128xi32, #tpu.memory_space<hbm>> -> memref<128xi32, #tpu.memory_space<hbm>>
        tpu.wait_dma2 semaphore(%run_scoped3A_36 : memref<!tpu.dma_semaphore, #tpu.memory_space<semaphore_mem>>) src(%dma_wait3A_59 : memref<128xi32, #tpu.memory_space<hbm>>) dst(%dma_wait3A_56 : memref<128xi32, #tpu.memory_space<vmem>>)
        tpu.yield
      }) : () -> ()
      %barrier3A = arith.constant 0 : index
      tpu.barrier barrier_id(%barrier3A)
      %dma_start3A = arith.constant 0 : i32
      %dma_start3A_13 = arith.constant 0 : i32
      %dma_start3A_14 = tpu.memref_slice %arg7[%dma_start3A, %dma_start3A_13] : memref<2x128xi32, #tpu.memory_space<vmem>> -> memref<1x128xi32, #tpu.memory_space<vmem>>
      %dma_start3A_15 = tpu.memref_squeeze %dma_start3A_14 : memref<1x128xi32, #tpu.memory_space<vmem>> -> memref<128xi32, #tpu.memory_space<vmem>>
      %dma_start3A_16 = arith.constant 0 : i32
      %dma_start3A_17 = arith.constant 0 : i32
      %dma_start3A_18 = tpu.memref_slice %arg2[%dma_start3A_16, %dma_start3A_17] : memref<10000x128xf32, #tpu.memory_space<hbm>> -> memref<10000x128xf32, #tpu.memory_space<hbm>>
      tpu.enqueue_indirect_dma source(%dma_start3A_18 : memref<10000x128xf32, #tpu.memory_space<hbm>>) target(%arg9 : memref<128x128xf32, #tpu.memory_space<vmem>>) offsets(%dma_start3A_15 : memref<128xi32, #tpu.memory_space<vmem>>) semaphore(%arg12 : memref<!tpu.dma_semaphore, #tpu.memory_space<semaphore_mem>>)
      %dma_start3A_19 = arith.constant 1 : i32
      %dma_start3A_20 = arith.constant 0 : i32
      %dma_start3A_21 = tpu.memref_slice %arg7[%dma_start3A_19, %dma_start3A_20] : memref<2x128xi32, #tpu.memory_space<vmem>> -> memref<1x128xi32, #tpu.memory_space<vmem>>
      %dma_start3A_22 = tpu.memref_squeeze %dma_start3A_21 : memref<1x128xi32, #tpu.memory_space<vmem>> -> memref<128xi32, #tpu.memory_space<vmem>>
      %dma_start3A_23 = arith.constant 0 : i32
      %dma_start3A_24 = arith.constant 0 : i32
      %dma_start3A_25 = tpu.memref_slice %arg2[%dma_start3A_23, %dma_start3A_24] : memref<10000x128xf32, #tpu.memory_space<hbm>> -> memref<10000x128xf32, #tpu.memory_space<hbm>>
      tpu.enqueue_indirect_dma source(%dma_start3A_25 : memref<10000x128xf32, #tpu.memory_space<hbm>>) target(%arg10 : memref<128x128xf32, #tpu.memory_space<vmem>>) offsets(%dma_start3A_22 : memref<128xi32, #tpu.memory_space<vmem>>) semaphore(%arg13 : memref<!tpu.dma_semaphore, #tpu.memory_space<semaphore_mem>>)
      %scan3A = arith.constant 0 : i32
      %scan3A_26 = arith.constant 0 : i32
      %scan3A_27 = arith.constant 80 : i32
      %scan3A_28 = arith.addi %scan3A_26, %scan3A_27 : i32
      %scan3A_29 = arith.constant 1 : i32
      scf.for %scan3A_36 = %scan3A_26 to %scan3A_28 step %scan3A_29  : i32 {
        %mul3A_37 = arith.constant 2 : i32
        %mul3A_38 = arith.muli %scan3A_36, %mul3A_37 : i32
        %add3A_39 = arith.constant 0 : i32
        %add3A_40 = arith.addi %mul3A_38, %add3A_39 : i32
        %dma_wait3A = arith.constant 0 : i32
        %dma_wait3A_41 = arith.constant 0 : i32
        %dma_wait3A_42 = tpu.memref_slice %arg7[%dma_wait3A, %dma_wait3A_41] : memref<2x128xi32, #tpu.memory_space<vmem>> -> memref<1x128xi32, #tpu.memory_space<vmem>>
        %dma_wait3A_43 = tpu.memref_squeeze %dma_wait3A_42 : memref<1x128xi32, #tpu.memory_space<vmem>> -> memref<128xi32, #tpu.memory_space<vmem>>
        %dma_wait3A_44 = arith.constant 0 : i32
        %dma_wait3A_45 = arith.constant 0 : i32
        %dma_wait3A_46 = tpu.memref_slice %arg2[%dma_wait3A_44, %dma_wait3A_45] : memref<10000x128xf32, #tpu.memory_space<hbm>> -> memref<10000x128xf32, #tpu.memory_space<hbm>>
        tpu.wait_indirect_dma semaphore(%arg12 : memref<!tpu.dma_semaphore, #tpu.memory_space<semaphore_mem>>) src(%dma_wait3A_46 : memref<10000x128xf32, #tpu.memory_space<hbm>>) dst(%arg9 : memref<128x128xf32, #tpu.memory_space<vmem>>)
        %add3A_47 = arith.constant 2 : i32
        %add3A_48 = arith.addi %add3A_40, %add3A_47 : i32
        %lt3A = arith.constant 160 : i32
        %lt3A_49 = arith.cmpi slt, %add3A_48, %lt3A : i32
        %convert_element_type3A_50 = arith.extui %lt3A_49 : i1 to i32
        %cond3A_51 = arith.constant 0 : i32
        %cond3A_52 = arith.cmpi ne, %convert_element_type3A_50, %cond3A_51 : i32
        scf.if %cond3A_52 {
          %add3A_96 = arith.addi %mul3A_0, %add3A_40 : i32
          %add3A_97 = arith.constant 2 : i32
          %add3A_98 = arith.addi %add3A_96, %add3A_97 : i32
          %dma_start3A_99 = arith.constant 0 : i32
          %dma_start3A_100 = arith.constant 0 : i32
          %dma_start3A_101 = tpu.memref_slice %arg7[%dma_start3A_99, %dma_start3A_100] : memref<2x128xi32, #tpu.memory_space<vmem>> -> memref<1x128xi32, #tpu.memory_space<vmem>>
          %dma_start3A_102 = tpu.memref_squeeze %dma_start3A_101 : memref<1x128xi32, #tpu.memory_space<vmem>> -> memref<128xi32, #tpu.memory_space<vmem>>
          %dma_start3A_103 = arith.constant 0 : i32
          %dma_start3A_104 = tpu.memref_slice %arg3[%add3A_98, %dma_start3A_103] : memref<2560x128xi32, #tpu.memory_space<hbm>> -> memref<1x128xi32, #tpu.memory_space<hbm>>
          %dma_start3A_105 = tpu.memref_squeeze %dma_start3A_104 : memref<1x128xi32, #tpu.memory_space<hbm>> -> memref<128xi32, #tpu.memory_space<hbm>>
          %dma_start3A_106 = arith.constant 0 : i32
          %dma_start3A_107 = tpu.memref_slice %arg7[%dma_start3A_99, %dma_start3A_106] : memref<2x128xi32, #tpu.memory_space<vmem>> -> memref<1x128xi32, #tpu.memory_space<vmem>>
          %dma_start3A_108 = tpu.memref_squeeze %dma_start3A_107 : memref<1x128xi32, #tpu.memory_space<vmem>> -> memref<128xi32, #tpu.memory_space<vmem>>
          %dma_start3A_109 = arith.constant 0 : i32
          %dma_start3A_110 = tpu.memref_slice %arg3[%add3A_98, %dma_start3A_109] : memref<2560x128xi32, #tpu.memory_space<hbm>> -> memref<1x128xi32, #tpu.memory_space<hbm>>
          %dma_start3A_111 = tpu.memref_squeeze %dma_start3A_110 : memref<1x128xi32, #tpu.memory_space<hbm>> -> memref<128xi32, #tpu.memory_space<hbm>>
          tpu.enqueue_dma source(%dma_start3A_111 : memref<128xi32, #tpu.memory_space<hbm>>) target(%dma_start3A_108 : memref<128xi32, #tpu.memory_space<vmem>>) target_semaphore(%arg14 : memref<!tpu.dma_semaphore, #tpu.memory_space<semaphore_mem>>)
        } else {
        }
        %ge3A = arith.constant 2 : i32
        %ge3A_53 = arith.cmpi sge, %add3A_40, %ge3A : i32
        %convert_element_type3A_54 = arith.extui %ge3A_53 : i1 to i32
        %cond3A_55 = arith.constant 0 : i32
        %cond3A_56 = arith.cmpi ne, %convert_element_type3A_54, %cond3A_55 : i32
        scf.if %cond3A_56 {
          %add3A_96 = arith.addi %mul3A_0, %add3A_40 : i32
          %dma_wait3A_97 = arith.constant 0 : i32
          %dma_wait3A_98 = arith.constant 0 : i32
          %dma_wait3A_99 = tpu.memref_slice %arg8[%dma_wait3A_97, %dma_wait3A_98] : memref<2x128xi32, #tpu.memory_space<vmem>> -> memref<1x128xi32, #tpu.memory_space<vmem>>
          %dma_wait3A_100 = tpu.memref_squeeze %dma_wait3A_99 : memref<1x128xi32, #tpu.memory_space<vmem>> -> memref<128xi32, #tpu.memory_space<vmem>>
          %dma_wait3A_101 = arith.constant 0 : i32
          %dma_wait3A_102 = tpu.memref_slice %arg4[%add3A_96, %dma_wait3A_101] : memref<2560x128xi32, #tpu.memory_space<hbm>> -> memref<1x128xi32, #tpu.memory_space<hbm>>
          %dma_wait3A_103 = tpu.memref_squeeze %dma_wait3A_102 : memref<1x128xi32, #tpu.memory_space<hbm>> -> memref<128xi32, #tpu.memory_space<hbm>>
          %dma_wait3A_104 = arith.constant 0 : i32
          %dma_wait3A_105 = tpu.memref_slice %arg8[%dma_wait3A_97, %dma_wait3A_104] : memref<2x128xi32, #tpu.memory_space<vmem>> -> memref<1x128xi32, #tpu.memory_space<vmem>>
          %dma_wait3A_106 = tpu.memref_squeeze %dma_wait3A_105 : memref<1x128xi32, #tpu.memory_space<vmem>> -> memref<128xi32, #tpu.memory_space<vmem>>
          %dma_wait3A_107 = arith.constant 0 : i32
          %dma_wait3A_108 = tpu.memref_slice %arg4[%add3A_96, %dma_wait3A_107] : memref<2560x128xi32, #tpu.memory_space<hbm>> -> memref<1x128xi32, #tpu.memory_space<hbm>>
          %dma_wait3A_109 = tpu.memref_squeeze %dma_wait3A_108 : memref<1x128xi32, #tpu.memory_space<hbm>> -> memref<128xi32, #tpu.memory_space<hbm>>
          tpu.wait_dma2 semaphore(%arg16 : memref<!tpu.dma_semaphore, #tpu.memory_space<semaphore_mem>>) src(%dma_wait3A_109 : memref<128xi32, #tpu.memory_space<hbm>>) dst(%dma_wait3A_106 : memref<128xi32, #tpu.memory_space<vmem>>)
        } else {
        }
        %run_scoped3A_57 = arith.constant 0 : i32
        "tpu.region"() ({
          %run_scoped3A_96 = tpu.sem_alloc : memref<!tpu.dma_semaphore, #tpu.memory_space<semaphore_mem>>
          %dma_start3A_97 = arith.constant 0 : i32
          %dma_start3A_98 = tpu.memref_slice %arg8[%run_scoped3A_57, %dma_start3A_97] : memref<2x128xi32, #tpu.memory_space<vmem>> -> memref<1x128xi32, #tpu.memory_space<vmem>>
          %dma_start3A_99 = tpu.memref_squeeze %dma_start3A_98 : memref<1x128xi32, #tpu.memory_space<vmem>> -> memref<128xi32, #tpu.memory_space<vmem>>
          %dma_start3A_100 = arith.constant 0 : i32
          %dma_start3A_101 = arith.constant 0 : i32
          %dma_start3A_102 = tpu.memref_slice %arg11[%dma_start3A_100, %dma_start3A_101] : memref<10112x128xf32, #tpu.memory_space<vmem_shared>> -> memref<10112x128xf32, #tpu.memory_space<vmem_shared>>
          tpu.enqueue_indirect_dma source(%arg9 : memref<128x128xf32, #tpu.memory_space<vmem>>) target(%dma_start3A_102 : memref<10112x128xf32, #tpu.memory_space<vmem_shared>>) offsets(%dma_start3A_99 : memref<128xi32, #tpu.memory_space<vmem>>) semaphore(%run_scoped3A_96 : memref<!tpu.dma_semaphore, #tpu.memory_space<semaphore_mem>>) {add = true}
          %dma_wait3A_103 = arith.constant 0 : i32
          %dma_wait3A_104 = tpu.memref_slice %arg8[%run_scoped3A_57, %dma_wait3A_103] : memref<2x128xi32, #tpu.memory_space<vmem>> -> memref<1x128xi32, #tpu.memory_space<vmem>>
          %dma_wait3A_105 = tpu.memref_squeeze %dma_wait3A_104 : memref<1x128xi32, #tpu.memory_space<vmem>> -> memref<128xi32, #tpu.memory_space<vmem>>
          %dma_wait3A_106 = arith.constant 0 : i32
          %dma_wait3A_107 = arith.constant 0 : i32
          %dma_wait3A_108 = tpu.memref_slice %arg11[%dma_wait3A_106, %dma_wait3A_107] : memref<10112x128xf32, #tpu.memory_space<vmem_shared>> -> memref<10112x128xf32, #tpu.memory_space<vmem_shared>>
          tpu.wait_indirect_dma semaphore(%run_scoped3A_96 : memref<!tpu.dma_semaphore, #tpu.memory_space<semaphore_mem>>) src(%arg9 : memref<128x128xf32, #tpu.memory_space<vmem>>) dst(%dma_wait3A_108 : memref<10112x128xf32, #tpu.memory_space<vmem_shared>>)
          tpu.yield
        }) : () -> ()
        %add3A_58 = arith.constant 2 : i32
        %add3A_59 = arith.addi %add3A_40, %add3A_58 : i32
        %lt3A_60 = arith.constant 160 : i32
        %lt3A_61 = arith.cmpi slt, %add3A_59, %lt3A_60 : i32
        %convert_element_type3A_62 = arith.extui %lt3A_61 : i1 to i32
        %cond3A_63 = arith.constant 0 : i32
        %cond3A_64 = arith.cmpi ne, %convert_element_type3A_62, %cond3A_63 : i32
        scf.if %cond3A_64 {
          %add3A_96 = arith.addi %mul3A_0, %add3A_40 : i32
          %add3A_97 = arith.constant 2 : i32
          %add3A_98 = arith.addi %add3A_96, %add3A_97 : i32
          %dma_start3A_99 = arith.constant 0 : i32
          %dma_start3A_100 = arith.constant 0 : i32
          %dma_start3A_101 = tpu.memref_slice %arg8[%dma_start3A_99, %dma_start3A_100] : memref<2x128xi32, #tpu.memory_space<vmem>> -> memref<1x128xi32, #tpu.memory_space<vmem>>
          %dma_start3A_102 = tpu.memref_squeeze %dma_start3A_101 : memref<1x128xi32, #tpu.memory_space<vmem>> -> memref<128xi32, #tpu.memory_space<vmem>>
          %dma_start3A_103 = arith.constant 0 : i32
          %dma_start3A_104 = tpu.memref_slice %arg4[%add3A_98, %dma_start3A_103] : memref<2560x128xi32, #tpu.memory_space<hbm>> -> memref<1x128xi32, #tpu.memory_space<hbm>>
          %dma_start3A_105 = tpu.memref_squeeze %dma_start3A_104 : memref<1x128xi32, #tpu.memory_space<hbm>> -> memref<128xi32, #tpu.memory_space<hbm>>
          %dma_start3A_106 = arith.constant 0 : i32
          %dma_start3A_107 = tpu.memref_slice %arg8[%dma_start3A_99, %dma_start3A_106] : memref<2x128xi32, #tpu.memory_space<vmem>> -> memref<1x128xi32, #tpu.memory_space<vmem>>
          %dma_start3A_108 = tpu.memref_squeeze %dma_start3A_107 : memref<1x128xi32, #tpu.memory_space<vmem>> -> memref<128xi32, #tpu.memory_space<vmem>>
          %dma_start3A_109 = arith.constant 0 : i32
          %dma_start3A_110 = tpu.memref_slice %arg4[%add3A_98, %dma_start3A_109] : memref<2560x128xi32, #tpu.memory_space<hbm>> -> memref<1x128xi32, #tpu.memory_space<hbm>>
          %dma_start3A_111 = tpu.memref_squeeze %dma_start3A_110 : memref<1x128xi32, #tpu.memory_space<hbm>> -> memref<128xi32, #tpu.memory_space<hbm>>
          tpu.enqueue_dma source(%dma_start3A_111 : memref<128xi32, #tpu.memory_space<hbm>>) target(%dma_start3A_108 : memref<128xi32, #tpu.memory_space<vmem>>) target_semaphore(%arg16 : memref<!tpu.dma_semaphore, #tpu.memory_space<semaphore_mem>>)
          %add3A_112 = arith.addi %mul3A_0, %add3A_40 : i32
          %add3A_113 = arith.constant 2 : i32
          %add3A_114 = arith.addi %add3A_112, %add3A_113 : i32
          %dma_wait3A_115 = arith.constant 0 : i32
          %dma_wait3A_116 = arith.constant 0 : i32
          %dma_wait3A_117 = tpu.memref_slice %arg7[%dma_wait3A_115, %dma_wait3A_116] : memref<2x128xi32, #tpu.memory_space<vmem>> -> memref<1x128xi32, #tpu.memory_space<vmem>>
          %dma_wait3A_118 = tpu.memref_squeeze %dma_wait3A_117 : memref<1x128xi32, #tpu.memory_space<vmem>> -> memref<128xi32, #tpu.memory_space<vmem>>
          %dma_wait3A_119 = arith.constant 0 : i32
          %dma_wait3A_120 = tpu.memref_slice %arg3[%add3A_114, %dma_wait3A_119] : memref<2560x128xi32, #tpu.memory_space<hbm>> -> memref<1x128xi32, #tpu.memory_space<hbm>>
          %dma_wait3A_121 = tpu.memref_squeeze %dma_wait3A_120 : memref<1x128xi32, #tpu.memory_space<hbm>> -> memref<128xi32, #tpu.memory_space<hbm>>
          %dma_wait3A_122 = arith.constant 0 : i32
          %dma_wait3A_123 = tpu.memref_slice %arg7[%dma_wait3A_115, %dma_wait3A_122] : memref<2x128xi32, #tpu.memory_space<vmem>> -> memref<1x128xi32, #tpu.memory_space<vmem>>
          %dma_wait3A_124 = tpu.memref_squeeze %dma_wait3A_123 : memref<1x128xi32, #tpu.memory_space<vmem>> -> memref<128xi32, #tpu.memory_space<vmem>>
          %dma_wait3A_125 = arith.constant 0 : i32
          %dma_wait3A_126 = tpu.memref_slice %arg3[%add3A_114, %dma_wait3A_125] : memref<2560x128xi32, #tpu.memory_space<hbm>> -> memref<1x128xi32, #tpu.memory_space<hbm>>
          %dma_wait3A_127 = tpu.memref_squeeze %dma_wait3A_126 : memref<1x128xi32, #tpu.memory_space<hbm>> -> memref<128xi32, #tpu.memory_space<hbm>>
          tpu.wait_dma2 semaphore(%arg14 : memref<!tpu.dma_semaphore, #tpu.memory_space<semaphore_mem>>) src(%dma_wait3A_127 : memref<128xi32, #tpu.memory_space<hbm>>) dst(%dma_wait3A_124 : memref<128xi32, #tpu.memory_space<vmem>>)
          %dma_start3A_128 = arith.constant 0 : i32
          %dma_start3A_129 = arith.constant 0 : i32
          %dma_start3A_130 = tpu.memref_slice %arg7[%dma_start3A_128, %dma_start3A_129] : memref<2x128xi32, #tpu.memory_space<vmem>> -> memref<1x128xi32, #tpu.memory_space<vmem>>
          %dma_start3A_131 = tpu.memref_squeeze %dma_start3A_130 : memref<1x128xi32, #tpu.memory_space<vmem>> -> memref<128xi32, #tpu.memory_space<vmem>>
          %dma_start3A_132 = arith.constant 0 : i32
          %dma_start3A_133 = arith.constant 0 : i32
          %dma_start3A_134 = tpu.memref_slice %arg2[%dma_start3A_132, %dma_start3A_133] : memref<10000x128xf32, #tpu.memory_space<hbm>> -> memref<10000x128xf32, #tpu.memory_space<hbm>>
          tpu.enqueue_indirect_dma source(%dma_start3A_134 : memref<10000x128xf32, #tpu.memory_space<hbm>>) target(%arg9 : memref<128x128xf32, #tpu.memory_space<vmem>>) offsets(%dma_start3A_131 : memref<128xi32, #tpu.memory_space<vmem>>) semaphore(%arg12 : memref<!tpu.dma_semaphore, #tpu.memory_space<semaphore_mem>>)
        } else {
        }
        %mul3A_65 = arith.constant 2 : i32
        %mul3A_66 = arith.muli %scan3A_36, %mul3A_65 : i32
        %add3A_67 = arith.constant 1 : i32
        %add3A_68 = arith.addi %mul3A_66, %add3A_67 : i32
        %dma_wait3A_69 = arith.constant 1 : i32
        %dma_wait3A_70 = arith.constant 0 : i32
        %dma_wait3A_71 = tpu.memref_slice %arg7[%dma_wait3A_69, %dma_wait3A_70] : memref<2x128xi32, #tpu.memory_space<vmem>> -> memref<1x128xi32, #tpu.memory_space<vmem>>
        %dma_wait3A_72 = tpu.memref_squeeze %dma_wait3A_71 : memref<1x128xi32, #tpu.memory_space<vmem>> -> memref<128xi32, #tpu.memory_space<vmem>>
        %dma_wait3A_73 = arith.constant 0 : i32
        %dma_wait3A_74 = arith.constant 0 : i32
        %dma_wait3A_75 = tpu.memref_slice %arg2[%dma_wait3A_73, %dma_wait3A_74] : memref<10000x128xf32, #tpu.memory_space<hbm>> -> memref<10000x128xf32, #tpu.memory_space<hbm>>
        tpu.wait_indirect_dma semaphore(%arg13 : memref<!tpu.dma_semaphore, #tpu.memory_space<semaphore_mem>>) src(%dma_wait3A_75 : memref<10000x128xf32, #tpu.memory_space<hbm>>) dst(%arg10 : memref<128x128xf32, #tpu.memory_space<vmem>>)
        %add3A_76 = arith.constant 2 : i32
        %add3A_77 = arith.addi %add3A_68, %add3A_76 : i32
        %lt3A_78 = arith.constant 160 : i32
        %lt3A_79 = arith.cmpi slt, %add3A_77, %lt3A_78 : i32
        %convert_element_type3A_80 = arith.extui %lt3A_79 : i1 to i32
        %cond3A_81 = arith.constant 0 : i32
        %cond3A_82 = arith.cmpi ne, %convert_element_type3A_80, %cond3A_81 : i32
        scf.if %cond3A_82 {
          %add3A_96 = arith.addi %mul3A_0, %add3A_68 : i32
          %add3A_97 = arith.constant 2 : i32
          %add3A_98 = arith.addi %add3A_96, %add3A_97 : i32
          %dma_start3A_99 = arith.constant 1 : i32
          %dma_start3A_100 = arith.constant 0 : i32
          %dma_start3A_101 = tpu.memref_slice %arg7[%dma_start3A_99, %dma_start3A_100] : memref<2x128xi32, #tpu.memory_space<vmem>> -> memref<1x128xi32, #tpu.memory_space<vmem>>
          %dma_start3A_102 = tpu.memref_squeeze %dma_start3A_101 : memref<1x128xi32, #tpu.memory_space<vmem>> -> memref<128xi32, #tpu.memory_space<vmem>>
          %dma_start3A_103 = arith.constant 0 : i32
          %dma_start3A_104 = tpu.memref_slice %arg3[%add3A_98, %dma_start3A_103] : memref<2560x128xi32, #tpu.memory_space<hbm>> -> memref<1x128xi32, #tpu.memory_space<hbm>>
          %dma_start3A_105 = tpu.memref_squeeze %dma_start3A_104 : memref<1x128xi32, #tpu.memory_space<hbm>> -> memref<128xi32, #tpu.memory_space<hbm>>
          %dma_start3A_106 = arith.constant 0 : i32
          %dma_start3A_107 = tpu.memref_slice %arg7[%dma_start3A_99, %dma_start3A_106] : memref<2x128xi32, #tpu.memory_space<vmem>> -> memref<1x128xi32, #tpu.memory_space<vmem>>
          %dma_start3A_108 = tpu.memref_squeeze %dma_start3A_107 : memref<1x128xi32, #tpu.memory_space<vmem>> -> memref<128xi32, #tpu.memory_space<vmem>>
          %dma_start3A_109 = arith.constant 0 : i32
          %dma_start3A_110 = tpu.memref_slice %arg3[%add3A_98, %dma_start3A_109] : memref<2560x128xi32, #tpu.memory_space<hbm>> -> memref<1x128xi32, #tpu.memory_space<hbm>>
          %dma_start3A_111 = tpu.memref_squeeze %dma_start3A_110 : memref<1x128xi32, #tpu.memory_space<hbm>> -> memref<128xi32, #tpu.memory_space<hbm>>
          tpu.enqueue_dma source(%dma_start3A_111 : memref<128xi32, #tpu.memory_space<hbm>>) target(%dma_start3A_108 : memref<128xi32, #tpu.memory_space<vmem>>) target_semaphore(%arg15 : memref<!tpu.dma_semaphore, #tpu.memory_space<semaphore_mem>>)
        } else {
        }
        %ge3A_83 = arith.constant 2 : i32
        %ge3A_84 = arith.cmpi sge, %add3A_68, %ge3A_83 : i32
        %convert_element_type3A_85 = arith.extui %ge3A_84 : i1 to i32
        %cond3A_86 = arith.constant 0 : i32
        %cond3A_87 = arith.cmpi ne, %convert_element_type3A_85, %cond3A_86 : i32
        scf.if %cond3A_87 {
          %add3A_96 = arith.addi %mul3A_0, %add3A_68 : i32
          %dma_wait3A_97 = arith.constant 1 : i32
          %dma_wait3A_98 = arith.constant 0 : i32
          %dma_wait3A_99 = tpu.memref_slice %arg8[%dma_wait3A_97, %dma_wait3A_98] : memref<2x128xi32, #tpu.memory_space<vmem>> -> memref<1x128xi32, #tpu.memory_space<vmem>>
          %dma_wait3A_100 = tpu.memref_squeeze %dma_wait3A_99 : memref<1x128xi32, #tpu.memory_space<vmem>> -> memref<128xi32, #tpu.memory_space<vmem>>
          %dma_wait3A_101 = arith.constant 0 : i32
          %dma_wait3A_102 = tpu.memref_slice %arg4[%add3A_96, %dma_wait3A_101] : memref<2560x128xi32, #tpu.memory_space<hbm>> -> memref<1x128xi32, #tpu.memory_space<hbm>>
          %dma_wait3A_103 = tpu.memref_squeeze %dma_wait3A_102 : memref<1x128xi32, #tpu.memory_space<hbm>> -> memref<128xi32, #tpu.memory_space<hbm>>
          %dma_wait3A_104 = arith.constant 0 : i32
          %dma_wait3A_105 = tpu.memref_slice %arg8[%dma_wait3A_97, %dma_wait3A_104] : memref<2x128xi32, #tpu.memory_space<vmem>> -> memref<1x128xi32, #tpu.memory_space<vmem>>
          %dma_wait3A_106 = tpu.memref_squeeze %dma_wait3A_105 : memref<1x128xi32, #tpu.memory_space<vmem>> -> memref<128xi32, #tpu.memory_space<vmem>>
          %dma_wait3A_107 = arith.constant 0 : i32
          %dma_wait3A_108 = tpu.memref_slice %arg4[%add3A_96, %dma_wait3A_107] : memref<2560x128xi32, #tpu.memory_space<hbm>> -> memref<1x128xi32, #tpu.memory_space<hbm>>
          %dma_wait3A_109 = tpu.memref_squeeze %dma_wait3A_108 : memref<1x128xi32, #tpu.memory_space<hbm>> -> memref<128xi32, #tpu.memory_space<hbm>>
          tpu.wait_dma2 semaphore(%arg17 : memref<!tpu.dma_semaphore, #tpu.memory_space<semaphore_mem>>) src(%dma_wait3A_109 : memref<128xi32, #tpu.memory_space<hbm>>) dst(%dma_wait3A_106 : memref<128xi32, #tpu.memory_space<vmem>>)
        } else {
        }
        %run_scoped3A_88 = arith.constant 1 : i32
        "tpu.region"() ({
          %run_scoped3A_96 = tpu.sem_alloc : memref<!tpu.dma_semaphore, #tpu.memory_space<semaphore_mem>>
          %dma_start3A_97 = arith.constant 0 : i32
          %dma_start3A_98 = tpu.memref_slice %arg8[%run_scoped3A_88, %dma_start3A_97] : memref<2x128xi32, #tpu.memory_space<vmem>> -> memref<1x128xi32, #tpu.memory_space<vmem>>
          %dma_start3A_99 = tpu.memref_squeeze %dma_start3A_98 : memref<1x128xi32, #tpu.memory_space<vmem>> -> memref<128xi32, #tpu.memory_space<vmem>>
          %dma_start3A_100 = arith.constant 0 : i32
          %dma_start3A_101 = arith.constant 0 : i32
          %dma_start3A_102 = tpu.memref_slice %arg11[%dma_start3A_100, %dma_start3A_101] : memref<10112x128xf32, #tpu.memory_space<vmem_shared>> -> memref<10112x128xf32, #tpu.memory_space<vmem_shared>>
          tpu.enqueue_indirect_dma source(%arg10 : memref<128x128xf32, #tpu.memory_space<vmem>>) target(%dma_start3A_102 : memref<10112x128xf32, #tpu.memory_space<vmem_shared>>) offsets(%dma_start3A_99 : memref<128xi32, #tpu.memory_space<vmem>>) semaphore(%run_scoped3A_96 : memref<!tpu.dma_semaphore, #tpu.memory_space<semaphore_mem>>) {add = true}
          %dma_wait3A_103 = arith.constant 0 : i32
          %dma_wait3A_104 = tpu.memref_slice %arg8[%run_scoped3A_88, %dma_wait3A_103] : memref<2x128xi32, #tpu.memory_space<vmem>> -> memref<1x128xi32, #tpu.memory_space<vmem>>
          %dma_wait3A_105 = tpu.memref_squeeze %dma_wait3A_104 : memref<1x128xi32, #tpu.memory_space<vmem>> -> memref<128xi32, #tpu.memory_space<vmem>>
          %dma_wait3A_106 = arith.constant 0 : i32
          %dma_wait3A_107 = arith.constant 0 : i32
          %dma_wait3A_108 = tpu.memref_slice %arg11[%dma_wait3A_106, %dma_wait3A_107] : memref<10112x128xf32, #tpu.memory_space<vmem_shared>> -> memref<10112x128xf32, #tpu.memory_space<vmem_shared>>
          tpu.wait_indirect_dma semaphore(%run_scoped3A_96 : memref<!tpu.dma_semaphore, #tpu.memory_space<semaphore_mem>>) src(%arg10 : memref<128x128xf32, #tpu.memory_space<vmem>>) dst(%dma_wait3A_108 : memref<10112x128xf32, #tpu.memory_space<vmem_shared>>)
          tpu.yield
        }) : () -> ()
        %add3A_89 = arith.constant 2 : i32
        %add3A_90 = arith.addi %add3A_68, %add3A_89 : i32
        %lt3A_91 = arith.constant 160 : i32
        %lt3A_92 = arith.cmpi slt, %add3A_90, %lt3A_91 : i32
        %convert_element_type3A_93 = arith.extui %lt3A_92 : i1 to i32
        %cond3A_94 = arith.constant 0 : i32
        %cond3A_95 = arith.cmpi ne, %convert_element_type3A_93, %cond3A_94 : i32
        scf.if %cond3A_95 {
          %add3A_96 = arith.addi %mul3A_0, %add3A_68 : i32
          %add3A_97 = arith.constant 2 : i32
          %add3A_98 = arith.addi %add3A_96, %add3A_97 : i32
          %dma_start3A_99 = arith.constant 1 : i32
          %dma_start3A_100 = arith.constant 0 : i32
          %dma_start3A_101 = tpu.memref_slice %arg8[%dma_start3A_99, %dma_start3A_100] : memref<2x128xi32, #tpu.memory_space<vmem>> -> memref<1x128xi32, #tpu.memory_space<vmem>>
          %dma_start3A_102 = tpu.memref_squeeze %dma_start3A_101 : memref<1x128xi32, #tpu.memory_space<vmem>> -> memref<128xi32, #tpu.memory_space<vmem>>
          %dma_start3A_103 = arith.constant 0 : i32
          %dma_start3A_104 = tpu.memref_slice %arg4[%add3A_98, %dma_start3A_103] : memref<2560x128xi32, #tpu.memory_space<hbm>> -> memref<1x128xi32, #tpu.memory_space<hbm>>
          %dma_start3A_105 = tpu.memref_squeeze %dma_start3A_104 : memref<1x128xi32, #tpu.memory_space<hbm>> -> memref<128xi32, #tpu.memory_space<hbm>>
          %dma_start3A_106 = arith.constant 0 : i32
          %dma_start3A_107 = tpu.memref_slice %arg8[%dma_start3A_99, %dma_start3A_106] : memref<2x128xi32, #tpu.memory_space<vmem>> -> memref<1x128xi32, #tpu.memory_space<vmem>>
          %dma_start3A_108 = tpu.memref_squeeze %dma_start3A_107 : memref<1x128xi32, #tpu.memory_space<vmem>> -> memref<128xi32, #tpu.memory_space<vmem>>
          %dma_start3A_109 = arith.constant 0 : i32
          %dma_start3A_110 = tpu.memref_slice %arg4[%add3A_98, %dma_start3A_109] : memref<2560x128xi32, #tpu.memory_space<hbm>> -> memref<1x128xi32, #tpu.memory_space<hbm>>
          %dma_start3A_111 = tpu.memref_squeeze %dma_start3A_110 : memref<1x128xi32, #tpu.memory_space<hbm>> -> memref<128xi32, #tpu.memory_space<hbm>>
          tpu.enqueue_dma source(%dma_start3A_111 : memref<128xi32, #tpu.memory_space<hbm>>) target(%dma_start3A_108 : memref<128xi32, #tpu.memory_space<vmem>>) target_semaphore(%arg17 : memref<!tpu.dma_semaphore, #tpu.memory_space<semaphore_mem>>)
          %add3A_112 = arith.addi %mul3A_0, %add3A_68 : i32
          %add3A_113 = arith.constant 2 : i32
          %add3A_114 = arith.addi %add3A_112, %add3A_113 : i32
          %dma_wait3A_115 = arith.constant 1 : i32
          %dma_wait3A_116 = arith.constant 0 : i32
          %dma_wait3A_117 = tpu.memref_slice %arg7[%dma_wait3A_115, %dma_wait3A_116] : memref<2x128xi32, #tpu.memory_space<vmem>> -> memref<1x128xi32, #tpu.memory_space<vmem>>
          %dma_wait3A_118 = tpu.memref_squeeze %dma_wait3A_117 : memref<1x128xi32, #tpu.memory_space<vmem>> -> memref<128xi32, #tpu.memory_space<vmem>>
          %dma_wait3A_119 = arith.constant 0 : i32
          %dma_wait3A_120 = tpu.memref_slice %arg3[%add3A_114, %dma_wait3A_119] : memref<2560x128xi32, #tpu.memory_space<hbm>> -> memref<1x128xi32, #tpu.memory_space<hbm>>
          %dma_wait3A_121 = tpu.memref_squeeze %dma_wait3A_120 : memref<1x128xi32, #tpu.memory_space<hbm>> -> memref<128xi32, #tpu.memory_space<hbm>>
          %dma_wait3A_122 = arith.constant 0 : i32
          %dma_wait3A_123 = tpu.memref_slice %arg7[%dma_wait3A_115, %dma_wait3A_122] : memref<2x128xi32, #tpu.memory_space<vmem>> -> memref<1x128xi32, #tpu.memory_space<vmem>>
          %dma_wait3A_124 = tpu.memref_squeeze %dma_wait3A_123 : memref<1x128xi32, #tpu.memory_space<vmem>> -> memref<128xi32, #tpu.memory_space<vmem>>
          %dma_wait3A_125 = arith.constant 0 : i32
          %dma_wait3A_126 = tpu.memref_slice %arg3[%add3A_114, %dma_wait3A_125] : memref<2560x128xi32, #tpu.memory_space<hbm>> -> memref<1x128xi32, #tpu.memory_space<hbm>>
          %dma_wait3A_127 = tpu.memref_squeeze %dma_wait3A_126 : memref<1x128xi32, #tpu.memory_space<hbm>> -> memref<128xi32, #tpu.memory_space<hbm>>
          tpu.wait_dma2 semaphore(%arg15 : memref<!tpu.dma_semaphore, #tpu.memory_space<semaphore_mem>>) src(%dma_wait3A_127 : memref<128xi32, #tpu.memory_space<hbm>>) dst(%dma_wait3A_124 : memref<128xi32, #tpu.memory_space<vmem>>)
          %dma_start3A_128 = arith.constant 1 : i32
          %dma_start3A_129 = arith.constant 0 : i32
          %dma_start3A_130 = tpu.memref_slice %arg7[%dma_start3A_128, %dma_start3A_129] : memref<2x128xi32, #tpu.memory_space<vmem>> -> memref<1x128xi32, #tpu.memory_space<vmem>>
          %dma_start3A_131 = tpu.memref_squeeze %dma_start3A_130 : memref<1x128xi32, #tpu.memory_space<vmem>> -> memref<128xi32, #tpu.memory_space<vmem>>
          %dma_start3A_132 = arith.constant 0 : i32
          %dma_start3A_133 = arith.constant 0 : i32
          %dma_start3A_134 = tpu.memref_slice %arg2[%dma_start3A_132, %dma_start3A_133] : memref<10000x128xf32, #tpu.memory_space<hbm>> -> memref<10000x128xf32, #tpu.memory_space<hbm>>
          tpu.enqueue_indirect_dma source(%dma_start3A_134 : memref<10000x128xf32, #tpu.memory_space<hbm>>) target(%arg10 : memref<128x128xf32, #tpu.memory_space<vmem>>) offsets(%dma_start3A_131 : memref<128xi32, #tpu.memory_space<vmem>>) semaphore(%arg13 : memref<!tpu.dma_semaphore, #tpu.memory_space<semaphore_mem>>)
        } else {
        }
      }
      %scan3A_30 = arith.constant 80 : i32
      %barrier3A_31 = arith.constant 0 : index
      tpu.barrier barrier_id(%barrier3A_31)
      %mul3A_32 = arith.constant 632 : i32
      %mul3A_33 = arith.muli %arg1, %mul3A_32 : i32
      %mul3A_34 = arith.constant 632 : i32
      %mul3A_35 = arith.muli %arg1, %mul3A_34 : i32
      "tpu.region"() ({
        %run_scoped3A_36 = tpu.sem_alloc : memref<!tpu.dma_semaphore, #tpu.memory_space<semaphore_mem>>
        %dma_start3A_37 = arith.constant 0 : i32
        %dma_start3A_38 = tpu.memref_slice %arg6[%mul3A_35, %dma_start3A_37] : memref<10112x128xf32, #tpu.memory_space<hbm>> -> memref<632x128xf32, #tpu.memory_space<hbm>>
        %dma_start3A_39 = arith.constant 0 : i32
        %dma_start3A_40 = tpu.memref_slice %arg11[%mul3A_33, %dma_start3A_39] : memref<10112x128xf32, #tpu.memory_space<vmem_shared>> -> memref<632x128xf32, #tpu.memory_space<vmem_shared>>
        tpu.enqueue_dma source(%dma_start3A_40 : memref<632x128xf32, #tpu.memory_space<vmem_shared>>) target(%dma_start3A_38 : memref<632x128xf32, #tpu.memory_space<hbm>>) target_semaphore(%run_scoped3A_36 : memref<!tpu.dma_semaphore, #tpu.memory_space<semaphore_mem>>)
        %dma_wait3A = arith.constant 0 : i32
        %dma_wait3A_41 = tpu.memref_slice %arg6[%mul3A_35, %dma_wait3A] : memref<10112x128xf32, #tpu.memory_space<hbm>> -> memref<632x128xf32, #tpu.memory_space<hbm>>
        %dma_wait3A_42 = arith.constant 0 : i32
        %dma_wait3A_43 = tpu.memref_slice %arg11[%mul3A_33, %dma_wait3A_42] : memref<10112x128xf32, #tpu.memory_space<vmem_shared>> -> memref<632x128xf32, #tpu.memory_space<vmem_shared>>
        tpu.wait_dma2 semaphore(%run_scoped3A_36 : memref<!tpu.dma_semaphore, #tpu.memory_space<semaphore_mem>>) src(%dma_wait3A_43 : memref<632x128xf32, #tpu.memory_space<vmem_shared>>) dst(%dma_wait3A_41 : memref<632x128xf32, #tpu.memory_space<hbm>>)
        tpu.yield
      }) : () -> ()
    } else {
    }
    return
  }
}

module attributes {stable_mosaic.version = 14 : i64} {
  func.func @_tc1_body(%arg0: memref<10000x16xf32, #tpu.memory_space<vmem>>, %arg1: memref<10000x16xf32, #tpu.memory_space<vmem>>, %arg2: memref<10000x128xf32, #tpu.memory_space<vmem>>, %arg3: memref<10000x128xf32, #tpu.memory_space<vmem>>, %arg4: memref<10000x128xf32, #tpu.memory_space<vmem>>) attributes {dimension_semantics = [], scalar_prefetch = 0 : i64, scratch_operands = 0 : i64, tpu.core_type = #tpu.core_type<tc>} {
    %get3A = arith.constant 0 : index
    %get3A_0 = arith.constant 0 : index
    %get3A_1 = vector.load %arg0[%get3A, %get3A_0] : memref<10000x16xf32, #tpu.memory_space<vmem>>, vector<10000x16xf32>
    %slice3A = vector.extract_strided_slice %get3A_1 {offsets = [0, 0], sizes = [10000, 1], strides = [1, 1]} : vector<10000x16xf32> to vector<10000x1xf32>
    %get3A_2 = arith.constant 0 : index
    %get3A_3 = arith.constant 0 : index
    %get3A_4 = vector.load %arg1[%get3A_2, %get3A_3] : memref<10000x16xf32, #tpu.memory_space<vmem>>, vector<10000x16xf32>
    %slice3A_5 = vector.extract_strided_slice %get3A_4 {offsets = [0, 0], sizes = [10000, 1], strides = [1, 1]} : vector<10000x16xf32> to vector<10000x1xf32>
    %add3A = arith.addf %slice3A, %slice3A_5 : vector<10000x1xf32>
    %max3A = arith.constant 1.000000e+00 : f32
    %max3A_6 = vector.broadcast %max3A : f32 to vector<10000x1xf32>
    %max3A_7 = arith.maximumf %add3A, %max3A_6 : vector<10000x1xf32>
    %rsqrt3A = math.rsqrt %max3A_7 : vector<10000x1xf32>
    %broadcast_in_dim3A = vector.shape_cast %rsqrt3A : vector<10000x1xf32> to vector<10000x1xf32>
    %broadcast_in_dim3A_8 = vector.broadcast %broadcast_in_dim3A : vector<10000x1xf32> to vector<10000x128xf32>
    %swap3A = arith.constant 0 : index
    %swap3A_9 = arith.constant 0 : index
    %swap3A_10 = vector.load %arg3[%swap3A, %swap3A_9] : memref<10000x128xf32, #tpu.memory_space<vmem>>, vector<10000x128xf32>
    tpu.vector_store %arg3[%swap3A, %swap3A_9], %broadcast_in_dim3A_8 {strides = array<i32>} : memref<10000x128xf32, #tpu.memory_space<vmem>>, vector<10000x128xf32>,
    %get3A_11 = arith.constant 0 : index
    %get3A_12 = arith.constant 0 : index
    %get3A_13 = vector.load %arg2[%get3A_11, %get3A_12] : memref<10000x128xf32, #tpu.memory_space<vmem>>, vector<10000x128xf32>
    %mul3A = arith.mulf %get3A_13, %broadcast_in_dim3A_8 : vector<10000x128xf32>
    %swap3A_14 = arith.constant 0 : index
    %swap3A_15 = arith.constant 0 : index
    %swap3A_16 = vector.load %arg4[%swap3A_14, %swap3A_15] : memref<10000x128xf32, #tpu.memory_space<vmem>>, vector<10000x128xf32>
    tpu.vector_store %arg4[%swap3A_14, %swap3A_15], %mul3A {strides = array<i32>} : memref<10000x128xf32, #tpu.memory_space<vmem>>, vector<10000x128xf32>,
    return
  }
}

module attributes {stable_mosaic.version = 14 : i64} {
  func.func @_tc2_body(%arg0: memref<10000x128xf32, #tpu.memory_space<vmem>>, %arg1: memref<10000x128xf32, #tpu.memory_space<vmem>>, %arg2: memref<10000x128xf32, #tpu.memory_space<vmem>>, %arg3: memref<10000x128xf32, #tpu.memory_space<vmem>>) attributes {dimension_semantics = [], scalar_prefetch = 0 : i64, scratch_operands = 0 : i64, tpu.core_type = #tpu.core_type<tc>} {
    %get3A = arith.constant 0 : index
    %get3A_0 = arith.constant 0 : index
    %get3A_1 = vector.load %arg1[%get3A, %get3A_0] : memref<10000x128xf32, #tpu.memory_space<vmem>>, vector<10000x128xf32>
    %neg3A = arith.constant 0.000000e+00 : f32
    %neg3A_2 = vector.broadcast %neg3A : f32 to vector<10000x128xf32>
    %neg3A_3 = arith.subf %neg3A_2, %get3A_1 : vector<10000x128xf32>
    %get3A_4 = arith.constant 0 : index
    %get3A_5 = arith.constant 0 : index
    %get3A_6 = vector.load %arg0[%get3A_4, %get3A_5] : memref<10000x128xf32, #tpu.memory_space<vmem>>, vector<10000x128xf32>
    %mul3A = arith.mulf %neg3A_3, %get3A_6 : vector<10000x128xf32>
    %swap3A = arith.constant 0 : index
    %swap3A_7 = arith.constant 0 : index
    %swap3A_8 = vector.load %arg2[%swap3A, %swap3A_7] : memref<10000x128xf32, #tpu.memory_space<vmem>>, vector<10000x128xf32>
    tpu.vector_store %arg2[%swap3A, %swap3A_7], %mul3A {strides = array<i32>} : memref<10000x128xf32, #tpu.memory_space<vmem>>, vector<10000x128xf32>,
    %mul3A_9 = arith.mulf %get3A_1, %mul3A : vector<10000x128xf32>
    %swap3A_10 = arith.constant 0 : index
    %swap3A_11 = arith.constant 0 : index
    %swap3A_12 = vector.load %arg3[%swap3A_10, %swap3A_11] : memref<10000x128xf32, #tpu.memory_space<vmem>>, vector<10000x128xf32>
    tpu.vector_store %arg3[%swap3A_10, %swap3A_11], %mul3A_9 {strides = array<i32>} : memref<10000x128xf32, #tpu.memory_space<vmem>>, vector<10000x128xf32>,
    return
  }
}

module attributes {stable_mosaic.version = 14 : i64} {
  func.func @_tc3_body(%arg0: memref<10000x128xf32, #tpu.memory_space<vmem>>, %arg1: memref<10000x128xf32, #tpu.memory_space<vmem>>, %arg2: memref<10000x128xf32, #tpu.memory_space<vmem>>, %arg3: memref<10000x128xf32, #tpu.memory_space<vmem>>, %arg4: memref<3x128x128xf32, #tpu.memory_space<vmem>>, %arg5: memref<1x128xf32, #tpu.memory_space<vmem>>, %arg6: memref<1x128xf32, #tpu.memory_space<vmem>>, %arg7: memref<1x128xf32, #tpu.memory_space<vmem>>, %arg8: memref<10000x128xf32, #tpu.memory_space<vmem>>, %arg9: memref<10000x128xf32, #tpu.memory_space<vmem>>) attributes {dimension_semantics = [], scalar_prefetch = 0 : i64, scratch_operands = 0 : i64, tpu.core_type = #tpu.core_type<tc>} {
    %get3A = arith.constant 0 : index
    %get3A_0 = arith.constant 0 : index
    %get3A_1 = vector.load %arg0[%get3A, %get3A_0] : memref<10000x128xf32, #tpu.memory_space<vmem>>, vector<10000x128xf32>
    %get3A_2 = arith.constant 0 : index
    %get3A_3 = arith.constant 0 : index
    %get3A_4 = vector.load %arg3[%get3A_2, %get3A_3] : memref<10000x128xf32, #tpu.memory_space<vmem>>, vector<10000x128xf32>
    %get3A_5 = arith.constant 0 : index
    %get3A_6 = arith.constant 0 : index
    %get3A_7 = vector.load %arg1[%get3A_5, %get3A_6] : memref<10000x128xf32, #tpu.memory_space<vmem>>, vector<10000x128xf32>
    %mul3A = arith.constant -2.000000e+00 : f32
    %mul3A_8 = vector.broadcast %mul3A : f32 to vector<10000x128xf32>
    %mul3A_9 = arith.mulf %mul3A_8, %get3A_4 : vector<10000x128xf32>
    %get3A_10 = arith.constant 0 : index
    %get3A_11 = arith.constant 0 : index
    %get3A_12 = vector.load %arg2[%get3A_10, %get3A_11] : memref<10000x128xf32, #tpu.memory_space<vmem>>, vector<10000x128xf32>
    %mul3A_13 = arith.mulf %mul3A_9, %get3A_12 : vector<10000x128xf32>
    %sub3A = arith.subf %mul3A_13, %get3A_1 : vector<10000x128xf32>
    %get3A_14 = arith.constant 0 : index
    %get3A_15 = arith.constant 0 : index
    %get3A_16 = arith.constant 0 : index
    %get3A_17 = vector.load %arg4[%get3A_14, %get3A_15, %get3A_16] : memref<3x128x128xf32, #tpu.memory_space<vmem>>, vector<1x128x128xf32>
    %get3A_18 = vector.shape_cast %get3A_17 : vector<1x128x128xf32> to vector<128x128xf32>
    %dot_general3A = arith.constant dense<0.000000e+00> : vector<10000x128xf32>
    %dot_general3A_19 = tpu.matmul %get3A_1, %get3A_18, %dot_general3A {dimension_numbers = #tpu.dot_dimension_numbers<[1], [0], [0], [1], [0, 0, 1, 1], [], []>, transpose_lhs_hint = false} : vector<10000x128xf32>, vector<128x128xf32>, vector<10000x128xf32> -> vector<10000x128xf32>
    %get3A_20 = arith.constant 1 : index
    %get3A_21 = arith.constant 0 : index
    %get3A_22 = arith.constant 0 : index
    %get3A_23 = vector.load %arg4[%get3A_20, %get3A_21, %get3A_22] : memref<3x128x128xf32, #tpu.memory_space<vmem>>, vector<1x128x128xf32>
    %get3A_24 = vector.shape_cast %get3A_23 : vector<1x128x128xf32> to vector<128x128xf32>
    %dot_general3A_25 = arith.constant dense<0.000000e+00> : vector<10000x128xf32>
    %dot_general3A_26 = tpu.matmul %get3A_7, %get3A_24, %dot_general3A_25 {dimension_numbers = #tpu.dot_dimension_numbers<[1], [0], [0], [1], [0, 0, 1, 1], [], []>, transpose_lhs_hint = false} : vector<10000x128xf32>, vector<128x128xf32>, vector<10000x128xf32> -> vector<10000x128xf32>
    %add3A = arith.addf %dot_general3A_19, %dot_general3A_26 : vector<10000x128xf32>
    %get3A_27 = arith.constant 2 : index
    %get3A_28 = arith.constant 0 : index
    %get3A_29 = arith.constant 0 : index
    %get3A_30 = vector.load %arg4[%get3A_27, %get3A_28, %get3A_29] : memref<3x128x128xf32, #tpu.memory_space<vmem>>, vector<1x128x128xf32>
    %get3A_31 = vector.shape_cast %get3A_30 : vector<1x128x128xf32> to vector<128x128xf32>
    %dot_general3A_32 = arith.constant dense<0.000000e+00> : vector<10000x128xf32>
    %dot_general3A_33 = tpu.matmul %sub3A, %get3A_31, %dot_general3A_32 {dimension_numbers = #tpu.dot_dimension_numbers<[1], [0], [0], [1], [0, 0, 1, 1], [], []>, transpose_lhs_hint = false} : vector<10000x128xf32>, vector<128x128xf32>, vector<10000x128xf32> -> vector<10000x128xf32>
    %add3A_34 = arith.addf %add3A, %dot_general3A_33 : vector<10000x128xf32>
    %get3A_35 = arith.constant 0 : index
    %get3A_36 = arith.constant 0 : index
    %get3A_37 = vector.load %arg5[%get3A_35, %get3A_36] : memref<1x128xf32, #tpu.memory_space<vmem>>, vector<1x128xf32>
    %add3A_38 = vector.broadcast %get3A_37 : vector<1x128xf32> to vector<10000x128xf32>
    %add3A_39 = arith.addf %add3A_34, %add3A_38 : vector<10000x128xf32>
    %max3A = arith.constant 0.000000e+00 : f32
    %max3A_40 = vector.broadcast %max3A : f32 to vector<10000x128xf32>
    %max3A_41 = arith.maximumf %add3A_39, %max3A_40 : vector<10000x128xf32>
    %reduce_sum3A = arith.constant dense<0.000000e+00> : vector<128xf32>
    %reduce_sum3A_42 = vector.multi_reduction <add>, %max3A_41, %reduce_sum3A [0] : vector<10000x128xf32> to vector<128xf32>
    %broadcast_in_dim3A = vector.shape_cast %reduce_sum3A_42 : vector<128xf32> to vector<1x128xf32>
    %div3A = arith.constant 1.000000e+04 : f32
    %div3A_43 = vector.broadcast %div3A : f32 to vector<1x128xf32>
    %div3A_44 = arith.divf %broadcast_in_dim3A, %div3A_43 : vector<1x128xf32>
    %sub3A_45 = vector.broadcast %div3A_44 : vector<1x128xf32> to vector<10000x128xf32>
    %sub3A_46 = arith.subf %max3A_41, %sub3A_45 : vector<10000x128xf32>
    %integer_pow3A = arith.mulf %sub3A_46, %sub3A_46 : vector<10000x128xf32>
    %reduce_sum3A_47 = arith.constant dense<0.000000e+00> : vector<128xf32>
    %reduce_sum3A_48 = vector.multi_reduction <add>, %integer_pow3A, %reduce_sum3A_47 [0] : vector<10000x128xf32> to vector<128xf32>
    %broadcast_in_dim3A_49 = vector.shape_cast %reduce_sum3A_48 : vector<128xf32> to vector<1x128xf32>
    %div3A_50 = arith.constant 1.000000e+04 : f32
    %div3A_51 = vector.broadcast %div3A_50 : f32 to vector<1x128xf32>
    %div3A_52 = arith.divf %broadcast_in_dim3A_49, %div3A_51 : vector<1x128xf32>
    %sub3A_53 = vector.broadcast %div3A_44 : vector<1x128xf32> to vector<10000x128xf32>
    %sub3A_54 = arith.subf %max3A_41, %sub3A_53 : vector<10000x128xf32>
    %add3A_55 = arith.constant 9.99999974E-6 : f32
    %add3A_56 = vector.broadcast %add3A_55 : f32 to vector<1x128xf32>
    %add3A_57 = arith.addf %div3A_52, %add3A_56 : vector<1x128xf32>
    %rsqrt3A = math.rsqrt %add3A_57 : vector<1x128xf32>
    %mul3A_58 = vector.broadcast %rsqrt3A : vector<1x128xf32> to vector<10000x128xf32>
    %mul3A_59 = arith.mulf %sub3A_54, %mul3A_58 : vector<10000x128xf32>
    %get3A_60 = arith.constant 0 : index
    %get3A_61 = arith.constant 0 : index
    %get3A_62 = vector.load %arg6[%get3A_60, %get3A_61] : memref<1x128xf32, #tpu.memory_space<vmem>>, vector<1x128xf32>
    %mul3A_63 = vector.broadcast %get3A_62 : vector<1x128xf32> to vector<10000x128xf32>
    %mul3A_64 = arith.mulf %mul3A_59, %mul3A_63 : vector<10000x128xf32>
    %get3A_65 = arith.constant 0 : index
    %get3A_66 = arith.constant 0 : index
    %get3A_67 = vector.load %arg7[%get3A_65, %get3A_66] : memref<1x128xf32, #tpu.memory_space<vmem>>, vector<1x128xf32>
    %add3A_68 = vector.broadcast %get3A_67 : vector<1x128xf32> to vector<10000x128xf32>
    %add3A_69 = arith.addf %mul3A_64, %add3A_68 : vector<10000x128xf32>
    %swap3A = arith.constant 0 : index
    %swap3A_70 = arith.constant 0 : index
    %swap3A_71 = vector.load %arg8[%swap3A, %swap3A_70] : memref<10000x128xf32, #tpu.memory_space<vmem>>, vector<10000x128xf32>
    tpu.vector_store %arg8[%swap3A, %swap3A_70], %add3A_69 {strides = array<i32>} : memref<10000x128xf32, #tpu.memory_space<vmem>>, vector<10000x128xf32>,
    %mul3A_72 = arith.mulf %get3A_4, %add3A_69 : vector<10000x128xf32>
    %swap3A_73 = arith.constant 0 : index
    %swap3A_74 = arith.constant 0 : index
    %swap3A_75 = vector.load %arg9[%swap3A_73, %swap3A_74] : memref<10000x128xf32, #tpu.memory_space<vmem>>, vector<10000x128xf32>
    tpu.vector_store %arg9[%swap3A_73, %swap3A_74], %mul3A_72 {strides = array<i32>} : memref<10000x128xf32, #tpu.memory_space<vmem>>, vector<10000x128xf32>,
    return
  }
}

module attributes {stable_mosaic.version = 14 : i64} {
  func.func @_tc4_body(%arg0: memref<10000x128xf32, #tpu.memory_space<vmem>>, %arg1: memref<10000x128xf32, #tpu.memory_space<vmem>>, %arg2: memref<10000x128xf32, #tpu.memory_space<vmem>>, %arg3: memref<10000x128xf32, #tpu.memory_space<vmem>>) attributes {dimension_semantics = [], scalar_prefetch = 0 : i64, scratch_operands = 0 : i64, tpu.core_type = #tpu.core_type<tc>} {
    %get3A = arith.constant 0 : index
    %get3A_0 = arith.constant 0 : index
    %get3A_1 = vector.load %arg1[%get3A, %get3A_0] : memref<10000x128xf32, #tpu.memory_space<vmem>>, vector<10000x128xf32>
    %neg3A = arith.constant 0.000000e+00 : f32
    %neg3A_2 = vector.broadcast %neg3A : f32 to vector<10000x128xf32>
    %neg3A_3 = arith.subf %neg3A_2, %get3A_1 : vector<10000x128xf32>
    %get3A_4 = arith.constant 0 : index
    %get3A_5 = arith.constant 0 : index
    %get3A_6 = vector.load %arg0[%get3A_4, %get3A_5] : memref<10000x128xf32, #tpu.memory_space<vmem>>, vector<10000x128xf32>
    %mul3A = arith.mulf %neg3A_3, %get3A_6 : vector<10000x128xf32>
    %swap3A = arith.constant 0 : index
    %swap3A_7 = arith.constant 0 : index
    %swap3A_8 = vector.load %arg2[%swap3A, %swap3A_7] : memref<10000x128xf32, #tpu.memory_space<vmem>>, vector<10000x128xf32>
    tpu.vector_store %arg2[%swap3A, %swap3A_7], %mul3A {strides = array<i32>} : memref<10000x128xf32, #tpu.memory_space<vmem>>, vector<10000x128xf32>,
    %mul3A_9 = arith.mulf %get3A_1, %mul3A : vector<10000x128xf32>
    %swap3A_10 = arith.constant 0 : index
    %swap3A_11 = arith.constant 0 : index
    %swap3A_12 = vector.load %arg3[%swap3A_10, %swap3A_11] : memref<10000x128xf32, #tpu.memory_space<vmem>>, vector<10000x128xf32>
    tpu.vector_store %arg3[%swap3A_10, %swap3A_11], %mul3A_9 {strides = array<i32>} : memref<10000x128xf32, #tpu.memory_space<vmem>>, vector<10000x128xf32>,
    return
  }
}

module attributes {stable_mosaic.version = 14 : i64} {
  func.func @_tc5_body(%arg0: memref<10000x128xf32, #tpu.memory_space<vmem>>, %arg1: memref<10000x128xf32, #tpu.memory_space<vmem>>, %arg2: memref<10000x128xf32, #tpu.memory_space<vmem>>, %arg3: memref<10000x128xf32, #tpu.memory_space<vmem>>, %arg4: memref<3x128x128xf32, #tpu.memory_space<vmem>>, %arg5: memref<1x128xf32, #tpu.memory_space<vmem>>, %arg6: memref<128x128xf32, #tpu.memory_space<vmem>>, %arg7: memref<1x128xf32, #tpu.memory_space<vmem>>, %arg8: memref<128x128xf32, #tpu.memory_space<vmem>>, %arg9: memref<1x128xf32, #tpu.memory_space<vmem>>, %arg10: memref<10000x128xf32, #tpu.memory_space<vmem>>) attributes {dimension_semantics = [], scalar_prefetch = 0 : i64, scratch_operands = 0 : i64, tpu.core_type = #tpu.core_type<tc>} {
    %get3A = arith.constant 0 : index
    %get3A_0 = arith.constant 0 : index
    %get3A_1 = vector.load %arg0[%get3A, %get3A_0] : memref<10000x128xf32, #tpu.memory_space<vmem>>, vector<10000x128xf32>
    %get3A_2 = arith.constant 0 : index
    %get3A_3 = arith.constant 0 : index
    %get3A_4 = vector.load %arg3[%get3A_2, %get3A_3] : memref<10000x128xf32, #tpu.memory_space<vmem>>, vector<10000x128xf32>
    %get3A_5 = arith.constant 0 : index
    %get3A_6 = arith.constant 0 : index
    %get3A_7 = vector.load %arg1[%get3A_5, %get3A_6] : memref<10000x128xf32, #tpu.memory_space<vmem>>, vector<10000x128xf32>
    %mul3A = arith.constant -2.000000e+00 : f32
    %mul3A_8 = vector.broadcast %mul3A : f32 to vector<10000x128xf32>
    %mul3A_9 = arith.mulf %mul3A_8, %get3A_4 : vector<10000x128xf32>
    %get3A_10 = arith.constant 0 : index
    %get3A_11 = arith.constant 0 : index
    %get3A_12 = vector.load %arg2[%get3A_10, %get3A_11] : memref<10000x128xf32, #tpu.memory_space<vmem>>, vector<10000x128xf32>
    %mul3A_13 = arith.mulf %mul3A_9, %get3A_12 : vector<10000x128xf32>
    %sub3A = arith.subf %mul3A_13, %get3A_1 : vector<10000x128xf32>
    %get3A_14 = arith.constant 0 : index
    %get3A_15 = arith.constant 0 : index
    %get3A_16 = arith.constant 0 : index
    %get3A_17 = vector.load %arg4[%get3A_14, %get3A_15, %get3A_16] : memref<3x128x128xf32, #tpu.memory_space<vmem>>, vector<1x128x128xf32>
    %get3A_18 = vector.shape_cast %get3A_17 : vector<1x128x128xf32> to vector<128x128xf32>
    %dot_general3A = arith.constant dense<0.000000e+00> : vector<10000x128xf32>
    %dot_general3A_19 = tpu.matmul %get3A_1, %get3A_18, %dot_general3A {dimension_numbers = #tpu.dot_dimension_numbers<[1], [0], [0], [1], [0, 0, 1, 1], [], []>, transpose_lhs_hint = false} : vector<10000x128xf32>, vector<128x128xf32>, vector<10000x128xf32> -> vector<10000x128xf32>
    %get3A_20 = arith.constant 1 : index
    %get3A_21 = arith.constant 0 : index
    %get3A_22 = arith.constant 0 : index
    %get3A_23 = vector.load %arg4[%get3A_20, %get3A_21, %get3A_22] : memref<3x128x128xf32, #tpu.memory_space<vmem>>, vector<1x128x128xf32>
    %get3A_24 = vector.shape_cast %get3A_23 : vector<1x128x128xf32> to vector<128x128xf32>
    %dot_general3A_25 = arith.constant dense<0.000000e+00> : vector<10000x128xf32>
    %dot_general3A_26 = tpu.matmul %get3A_7, %get3A_24, %dot_general3A_25 {dimension_numbers = #tpu.dot_dimension_numbers<[1], [0], [0], [1], [0, 0, 1, 1], [], []>, transpose_lhs_hint = false} : vector<10000x128xf32>, vector<128x128xf32>, vector<10000x128xf32> -> vector<10000x128xf32>
    %add3A = arith.addf %dot_general3A_19, %dot_general3A_26 : vector<10000x128xf32>
    %get3A_27 = arith.constant 2 : index
    %get3A_28 = arith.constant 0 : index
    %get3A_29 = arith.constant 0 : index
    %get3A_30 = vector.load %arg4[%get3A_27, %get3A_28, %get3A_29] : memref<3x128x128xf32, #tpu.memory_space<vmem>>, vector<1x128x128xf32>
    %get3A_31 = vector.shape_cast %get3A_30 : vector<1x128x128xf32> to vector<128x128xf32>
    %dot_general3A_32 = arith.constant dense<0.000000e+00> : vector<10000x128xf32>
    %dot_general3A_33 = tpu.matmul %sub3A, %get3A_31, %dot_general3A_32 {dimension_numbers = #tpu.dot_dimension_numbers<[1], [0], [0], [1], [0, 0, 1, 1], [], []>, transpose_lhs_hint = false} : vector<10000x128xf32>, vector<128x128xf32>, vector<10000x128xf32> -> vector<10000x128xf32>
    %add3A_34 = arith.addf %add3A, %dot_general3A_33 : vector<10000x128xf32>
    %get3A_35 = arith.constant 0 : index
    %get3A_36 = arith.constant 0 : index
    %get3A_37 = vector.load %arg5[%get3A_35, %get3A_36] : memref<1x128xf32, #tpu.memory_space<vmem>>, vector<1x128xf32>
    %add3A_38 = vector.broadcast %get3A_37 : vector<1x128xf32> to vector<10000x128xf32>
    %add3A_39 = arith.addf %add3A_34, %add3A_38 : vector<10000x128xf32>
    %max3A = arith.constant 0.000000e+00 : f32
    %max3A_40 = vector.broadcast %max3A : f32 to vector<10000x128xf32>
    %max3A_41 = arith.maximumf %add3A_39, %max3A_40 : vector<10000x128xf32>
    %add3A_42 = arith.addf %max3A_41, %get3A_1 : vector<10000x128xf32>
    %get3A_43 = arith.constant 0 : index
    %get3A_44 = arith.constant 0 : index
    %get3A_45 = vector.load %arg6[%get3A_43, %get3A_44] : memref<128x128xf32, #tpu.memory_space<vmem>>, vector<128x128xf32>
    %dot_general3A_46 = arith.constant dense<0.000000e+00> : vector<10000x128xf32>
    %dot_general3A_47 = tpu.matmul %add3A_42, %get3A_45, %dot_general3A_46 {dimension_numbers = #tpu.dot_dimension_numbers<[1], [0], [0], [1], [0, 0, 1, 1], [], []>, transpose_lhs_hint = false} : vector<10000x128xf32>, vector<128x128xf32>, vector<10000x128xf32> -> vector<10000x128xf32>
    %get3A_48 = arith.constant 0 : index
    %get3A_49 = arith.constant 0 : index
    %get3A_50 = vector.load %arg7[%get3A_48, %get3A_49] : memref<1x128xf32, #tpu.memory_space<vmem>>, vector<1x128xf32>
    %add3A_51 = vector.broadcast %get3A_50 : vector<1x128xf32> to vector<10000x128xf32>
    %add3A_52 = arith.addf %dot_general3A_47, %add3A_51 : vector<10000x128xf32>
    %max3A_53 = arith.constant 0.000000e+00 : f32
    %max3A_54 = vector.broadcast %max3A_53 : f32 to vector<10000x128xf32>
    %max3A_55 = arith.maximumf %add3A_52, %max3A_54 : vector<10000x128xf32>
    %get3A_56 = arith.constant 0 : index
    %get3A_57 = arith.constant 0 : index
    %get3A_58 = vector.load %arg8[%get3A_56, %get3A_57] : memref<128x128xf32, #tpu.memory_space<vmem>>, vector<128x128xf32>
    %dot_general3A_59 = arith.constant dense<0.000000e+00> : vector<10000x128xf32>
    %dot_general3A_60 = tpu.matmul %max3A_55, %get3A_58, %dot_general3A_59 {dimension_numbers = #tpu.dot_dimension_numbers<[1], [0], [0], [1], [0, 0, 1, 1], [], []>, transpose_lhs_hint = false} : vector<10000x128xf32>, vector<128x128xf32>, vector<10000x128xf32> -> vector<10000x128xf32>
    %get3A_61 = arith.constant 0 : index
    %get3A_62 = arith.constant 0 : index
    %get3A_63 = vector.load %arg9[%get3A_61, %get3A_62] : memref<1x128xf32, #tpu.memory_space<vmem>>, vector<1x128xf32>
    %add3A_64 = vector.broadcast %get3A_63 : vector<1x128xf32> to vector<10000x128xf32>
    %add3A_65 = arith.addf %dot_general3A_60, %add3A_64 : vector<10000x128xf32>
    %swap3A = arith.constant 0 : index
    %swap3A_66 = arith.constant 0 : index
    %swap3A_67 = vector.load %arg10[%swap3A, %swap3A_66] : memref<10000x128xf32, #tpu.memory_space<vmem>>, vector<10000x128xf32>
    tpu.vector_store %arg10[%swap3A, %swap3A_66], %add3A_65 {strides = array<i32>} : memref<10000x128xf32, #tpu.memory_space<vmem>>, vector<10000x128xf32>,
    return
  }
}

</mosaic_0001>

<sc_bundles>
// kernel: kernel.12.cloned.1.call-start
scs
__scs_entry_jumppad:
0x0: {  	(pc) =	sbr.rel $0x88, $3  }
0x1: {  	(tag) =	ssettag $0x0;
	lr =	simm.s32 $0x1  }
0x2: {  	[smem:$0x3F95] =	sst lr;
	_ =	strace $0xD0000000  }
0x3: {  	_ = 	snop  }
0x4: {  	_ = 	snop  }
0x5: {  	_ = 	snop  }
0x6: {  	_ = 	snop  }
0x7: {  	_ = 	snop  }
__scs_overlays_trampoline_lowered:
0x8: {  	[smem:$0x3FA4] =	sst s0  }
0x9: {  	[smem:$0x3FA5] =	sst s1  }
0xa: {  	[smem:$0x3FA6] =	sst s2  }
0xb: {  	[smem:$0x3FA7] =	sst s3  }
0xc: {  	[smem:$0x3FA8] =	sst s4  }
0xd: {  	[smem:$0x3FA9] =	sst s5  }
0xe: {  	[smem:$0x3FAA] =	sst s6  }
0xf: {  	[smem:$0x3FAB] =	sst s7  }
0x10: {  	[smem:$0x3FAC] =	sst s8  }
0x11: {  	[smem:$0x3FAD] =	sst s9;
	s0 =	simm.s32 @!p0 $0x0  }
0x12: {  	s1 =	sld [smem:$0x3F93];
	s0 =	simm.s32 @p0 $0x1  }
0x13: {  	[smem:$0x3FAE] =	sst s0;
	s0 =	simm.s32 @!p1 $0x0  }
0x14: {  	s2 =	sld [smem:$0x3F92];
	s0 =	simm.s32 @p1 $0x1  }
0x15: {  	[smem:$0x3FAF] =	sst s0;
	s0 =	simm.s32 @!p2 $0x0  }
0x16: {  	s3 =	sld [smem:$0x3FDB];
	s0 =	simm.s32 @p2 $0x1  }
0x17: {  	s4 =	simm.s32 $0x1BF5;
	[smem:$0x3FB1] =	sst s0  }
0x18: {  	s0 =	sld [smem:$0x3F94];
	_ =	swait.ge [sflag:s4], $0x0  }
0x19: {  	s7 =	sld [smem:$0x3F95]  }
0x1a: {  	s8 =	sadd.s32 $0xFFFFE003, lr  }
0x1b: {  	s9 =	sadd.s32 $0xFFFFFEF7, lr;
	s5 =	simm.s32 $0xFFFFFFFF;
	p2 =	slt.u32 s8, $0xFFFFF086  }
0x1c: {  	p1 =	slt.u32 s9, $0xF7A;
	s5 =	simm.s32 @!p2 $0x0  }
0x1d: {  	s5 =	simm.s32 @p1 $0x1;
	p0 =	seq.s32 s7, s2  }
0x1e: {  	s7 =	smul.u32 @!p0 $0xF7A, s2;
	p2 =	seq.s32 @!p0 s5, $0x0  }
0x1f: {  	s9 =	smul.u32 $0xF7A, s1;
	s8 =	simm.s32 @!p0 $0x1BF5;
	p2 =	por !p2, p0  }
0x20: {  	[sflag:s8] =	ssyncset.s32 @!p0 $0xFFFFF086;
	s6 =	sadd.s32 @!p0 s3, s7;
	s7 =	simm.s32 @!p0 $0x108  }
0x21: {  	s3 =	sadd.s32 s3, s9;
	s6 =	sadd.s32 @!p0 $0x88, s6;
	s7 =	simm.s32 @p2 $0x1082  }
0x22: {  	[simem:s7], [sflag:s8] =	dma.local @!p0 [hbm:s6], $0xF7A  }
0x23: {  	s9 =	sor.u32 $0xD0000000, s2;
	s6 =	simm.s32 $0x108;
	_ =	swait.ge @!p0 [sflag:s8], $0x0  }
0x24: {  	s3 =	sadd.s32 $0x88, s3;
	s6 =	simm.s32 @!p1 $0x1082;
	[sflag:s4] =	ssyncset.s32 $0xFFFFF086  }
0x25: {  	[simem:s6], [sflag:s4] =	dma.local [hbm:s3], $0xF7A  }
0x26: {  	[smem:$0x3F95] =	sst s1;
	(tag) =	ssettag s2;
	_ =	strace s9  }
0x27: {  	s1 =	sld [smem:$0x3FA5]  }
0x28: {  	s2 =	sld [smem:$0x3FA6]  }
0x29: {  	s4 =	sld [smem:$0x3FA8]  }
0x2a: {  	p0 =	seq.s32 s5, $0x0;
	s5 =	sld [smem:$0x3FA9]  }
0x2b: {  	s6 =	sld [smem:$0x3FAA]  }
0x2c: {  	s7 =	sld [smem:$0x3FAB]  }
0x2d: {  	s3 =	simm.s32 $0x108;
	s8 =	sld [smem:$0x3FAC]  }
0x2e: {  	s3 =	simm.s32 @!p0 $0x1082;
	s9 =	sld [smem:$0x3FAD]  }
0x2f: {  	lr =	sadd.s32 s0, s3;
	s0 =	sld [smem:$0x3FA4]  }
0x30: {  	s3 =	sld [smem:$0x3FA7]  }
0x31: {  	[smem:$0x3FB0] =	sst s10  }
0x32: {  	s10 =	sld [smem:$0x3FAE];
	_ =	sdelay $0x3  }
0x33: {  	p0 =	seq.s32 s10, $0x1;
	s10 =	sld [smem:$0x3FB0];
	_ =	sdelay $0x3  }
0x34: {  	[smem:$0x3FB0] =	sst s10  }
0x35: {  	s10 =	sld [smem:$0x3FAF];
	_ =	sdelay $0x3  }
0x36: {  	p1 =	seq.s32 s10, $0x1;
	s10 =	sld [smem:$0x3FB0];
	_ =	sdelay $0x3  }
0x37: {  	[smem:$0x3FB0] =	sst s10  }
0x38: {  	s10 =	sld [smem:$0x3FB1]  }
0x39: {  	_ = 	snop;
	(pc) =	sbr.ind lr, $3  }
0x3a: {  	_ = 	snop  }
0x3b: {  	_ = 	snop  }
0x3c: {  	p2 =	seq.s32 s10, $0x1;
	s10 =	sld [smem:$0x3FB0]  }
0x3d: {  	_ =	shalt  }
0x3e: {  	_ =	shalt  }
0x3f: {  	_ =	shalt  }
0x40: {  	_ =	shalt  }
0x41: {  	_ =	shalt  }
0x42: {  	_ =	shalt  }
0x43: {  	_ =	shalt  }
0x44: {  	_ =	shalt  }
0x45: {  	_ =	shalt  }
0x46: {  	_ =	shalt  }
0x47: {  	_ =	shalt  }
0x48: {  	_ =	shalt  }
0x49: {  	_ =	shalt  }
0x4a: {  	_ =	shalt  }
0x4b: {  	_ =	shalt  }
0x4c: {  	_ =	shalt  }
0x4d: {  	_ =	shalt  }
0x4e: {  	_ =	shalt  }
0x4f: {  	_ =	shalt  }
0x50: {  	_ =	shalt  }
0x51: {  	_ =	shalt  }
0x52: {  	_ =	shalt  }
0x53: {  	_ =	shalt  }
0x54: {  	_ =	shalt  }
0x55: {  	_ =	shalt  }
0x56: {  	_ =	shalt  }
0x57: {  	_ =	shalt  }
0x58: {  	_ =	shalt  }
0x59: {  	_ =	shalt  }
0x5a: {  	_ =	shalt  }
0x5b: {  	_ =	shalt  }
0x5c: {  	_ =	shalt  }
0x5d: {  	_ =	shalt  }
0x5e: {  	_ =	shalt  }
0x5f: {  	_ =	shalt  }
0x60: {  	_ =	shalt  }
0x61: {  	_ =	shalt  }
0x62: {  	_ =	shalt  }
0x63: {  	_ =	shalt  }
0x64: {  	_ =	shalt  }
0x65: {  	_ =	shalt  }
0x66: {  	_ =	shalt  }
0x67: {  	_ =	shalt  }
0x68: {  	_ =	shalt  }
0x69: {  	_ =	shalt  }
0x6a: {  	_ =	shalt  }
0x6b: {  	_ =	shalt  }
0x6c: {  	_ =	shalt  }
0x6d: {  	_ =	shalt  }
0x6e: {  	_ =	shalt  }
0x6f: {  	_ =	shalt  }
0x70: {  	_ =	shalt  }
0x71: {  	_ =	shalt  }
0x72: {  	_ =	shalt  }
0x73: {  	_ =	shalt  }
0x74: {  	_ =	shalt  }
0x75: {  	_ =	shalt  }
0x76: {  	_ =	shalt  }
0x77: {  	_ =	shalt  }
0x78: {  	_ =	shalt  }
0x79: {  	_ =	shalt  }
0x7a: {  	_ =	shalt  }
0x7b: {  	_ =	shalt  }
0x7c: {  	_ =	shalt  }
0x7d: {  	_ =	shalt  }
0x7e: {  	_ =	shalt  }
0x7f: {  	_ =	shalt  }
0x80: {  	_ =	shalt  }
0x81: {  	_ =	shalt  }
0x82: {  	_ =	shalt  }
0x83: {  	_ =	shalt  }
0x84: {  	_ =	shalt  }
0x85: {  	_ =	shalt  }
0x86: {  	_ =	shalt  }
0x87: {  	_ =	shalt  }
.Lfunc_end0:
.L_simem_size_0:
called_computation_lowered:
.L_overlay_start_0:
0x88: {  	s2 =	sld [smem:$0x3FD9]  }
0x89: {  	s3 =	sld [smem:$0x3FFE];
	_ =	sdelay $0x1  }
0x8a: {  	s1 =	srdreg.scid  }
0x8b: {  	s0 =	sand.u32 $0x1, s1  }
0x8c: {  	s17 =	sshll.u32 s0, $0xA;
	s2 =	sadd.s32 s3, s2  }
0x8d: {  	s2 =	sadd.s32 s2, s17  }
0x8e: {  	[smem:$0x3FBC] =	sst s2  }
0x8f: {  	_ = 	snop  }
0x90: {  	s2 =	sld [smem:$0x3FD0];
	(tm) =	ssettm $0x1  }
0x91: {  	s18 =	sld [smem:$0x3FFB];
	_ =	sdelay $0x3  }
0x92: {  	_ =	strace s18  }
0x93: {  	s3 =	sld [smem:$0x3FFC];
	_ =	sdelay $0x3  }
0x94: {  	_ =	strace s3  }
0x95: {  	s3 =	sld [smem:$0x3FFD];
	_ =	sdelay $0x3  }
0x96: {  	_ =	strace s3  }
0x97: {  	_ =	strace $0x8FFFFFFF  }
0x98: {  	s19 =	sld [smem:$0x3FDB];
	_ =	sdelay $0x1  }
0x99: {  	s4 =	simm.s32 $_scs_section_size  }
0x9a: {  	s5 =	simm.s32 $_size__tile_overlayer_lowered;
	s6 =	simm.s32 $_tile_overlayer_lowered  }
0x9b: {  	s22 =	simm.s32 $0x1BFF;
	s21 =	sshll.u32 s6, $0x1;
	s3 =	sadd.s32 s4, s19  }
0x9c: {  	s7 =	simm.s32 $0x0;
	s20 =	sshll.u32 s5, $0x1;
	s5 =	sadd.s32 s21, s3  }
0x9d: {  	[timem:s7], [sflag:s22] =	dma.local [hbm:s5], s20  }
0x9e: {  	_ =	swait.ge [sflag:s22], s20  }
0x9f: {  	s4 =	ssub.s32 $0x0, s20;
	[sflag:s22] =	ssyncset.done $0x0  }
0xa0: {  	[sflag:s22] =	ssyncadd.s32 s4;
	_ =	sdelay $0x1  }
0xa1: {  	s23 =	simm.s32 $0x1B8B  }
0xa2: {  	_ =	swait.ge [sflag:s23], $0x1  }
0xa3: {  	[sflag:s23] =	ssyncset.done $0x0  }
0xa4: {  	s25 =	simm.s32 $0x1B8E;
	s24 =	sld [smem:$0x3FFE];
	[sflag:s23] =	ssyncadd.s32 $0xFFFFFFFF  }
0xa5: {  	s26 =	simm.s32 $execute0_lowered;
	[smem:$0x3FD2] =	sst s25  }
0xa6: {  	s5 =	sshll.u32 s26, $0x1;
	_ =	strace $0x80000046;
	[dreg:$0x1] =	wrdreg $0xFFFFFFFF  }
0xa7: {  	s28 =	simm.s32 $_size_execute0_lowered;
	s3 =	sadd.s32 s3, s5;
	[dreg:$0x0] =	wrdreg $0x0  }
0xa8: {  	s5 =	sshll.u32 s28, $0x1;
	[dreg:$0x2] =	wrdreg s3  }
0xa9: {  	[dreg:$0x3] =	wrdreg s5  }
0xaa: {  	[dreg:$0x4] =	wrdreg $0xC0  }
0xab: {  	_ =	task [dreg:s7], $0x5FFFF  }
0xac: {  	[dreg:$0x1] =	wrdreg $0xFFFFFFFF  }
0xad: {  	[dreg:$0x0] =	wrdreg $0x60  }
0xae: {  	[dreg:$0x2] =	wrdreg s2  }
0xaf: {  	[dreg:$0x3] =	wrdreg s24  }
0xb0: {  	[dreg:$0x4] =	wrdreg $0x68000  }
0xb1: {  	[dreg:$0x5] =	wrdreg $0x9  }
0xb2: {  	_ =	task.clear_ibuf [dreg:s7], $0x6FFFF;
	_ =	strace $0x90000046  }
0xb3: {  	s29 =	simm.s32 $0x9;
	_ =	strace $0x80000048  }
0xb4: {  	_ =	swait.ge [sflag:s29], $0x1  }
0xb5: {  	[sflag:s29] =	ssyncadd.s32 $0xFFFFFFFF  }
0xb6: {  	_ =	strace $0x90000048  }
0xb7: {  	_ =	sfence  }
0xb8: {  	s30 =	sld [smem:$0x0];
	_ =	sdelay $0x2  }
0xb9: {  	s31 =	sshll.u32 s1, $0xD;
	s1 =	sshrl.u32 s1, $0x2  }
0xba: {  	s3 =	sand.u32 $0x4000, s31;
	s1 =	sadd.s32 s1, s30  }
0xbb: {  	s0 =	sor.u32 s3, s0;
	s1 =	sshll.u32 s1, $0x11  }
0xbc: {  	s0 =	sor.u32 s1, s0  }
0xbd: {  	s0 =	sadd.s32 $0x8F2B, s0  }
0xbe: {  	[sflag:s0] =	ssyncadd.remote.s32 $0x1  }
0xbf: {  	_ =	sfence.sel $0xFFFF  }
0xc0: {  	[dreg:$0x0] =	wrdreg $0xFFFFFFFF;
	(pc) =	sbr.abs _section_cstart, $3  }
0xc1: {  	[dreg:$0x1] =	wrdreg $0xFFFFFFFF  }
0xc2: {  	_ =	task.clear_ibuf [dreg:s7], $0x2FFFF;
	_ =	strace $0x9FFFFFFF  }
0xc3: {  	(tm) =	ssettm $0x7FFFFFFF  }
tec
execute0_lowered:
.L_overlay_start_1:
0x0: {  	(tag) =	ssettag $0x1  }
0x1: {  	s7 =	rddreg [dreg:$0x0]  }
0x2: {  	s5 =	rddreg [dreg:$0x1];
	s0 =	stileid.u32  }
0x3: {  	s1 =	srdreg.scid;
	s2 =	rddreg [dreg:$0x2];
	s3 =	simm.s32 $0x0  }
0x4: {  	s14 =	simm.s32 $0x1;
	s6 =	sand.u32 $0x1, s1;
	s1 =	rddreg [dreg:$0x3]  }
0x5: {  	s15 =	simm.s32 $0x0;
	s4 =	smul.u32 $0x13C00, s0;
	[smem:$0x7FF] =	sst s3  }
0x6: {  	s12 =	smul.u32 $0x4F000, s0;
	s13 =	sshll.u32 s0, $0x1;
	s29 =	sshll.u32 s0, $0x6  }
0x7: {  	s8 =	smul.u32 $0x13C000, s6;
	_ =	strace $0x80000047;
	s10 =	ssub.s32 $0x2, s6  }
0x8: {  	s26 =	sor.u32 s6, s13;
	s6 =	sor.u32 $0x1C02, s29;
	s13 =	simm.s32 $0x80  }
0x9: {  	s9 =	sshrl.u32 s4, $0x3;
	s11 =	sshrl.u32 s10, $0x1;
	s28 =	sshrl.u32 s12, $0x2  }
0xa: {  	s30 =	smul.u32 $0x500, s26;
	s12 =	simm.s32 $0x2800;
	s9 =	sadd.s32 s9, s5  }
0xb: {  	s8 =	sadd.s32 s4, s8;
	s4 =	sadd.s32 $0xE600, s5;
	s10 =	ssub.s32 s10, s11  }
0xc: {  	s31 =	sadd.s32 s28, s2;
	s11 =	simm.s32 $0x2;
	s8 =	sshrl.u32 s8, $0x3  }
0xd: {  	s7 =	sadd.s32 s7, s30;
	s8 =	sadd.s32 s8, s5;
	s5 =	sadd.s32 $0xEE00, s9  }
0xe: {  	s9 =	smax.u32 s10, $0x1;
	s10 =	sshrl.u32 s31, $0x3;
	s8 =	sadd.s32 $0x36600, s8  }
.LBB2_1:
0xf: {  	[spmem:s10], [sflag:s6] =	dma.local [hbm:s5], $0x2780  }
0x10: {  	_ =	swait.ge [sflag:s11], $0x2780  }
0x11: {  	[sflag:s11] =	ssyncset.done $0x0  }
0x12: {  	[sflag:s11] =	ssyncadd.s32 $0xFFFFD880  }
0x13: {  	[tilespmem:s12], [sflag:$0x2] =	stream.linear.gather [hbm4b:s4+s3], $0x4000, $0x38;
	[tilespmem:$0x1A400] =	vst v63  }
0x14: {  	_ =	swait.ge [sflag:s11], $0x4000  }
0x15: {  	[sflag:s11] =	ssyncset.done $0x0  }
0x16: {  	[sflag:s11] =	ssyncadd.s32 $0xFFFFC000  }
0x17: {  	[tilespmem:s3], [sflag:$0x2] =	stream.linear.gather [hbm4b:s7+s3], $0x2800, $0x38;
	[tilespmem:$0x1A400] =	vst v63  }
0x18: {  	_ =	swait.ge [sflag:s11], $0x2800  }
0x19: {  	[sflag:s11] =	ssyncset.done $0x0  }
0x1a: {  	[sflag:s11] =	ssyncadd.s32 $0xFFFFD800  }
0x1b: {  	s16 =	simm.s32 $0x0;
	[bflag:$0x0] =	sbarrier.arrive $0xFFFF  }
0x1c: {  	[spmem:s2] =	stream.indirect.scatter.add.f32 [tilespmem:s12], [sflag:$0x1], $0x80, s16, s13, $0xb8;
	[tilespmem:$0x1A400] =	vst v63  }
0x1d: {  	s24 =	simm.s32 $0x80  }
0x1e: {  	[spmem:s2] =	stream.indirect.scatter.add.f32 [tilespmem:s12], [sflag:$0x1], $0x80, s24, s13, $0xb8;
	[tilespmem:$0x1A400] =	vst v63  }
0x1f: {  	s25 =	simm.s32 $0x100  }
0x20: {  	[spmem:s2] =	stream.indirect.scatter.add.f32 [tilespmem:s12], [sflag:$0x1], $0x80, s25, s13, $0xb8;
	[tilespmem:$0x1A400] =	vst v63  }
0x21: {  	s26 =	simm.s32 $0x180  }
0x22: {  	[spmem:s2] =	stream.indirect.scatter.add.f32 [tilespmem:s12], [sflag:$0x1], $0x80, s26, s13, $0xb8;
	[tilespmem:$0x1A400] =	vst v63  }
0x23: {  	s28 =	simm.s32 $0x200  }
0x24: {  	[spmem:s2] =	stream.indirect.scatter.add.f32 [tilespmem:s12], [sflag:$0x1], $0x80, s28, s13, $0xb8;
	[tilespmem:$0x1A400] =	vst v63  }
0x25: {  	s29 =	simm.s32 $0x280  }
0x26: {  	[spmem:s2] =	stream.indirect.scatter.add.f32 [tilespmem:s12], [sflag:$0x1], $0x80, s29, s13, $0xb8;
	[tilespmem:$0x1A400] =	vst v63  }
0x27: {  	s30 =	simm.s32 $0x300  }
0x28: {  	[spmem:s2] =	stream.indirect.scatter.add.f32 [tilespmem:s12], [sflag:$0x1], $0x80, s30, s13, $0xb8;
	[tilespmem:$0x1A400] =	vst v63  }
0x29: {  	s31 =	simm.s32 $0x380  }
0x2a: {  	[spmem:s2] =	stream.indirect.scatter.add.f32 [tilespmem:s12], [sflag:$0x1], $0x80, s31, s13, $0xb8;
	[tilespmem:$0x1A400] =	vst v63  }
0x2b: {  	_ =	swait.ge [sflag:s14], $0x4000  }
0x2c: {  	[sflag:s14] =	ssyncset.done $0x0  }
0x2d: {  	[sflag:s14] =	ssyncadd.s32 $0xFFFFC000  }
0x2e: {  	_ =	swait.ge [sflag:s14], $0x4000  }
0x2f: {  	[sflag:s14] =	ssyncset.done $0x0  }
0x30: {  	[sflag:s14] =	ssyncadd.s32 $0xFFFFC000  }
0x31: {  	_ =	swait.ge [sflag:s14], $0x4000  }
0x32: {  	[sflag:s14] =	ssyncset.done $0x0  }
0x33: {  	[sflag:s14] =	ssyncadd.s32 $0xFFFFC000  }
0x34: {  	_ =	swait.ge [sflag:s14], $0x4000  }
0x35: {  	[sflag:s14] =	ssyncset.done $0x0  }
0x36: {  	[sflag:s14] =	ssyncadd.s32 $0xFFFFC000  }
0x37: {  	_ =	swait.ge [sflag:s14], $0x4000  }
0x38: {  	[sflag:s14] =	ssyncset.done $0x0  }
0x39: {  	[sflag:s14] =	ssyncadd.s32 $0xFFFFC000  }
0x3a: {  	_ =	swait.ge [sflag:s14], $0x4000  }
0x3b: {  	[sflag:s14] =	ssyncset.done $0x0  }
0x3c: {  	[sflag:s14] =	ssyncadd.s32 $0xFFFFC000  }
0x3d: {  	_ =	swait.ge [sflag:s14], $0x4000  }
0x3e: {  	[sflag:s14] =	ssyncset.done $0x0  }
0x3f: {  	[sflag:s14] =	ssyncadd.s32 $0xFFFFC000  }
0x40: {  	_ =	swait.ge [sflag:s14], $0x4000  }
0x41: {  	s18 =	simm.s32 $0x2000;
	s16 =	simm.s32 $0x1000;
	[sflag:s14] =	ssyncset.done $0x0  }
.LBB2_2:
0x42: {  	s19 =	sshra.s32 s16, $0x2  }
0x43: {  	[sflag:s14] =	ssyncadd.s32 $0xFFFFC000;
	s16 =	smov.u32 s18;
	s17 =	sadd.s32 $0x1000, s18  }
0x44: {  	[spmem:s2] =	stream.indirect.scatter.add.f32 [tilespmem:s12], [sflag:$0x1], $0x80, s19, s13, $0xb8;
	[tilespmem:$0x1A400] =	vst v63  }
0x45: {  	p0 =	sne.s32 s18, $0x9000;
	s18 =	sadd.s32 $0x80, s19  }
0x46: {  	[spmem:s2] =	stream.indirect.scatter.add.f32 [tilespmem:s12], [sflag:$0x1], $0x80, s18, s13, $0xb8;
	[tilespmem:$0x1A400] =	vst v63  }
0x47: {  	s18 =	sadd.s32 $0x100, s19  }
0x48: {  	[spmem:s2] =	stream.indirect.scatter.add.f32 [tilespmem:s12], [sflag:$0x1], $0x80, s18, s13, $0xb8;
	[tilespmem:$0x1A400] =	vst v63  }
0x49: {  	s18 =	sadd.s32 $0x180, s19  }
0x4a: {  	[spmem:s2] =	stream.indirect.scatter.add.f32 [tilespmem:s12], [sflag:$0x1], $0x80, s18, s13, $0xb8;
	[tilespmem:$0x1A400] =	vst v63  }
0x4b: {  	s18 =	sadd.s32 $0x200, s19  }
0x4c: {  	[spmem:s2] =	stream.indirect.scatter.add.f32 [tilespmem:s12], [sflag:$0x1], $0x80, s18, s13, $0xb8;
	[tilespmem:$0x1A400] =	vst v63  }
0x4d: {  	s18 =	sadd.s32 $0x280, s19  }
0x4e: {  	[spmem:s2] =	stream.indirect.scatter.add.f32 [tilespmem:s12], [sflag:$0x1], $0x80, s18, s13, $0xb8;
	[tilespmem:$0x1A400] =	vst v63  }
0x4f: {  	s18 =	sadd.s32 $0x300, s19  }
0x50: {  	[spmem:s2] =	stream.indirect.scatter.add.f32 [tilespmem:s12], [sflag:$0x1], $0x80, s18, s13, $0xb8;
	[tilespmem:$0x1A400] =	vst v63  }
0x51: {  	s18 =	sadd.s32 $0x380, s19  }
0x52: {  	[spmem:s2] =	stream.indirect.scatter.add.f32 [tilespmem:s12], [sflag:$0x1], $0x80, s18, s13, $0xb8;
	[tilespmem:$0x1A400] =	vst v63  }
0x53: {  	_ =	swait.ge [sflag:s14], $0x4000  }
0x54: {  	[sflag:s14] =	ssyncset.done $0x0  }
0x55: {  	[sflag:s14] =	ssyncadd.s32 $0xFFFFC000  }
0x56: {  	_ =	swait.ge [sflag:s14], $0x4000  }
0x57: {  	[sflag:s14] =	ssyncset.done $0x0  }
0x58: {  	[sflag:s14] =	ssyncadd.s32 $0xFFFFC000  }
0x59: {  	_ =	swait.ge [sflag:s14], $0x4000  }
0x5a: {  	[sflag:s14] =	ssyncset.done $0x0  }
0x5b: {  	[sflag:s14] =	ssyncadd.s32 $0xFFFFC000  }
0x5c: {  	_ =	swait.ge [sflag:s14], $0x4000  }
0x5d: {  	[sflag:s14] =	ssyncset.done $0x0  }
0x5e: {  	[sflag:s14] =	ssyncadd.s32 $0xFFFFC000  }
0x5f: {  	_ =	swait.ge [sflag:s14], $0x4000  }
0x60: {  	[sflag:s14] =	ssyncset.done $0x0  }
0x61: {  	[sflag:s14] =	ssyncadd.s32 $0xFFFFC000  }
0x62: {  	_ =	swait.ge [sflag:s14], $0x4000  }
0x63: {  	[sflag:s14] =	ssyncset.done $0x0  }
0x64: {  	[sflag:s14] =	ssyncadd.s32 $0xFFFFC000  }
.Ltmp0:
0x65: {  	_ =	swait.ge [sflag:s14], $0x4000;
	(pc) =	sbr.rel @p0 .LBB2_2-.Ltmp0, $4  }
0x66: {  	[sflag:s14] =	ssyncset.done $0x0  }
0x67: {  	[sflag:s14] =	ssyncadd.s32 $0xFFFFC000  }
0x68: {  	_ =	swait.ge [sflag:s14], $0x4000  }
0x69: {  	s18 =	smov.u32 s17;
	[sflag:s14] =	ssyncset.done $0x0  }
0x6a: {  	s16 =	sshra.s32 s16, $0x2;
	[sflag:s14] =	ssyncadd.s32 $0xFFFFC000  }
0x6b: {  	[spmem:s2] =	stream.indirect.scatter.add.f32 [tilespmem:s12], [sflag:$0x1], $0x80, s16, s13, $0xb8;
	[tilespmem:$0x1A400] =	vst v63  }
0x6c: {  	s17 =	sadd.s32 $0x80, s16  }
0x6d: {  	[spmem:s2] =	stream.indirect.scatter.add.f32 [tilespmem:s12], [sflag:$0x1], $0x80, s17, s13, $0xb8;
	[tilespmem:$0x1A400] =	vst v63  }
0x6e: {  	s26 =	sadd.s32 $0x100, s16  }
0x6f: {  	[spmem:s2] =	stream.indirect.scatter.add.f32 [tilespmem:s12], [sflag:$0x1], $0x80, s26, s13, $0xb8;
	[tilespmem:$0x1A400] =	vst v63  }
0x70: {  	s28 =	sadd.s32 $0x180, s16  }
0x71: {  	[spmem:s2] =	stream.indirect.scatter.add.f32 [tilespmem:s12], [sflag:$0x1], $0x80, s28, s13, $0xb8;
	[tilespmem:$0x1A400] =	vst v63  }
0x72: {  	s29 =	sadd.s32 $0x200, s16  }
0x73: {  	[spmem:s2] =	stream.indirect.scatter.add.f32 [tilespmem:s12], [sflag:$0x1], $0x80, s29, s13, $0xb8;
	[tilespmem:$0x1A400] =	vst v63  }
0x74: {  	s30 =	sadd.s32 $0x280, s16  }
0x75: {  	[spmem:s2] =	stream.indirect.scatter.add.f32 [tilespmem:s12], [sflag:$0x1], $0x80, s30, s13, $0xb8;
	[tilespmem:$0x1A400] =	vst v63  }
0x76: {  	s31 =	sadd.s32 $0x300, s16  }
0x77: {  	[spmem:s2] =	stream.indirect.scatter.add.f32 [tilespmem:s12], [sflag:$0x1], $0x80, s31, s13, $0xb8;
	[tilespmem:$0x1A400] =	vst v63  }
0x78: {  	s16 =	sadd.s32 $0x380, s16  }
0x79: {  	[spmem:s2] =	stream.indirect.scatter.add.f32 [tilespmem:s12], [sflag:$0x1], $0x80, s16, s13, $0xb8;
	[tilespmem:$0x1A400] =	vst v63  }
0x7a: {  	_ =	swait.ge [sflag:s14], $0x4000  }
0x7b: {  	[sflag:s14] =	ssyncset.done $0x0  }
0x7c: {  	[sflag:s14] =	ssyncadd.s32 $0xFFFFC000  }
0x7d: {  	_ =	swait.ge [sflag:s14], $0x4000  }
0x7e: {  	[sflag:s14] =	ssyncset.done $0x0  }
0x7f: {  	[sflag:s14] =	ssyncadd.s32 $0xFFFFC000  }
0x80: {  	_ =	swait.ge [sflag:s14], $0x4000  }
0x81: {  	[sflag:s14] =	ssyncset.done $0x0  }
0x82: {  	[sflag:s14] =	ssyncadd.s32 $0xFFFFC000  }
0x83: {  	_ =	swait.ge [sflag:s14], $0x4000  }
0x84: {  	[sflag:s14] =	ssyncset.done $0x0  }
0x85: {  	[sflag:s14] =	ssyncadd.s32 $0xFFFFC000  }
0x86: {  	_ =	swait.ge [sflag:s14], $0x4000  }
0x87: {  	[sflag:s14] =	ssyncset.done $0x0  }
0x88: {  	[sflag:s14] =	ssyncadd.s32 $0xFFFFC000  }
0x89: {  	_ =	swait.ge [sflag:s14], $0x4000  }
0x8a: {  	[sflag:s14] =	ssyncset.done $0x0  }
0x8b: {  	[sflag:s14] =	ssyncadd.s32 $0xFFFFC000  }
0x8c: {  	_ =	swait.ge [sflag:s14], $0x4000  }
0x8d: {  	[sflag:s14] =	ssyncset.done $0x0  }
0x8e: {  	[sflag:s14] =	ssyncadd.s32 $0xFFFFC000  }
0x8f: {  	_ =	swait.ge [sflag:s14], $0x4000  }
0x90: {  	s15 =	sadd.s32 $0x1, s15;
	[sflag:s14] =	ssyncset.done $0x0  }
0x91: {  	p0 =	sne.s32 s15, s9;
	[sflag:s14] =	ssyncadd.s32 $0xFFFFC000  }
.Ltmp1:
0x92: {  	[bflag:$0x0] =	sbarrier.arrive $0xFFFF;
	(pc) =	sbr.rel @p0 .LBB2_1-.Ltmp1, $4  }
0x93: {  	[hbm:s8], [sflag:s6] =	dma.local [spmem:s10], $0x2780  }
0x94: {  	_ =	swait.ge [sflag:s11], $0x2780  }
0x95: {  	[sflag:s11] =	ssyncset.done $0x0  }
0x96: {  	[sflag:s11] =	ssyncadd.s32 $0xFFFFD880  }
0x97: {  	_ =	sfence.sel $0x180000  }
0x98: {  	[bflag:$0x0] =	sbarrier.arrive $0xFFFF  }
0x99: {  	p0 =	sne.s32 s0, $0x0;
	_ =	strace $0x90000047  }
0x9a: {  	s0 =	sadd.s32 @!p0 $0x100000, s1;
	[bflag:$0x2] =	sbarrier.arrive $0xFFFF  }
0x9b: {  	[sflag:s0] =	ssyncadd.tile.s32 @!p0 $0x1;
	_ =	shalt  }
.Lfunc_end2:
_tile_overlayer_lowered:
.L_overlay_start_2:
0x9c: {  	(tag) =	ssettag $0x2  }
0x9d: {  	s0 =	rddreg [dreg:$0x0];
	s2 =	stileid.u32  }
0x9e: {  	s1 =	rddreg [dreg:$0x1];
	p0 =	sne.s32 s2, $0x0  }
0x9f: {  	s3 =	rddreg [dreg:$0x2];
	[bflag:$0x3] =	sbarrier.arrive $0xFFFF;
	s2 =	simm.s32 @!p0 $0x1C02  }
0xa0: {  	[timem:s3], [sflag:s2] =	dma.local @!p0 [hbm:s0], s1  }
0xa1: {  	s0 =	simm.s32 @!p0 $0x2  }
0xa2: {  	_ =	swait.ge @!p0 [sflag:s0], s1  }
0xa3: {  	s1 =	ssub.s32 @!p0 $0x0, s1;
	[sflag:s0] =	ssyncset.done @!p0 $0x0  }
0xa4: {  	[sflag:s0] =	ssyncadd.s32 @!p0 s1  }
0xa5: {  	[bflag:$0x3] =	sbarrier.arrive $0xFFFF  }
0xa6: {  	_ =	shalt  }

// kernel: kernel.15.cloned.1.call-start
scs
__scs_entry_jumppad:
0x0: {  	(pc) =	sbr.rel $0x88, $3  }
0x1: {  	(tag) =	ssettag $0x0;
	lr =	simm.s32 $0x1  }
0x2: {  	[smem:$0x3F95] =	sst lr;
	_ =	strace $0xD0000000  }
0x3: {  	_ = 	snop  }
0x4: {  	_ = 	snop  }
0x5: {  	_ = 	snop  }
0x6: {  	_ = 	snop  }
0x7: {  	_ = 	snop  }
__scs_overlays_trampoline_lowered:
0x8: {  	[smem:$0x3FA4] =	sst s0  }
0x9: {  	[smem:$0x3FA5] =	sst s1  }
0xa: {  	[smem:$0x3FA6] =	sst s2  }
0xb: {  	[smem:$0x3FA7] =	sst s3  }
0xc: {  	[smem:$0x3FA8] =	sst s4  }
0xd: {  	[smem:$0x3FA9] =	sst s5  }
0xe: {  	[smem:$0x3FAA] =	sst s6  }
0xf: {  	[smem:$0x3FAB] =	sst s7  }
0x10: {  	[smem:$0x3FAC] =	sst s8  }
0x11: {  	[smem:$0x3FAD] =	sst s9;
	s0 =	simm.s32 @!p0 $0x0  }
0x12: {  	s1 =	sld [smem:$0x3F93];
	s0 =	simm.s32 @p0 $0x1  }
0x13: {  	[smem:$0x3FAE] =	sst s0;
	s0 =	simm.s32 @!p1 $0x0  }
0x14: {  	s2 =	sld [smem:$0x3F92];
	s0 =	simm.s32 @p1 $0x1  }
0x15: {  	[smem:$0x3FAF] =	sst s0;
	s0 =	simm.s32 @!p2 $0x0  }
0x16: {  	s3 =	sld [smem:$0x3FDB];
	s0 =	simm.s32 @p2 $0x1  }
0x17: {  	s4 =	simm.s32 $0x1BF5;
	[smem:$0x3FB1] =	sst s0  }
0x18: {  	s0 =	sld [smem:$0x3F94];
	_ =	swait.ge [sflag:s4], $0x0  }
0x19: {  	s7 =	sld [smem:$0x3F95]  }
0x1a: {  	s8 =	sadd.s32 $0xFFFFE003, lr  }
0x1b: {  	s9 =	sadd.s32 $0xFFFFFEF7, lr;
	s5 =	simm.s32 $0xFFFFFFFF;
	p2 =	slt.u32 s8, $0xFFFFF086  }
0x1c: {  	p1 =	slt.u32 s9, $0xF7A;
	s5 =	simm.s32 @!p2 $0x0  }
0x1d: {  	s5 =	simm.s32 @p1 $0x1;
	p0 =	seq.s32 s7, s2  }
0x1e: {  	s7 =	smul.u32 @!p0 $0xF7A, s2;
	p2 =	seq.s32 @!p0 s5, $0x0  }
0x1f: {  	s9 =	smul.u32 $0xF7A, s1;
	s8 =	simm.s32 @!p0 $0x1BF5;
	p2 =	por !p2, p0  }
0x20: {  	[sflag:s8] =	ssyncset.s32 @!p0 $0xFFFFF086;
	s6 =	sadd.s32 @!p0 s3, s7;
	s7 =	simm.s32 @!p0 $0x108  }
0x21: {  	s3 =	sadd.s32 s3, s9;
	s6 =	sadd.s32 @!p0 $0x88, s6;
	s7 =	simm.s32 @p2 $0x1082  }
0x22: {  	[simem:s7], [sflag:s8] =	dma.local @!p0 [hbm:s6], $0xF7A  }
0x23: {  	s9 =	sor.u32 $0xD0000000, s2;
	s6 =	simm.s32 $0x108;
	_ =	swait.ge @!p0 [sflag:s8], $0x0  }
0x24: {  	s3 =	sadd.s32 $0x88, s3;
	s6 =	simm.s32 @!p1 $0x1082;
	[sflag:s4] =	ssyncset.s32 $0xFFFFF086  }
0x25: {  	[simem:s6], [sflag:s4] =	dma.local [hbm:s3], $0xF7A  }
0x26: {  	[smem:$0x3F95] =	sst s1;
	(tag) =	ssettag s2;
	_ =	strace s9  }
0x27: {  	s1 =	sld [smem:$0x3FA5]  }
0x28: {  	s2 =	sld [smem:$0x3FA6]  }
0x29: {  	s4 =	sld [smem:$0x3FA8]  }
0x2a: {  	p0 =	seq.s32 s5, $0x0;
	s5 =	sld [smem:$0x3FA9]  }
0x2b: {  	s6 =	sld [smem:$0x3FAA]  }
0x2c: {  	s7 =	sld [smem:$0x3FAB]  }
0x2d: {  	s3 =	simm.s32 $0x108;
	s8 =	sld [smem:$0x3FAC]  }
0x2e: {  	s3 =	simm.s32 @!p0 $0x1082;
	s9 =	sld [smem:$0x3FAD]  }
0x2f: {  	lr =	sadd.s32 s0, s3;
	s0 =	sld [smem:$0x3FA4]  }
0x30: {  	s3 =	sld [smem:$0x3FA7]  }
0x31: {  	[smem:$0x3FB0] =	sst s10  }
0x32: {  	s10 =	sld [smem:$0x3FAE];
	_ =	sdelay $0x3  }
0x33: {  	p0 =	seq.s32 s10, $0x1;
	s10 =	sld [smem:$0x3FB0];
	_ =	sdelay $0x3  }
0x34: {  	[smem:$0x3FB0] =	sst s10  }
0x35: {  	s10 =	sld [smem:$0x3FAF];
	_ =	sdelay $0x3  }
0x36: {  	p1 =	seq.s32 s10, $0x1;
	s10 =	sld [smem:$0x3FB0];
	_ =	sdelay $0x3  }
0x37: {  	[smem:$0x3FB0] =	sst s10  }
0x38: {  	s10 =	sld [smem:$0x3FB1]  }
0x39: {  	_ = 	snop;
	(pc) =	sbr.ind lr, $3  }
0x3a: {  	_ = 	snop  }
0x3b: {  	_ = 	snop  }
0x3c: {  	p2 =	seq.s32 s10, $0x1;
	s10 =	sld [smem:$0x3FB0]  }
0x3d: {  	_ =	shalt  }
0x3e: {  	_ =	shalt  }
0x3f: {  	_ =	shalt  }
0x40: {  	_ =	shalt  }
0x41: {  	_ =	shalt  }
0x42: {  	_ =	shalt  }
0x43: {  	_ =	shalt  }
0x44: {  	_ =	shalt  }
0x45: {  	_ =	shalt  }
0x46: {  	_ =	shalt  }
0x47: {  	_ =	shalt  }
0x48: {  	_ =	shalt  }
0x49: {  	_ =	shalt  }
0x4a: {  	_ =	shalt  }
0x4b: {  	_ =	shalt  }
0x4c: {  	_ =	shalt  }
0x4d: {  	_ =	shalt  }
0x4e: {  	_ =	shalt  }
0x4f: {  	_ =	shalt  }
0x50: {  	_ =	shalt  }
0x51: {  	_ =	shalt  }
0x52: {  	_ =	shalt  }
0x53: {  	_ =	shalt  }
0x54: {  	_ =	shalt  }
0x55: {  	_ =	shalt  }
0x56: {  	_ =	shalt  }
0x57: {  	_ =	shalt  }
0x58: {  	_ =	shalt  }
0x59: {  	_ =	shalt  }
0x5a: {  	_ =	shalt  }
0x5b: {  	_ =	shalt  }
0x5c: {  	_ =	shalt  }
0x5d: {  	_ =	shalt  }
0x5e: {  	_ =	shalt  }
0x5f: {  	_ =	shalt  }
0x60: {  	_ =	shalt  }
0x61: {  	_ =	shalt  }
0x62: {  	_ =	shalt  }
0x63: {  	_ =	shalt  }
0x64: {  	_ =	shalt  }
0x65: {  	_ =	shalt  }
0x66: {  	_ =	shalt  }
0x67: {  	_ =	shalt  }
0x68: {  	_ =	shalt  }
0x69: {  	_ =	shalt  }
0x6a: {  	_ =	shalt  }
0x6b: {  	_ =	shalt  }
0x6c: {  	_ =	shalt  }
0x6d: {  	_ =	shalt  }
0x6e: {  	_ =	shalt  }
0x6f: {  	_ =	shalt  }
0x70: {  	_ =	shalt  }
0x71: {  	_ =	shalt  }
0x72: {  	_ =	shalt  }
0x73: {  	_ =	shalt  }
0x74: {  	_ =	shalt  }
0x75: {  	_ =	shalt  }
0x76: {  	_ =	shalt  }
0x77: {  	_ =	shalt  }
0x78: {  	_ =	shalt  }
0x79: {  	_ =	shalt  }
0x7a: {  	_ =	shalt  }
0x7b: {  	_ =	shalt  }
0x7c: {  	_ =	shalt  }
0x7d: {  	_ =	shalt  }
0x7e: {  	_ =	shalt  }
0x7f: {  	_ =	shalt  }
0x80: {  	_ =	shalt  }
0x81: {  	_ =	shalt  }
0x82: {  	_ =	shalt  }
0x83: {  	_ =	shalt  }
0x84: {  	_ =	shalt  }
0x85: {  	_ =	shalt  }
0x86: {  	_ =	shalt  }
0x87: {  	_ =	shalt  }
.Lfunc_end0:
.L_simem_size_0:
called_computation.1_lowered:
.L_overlay_start_0:
0x88: {  	s2 =	sld [smem:$0x3FD9]  }
0x89: {  	s3 =	sld [smem:$0x3FFE];
	_ =	sdelay $0x1  }
0x8a: {  	s1 =	srdreg.scid  }
0x8b: {  	s0 =	sand.u32 $0x1, s1  }
0x8c: {  	s17 =	sshll.u32 s0, $0xA;
	s2 =	sadd.s32 s3, s2  }
0x8d: {  	s2 =	sadd.s32 s2, s17  }
0x8e: {  	[smem:$0x3FBC] =	sst s2  }
0x8f: {  	_ = 	snop  }
0x90: {  	s2 =	sld [smem:$0x3FD0];
	(tm) =	ssettm $0x1  }
0x91: {  	s18 =	sld [smem:$0x3FFB];
	_ =	sdelay $0x3  }
0x92: {  	_ =	strace s18  }
0x93: {  	s3 =	sld [smem:$0x3FFC];
	_ =	sdelay $0x3  }
0x94: {  	_ =	strace s3  }
0x95: {  	s3 =	sld [smem:$0x3FFD];
	_ =	sdelay $0x3  }
0x96: {  	_ =	strace s3  }
0x97: {  	_ =	strace $0x8FFFFFFF  }
0x98: {  	s19 =	sld [smem:$0x3FDB];
	_ =	sdelay $0x1  }
0x99: {  	s4 =	simm.s32 $_scs_section_size  }
0x9a: {  	s5 =	simm.s32 $_size__tile_overlayer_lowered;
	s6 =	simm.s32 $_tile_overlayer_lowered  }
0x9b: {  	s22 =	simm.s32 $0x1BFF;
	s21 =	sshll.u32 s6, $0x1;
	s3 =	sadd.s32 s4, s19  }
0x9c: {  	s7 =	simm.s32 $0x0;
	s20 =	sshll.u32 s5, $0x1;
	s5 =	sadd.s32 s21, s3  }
0x9d: {  	[timem:s7], [sflag:s22] =	dma.local [hbm:s5], s20  }
0x9e: {  	_ =	swait.ge [sflag:s22], s20  }
0x9f: {  	s4 =	ssub.s32 $0x0, s20;
	[sflag:s22] =	ssyncset.done $0x0  }
0xa0: {  	[sflag:s22] =	ssyncadd.s32 s4;
	_ =	sdelay $0x1  }
0xa1: {  	s23 =	simm.s32 $0x1B8B  }
0xa2: {  	_ =	swait.ge [sflag:s23], $0x1  }
0xa3: {  	[sflag:s23] =	ssyncset.done $0x0  }
0xa4: {  	s25 =	simm.s32 $0x1B8E;
	s24 =	sld [smem:$0x3FFE];
	[sflag:s23] =	ssyncadd.s32 $0xFFFFFFFF  }
0xa5: {  	s26 =	simm.s32 $execute0_lowered;
	[smem:$0x3FD2] =	sst s25  }
0xa6: {  	s5 =	sshll.u32 s26, $0x1;
	_ =	strace $0x80000049;
	[dreg:$0x1] =	wrdreg $0xFFFFFFFF  }
0xa7: {  	s28 =	simm.s32 $_size_execute0_lowered;
	s3 =	sadd.s32 s3, s5;
	[dreg:$0x0] =	wrdreg $0x0  }
0xa8: {  	s5 =	sshll.u32 s28, $0x1;
	[dreg:$0x2] =	wrdreg s3  }
0xa9: {  	[dreg:$0x3] =	wrdreg s5  }
0xaa: {  	[dreg:$0x4] =	wrdreg $0xC0  }
0xab: {  	_ =	task [dreg:s7], $0x5FFFF  }
0xac: {  	[dreg:$0x1] =	wrdreg $0xFFFFFFFF  }
0xad: {  	[dreg:$0x0] =	wrdreg $0x60  }
0xae: {  	[dreg:$0x2] =	wrdreg s2  }
0xaf: {  	[dreg:$0x3] =	wrdreg s24  }
0xb0: {  	[dreg:$0x4] =	wrdreg $0x82000  }
0xb1: {  	[dreg:$0x5] =	wrdreg $0x9  }
0xb2: {  	_ =	task.clear_ibuf [dreg:s7], $0x6FFFF;
	_ =	strace $0x90000049  }
0xb3: {  	s29 =	simm.s32 $0x9;
	_ =	strace $0x8000004B  }
0xb4: {  	_ =	swait.ge [sflag:s29], $0x1  }
0xb5: {  	[sflag:s29] =	ssyncadd.s32 $0xFFFFFFFF  }
0xb6: {  	_ =	strace $0x9000004B  }
0xb7: {  	_ =	sfence  }
0xb8: {  	s30 =	sld [smem:$0x0];
	_ =	sdelay $0x2  }
0xb9: {  	s31 =	sshll.u32 s1, $0xD;
	s1 =	sshrl.u32 s1, $0x2  }
0xba: {  	s3 =	sand.u32 $0x4000, s31;
	s1 =	sadd.s32 s1, s30  }
0xbb: {  	s0 =	sor.u32 s3, s0;
	s1 =	sshll.u32 s1, $0x11  }
0xbc: {  	s0 =	sor.u32 s1, s0  }
0xbd: {  	s0 =	sadd.s32 $0x8F2B, s0  }
0xbe: {  	[sflag:s0] =	ssyncadd.remote.s32 $0x1  }
0xbf: {  	_ =	sfence.sel $0xFFFF  }
0xc0: {  	[dreg:$0x0] =	wrdreg $0xFFFFFFFF;
	(pc) =	sbr.abs _section_cstart, $3  }
0xc1: {  	[dreg:$0x1] =	wrdreg $0xFFFFFFFF  }
0xc2: {  	_ =	task.clear_ibuf [dreg:s7], $0x2FFFF;
	_ =	strace $0x9FFFFFFF  }
0xc3: {  	(tm) =	ssettm $0x7FFFFFFF  }
tec
execute0_lowered:
.L_overlay_start_1:
0x0: {  	(tag) =	ssettag $0x1  }
0x1: {  	s1 =	srdreg.scid  }
0x2: {  	s1 =	sand.u32 $0x1, s1  }
0x3: {  	p0 =	seq.s32 s1, $0x1  }
.Ltmp0:
0x4: {  	s3 =	rddreg [dreg:$0x0];
	(pc) =	sbr.rel @p0 .LBB2_5-.Ltmp0, $4  }
0x5: {  	s14 =	rddreg [dreg:$0x1]  }
0x6: {  	s2 =	rddreg [dreg:$0x2];
	s4 =	simm.s32 $0x0  }
0x7: {  	[smem:$0x7FF] =	sst s4  }
0x8: {  	s0 =	rddreg [dreg:$0x3];
	_ =	strace $0x8000004A;
	s1 =	stileid.u32  }
0x9: {  	s5 =	smul.u32 $0x4F000, s1  }
0xa: {  	s16 =	smul.u32 $0x2780, s1  }
0xb: {  	s6 =	sadd.s32 $0xEE00, s14;
	s5 =	sshrl.u32 s5, $0x2  }
0xc: {  	s26 =	sshll.u32 s1, $0x6;
	s8 =	sadd.s32 s6, s16;
	s7 =	sadd.s32 s5, s2  }
0xd: {  	s5 =	sor.u32 $0x1C07, s26;
	s6 =	sshrl.u32 s7, $0x3;
	s7 =	simm.s32 $0x7  }
0xe: {  	[spmem:s6], [sflag:s5] =	dma.local [hbm:s8], $0x2780  }
0xf: {  	s15 =	smul.u32 $0xA00, s1;
	_ =	swait.ge [sflag:s7], $0x2780  }
0x10: {  	s9 =	sadd.s32 $0x85600, s14;
	[sflag:s7] =	ssyncset.done $0x0  }
0x11: {  	s8 =	sadd.s32 s9, s15;
	[sflag:s7] =	ssyncadd.s32 $0xFFFFD880  }
0x12: {  	[tilespmem:s4], [sflag:$0x7] =	stream.linear.gather [hbm4b:s8+s4], $0x80, $0x38;
	[tilespmem:$0x1BE00] =	vst v63  }
0x13: {  	_ =	swait.ge [sflag:s7], $0x80  }
0x14: {  	s17 =	sor.u32 $0x10, s15;
	[sflag:s7] =	ssyncset.done $0x0  }
0x15: {  	s10 =	sadd.s32 s9, s17;
	s9 =	simm.s32 $0x80;
	[sflag:s7] =	ssyncadd.s32 $0xFFFFFF80  }
0x16: {  	[tilespmem:s9], [sflag:$0x7] =	stream.linear.gather [hbm4b:s10+s4], $0x80, $0x38;
	[tilespmem:$0x1BE00] =	vst v63  }
0x17: {  	_ =	swait.ge [sflag:s7], $0x80  }
0x18: {  	s11 =	sadd.s32 $0x4600, s14;
	[sflag:s7] =	ssyncset.done $0x0  }
0x19: {  	s18 =	simm.s32 $0x100;
	s10 =	sadd.s32 s11, s15;
	[sflag:s7] =	ssyncadd.s32 $0xFFFFFF80  }
0x1a: {  	[tilespmem:s18], [sflag:$0x7] =	stream.linear.gather [hbm4b:s10+s4], $0x80, $0x38;
	[tilespmem:$0x1BE00] =	vst v63  }
0x1b: {  	_ =	swait.ge [sflag:s7], $0x80  }
0x1c: {  	[sflag:s7] =	ssyncset.done $0x0  }
0x1d: {  	s12 =	sadd.s32 s11, s17;
	s11 =	simm.s32 $0x180;
	[sflag:s7] =	ssyncadd.s32 $0xFFFFFF80  }
0x1e: {  	[tilespmem:s11], [sflag:$0x7] =	stream.linear.gather [hbm4b:s12+s4], $0x80, $0x38;
	[tilespmem:$0x1BE00] =	vst v63  }
0x1f: {  	_ =	swait.ge [sflag:s7], $0x80  }
0x20: {  	[sflag:s7] =	ssyncset.done $0x0  }
0x21: {  	[sflag:s7] =	ssyncadd.s32 $0xFFFFFF80  }
0x22: {  	s19 =	simm.s32 $0x200;
	[bflag:$0x0] =	sbarrier.arrive $0xFFFF  }
0x23: {  	[tilespmem:s19], [sflag:$0x1] =	stream.indirect.gather [hbm4b:s3+s9], $0x80, s4, s9, $0xb8;
	[tilespmem:$0x1BE00] =	vst v63  }
0x24: {  	s13 =	simm.s32 $0x1;
	s12 =	simm.s32 $0x4200  }
0x25: {  	[tilespmem:s12], [sflag:$0x2] =	stream.indirect.gather [hbm4b:s3+s9], $0x80, s9, s9, $0xb8;
	[tilespmem:$0x1BE00] =	vst v63  }
0x26: {  	_ =	swait.ge [sflag:s13], $0x4000  }
0x27: {  	s20 =	sadd.s32 $0x85620, s14;
	[sflag:s13] =	ssyncset.done $0x0  }
0x28: {  	s21 =	sadd.s32 s15, s20;
	[sflag:s13] =	ssyncadd.s32 $0xFFFFC000  }
0x29: {  	[tilespmem:s4], [sflag:$0x3] =	stream.linear.gather [hbm4b:s21+s4], $0x80, $0x38;
	[tilespmem:$0x1BE00] =	vst v63  }
0x2a: {  	_ = 	snop  }
0x2b: {  	[spmem:s2] =	stream.indirect.scatter.add.f32 [tilespmem:s19], [sflag:$0x7], $0x80, s18, s9, $0xb8;
	[tilespmem:$0x1BE00] =	vst v63  }
0x2c: {  	_ =	swait.ge [sflag:s7], $0x4000  }
0x2d: {  	s28 =	sadd.s32 $0x4620, s14;
	[sflag:s7] =	ssyncset.done $0x0  }
0x2e: {  	s29 =	simm.s32 $0x3;
	s15 =	sadd.s32 s15, s28;
	[sflag:s7] =	ssyncadd.s32 $0xFFFFC000  }
0x2f: {  	[tilespmem:s18], [sflag:$0x5] =	stream.linear.gather [hbm4b:s15+s4], $0x80, $0x38;
	[tilespmem:$0x1BE00] =	vst v63  }
0x30: {  	_ =	swait.ge [sflag:s29], $0x80  }
0x31: {  	[sflag:s29] =	ssyncset.done $0x0  }
0x32: {  	s15 =	simm.s32 $0x2;
	[sflag:s29] =	ssyncadd.s32 $0xFFFFFF80  }
0x33: {  	[tilespmem:s19], [sflag:$0x1] =	stream.indirect.gather [hbm4b:s3+s9], $0x80, s4, s9, $0xb8;
	[tilespmem:$0x1BE00] =	vst v63  }
0x34: {  	_ =	swait.ge [sflag:s15], $0x4000  }
0x35: {  	[sflag:s15] =	ssyncset.done $0x0  }
0x36: {  	s30 =	sadd.s32 s20, s17;
	[sflag:s15] =	ssyncadd.s32 $0xFFFFC000  }
0x37: {  	[tilespmem:s9], [sflag:$0x4] =	stream.linear.gather [hbm4b:s30+s4], $0x80, $0x38;
	[tilespmem:$0x1BE00] =	vst v63  }
0x38: {  	_ = 	snop  }
0x39: {  	[spmem:s2] =	stream.indirect.scatter.add.f32 [tilespmem:s12], [sflag:$0x7], $0x80, s11, s9, $0xb8;
	[tilespmem:$0x1BE00] =	vst v63  }
0x3a: {  	_ =	swait.ge [sflag:s7], $0x4000  }
0x3b: {  	[sflag:s7] =	ssyncset.done $0x0  }
0x3c: {  	s17 =	sadd.s32 s28, s17;
	[sflag:s7] =	ssyncadd.s32 $0xFFFFC000  }
0x3d: {  	[tilespmem:s11], [sflag:$0x6] =	stream.linear.gather [hbm4b:s17+s4], $0x80, $0x38;
	[tilespmem:$0x1BE00] =	vst v63  }
0x3e: {  	s17 =	simm.s32 $0x4  }
0x3f: {  	_ =	swait.ge [sflag:s17], $0x80  }
0x40: {  	s31 =	sadd.s32 s16, s14;
	s16 =	simm.s32 $0xFFFFF640;
	[sflag:s17] =	ssyncset.done $0x0  }
0x41: {  	s14 =	sadd.s32 $0x5D800, s31;
	s18 =	simm.s32 $0x6;
	[sflag:s17] =	ssyncadd.s32 $0xFFFFFF80  }
0x42: {  	[tilespmem:s12], [sflag:$0x2] =	stream.indirect.gather [hbm4b:s3+s9], $0x80, s9, s9, $0xb8;
	[tilespmem:$0x1BE00] =	vst v63  }
.LBB2_2:
0x43: {  	_ =	swait.ge [sflag:s13], $0x4000  }
0x44: {  	p0 =	seq.s32 s16, $0x0;
	[sflag:s13] =	ssyncset.done $0x0  }
0x45: {  	s19 =	simm.s32 @p0 $0x5;
	[sflag:s13] =	ssyncadd.s32 $0xFFFFC000  }
0x46: {  	_ =	swait.ge @p0 [sflag:s19], $0x80  }
0x47: {  	s20 =	simm.s32 @p0 $0x100;
	[sflag:s19] =	ssyncset.done @p0 $0x0  }
0x48: {  	s21 =	simm.s32 @p0 $0x200;
	[sflag:s19] =	ssyncadd.s32 @p0 $0xFFFFFF80;
	s19 =	simm.s32 @p0 $0x80  }
0x49: {  	[spmem:s2] =	stream.indirect.scatter.add.f32 @p0 [tilespmem:s21], [sflag:$0x7], $0x80, s20, s19, $0xb8;
	[tilespmem:$0x1BE00] =	vst v63  }
0x4a: {  	s19 =	simm.s32 @p0 $0x7  }
0x4b: {  	_ =	swait.ge @p0 [sflag:s19], $0x4000  }
0x4c: {  	s20 =	sadd.s32 @!p0 s16, s8;
	[sflag:s19] =	ssyncset.done @p0 $0x0  }
0x4d: {  	[sflag:s19] =	ssyncadd.s32 @p0 $0xFFFFC000;
	s19 =	sadd.s32 @!p0 $0xA00, s20;
	s20 =	simm.s32 @!p0 $0x0  }
0x4e: {  	[tilespmem:s20], [sflag:$0x3] =	stream.linear.gather @!p0 [hbm4b:s19+s20], $0x80, $0x38;
	[tilespmem:$0x1BE00] =	vst v63  }
0x4f: {  	s19 =	simm.s32 @!p0 $0x5  }
0x50: {  	_ =	swait.ge @!p0 [sflag:s19], $0x80  }
0x51: {  	s22 =	simm.s32 @!p0 $0x200;
	s23 =	simm.s32 @!p0 $0x7;
	[sflag:s19] =	ssyncset.done @!p0 $0x0  }
0x52: {  	s21 =	simm.s32 @!p0 $0x100;
	[sflag:s19] =	ssyncadd.s32 @!p0 $0xFFFFFF80;
	s19 =	simm.s32 @!p0 $0x80  }
0x53: {  	[spmem:s2] =	stream.indirect.scatter.add.f32 @!p0 [tilespmem:s22], [sflag:$0x7], $0x80, s21, s19, $0xb8;
	[tilespmem:$0x1BE00] =	vst v63  }
0x54: {  	_ =	swait.ge @!p0 [sflag:s23], $0x4000  }
0x55: {  	s24 =	sadd.s32 @!p0 s16, s10;
	[sflag:s23] =	ssyncset.done @!p0 $0x0  }
0x56: {  	[sflag:s23] =	ssyncadd.s32 @!p0 $0xFFFFC000;
	s23 =	sadd.s32 @!p0 $0xA00, s24  }
0x57: {  	[tilespmem:s21], [sflag:$0x5] =	stream.linear.gather @!p0 [hbm4b:s23+s20], $0x80, $0x38;
	[tilespmem:$0x1BE00] =	vst v63  }
0x58: {  	s21 =	simm.s32 @!p0 $0x3  }
0x59: {  	_ =	swait.ge @!p0 [sflag:s21], $0x80  }
0x5a: {  	[sflag:s21] =	ssyncset.done @!p0 $0x0  }
.Ltmp1:
0x5b: {  	[sflag:s21] =	ssyncadd.s32 @!p0 $0xFFFFFF80;
	(pc) =	sbr.rel @p0 .LBB2_4-.Ltmp1, $4  }
0x5c: {  	[tilespmem:s22], [sflag:$0x1] =	stream.indirect.gather @!p0 [hbm4b:s3+s19], $0x80, s20, s19, $0xb8;
	[tilespmem:$0x1BE00] =	vst v63  }
0x5d: {  	_ =	swait.ge [sflag:s15], $0x4000  }
0x5e: {  	[sflag:s15] =	ssyncset.done $0x0  }
0x5f: {  	[sflag:s15] =	ssyncadd.s32 $0xFFFFC000  }
0x60: {  	s19 =	sadd.s32 s16, s8  }
0x61: {  	s19 =	sadd.s32 $0xA10, s19  }
0x62: {  	[tilespmem:s9], [sflag:$0x4] =	stream.linear.gather [hbm4b:s19+s4], $0x80, $0x38;
	[tilespmem:$0x1BE00] =	vst v63  }
0x63: {  	_ =	swait.ge [sflag:s18], $0x80  }
0x64: {  	[sflag:s18] =	ssyncset.done $0x0  }
0x65: {  	[sflag:s18] =	ssyncadd.s32 $0xFFFFFF80  }
0x66: {  	[spmem:s2] =	stream.indirect.scatter.add.f32 [tilespmem:s12], [sflag:$0x7], $0x80, s11, s9, $0xb8;
	[tilespmem:$0x1BE00] =	vst v63  }
0x67: {  	_ =	swait.ge [sflag:s7], $0x4000  }
0x68: {  	s31 =	sadd.s32 s16, s10;
	[sflag:s7] =	ssyncset.done $0x0  }
0x69: {  	s19 =	sadd.s32 $0xA10, s31;
	[sflag:s7] =	ssyncadd.s32 $0xFFFFC000  }
0x6a: {  	[tilespmem:s11], [sflag:$0x6] =	stream.linear.gather [hbm4b:s19+s4], $0x80, $0x38;
	[tilespmem:$0x1BE00] =	vst v63  }
.Ltmp2:
0x6b: {  	_ = 	snop;
	(pc) =	sbr.rel .LBB2_2-.Ltmp2, $4  }
0x6c: {  	_ =	swait.ge [sflag:s17], $0x80  }
0x6d: {  	[sflag:s17] =	ssyncset.done $0x0  }
0x6e: {  	s16 =	sadd.s32 $0x20, s16;
	[sflag:s17] =	ssyncadd.s32 $0xFFFFFF80  }
0x6f: {  	[tilespmem:s12], [sflag:$0x2] =	stream.indirect.gather [hbm4b:s3+s9], $0x80, s9, s9, $0xb8;
	[tilespmem:$0x1BE00] =	vst v63  }
.LBB2_4:
0x70: {  	s3 =	simm.s32 $0x6  }
0x71: {  	_ =	swait.ge [sflag:s3], $0x80  }
0x72: {  	s30 =	simm.s32 $0x80;
	s4 =	simm.s32 $0x180;
	[sflag:s3] =	ssyncset.done $0x0  }
0x73: {  	s7 =	simm.s32 $0x4200;
	s31 =	simm.s32 $0x7;
	[sflag:s3] =	ssyncadd.s32 $0xFFFFFF80  }
0x74: {  	[spmem:s2] =	stream.indirect.scatter.add.f32 [tilespmem:s7], [sflag:$0x7], $0x80, s4, s30, $0xb8;
	[tilespmem:$0x1BE00] =	vst v63  }
0x75: {  	_ =	swait.ge [sflag:s31], $0x4000  }
0x76: {  	[sflag:s31] =	ssyncset.done $0x0  }
0x77: {  	[sflag:s31] =	ssyncadd.s32 $0xFFFFC000  }
0x78: {  	[bflag:$0x0] =	sbarrier.arrive $0xFFFF  }
0x79: {  	[hbm:s14], [sflag:s5] =	dma.local [spmem:s6], $0x2780  }
0x7a: {  	_ =	swait.ge [sflag:s31], $0x2780  }
0x7b: {  	[sflag:s31] =	ssyncset.done $0x0  }
0x7c: {  	[sflag:s31] =	ssyncadd.s32 $0xFFFFD880  }
.LBB2_5:
0x7d: {  	_ =	sfence.sel $0x180000  }
0x7e: {  	[bflag:$0x0] =	sbarrier.arrive $0xFFFF  }
0x7f: {  	p0 =	sne.s32 s1, $0x0;
	_ =	strace $0x9000004A  }
0x80: {  	s0 =	sadd.s32 @!p0 $0x100000, s0;
	[bflag:$0x2] =	sbarrier.arrive $0xFFFF  }
0x81: {  	[sflag:s0] =	ssyncadd.tile.s32 @!p0 $0x1;
	_ =	shalt  }
.Lfunc_end2:
_tile_overlayer_lowered:
.L_overlay_start_2:
0x82: {  	(tag) =	ssettag $0x2  }
0x83: {  	s0 =	rddreg [dreg:$0x0];
	s2 =	stileid.u32  }
0x84: {  	s1 =	rddreg [dreg:$0x1];
	p0 =	sne.s32 s2, $0x0  }
0x85: {  	s3 =	rddreg [dreg:$0x2];
	[bflag:$0x3] =	sbarrier.arrive $0xFFFF;
	s2 =	simm.s32 @!p0 $0x1C07  }
0x86: {  	[timem:s3], [sflag:s2] =	dma.local @!p0 [hbm:s0], s1  }
0x87: {  	s0 =	simm.s32 @!p0 $0x7  }
0x88: {  	_ =	swait.ge @!p0 [sflag:s0], s1  }
0x89: {  	s1 =	ssub.s32 @!p0 $0x0, s1;
	[sflag:s0] =	ssyncset.done @!p0 $0x0  }
0x8a: {  	[sflag:s0] =	ssyncadd.s32 @!p0 s1  }
0x8b: {  	[bflag:$0x3] =	sbarrier.arrive $0xFFFF  }
0x8c: {  	_ =	shalt  }

// kernel: kernel.18.cloned.1.call-start
scs
__scs_entry_jumppad:
0x0: {  	(pc) =	sbr.rel $0x88, $3  }
0x1: {  	(tag) =	ssettag $0x0;
	lr =	simm.s32 $0x1  }
0x2: {  	[smem:$0x3F95] =	sst lr;
	_ =	strace $0xD0000000  }
0x3: {  	_ = 	snop  }
0x4: {  	_ = 	snop  }
0x5: {  	_ = 	snop  }
0x6: {  	_ = 	snop  }
0x7: {  	_ = 	snop  }
__scs_overlays_trampoline_lowered:
0x8: {  	[smem:$0x3FA4] =	sst s0  }
0x9: {  	[smem:$0x3FA5] =	sst s1  }
0xa: {  	[smem:$0x3FA6] =	sst s2  }
0xb: {  	[smem:$0x3FA7] =	sst s3  }
0xc: {  	[smem:$0x3FA8] =	sst s4  }
0xd: {  	[smem:$0x3FA9] =	sst s5  }
0xe: {  	[smem:$0x3FAA] =	sst s6  }
0xf: {  	[smem:$0x3FAB] =	sst s7  }
0x10: {  	[smem:$0x3FAC] =	sst s8  }
0x11: {  	[smem:$0x3FAD] =	sst s9;
	s0 =	simm.s32 @!p0 $0x0  }
0x12: {  	s1 =	sld [smem:$0x3F93];
	s0 =	simm.s32 @p0 $0x1  }
0x13: {  	[smem:$0x3FAE] =	sst s0;
	s0 =	simm.s32 @!p1 $0x0  }
0x14: {  	s2 =	sld [smem:$0x3F92];
	s0 =	simm.s32 @p1 $0x1  }
0x15: {  	[smem:$0x3FAF] =	sst s0;
	s0 =	simm.s32 @!p2 $0x0  }
0x16: {  	s3 =	sld [smem:$0x3FDB];
	s0 =	simm.s32 @p2 $0x1  }
0x17: {  	s4 =	simm.s32 $0x1BF5;
	[smem:$0x3FB1] =	sst s0  }
0x18: {  	s0 =	sld [smem:$0x3F94];
	_ =	swait.ge [sflag:s4], $0x0  }
0x19: {  	s7 =	sld [smem:$0x3F95]  }
0x1a: {  	s8 =	sadd.s32 $0xFFFFE003, lr  }
0x1b: {  	s9 =	sadd.s32 $0xFFFFFEF7, lr;
	s5 =	simm.s32 $0xFFFFFFFF;
	p2 =	slt.u32 s8, $0xFFFFF086  }
0x1c: {  	p1 =	slt.u32 s9, $0xF7A;
	s5 =	simm.s32 @!p2 $0x0  }
0x1d: {  	s5 =	simm.s32 @p1 $0x1;
	p0 =	seq.s32 s7, s2  }
0x1e: {  	s7 =	smul.u32 @!p0 $0xF7A, s2;
	p2 =	seq.s32 @!p0 s5, $0x0  }
0x1f: {  	s9 =	smul.u32 $0xF7A, s1;
	s8 =	simm.s32 @!p0 $0x1BF5;
	p2 =	por !p2, p0  }
0x20: {  	[sflag:s8] =	ssyncset.s32 @!p0 $0xFFFFF086;
	s6 =	sadd.s32 @!p0 s3, s7;
	s7 =	simm.s32 @!p0 $0x108  }
0x21: {  	s3 =	sadd.s32 s3, s9;
	s6 =	sadd.s32 @!p0 $0x88, s6;
	s7 =	simm.s32 @p2 $0x1082  }
0x22: {  	[simem:s7], [sflag:s8] =	dma.local @!p0 [hbm:s6], $0xF7A  }
0x23: {  	s9 =	sor.u32 $0xD0000000, s2;
	s6 =	simm.s32 $0x108;
	_ =	swait.ge @!p0 [sflag:s8], $0x0  }
0x24: {  	s3 =	sadd.s32 $0x88, s3;
	s6 =	simm.s32 @!p1 $0x1082;
	[sflag:s4] =	ssyncset.s32 $0xFFFFF086  }
0x25: {  	[simem:s6], [sflag:s4] =	dma.local [hbm:s3], $0xF7A  }
0x26: {  	[smem:$0x3F95] =	sst s1;
	(tag) =	ssettag s2;
	_ =	strace s9  }
0x27: {  	s1 =	sld [smem:$0x3FA5]  }
0x28: {  	s2 =	sld [smem:$0x3FA6]  }
0x29: {  	s4 =	sld [smem:$0x3FA8]  }
0x2a: {  	p0 =	seq.s32 s5, $0x0;
	s5 =	sld [smem:$0x3FA9]  }
0x2b: {  	s6 =	sld [smem:$0x3FAA]  }
0x2c: {  	s7 =	sld [smem:$0x3FAB]  }
0x2d: {  	s3 =	simm.s32 $0x108;
	s8 =	sld [smem:$0x3FAC]  }
0x2e: {  	s3 =	simm.s32 @!p0 $0x1082;
	s9 =	sld [smem:$0x3FAD]  }
0x2f: {  	lr =	sadd.s32 s0, s3;
	s0 =	sld [smem:$0x3FA4]  }
0x30: {  	s3 =	sld [smem:$0x3FA7]  }
0x31: {  	[smem:$0x3FB0] =	sst s10  }
0x32: {  	s10 =	sld [smem:$0x3FAE];
	_ =	sdelay $0x3  }
0x33: {  	p0 =	seq.s32 s10, $0x1;
	s10 =	sld [smem:$0x3FB0];
	_ =	sdelay $0x3  }
0x34: {  	[smem:$0x3FB0] =	sst s10  }
0x35: {  	s10 =	sld [smem:$0x3FAF];
	_ =	sdelay $0x3  }
0x36: {  	p1 =	seq.s32 s10, $0x1;
	s10 =	sld [smem:$0x3FB0];
	_ =	sdelay $0x3  }
0x37: {  	[smem:$0x3FB0] =	sst s10  }
0x38: {  	s10 =	sld [smem:$0x3FB1]  }
0x39: {  	_ = 	snop;
	(pc) =	sbr.ind lr, $3  }
0x3a: {  	_ = 	snop  }
0x3b: {  	_ = 	snop  }
0x3c: {  	p2 =	seq.s32 s10, $0x1;
	s10 =	sld [smem:$0x3FB0]  }
0x3d: {  	_ =	shalt  }
0x3e: {  	_ =	shalt  }
0x3f: {  	_ =	shalt  }
0x40: {  	_ =	shalt  }
0x41: {  	_ =	shalt  }
0x42: {  	_ =	shalt  }
0x43: {  	_ =	shalt  }
0x44: {  	_ =	shalt  }
0x45: {  	_ =	shalt  }
0x46: {  	_ =	shalt  }
0x47: {  	_ =	shalt  }
0x48: {  	_ =	shalt  }
0x49: {  	_ =	shalt  }
0x4a: {  	_ =	shalt  }
0x4b: {  	_ =	shalt  }
0x4c: {  	_ =	shalt  }
0x4d: {  	_ =	shalt  }
0x4e: {  	_ =	shalt  }
0x4f: {  	_ =	shalt  }
0x50: {  	_ =	shalt  }
0x51: {  	_ =	shalt  }
0x52: {  	_ =	shalt  }
0x53: {  	_ =	shalt  }
0x54: {  	_ =	shalt  }
0x55: {  	_ =	shalt  }
0x56: {  	_ =	shalt  }
0x57: {  	_ =	shalt  }
0x58: {  	_ =	shalt  }
0x59: {  	_ =	shalt  }
0x5a: {  	_ =	shalt  }
0x5b: {  	_ =	shalt  }
0x5c: {  	_ =	shalt  }
0x5d: {  	_ =	shalt  }
0x5e: {  	_ =	shalt  }
0x5f: {  	_ =	shalt  }
0x60: {  	_ =	shalt  }
0x61: {  	_ =	shalt  }
0x62: {  	_ =	shalt  }
0x63: {  	_ =	shalt  }
0x64: {  	_ =	shalt  }
0x65: {  	_ =	shalt  }
0x66: {  	_ =	shalt  }
0x67: {  	_ =	shalt  }
0x68: {  	_ =	shalt  }
0x69: {  	_ =	shalt  }
0x6a: {  	_ =	shalt  }
0x6b: {  	_ =	shalt  }
0x6c: {  	_ =	shalt  }
0x6d: {  	_ =	shalt  }
0x6e: {  	_ =	shalt  }
0x6f: {  	_ =	shalt  }
0x70: {  	_ =	shalt  }
0x71: {  	_ =	shalt  }
0x72: {  	_ =	shalt  }
0x73: {  	_ =	shalt  }
0x74: {  	_ =	shalt  }
0x75: {  	_ =	shalt  }
0x76: {  	_ =	shalt  }
0x77: {  	_ =	shalt  }
0x78: {  	_ =	shalt  }
0x79: {  	_ =	shalt  }
0x7a: {  	_ =	shalt  }
0x7b: {  	_ =	shalt  }
0x7c: {  	_ =	shalt  }
0x7d: {  	_ =	shalt  }
0x7e: {  	_ =	shalt  }
0x7f: {  	_ =	shalt  }
0x80: {  	_ =	shalt  }
0x81: {  	_ =	shalt  }
0x82: {  	_ =	shalt  }
0x83: {  	_ =	shalt  }
0x84: {  	_ =	shalt  }
0x85: {  	_ =	shalt  }
0x86: {  	_ =	shalt  }
0x87: {  	_ =	shalt  }
.Lfunc_end0:
.L_simem_size_0:
called_computation.2_lowered:
.L_overlay_start_0:
0x88: {  	s2 =	sld [smem:$0x3FD9]  }
0x89: {  	s3 =	sld [smem:$0x3FFE];
	_ =	sdelay $0x1  }
0x8a: {  	s1 =	srdreg.scid  }
0x8b: {  	s0 =	sand.u32 $0x1, s1  }
0x8c: {  	s17 =	sshll.u32 s0, $0xA;
	s2 =	sadd.s32 s3, s2  }
0x8d: {  	s2 =	sadd.s32 s2, s17  }
0x8e: {  	[smem:$0x3FBC] =	sst s2  }
0x8f: {  	_ = 	snop  }
0x90: {  	s2 =	sld [smem:$0x3FD0];
	(tm) =	ssettm $0x1  }
0x91: {  	s18 =	sld [smem:$0x3FFB];
	_ =	sdelay $0x3  }
0x92: {  	_ =	strace s18  }
0x93: {  	s3 =	sld [smem:$0x3FFC];
	_ =	sdelay $0x3  }
0x94: {  	_ =	strace s3  }
0x95: {  	s3 =	sld [smem:$0x3FFD];
	_ =	sdelay $0x3  }
0x96: {  	_ =	strace s3  }
0x97: {  	_ =	strace $0x8FFFFFFF  }
0x98: {  	s19 =	sld [smem:$0x3FDB];
	_ =	sdelay $0x1  }
0x99: {  	s4 =	simm.s32 $_scs_section_size  }
0x9a: {  	s5 =	simm.s32 $_size__tile_overlayer_lowered;
	s6 =	simm.s32 $_tile_overlayer_lowered  }
0x9b: {  	s22 =	simm.s32 $0x1BFF;
	s21 =	sshll.u32 s6, $0x1;
	s3 =	sadd.s32 s4, s19  }
0x9c: {  	s7 =	simm.s32 $0x0;
	s20 =	sshll.u32 s5, $0x1;
	s5 =	sadd.s32 s21, s3  }
0x9d: {  	[timem:s7], [sflag:s22] =	dma.local [hbm:s5], s20  }
0x9e: {  	_ =	swait.ge [sflag:s22], s20  }
0x9f: {  	s4 =	ssub.s32 $0x0, s20;
	[sflag:s22] =	ssyncset.done $0x0  }
0xa0: {  	[sflag:s22] =	ssyncadd.s32 s4;
	_ =	sdelay $0x1  }
0xa1: {  	s23 =	simm.s32 $0x1B8B  }
0xa2: {  	_ =	swait.ge [sflag:s23], $0x1  }
0xa3: {  	[sflag:s23] =	ssyncset.done $0x0  }
0xa4: {  	s25 =	simm.s32 $0x1B8E;
	s24 =	sld [smem:$0x3FFE];
	[sflag:s23] =	ssyncadd.s32 $0xFFFFFFFF  }
0xa5: {  	s26 =	simm.s32 $execute0_lowered;
	[smem:$0x3FD2] =	sst s25  }
0xa6: {  	s5 =	sshll.u32 s26, $0x1;
	_ =	strace $0x8000004C;
	[dreg:$0x1] =	wrdreg $0xFFFFFFFF  }
0xa7: {  	s28 =	simm.s32 $_size_execute0_lowered;
	s3 =	sadd.s32 s3, s5;
	[dreg:$0x0] =	wrdreg $0x0  }
0xa8: {  	s5 =	sshll.u32 s28, $0x1;
	[dreg:$0x2] =	wrdreg s3  }
0xa9: {  	[dreg:$0x3] =	wrdreg s5  }
0xaa: {  	[dreg:$0x4] =	wrdreg $0xC0  }
0xab: {  	_ =	task [dreg:s7], $0x5FFFF  }
0xac: {  	[dreg:$0x1] =	wrdreg $0xFFFFFFFF  }
0xad: {  	[dreg:$0x0] =	wrdreg $0x60  }
0xae: {  	[dreg:$0x2] =	wrdreg s2  }
0xaf: {  	[dreg:$0x3] =	wrdreg s24  }
0xb0: {  	[dreg:$0x4] =	wrdreg $0x82000  }
0xb1: {  	[dreg:$0x5] =	wrdreg $0x9  }
0xb2: {  	_ =	task.clear_ibuf [dreg:s7], $0x6FFFF;
	_ =	strace $0x9000004C  }
0xb3: {  	s29 =	simm.s32 $0x9;
	_ =	strace $0x8000004E  }
0xb4: {  	_ =	swait.ge [sflag:s29], $0x1  }
0xb5: {  	[sflag:s29] =	ssyncadd.s32 $0xFFFFFFFF  }
0xb6: {  	_ =	strace $0x9000004E  }
0xb7: {  	_ =	sfence  }
0xb8: {  	s30 =	sld [smem:$0x0];
	_ =	sdelay $0x2  }
0xb9: {  	s31 =	sshll.u32 s1, $0xD;
	s1 =	sshrl.u32 s1, $0x2  }
0xba: {  	s3 =	sand.u32 $0x4000, s31;
	s1 =	sadd.s32 s1, s30  }
0xbb: {  	s0 =	sor.u32 s3, s0;
	s1 =	sshll.u32 s1, $0x11  }
0xbc: {  	s0 =	sor.u32 s1, s0  }
0xbd: {  	s0 =	sadd.s32 $0x8F2B, s0  }
0xbe: {  	[sflag:s0] =	ssyncadd.remote.s32 $0x1  }
0xbf: {  	_ =	sfence.sel $0xFFFF  }
0xc0: {  	[dreg:$0x0] =	wrdreg $0xFFFFFFFF;
	(pc) =	sbr.abs _section_cstart, $3  }
0xc1: {  	[dreg:$0x1] =	wrdreg $0xFFFFFFFF  }
0xc2: {  	_ =	task.clear_ibuf [dreg:s7], $0x2FFFF;
	_ =	strace $0x9FFFFFFF  }
0xc3: {  	(tm) =	ssettm $0x7FFFFFFF  }
tec
execute0_lowered:
.L_overlay_start_1:
0x0: {  	(tag) =	ssettag $0x1  }
0x1: {  	s1 =	srdreg.scid  }
0x2: {  	s1 =	sand.u32 $0x1, s1  }
0x3: {  	p0 =	seq.s32 s1, $0x1  }
.Ltmp0:
0x4: {  	s3 =	rddreg [dreg:$0x0];
	(pc) =	sbr.rel @p0 .LBB2_5-.Ltmp0, $4  }
0x5: {  	s14 =	rddreg [dreg:$0x1]  }
0x6: {  	s2 =	rddreg [dreg:$0x2];
	s4 =	simm.s32 $0x0  }
0x7: {  	[smem:$0x7FF] =	sst s4  }
0x8: {  	s0 =	rddreg [dreg:$0x3];
	_ =	strace $0x8000004D;
	s1 =	stileid.u32  }
0x9: {  	s5 =	smul.u32 $0x4F000, s1  }
0xa: {  	s16 =	smul.u32 $0x2780, s1  }
0xb: {  	s6 =	sadd.s32 $0xEE00, s14;
	s5 =	sshrl.u32 s5, $0x2  }
0xc: {  	s26 =	sshll.u32 s1, $0x6;
	s8 =	sadd.s32 s6, s16;
	s7 =	sadd.s32 s5, s2  }
0xd: {  	s5 =	sor.u32 $0x1C07, s26;
	s6 =	sshrl.u32 s7, $0x3;
	s7 =	simm.s32 $0x7  }
0xe: {  	[spmem:s6], [sflag:s5] =	dma.local [hbm:s8], $0x2780  }
0xf: {  	s15 =	smul.u32 $0xA00, s1;
	_ =	swait.ge [sflag:s7], $0x2780  }
0x10: {  	s9 =	sadd.s32 $0x85600, s14;
	[sflag:s7] =	ssyncset.done $0x0  }
0x11: {  	s8 =	sadd.s32 s9, s15;
	[sflag:s7] =	ssyncadd.s32 $0xFFFFD880  }
0x12: {  	[tilespmem:s4], [sflag:$0x7] =	stream.linear.gather [hbm4b:s8+s4], $0x80, $0x38;
	[tilespmem:$0x1BE00] =	vst v63  }
0x13: {  	_ =	swait.ge [sflag:s7], $0x80  }
0x14: {  	s17 =	sor.u32 $0x10, s15;
	[sflag:s7] =	ssyncset.done $0x0  }
0x15: {  	s10 =	sadd.s32 s9, s17;
	s9 =	simm.s32 $0x80;
	[sflag:s7] =	ssyncadd.s32 $0xFFFFFF80  }
0x16: {  	[tilespmem:s9], [sflag:$0x7] =	stream.linear.gather [hbm4b:s10+s4], $0x80, $0x38;
	[tilespmem:$0x1BE00] =	vst v63  }
0x17: {  	_ =	swait.ge [sflag:s7], $0x80  }
0x18: {  	s11 =	sadd.s32 $0x4600, s14;
	[sflag:s7] =	ssyncset.done $0x0  }
0x19: {  	s18 =	simm.s32 $0x100;
	s10 =	sadd.s32 s11, s15;
	[sflag:s7] =	ssyncadd.s32 $0xFFFFFF80  }
0x1a: {  	[tilespmem:s18], [sflag:$0x7] =	stream.linear.gather [hbm4b:s10+s4], $0x80, $0x38;
	[tilespmem:$0x1BE00] =	vst v63  }
0x1b: {  	_ =	swait.ge [sflag:s7], $0x80  }
0x1c: {  	[sflag:s7] =	ssyncset.done $0x0  }
0x1d: {  	s12 =	sadd.s32 s11, s17;
	s11 =	simm.s32 $0x180;
	[sflag:s7] =	ssyncadd.s32 $0xFFFFFF80  }
0x1e: {  	[tilespmem:s11], [sflag:$0x7] =	stream.linear.gather [hbm4b:s12+s4], $0x80, $0x38;
	[tilespmem:$0x1BE00] =	vst v63  }
0x1f: {  	_ =	swait.ge [sflag:s7], $0x80  }
0x20: {  	[sflag:s7] =	ssyncset.done $0x0  }
0x21: {  	[sflag:s7] =	ssyncadd.s32 $0xFFFFFF80  }
0x22: {  	s19 =	simm.s32 $0x200;
	[bflag:$0x0] =	sbarrier.arrive $0xFFFF  }
0x23: {  	[tilespmem:s19], [sflag:$0x1] =	stream.indirect.gather [hbm4b:s3+s9], $0x80, s4, s9, $0xb8;
	[tilespmem:$0x1BE00] =	vst v63  }
0x24: {  	s13 =	simm.s32 $0x1;
	s12 =	simm.s32 $0x4200  }
0x25: {  	[tilespmem:s12], [sflag:$0x2] =	stream.indirect.gather [hbm4b:s3+s9], $0x80, s9, s9, $0xb8;
	[tilespmem:$0x1BE00] =	vst v63  }
0x26: {  	_ =	swait.ge [sflag:s13], $0x4000  }
0x27: {  	s20 =	sadd.s32 $0x85620, s14;
	[sflag:s13] =	ssyncset.done $0x0  }
0x28: {  	s21 =	sadd.s32 s15, s20;
	[sflag:s13] =	ssyncadd.s32 $0xFFFFC000  }
0x29: {  	[tilespmem:s4], [sflag:$0x3] =	stream.linear.gather [hbm4b:s21+s4], $0x80, $0x38;
	[tilespmem:$0x1BE00] =	vst v63  }
0x2a: {  	_ = 	snop  }
0x2b: {  	[spmem:s2] =	stream.indirect.scatter.add.f32 [tilespmem:s19], [sflag:$0x7], $0x80, s18, s9, $0xb8;
	[tilespmem:$0x1BE00] =	vst v63  }
0x2c: {  	_ =	swait.ge [sflag:s7], $0x4000  }
0x2d: {  	s28 =	sadd.s32 $0x4620, s14;
	[sflag:s7] =	ssyncset.done $0x0  }
0x2e: {  	s29 =	simm.s32 $0x3;
	s15 =	sadd.s32 s15, s28;
	[sflag:s7] =	ssyncadd.s32 $0xFFFFC000  }
0x2f: {  	[tilespmem:s18], [sflag:$0x5] =	stream.linear.gather [hbm4b:s15+s4], $0x80, $0x38;
	[tilespmem:$0x1BE00] =	vst v63  }
0x30: {  	_ =	swait.ge [sflag:s29], $0x80  }
0x31: {  	[sflag:s29] =	ssyncset.done $0x0  }
0x32: {  	s15 =	simm.s32 $0x2;
	[sflag:s29] =	ssyncadd.s32 $0xFFFFFF80  }
0x33: {  	[tilespmem:s19], [sflag:$0x1] =	stream.indirect.gather [hbm4b:s3+s9], $0x80, s4, s9, $0xb8;
	[tilespmem:$0x1BE00] =	vst v63  }
0x34: {  	_ =	swait.ge [sflag:s15], $0x4000  }
0x35: {  	[sflag:s15] =	ssyncset.done $0x0  }
0x36: {  	s30 =	sadd.s32 s20, s17;
	[sflag:s15] =	ssyncadd.s32 $0xFFFFC000  }
0x37: {  	[tilespmem:s9], [sflag:$0x4] =	stream.linear.gather [hbm4b:s30+s4], $0x80, $0x38;
	[tilespmem:$0x1BE00] =	vst v63  }
0x38: {  	_ = 	snop  }
0x39: {  	[spmem:s2] =	stream.indirect.scatter.add.f32 [tilespmem:s12], [sflag:$0x7], $0x80, s11, s9, $0xb8;
	[tilespmem:$0x1BE00] =	vst v63  }
0x3a: {  	_ =	swait.ge [sflag:s7], $0x4000  }
0x3b: {  	[sflag:s7] =	ssyncset.done $0x0  }
0x3c: {  	s17 =	sadd.s32 s28, s17;
	[sflag:s7] =	ssyncadd.s32 $0xFFFFC000  }
0x3d: {  	[tilespmem:s11], [sflag:$0x6] =	stream.linear.gather [hbm4b:s17+s4], $0x80, $0x38;
	[tilespmem:$0x1BE00] =	vst v63  }
0x3e: {  	s17 =	simm.s32 $0x4  }
0x3f: {  	_ =	swait.ge [sflag:s17], $0x80  }
0x40: {  	s31 =	sadd.s32 s16, s14;
	s16 =	simm.s32 $0xFFFFF640;
	[sflag:s17] =	ssyncset.done $0x0  }
0x41: {  	s14 =	sadd.s32 $0x5D800, s31;
	s18 =	simm.s32 $0x6;
	[sflag:s17] =	ssyncadd.s32 $0xFFFFFF80  }
0x42: {  	[tilespmem:s12], [sflag:$0x2] =	stream.indirect.gather [hbm4b:s3+s9], $0x80, s9, s9, $0xb8;
	[tilespmem:$0x1BE00] =	vst v63  }
.LBB2_2:
0x43: {  	_ =	swait.ge [sflag:s13], $0x4000  }
0x44: {  	p0 =	seq.s32 s16, $0x0;
	[sflag:s13] =	ssyncset.done $0x0  }
0x45: {  	s19 =	simm.s32 @p0 $0x5;
	[sflag:s13] =	ssyncadd.s32 $0xFFFFC000  }
0x46: {  	_ =	swait.ge @p0 [sflag:s19], $0x80  }
0x47: {  	s20 =	simm.s32 @p0 $0x100;
	[sflag:s19] =	ssyncset.done @p0 $0x0  }
0x48: {  	s21 =	simm.s32 @p0 $0x200;
	[sflag:s19] =	ssyncadd.s32 @p0 $0xFFFFFF80;
	s19 =	simm.s32 @p0 $0x80  }
0x49: {  	[spmem:s2] =	stream.indirect.scatter.add.f32 @p0 [tilespmem:s21], [sflag:$0x7], $0x80, s20, s19, $0xb8;
	[tilespmem:$0x1BE00] =	vst v63  }
0x4a: {  	s19 =	simm.s32 @p0 $0x7  }
0x4b: {  	_ =	swait.ge @p0 [sflag:s19], $0x4000  }
0x4c: {  	s20 =	sadd.s32 @!p0 s16, s8;
	[sflag:s19] =	ssyncset.done @p0 $0x0  }
0x4d: {  	[sflag:s19] =	ssyncadd.s32 @p0 $0xFFFFC000;
	s19 =	sadd.s32 @!p0 $0xA00, s20;
	s20 =	simm.s32 @!p0 $0x0  }
0x4e: {  	[tilespmem:s20], [sflag:$0x3] =	stream.linear.gather @!p0 [hbm4b:s19+s20], $0x80, $0x38;
	[tilespmem:$0x1BE00] =	vst v63  }
0x4f: {  	s19 =	simm.s32 @!p0 $0x5  }
0x50: {  	_ =	swait.ge @!p0 [sflag:s19], $0x80  }
0x51: {  	s22 =	simm.s32 @!p0 $0x200;
	s23 =	simm.s32 @!p0 $0x7;
	[sflag:s19] =	ssyncset.done @!p0 $0x0  }
0x52: {  	s21 =	simm.s32 @!p0 $0x100;
	[sflag:s19] =	ssyncadd.s32 @!p0 $0xFFFFFF80;
	s19 =	simm.s32 @!p0 $0x80  }
0x53: {  	[spmem:s2] =	stream.indirect.scatter.add.f32 @!p0 [tilespmem:s22], [sflag:$0x7], $0x80, s21, s19, $0xb8;
	[tilespmem:$0x1BE00] =	vst v63  }
0x54: {  	_ =	swait.ge @!p0 [sflag:s23], $0x4000  }
0x55: {  	s24 =	sadd.s32 @!p0 s16, s10;
	[sflag:s23] =	ssyncset.done @!p0 $0x0  }
0x56: {  	[sflag:s23] =	ssyncadd.s32 @!p0 $0xFFFFC000;
	s23 =	sadd.s32 @!p0 $0xA00, s24  }
0x57: {  	[tilespmem:s21], [sflag:$0x5] =	stream.linear.gather @!p0 [hbm4b:s23+s20], $0x80, $0x38;
	[tilespmem:$0x1BE00] =	vst v63  }
0x58: {  	s21 =	simm.s32 @!p0 $0x3  }
0x59: {  	_ =	swait.ge @!p0 [sflag:s21], $0x80  }
0x5a: {  	[sflag:s21] =	ssyncset.done @!p0 $0x0  }
.Ltmp1:
0x5b: {  	[sflag:s21] =	ssyncadd.s32 @!p0 $0xFFFFFF80;
	(pc) =	sbr.rel @p0 .LBB2_4-.Ltmp1, $4  }
0x5c: {  	[tilespmem:s22], [sflag:$0x1] =	stream.indirect.gather @!p0 [hbm4b:s3+s19], $0x80, s20, s19, $0xb8;
	[tilespmem:$0x1BE00] =	vst v63  }
0x5d: {  	_ =	swait.ge [sflag:s15], $0x4000  }
0x5e: {  	[sflag:s15] =	ssyncset.done $0x0  }
0x5f: {  	[sflag:s15] =	ssyncadd.s32 $0xFFFFC000  }
0x60: {  	s19 =	sadd.s32 s16, s8  }
0x61: {  	s19 =	sadd.s32 $0xA10, s19  }
0x62: {  	[tilespmem:s9], [sflag:$0x4] =	stream.linear.gather [hbm4b:s19+s4], $0x80, $0x38;
	[tilespmem:$0x1BE00] =	vst v63  }
0x63: {  	_ =	swait.ge [sflag:s18], $0x80  }
0x64: {  	[sflag:s18] =	ssyncset.done $0x0  }
0x65: {  	[sflag:s18] =	ssyncadd.s32 $0xFFFFFF80  }
0x66: {  	[spmem:s2] =	stream.indirect.scatter.add.f32 [tilespmem:s12], [sflag:$0x7], $0x80, s11, s9, $0xb8;
	[tilespmem:$0x1BE00] =	vst v63  }
0x67: {  	_ =	swait.ge [sflag:s7], $0x4000  }
0x68: {  	s31 =	sadd.s32 s16, s10;
	[sflag:s7] =	ssyncset.done $0x0  }
0x69: {  	s19 =	sadd.s32 $0xA10, s31;
	[sflag:s7] =	ssyncadd.s32 $0xFFFFC000  }
0x6a: {  	[tilespmem:s11], [sflag:$0x6] =	stream.linear.gather [hbm4b:s19+s4], $0x80, $0x38;
	[tilespmem:$0x1BE00] =	vst v63  }
.Ltmp2:
0x6b: {  	_ = 	snop;
	(pc) =	sbr.rel .LBB2_2-.Ltmp2, $4  }
0x6c: {  	_ =	swait.ge [sflag:s17], $0x80  }
0x6d: {  	[sflag:s17] =	ssyncset.done $0x0  }
0x6e: {  	s16 =	sadd.s32 $0x20, s16;
	[sflag:s17] =	ssyncadd.s32 $0xFFFFFF80  }
0x6f: {  	[tilespmem:s12], [sflag:$0x2] =	stream.indirect.gather [hbm4b:s3+s9], $0x80, s9, s9, $0xb8;
	[tilespmem:$0x1BE00] =	vst v63  }
.LBB2_4:
0x70: {  	s3 =	simm.s32 $0x6  }
0x71: {  	_ =	swait.ge [sflag:s3], $0x80  }
0x72: {  	s30 =	simm.s32 $0x80;
	s4 =	simm.s32 $0x180;
	[sflag:s3] =	ssyncset.done $0x0  }
0x73: {  	s7 =	simm.s32 $0x4200;
	s31 =	simm.s32 $0x7;
	[sflag:s3] =	ssyncadd.s32 $0xFFFFFF80  }
0x74: {  	[spmem:s2] =	stream.indirect.scatter.add.f32 [tilespmem:s7], [sflag:$0x7], $0x80, s4, s30, $0xb8;
	[tilespmem:$0x1BE00] =	vst v63  }
0x75: {  	_ =	swait.ge [sflag:s31], $0x4000  }
0x76: {  	[sflag:s31] =	ssyncset.done $0x0  }
0x77: {  	[sflag:s31] =	ssyncadd.s32 $0xFFFFC000  }
0x78: {  	[bflag:$0x0] =	sbarrier.arrive $0xFFFF  }
0x79: {  	[hbm:s14], [sflag:s5] =	dma.local [spmem:s6], $0x2780  }
0x7a: {  	_ =	swait.ge [sflag:s31], $0x2780  }
0x7b: {  	[sflag:s31] =	ssyncset.done $0x0  }
0x7c: {  	[sflag:s31] =	ssyncadd.s32 $0xFFFFD880  }
.LBB2_5:
0x7d: {  	_ =	sfence.sel $0x180000  }
0x7e: {  	[bflag:$0x0] =	sbarrier.arrive $0xFFFF  }
0x7f: {  	p0 =	sne.s32 s1, $0x0;
	_ =	strace $0x9000004D  }
0x80: {  	s0 =	sadd.s32 @!p0 $0x100000, s0;
	[bflag:$0x2] =	sbarrier.arrive $0xFFFF  }
0x81: {  	[sflag:s0] =	ssyncadd.tile.s32 @!p0 $0x1;
	_ =	shalt  }
.Lfunc_end2:
_tile_overlayer_lowered:
.L_overlay_start_2:
0x82: {  	(tag) =	ssettag $0x2  }
0x83: {  	s0 =	rddreg [dreg:$0x0];
	s2 =	stileid.u32  }
0x84: {  	s1 =	rddreg [dreg:$0x1];
	p0 =	sne.s32 s2, $0x0  }
0x85: {  	s3 =	rddreg [dreg:$0x2];
	[bflag:$0x3] =	sbarrier.arrive $0xFFFF;
	s2 =	simm.s32 @!p0 $0x1C07  }
0x86: {  	[timem:s3], [sflag:s2] =	dma.local @!p0 [hbm:s0], s1  }
0x87: {  	s0 =	simm.s32 @!p0 $0x7  }
0x88: {  	_ =	swait.ge @!p0 [sflag:s0], s1  }
0x89: {  	s1 =	ssub.s32 @!p0 $0x0, s1;
	[sflag:s0] =	ssyncset.done @!p0 $0x0  }
0x8a: {  	[sflag:s0] =	ssyncadd.s32 @!p0 s1  }
0x8b: {  	[bflag:$0x3] =	sbarrier.arrive $0xFFFF  }
0x8c: {  	_ =	shalt  }

// kernel: kernel.21.cloned.1.call-start
scs
__scs_entry_jumppad:
0x0: {  	(pc) =	sbr.rel $0x88, $3  }
0x1: {  	(tag) =	ssettag $0x0;
	lr =	simm.s32 $0x1  }
0x2: {  	[smem:$0x3F95] =	sst lr;
	_ =	strace $0xD0000000  }
0x3: {  	_ = 	snop  }
0x4: {  	_ = 	snop  }
0x5: {  	_ = 	snop  }
0x6: {  	_ = 	snop  }
0x7: {  	_ = 	snop  }
__scs_overlays_trampoline_lowered:
0x8: {  	[smem:$0x3FA4] =	sst s0  }
0x9: {  	[smem:$0x3FA5] =	sst s1  }
0xa: {  	[smem:$0x3FA6] =	sst s2  }
0xb: {  	[smem:$0x3FA7] =	sst s3  }
0xc: {  	[smem:$0x3FA8] =	sst s4  }
0xd: {  	[smem:$0x3FA9] =	sst s5  }
0xe: {  	[smem:$0x3FAA] =	sst s6  }
0xf: {  	[smem:$0x3FAB] =	sst s7  }
0x10: {  	[smem:$0x3FAC] =	sst s8  }
0x11: {  	[smem:$0x3FAD] =	sst s9;
	s0 =	simm.s32 @!p0 $0x0  }
0x12: {  	s1 =	sld [smem:$0x3F93];
	s0 =	simm.s32 @p0 $0x1  }
0x13: {  	[smem:$0x3FAE] =	sst s0;
	s0 =	simm.s32 @!p1 $0x0  }
0x14: {  	s2 =	sld [smem:$0x3F92];
	s0 =	simm.s32 @p1 $0x1  }
0x15: {  	[smem:$0x3FAF] =	sst s0;
	s0 =	simm.s32 @!p2 $0x0  }
0x16: {  	s3 =	sld [smem:$0x3FDB];
	s0 =	simm.s32 @p2 $0x1  }
0x17: {  	s4 =	simm.s32 $0x1BF5;
	[smem:$0x3FB1] =	sst s0  }
0x18: {  	s0 =	sld [smem:$0x3F94];
	_ =	swait.ge [sflag:s4], $0x0  }
0x19: {  	s7 =	sld [smem:$0x3F95]  }
0x1a: {  	s8 =	sadd.s32 $0xFFFFE003, lr  }
0x1b: {  	s9 =	sadd.s32 $0xFFFFFEF7, lr;
	s5 =	simm.s32 $0xFFFFFFFF;
	p2 =	slt.u32 s8, $0xFFFFF086  }
0x1c: {  	p1 =	slt.u32 s9, $0xF7A;
	s5 =	simm.s32 @!p2 $0x0  }
0x1d: {  	s5 =	simm.s32 @p1 $0x1;
	p0 =	seq.s32 s7, s2  }
0x1e: {  	s7 =	smul.u32 @!p0 $0xF7A, s2;
	p2 =	seq.s32 @!p0 s5, $0x0  }
0x1f: {  	s9 =	smul.u32 $0xF7A, s1;
	s8 =	simm.s32 @!p0 $0x1BF5;
	p2 =	por !p2, p0  }
0x20: {  	[sflag:s8] =	ssyncset.s32 @!p0 $0xFFFFF086;
	s6 =	sadd.s32 @!p0 s3, s7;
	s7 =	simm.s32 @!p0 $0x108  }
0x21: {  	s3 =	sadd.s32 s3, s9;
	s6 =	sadd.s32 @!p0 $0x88, s6;
	s7 =	simm.s32 @p2 $0x1082  }
0x22: {  	[simem:s7], [sflag:s8] =	dma.local @!p0 [hbm:s6], $0xF7A  }
0x23: {  	s9 =	sor.u32 $0xD0000000, s2;
	s6 =	simm.s32 $0x108;
	_ =	swait.ge @!p0 [sflag:s8], $0x0  }
0x24: {  	s3 =	sadd.s32 $0x88, s3;
	s6 =	simm.s32 @!p1 $0x1082;
	[sflag:s4] =	ssyncset.s32 $0xFFFFF086  }
0x25: {  	[simem:s6], [sflag:s4] =	dma.local [hbm:s3], $0xF7A  }
0x26: {  	[smem:$0x3F95] =	sst s1;
	(tag) =	ssettag s2;
	_ =	strace s9  }
0x27: {  	s1 =	sld [smem:$0x3FA5]  }
0x28: {  	s2 =	sld [smem:$0x3FA6]  }
0x29: {  	s4 =	sld [smem:$0x3FA8]  }
0x2a: {  	p0 =	seq.s32 s5, $0x0;
	s5 =	sld [smem:$0x3FA9]  }
0x2b: {  	s6 =	sld [smem:$0x3FAA]  }
0x2c: {  	s7 =	sld [smem:$0x3FAB]  }
0x2d: {  	s3 =	simm.s32 $0x108;
	s8 =	sld [smem:$0x3FAC]  }
0x2e: {  	s3 =	simm.s32 @!p0 $0x1082;
	s9 =	sld [smem:$0x3FAD]  }
0x2f: {  	lr =	sadd.s32 s0, s3;
	s0 =	sld [smem:$0x3FA4]  }
0x30: {  	s3 =	sld [smem:$0x3FA7]  }
0x31: {  	[smem:$0x3FB0] =	sst s10  }
0x32: {  	s10 =	sld [smem:$0x3FAE];
	_ =	sdelay $0x3  }
0x33: {  	p0 =	seq.s32 s10, $0x1;
	s10 =	sld [smem:$0x3FB0];
	_ =	sdelay $0x3  }
0x34: {  	[smem:$0x3FB0] =	sst s10  }
0x35: {  	s10 =	sld [smem:$0x3FAF];
	_ =	sdelay $0x3  }
0x36: {  	p1 =	seq.s32 s10, $0x1;
	s10 =	sld [smem:$0x3FB0];
	_ =	sdelay $0x3  }
0x37: {  	[smem:$0x3FB0] =	sst s10  }
0x38: {  	s10 =	sld [smem:$0x3FB1]  }
0x39: {  	_ = 	snop;
	(pc) =	sbr.ind lr, $3  }
0x3a: {  	_ = 	snop  }
0x3b: {  	_ = 	snop  }
0x3c: {  	p2 =	seq.s32 s10, $0x1;
	s10 =	sld [smem:$0x3FB0]  }
0x3d: {  	_ =	shalt  }
0x3e: {  	_ =	shalt  }
0x3f: {  	_ =	shalt  }
0x40: {  	_ =	shalt  }
0x41: {  	_ =	shalt  }
0x42: {  	_ =	shalt  }
0x43: {  	_ =	shalt  }
0x44: {  	_ =	shalt  }
0x45: {  	_ =	shalt  }
0x46: {  	_ =	shalt  }
0x47: {  	_ =	shalt  }
0x48: {  	_ =	shalt  }
0x49: {  	_ =	shalt  }
0x4a: {  	_ =	shalt  }
0x4b: {  	_ =	shalt  }
0x4c: {  	_ =	shalt  }
0x4d: {  	_ =	shalt  }
0x4e: {  	_ =	shalt  }
0x4f: {  	_ =	shalt  }
0x50: {  	_ =	shalt  }
0x51: {  	_ =	shalt  }
0x52: {  	_ =	shalt  }
0x53: {  	_ =	shalt  }
0x54: {  	_ =	shalt  }
0x55: {  	_ =	shalt  }
0x56: {  	_ =	shalt  }
0x57: {  	_ =	shalt  }
0x58: {  	_ =	shalt  }
0x59: {  	_ =	shalt  }
0x5a: {  	_ =	shalt  }
0x5b: {  	_ =	shalt  }
0x5c: {  	_ =	shalt  }
0x5d: {  	_ =	shalt  }
0x5e: {  	_ =	shalt  }
0x5f: {  	_ =	shalt  }
0x60: {  	_ =	shalt  }
0x61: {  	_ =	shalt  }
0x62: {  	_ =	shalt  }
0x63: {  	_ =	shalt  }
0x64: {  	_ =	shalt  }
0x65: {  	_ =	shalt  }
0x66: {  	_ =	shalt  }
0x67: {  	_ =	shalt  }
0x68: {  	_ =	shalt  }
0x69: {  	_ =	shalt  }
0x6a: {  	_ =	shalt  }
0x6b: {  	_ =	shalt  }
0x6c: {  	_ =	shalt  }
0x6d: {  	_ =	shalt  }
0x6e: {  	_ =	shalt  }
0x6f: {  	_ =	shalt  }
0x70: {  	_ =	shalt  }
0x71: {  	_ =	shalt  }
0x72: {  	_ =	shalt  }
0x73: {  	_ =	shalt  }
0x74: {  	_ =	shalt  }
0x75: {  	_ =	shalt  }
0x76: {  	_ =	shalt  }
0x77: {  	_ =	shalt  }
0x78: {  	_ =	shalt  }
0x79: {  	_ =	shalt  }
0x7a: {  	_ =	shalt  }
0x7b: {  	_ =	shalt  }
0x7c: {  	_ =	shalt  }
0x7d: {  	_ =	shalt  }
0x7e: {  	_ =	shalt  }
0x7f: {  	_ =	shalt  }
0x80: {  	_ =	shalt  }
0x81: {  	_ =	shalt  }
0x82: {  	_ =	shalt  }
0x83: {  	_ =	shalt  }
0x84: {  	_ =	shalt  }
0x85: {  	_ =	shalt  }
0x86: {  	_ =	shalt  }
0x87: {  	_ =	shalt  }
.Lfunc_end0:
.L_simem_size_0:
called_computation.3_lowered:
.L_overlay_start_0:
0x88: {  	s2 =	sld [smem:$0x3FD9]  }
0x89: {  	s3 =	sld [smem:$0x3FFE];
	_ =	sdelay $0x1  }
0x8a: {  	s1 =	srdreg.scid  }
0x8b: {  	s0 =	sand.u32 $0x1, s1  }
0x8c: {  	s17 =	sshll.u32 s0, $0xA;
	s2 =	sadd.s32 s3, s2  }
0x8d: {  	s2 =	sadd.s32 s2, s17  }
0x8e: {  	[smem:$0x3FBC] =	sst s2  }
0x8f: {  	_ = 	snop  }
0x90: {  	s2 =	sld [smem:$0x3FD0];
	(tm) =	ssettm $0x1  }
0x91: {  	s18 =	sld [smem:$0x3FFB];
	_ =	sdelay $0x3  }
0x92: {  	_ =	strace s18  }
0x93: {  	s3 =	sld [smem:$0x3FFC];
	_ =	sdelay $0x3  }
0x94: {  	_ =	strace s3  }
0x95: {  	s3 =	sld [smem:$0x3FFD];
	_ =	sdelay $0x3  }
0x96: {  	_ =	strace s3  }
0x97: {  	_ =	strace $0x8FFFFFFF  }
0x98: {  	s19 =	sld [smem:$0x3FDB];
	_ =	sdelay $0x1  }
0x99: {  	s4 =	simm.s32 $_scs_section_size  }
0x9a: {  	s5 =	simm.s32 $_size__tile_overlayer_lowered;
	s6 =	simm.s32 $_tile_overlayer_lowered  }
0x9b: {  	s22 =	simm.s32 $0x1BFF;
	s21 =	sshll.u32 s6, $0x1;
	s3 =	sadd.s32 s4, s19  }
0x9c: {  	s7 =	simm.s32 $0x0;
	s20 =	sshll.u32 s5, $0x1;
	s5 =	sadd.s32 s21, s3  }
0x9d: {  	[timem:s7], [sflag:s22] =	dma.local [hbm:s5], s20  }
0x9e: {  	_ =	swait.ge [sflag:s22], s20  }
0x9f: {  	s4 =	ssub.s32 $0x0, s20;
	[sflag:s22] =	ssyncset.done $0x0  }
0xa0: {  	[sflag:s22] =	ssyncadd.s32 s4;
	_ =	sdelay $0x1  }
0xa1: {  	s23 =	simm.s32 $0x1B8B  }
0xa2: {  	_ =	swait.ge [sflag:s23], $0x1  }
0xa3: {  	[sflag:s23] =	ssyncset.done $0x0  }
0xa4: {  	s25 =	simm.s32 $0x1B8E;
	s24 =	sld [smem:$0x3FFE];
	[sflag:s23] =	ssyncadd.s32 $0xFFFFFFFF  }
0xa5: {  	s26 =	simm.s32 $execute0_lowered;
	[smem:$0x3FD2] =	sst s25  }
0xa6: {  	s5 =	sshll.u32 s26, $0x1;
	_ =	strace $0x8000004F;
	[dreg:$0x1] =	wrdreg $0xFFFFFFFF  }
0xa7: {  	s28 =	simm.s32 $_size_execute0_lowered;
	s3 =	sadd.s32 s3, s5;
	[dreg:$0x0] =	wrdreg $0x0  }
0xa8: {  	s5 =	sshll.u32 s28, $0x1;
	[dreg:$0x2] =	wrdreg s3  }
0xa9: {  	[dreg:$0x3] =	wrdreg s5  }
0xaa: {  	[dreg:$0x4] =	wrdreg $0xC0  }
0xab: {  	_ =	task [dreg:s7], $0x5FFFF  }
0xac: {  	[dreg:$0x1] =	wrdreg $0xFFFFFFFF  }
0xad: {  	[dreg:$0x0] =	wrdreg $0x60  }
0xae: {  	[dreg:$0x2] =	wrdreg s2  }
0xaf: {  	[dreg:$0x3] =	wrdreg s24  }
0xb0: {  	[dreg:$0x4] =	wrdreg $0x82000  }
0xb1: {  	[dreg:$0x5] =	wrdreg $0x9  }
0xb2: {  	_ =	task.clear_ibuf [dreg:s7], $0x6FFFF;
	_ =	strace $0x9000004F  }
0xb3: {  	s29 =	simm.s32 $0x9;
	_ =	strace $0x80000051  }
0xb4: {  	_ =	swait.ge [sflag:s29], $0x1  }
0xb5: {  	[sflag:s29] =	ssyncadd.s32 $0xFFFFFFFF  }
0xb6: {  	_ =	strace $0x90000051  }
0xb7: {  	_ =	sfence  }
0xb8: {  	s30 =	sld [smem:$0x0];
	_ =	sdelay $0x2  }
0xb9: {  	s31 =	sshll.u32 s1, $0xD;
	s1 =	sshrl.u32 s1, $0x2  }
0xba: {  	s3 =	sand.u32 $0x4000, s31;
	s1 =	sadd.s32 s1, s30  }
0xbb: {  	s0 =	sor.u32 s3, s0;
	s1 =	sshll.u32 s1, $0x11  }
0xbc: {  	s0 =	sor.u32 s1, s0  }
0xbd: {  	s0 =	sadd.s32 $0x8F2B, s0  }
0xbe: {  	[sflag:s0] =	ssyncadd.remote.s32 $0x1  }
0xbf: {  	_ =	sfence.sel $0xFFFF  }
0xc0: {  	[dreg:$0x0] =	wrdreg $0xFFFFFFFF;
	(pc) =	sbr.abs _section_cstart, $3  }
0xc1: {  	[dreg:$0x1] =	wrdreg $0xFFFFFFFF  }
0xc2: {  	_ =	task.clear_ibuf [dreg:s7], $0x2FFFF;
	_ =	strace $0x9FFFFFFF  }
0xc3: {  	(tm) =	ssettm $0x7FFFFFFF  }
tec
execute0_lowered:
.L_overlay_start_1:
0x0: {  	(tag) =	ssettag $0x1  }
0x1: {  	s1 =	srdreg.scid  }
0x2: {  	s1 =	sand.u32 $0x1, s1  }
0x3: {  	p0 =	seq.s32 s1, $0x1  }
.Ltmp0:
0x4: {  	s3 =	rddreg [dreg:$0x0];
	(pc) =	sbr.rel @p0 .LBB2_5-.Ltmp0, $4  }
0x5: {  	s14 =	rddreg [dreg:$0x1]  }
0x6: {  	s2 =	rddreg [dreg:$0x2];
	s4 =	simm.s32 $0x0  }
0x7: {  	[smem:$0x7FF] =	sst s4  }
0x8: {  	s0 =	rddreg [dreg:$0x3];
	_ =	strace $0x80000050;
	s1 =	stileid.u32  }
0x9: {  	s5 =	smul.u32 $0x4F000, s1  }
0xa: {  	s16 =	smul.u32 $0x2780, s1  }
0xb: {  	s6 =	sadd.s32 $0xEE00, s14;
	s5 =	sshrl.u32 s5, $0x2  }
0xc: {  	s26 =	sshll.u32 s1, $0x6;
	s8 =	sadd.s32 s6, s16;
	s7 =	sadd.s32 s5, s2  }
0xd: {  	s5 =	sor.u32 $0x1C07, s26;
	s6 =	sshrl.u32 s7, $0x3;
	s7 =	simm.s32 $0x7  }
0xe: {  	[spmem:s6], [sflag:s5] =	dma.local [hbm:s8], $0x2780  }
0xf: {  	s15 =	smul.u32 $0xA00, s1;
	_ =	swait.ge [sflag:s7], $0x2780  }
0x10: {  	s9 =	sadd.s32 $0x85600, s14;
	[sflag:s7] =	ssyncset.done $0x0  }
0x11: {  	s8 =	sadd.s32 s9, s15;
	[sflag:s7] =	ssyncadd.s32 $0xFFFFD880  }
0x12: {  	[tilespmem:s4], [sflag:$0x7] =	stream.linear.gather [hbm4b:s8+s4], $0x80, $0x38;
	[tilespmem:$0x1BE00] =	vst v63  }
0x13: {  	_ =	swait.ge [sflag:s7], $0x80  }
0x14: {  	s17 =	sor.u32 $0x10, s15;
	[sflag:s7] =	ssyncset.done $0x0  }
0x15: {  	s10 =	sadd.s32 s9, s17;
	s9 =	simm.s32 $0x80;
	[sflag:s7] =	ssyncadd.s32 $0xFFFFFF80  }
0x16: {  	[tilespmem:s9], [sflag:$0x7] =	stream.linear.gather [hbm4b:s10+s4], $0x80, $0x38;
	[tilespmem:$0x1BE00] =	vst v63  }
0x17: {  	_ =	swait.ge [sflag:s7], $0x80  }
0x18: {  	s11 =	sadd.s32 $0x4600, s14;
	[sflag:s7] =	ssyncset.done $0x0  }
0x19: {  	s18 =	simm.s32 $0x100;
	s10 =	sadd.s32 s11, s15;
	[sflag:s7] =	ssyncadd.s32 $0xFFFFFF80  }
0x1a: {  	[tilespmem:s18], [sflag:$0x7] =	stream.linear.gather [hbm4b:s10+s4], $0x80, $0x38;
	[tilespmem:$0x1BE00] =	vst v63  }
0x1b: {  	_ =	swait.ge [sflag:s7], $0x80  }
0x1c: {  	[sflag:s7] =	ssyncset.done $0x0  }
0x1d: {  	s12 =	sadd.s32 s11, s17;
	s11 =	simm.s32 $0x180;
	[sflag:s7] =	ssyncadd.s32 $0xFFFFFF80  }
0x1e: {  	[tilespmem:s11], [sflag:$0x7] =	stream.linear.gather [hbm4b:s12+s4], $0x80, $0x38;
	[tilespmem:$0x1BE00] =	vst v63  }
0x1f: {  	_ =	swait.ge [sflag:s7], $0x80  }
0x20: {  	[sflag:s7] =	ssyncset.done $0x0  }
0x21: {  	[sflag:s7] =	ssyncadd.s32 $0xFFFFFF80  }
0x22: {  	s19 =	simm.s32 $0x200;
	[bflag:$0x0] =	sbarrier.arrive $0xFFFF  }
0x23: {  	[tilespmem:s19], [sflag:$0x1] =	stream.indirect.gather [hbm4b:s3+s9], $0x80, s4, s9, $0xb8;
	[tilespmem:$0x1BE00] =	vst v63  }
0x24: {  	s13 =	simm.s32 $0x1;
	s12 =	simm.s32 $0x4200  }
0x25: {  	[tilespmem:s12], [sflag:$0x2] =	stream.indirect.gather [hbm4b:s3+s9], $0x80, s9, s9, $0xb8;
	[tilespmem:$0x1BE00] =	vst v63  }
0x26: {  	_ =	swait.ge [sflag:s13], $0x4000  }
0x27: {  	s20 =	sadd.s32 $0x85620, s14;
	[sflag:s13] =	ssyncset.done $0x0  }
0x28: {  	s21 =	sadd.s32 s15, s20;
	[sflag:s13] =	ssyncadd.s32 $0xFFFFC000  }
0x29: {  	[tilespmem:s4], [sflag:$0x3] =	stream.linear.gather [hbm4b:s21+s4], $0x80, $0x38;
	[tilespmem:$0x1BE00] =	vst v63  }
0x2a: {  	_ = 	snop  }
0x2b: {  	[spmem:s2] =	stream.indirect.scatter.add.f32 [tilespmem:s19], [sflag:$0x7], $0x80, s18, s9, $0xb8;
	[tilespmem:$0x1BE00] =	vst v63  }
0x2c: {  	_ =	swait.ge [sflag:s7], $0x4000  }
0x2d: {  	s28 =	sadd.s32 $0x4620, s14;
	[sflag:s7] =	ssyncset.done $0x0  }
0x2e: {  	s29 =	simm.s32 $0x3;
	s15 =	sadd.s32 s15, s28;
	[sflag:s7] =	ssyncadd.s32 $0xFFFFC000  }
0x2f: {  	[tilespmem:s18], [sflag:$0x5] =	stream.linear.gather [hbm4b:s15+s4], $0x80, $0x38;
	[tilespmem:$0x1BE00] =	vst v63  }
0x30: {  	_ =	swait.ge [sflag:s29], $0x80  }
0x31: {  	[sflag:s29] =	ssyncset.done $0x0  }
0x32: {  	s15 =	simm.s32 $0x2;
	[sflag:s29] =	ssyncadd.s32 $0xFFFFFF80  }
0x33: {  	[tilespmem:s19], [sflag:$0x1] =	stream.indirect.gather [hbm4b:s3+s9], $0x80, s4, s9, $0xb8;
	[tilespmem:$0x1BE00] =	vst v63  }
0x34: {  	_ =	swait.ge [sflag:s15], $0x4000  }
0x35: {  	[sflag:s15] =	ssyncset.done $0x0  }
0x36: {  	s30 =	sadd.s32 s20, s17;
	[sflag:s15] =	ssyncadd.s32 $0xFFFFC000  }
0x37: {  	[tilespmem:s9], [sflag:$0x4] =	stream.linear.gather [hbm4b:s30+s4], $0x80, $0x38;
	[tilespmem:$0x1BE00] =	vst v63  }
0x38: {  	_ = 	snop  }
0x39: {  	[spmem:s2] =	stream.indirect.scatter.add.f32 [tilespmem:s12], [sflag:$0x7], $0x80, s11, s9, $0xb8;
	[tilespmem:$0x1BE00] =	vst v63  }
0x3a: {  	_ =	swait.ge [sflag:s7], $0x4000  }
0x3b: {  	[sflag:s7] =	ssyncset.done $0x0  }
0x3c: {  	s17 =	sadd.s32 s28, s17;
	[sflag:s7] =	ssyncadd.s32 $0xFFFFC000  }
0x3d: {  	[tilespmem:s11], [sflag:$0x6] =	stream.linear.gather [hbm4b:s17+s4], $0x80, $0x38;
	[tilespmem:$0x1BE00] =	vst v63  }
0x3e: {  	s17 =	simm.s32 $0x4  }
0x3f: {  	_ =	swait.ge [sflag:s17], $0x80  }
0x40: {  	s31 =	sadd.s32 s16, s14;
	s16 =	simm.s32 $0xFFFFF640;
	[sflag:s17] =	ssyncset.done $0x0  }
0x41: {  	s14 =	sadd.s32 $0x5D800, s31;
	s18 =	simm.s32 $0x6;
	[sflag:s17] =	ssyncadd.s32 $0xFFFFFF80  }
0x42: {  	[tilespmem:s12], [sflag:$0x2] =	stream.indirect.gather [hbm4b:s3+s9], $0x80, s9, s9, $0xb8;
	[tilespmem:$0x1BE00] =	vst v63  }
.LBB2_2:
0x43: {  	_ =	swait.ge [sflag:s13], $0x4000  }
0x44: {  	p0 =	seq.s32 s16, $0x0;
	[sflag:s13] =	ssyncset.done $0x0  }
0x45: {  	s19 =	simm.s32 @p0 $0x5;
	[sflag:s13] =	ssyncadd.s32 $0xFFFFC000  }
0x46: {  	_ =	swait.ge @p0 [sflag:s19], $0x80  }
0x47: {  	s20 =	simm.s32 @p0 $0x100;
	[sflag:s19] =	ssyncset.done @p0 $0x0  }
0x48: {  	s21 =	simm.s32 @p0 $0x200;
	[sflag:s19] =	ssyncadd.s32 @p0 $0xFFFFFF80;
	s19 =	simm.s32 @p0 $0x80  }
0x49: {  	[spmem:s2] =	stream.indirect.scatter.add.f32 @p0 [tilespmem:s21], [sflag:$0x7], $0x80, s20, s19, $0xb8;
	[tilespmem:$0x1BE00] =	vst v63  }
0x4a: {  	s19 =	simm.s32 @p0 $0x7  }
0x4b: {  	_ =	swait.ge @p0 [sflag:s19], $0x4000  }
0x4c: {  	s20 =	sadd.s32 @!p0 s16, s8;
	[sflag:s19] =	ssyncset.done @p0 $0x0  }
0x4d: {  	[sflag:s19] =	ssyncadd.s32 @p0 $0xFFFFC000;
	s19 =	sadd.s32 @!p0 $0xA00, s20;
	s20 =	simm.s32 @!p0 $0x0  }
0x4e: {  	[tilespmem:s20], [sflag:$0x3] =	stream.linear.gather @!p0 [hbm4b:s19+s20], $0x80, $0x38;
	[tilespmem:$0x1BE00] =	vst v63  }
0x4f: {  	s19 =	simm.s32 @!p0 $0x5  }
0x50: {  	_ =	swait.ge @!p0 [sflag:s19], $0x80  }
0x51: {  	s22 =	simm.s32 @!p0 $0x200;
	s23 =	simm.s32 @!p0 $0x7;
	[sflag:s19] =	ssyncset.done @!p0 $0x0  }
0x52: {  	s21 =	simm.s32 @!p0 $0x100;
	[sflag:s19] =	ssyncadd.s32 @!p0 $0xFFFFFF80;
	s19 =	simm.s32 @!p0 $0x80  }
0x53: {  	[spmem:s2] =	stream.indirect.scatter.add.f32 @!p0 [tilespmem:s22], [sflag:$0x7], $0x80, s21, s19, $0xb8;
	[tilespmem:$0x1BE00] =	vst v63  }
0x54: {  	_ =	swait.ge @!p0 [sflag:s23], $0x4000  }
0x55: {  	s24 =	sadd.s32 @!p0 s16, s10;
	[sflag:s23] =	ssyncset.done @!p0 $0x0  }
0x56: {  	[sflag:s23] =	ssyncadd.s32 @!p0 $0xFFFFC000;
	s23 =	sadd.s32 @!p0 $0xA00, s24  }
0x57: {  	[tilespmem:s21], [sflag:$0x5] =	stream.linear.gather @!p0 [hbm4b:s23+s20], $0x80, $0x38;
	[tilespmem:$0x1BE00] =	vst v63  }
0x58: {  	s21 =	simm.s32 @!p0 $0x3  }
0x59: {  	_ =	swait.ge @!p0 [sflag:s21], $0x80  }
0x5a: {  	[sflag:s21] =	ssyncset.done @!p0 $0x0  }
.Ltmp1:
0x5b: {  	[sflag:s21] =	ssyncadd.s32 @!p0 $0xFFFFFF80;
	(pc) =	sbr.rel @p0 .LBB2_4-.Ltmp1, $4  }
0x5c: {  	[tilespmem:s22], [sflag:$0x1] =	stream.indirect.gather @!p0 [hbm4b:s3+s19], $0x80, s20, s19, $0xb8;
	[tilespmem:$0x1BE00] =	vst v63  }
0x5d: {  	_ =	swait.ge [sflag:s15], $0x4000  }
0x5e: {  	[sflag:s15] =	ssyncset.done $0x0  }
0x5f: {  	[sflag:s15] =	ssyncadd.s32 $0xFFFFC000  }
0x60: {  	s19 =	sadd.s32 s16, s8  }
0x61: {  	s19 =	sadd.s32 $0xA10, s19  }
0x62: {  	[tilespmem:s9], [sflag:$0x4] =	stream.linear.gather [hbm4b:s19+s4], $0x80, $0x38;
	[tilespmem:$0x1BE00] =	vst v63  }
0x63: {  	_ =	swait.ge [sflag:s18], $0x80  }
0x64: {  	[sflag:s18] =	ssyncset.done $0x0  }
0x65: {  	[sflag:s18] =	ssyncadd.s32 $0xFFFFFF80  }
0x66: {  	[spmem:s2] =	stream.indirect.scatter.add.f32 [tilespmem:s12], [sflag:$0x7], $0x80, s11, s9, $0xb8;
	[tilespmem:$0x1BE00] =	vst v63  }
0x67: {  	_ =	swait.ge [sflag:s7], $0x4000  }
0x68: {  	s31 =	sadd.s32 s16, s10;
	[sflag:s7] =	ssyncset.done $0x0  }
0x69: {  	s19 =	sadd.s32 $0xA10, s31;
	[sflag:s7] =	ssyncadd.s32 $0xFFFFC000  }
0x6a: {  	[tilespmem:s11], [sflag:$0x6] =	stream.linear.gather [hbm4b:s19+s4], $0x80, $0x38;
	[tilespmem:$0x1BE00] =	vst v63  }
.Ltmp2:
0x6b: {  	_ = 	snop;
	(pc) =	sbr.rel .LBB2_2-.Ltmp2, $4  }
0x6c: {  	_ =	swait.ge [sflag:s17], $0x80  }
0x6d: {  	[sflag:s17] =	ssyncset.done $0x0  }
0x6e: {  	s16 =	sadd.s32 $0x20, s16;
	[sflag:s17] =	ssyncadd.s32 $0xFFFFFF80  }
0x6f: {  	[tilespmem:s12], [sflag:$0x2] =	stream.indirect.gather [hbm4b:s3+s9], $0x80, s9, s9, $0xb8;
	[tilespmem:$0x1BE00] =	vst v63  }
.LBB2_4:
0x70: {  	s3 =	simm.s32 $0x6  }
0x71: {  	_ =	swait.ge [sflag:s3], $0x80  }
0x72: {  	s30 =	simm.s32 $0x80;
	s4 =	simm.s32 $0x180;
	[sflag:s3] =	ssyncset.done $0x0  }
0x73: {  	s7 =	simm.s32 $0x4200;
	s31 =	simm.s32 $0x7;
	[sflag:s3] =	ssyncadd.s32 $0xFFFFFF80  }
0x74: {  	[spmem:s2] =	stream.indirect.scatter.add.f32 [tilespmem:s7], [sflag:$0x7], $0x80, s4, s30, $0xb8;
	[tilespmem:$0x1BE00] =	vst v63  }
0x75: {  	_ =	swait.ge [sflag:s31], $0x4000  }
0x76: {  	[sflag:s31] =	ssyncset.done $0x0  }
0x77: {  	[sflag:s31] =	ssyncadd.s32 $0xFFFFC000  }
0x78: {  	[bflag:$0x0] =	sbarrier.arrive $0xFFFF  }
0x79: {  	[hbm:s14], [sflag:s5] =	dma.local [spmem:s6], $0x2780  }
0x7a: {  	_ =	swait.ge [sflag:s31], $0x2780  }
0x7b: {  	[sflag:s31] =	ssyncset.done $0x0  }
0x7c: {  	[sflag:s31] =	ssyncadd.s32 $0xFFFFD880  }
.LBB2_5:
0x7d: {  	_ =	sfence.sel $0x180000  }
0x7e: {  	[bflag:$0x0] =	sbarrier.arrive $0xFFFF  }
0x7f: {  	p0 =	sne.s32 s1, $0x0;
	_ =	strace $0x90000050  }
0x80: {  	s0 =	sadd.s32 @!p0 $0x100000, s0;
	[bflag:$0x2] =	sbarrier.arrive $0xFFFF  }
0x81: {  	[sflag:s0] =	ssyncadd.tile.s32 @!p0 $0x1;
	_ =	shalt  }
.Lfunc_end2:
_tile_overlayer_lowered:
.L_overlay_start_2:
0x82: {  	(tag) =	ssettag $0x2  }
0x83: {  	s0 =	rddreg [dreg:$0x0];
	s2 =	stileid.u32  }
0x84: {  	s1 =	rddreg [dreg:$0x1];
	p0 =	sne.s32 s2, $0x0  }
0x85: {  	s3 =	rddreg [dreg:$0x2];
	[bflag:$0x3] =	sbarrier.arrive $0xFFFF;
	s2 =	simm.s32 @!p0 $0x1C07  }
0x86: {  	[timem:s3], [sflag:s2] =	dma.local @!p0 [hbm:s0], s1  }
0x87: {  	s0 =	simm.s32 @!p0 $0x7  }
0x88: {  	_ =	swait.ge @!p0 [sflag:s0], s1  }
0x89: {  	s1 =	ssub.s32 @!p0 $0x0, s1;
	[sflag:s0] =	ssyncset.done @!p0 $0x0  }
0x8a: {  	[sflag:s0] =	ssyncadd.s32 @!p0 s1  }
0x8b: {  	[bflag:$0x3] =	sbarrier.arrive $0xFFFF  }
0x8c: {  	_ =	shalt  }

// kernel: kernel.24.cloned.1.call-start
scs
__scs_entry_jumppad:
0x0: {  	(pc) =	sbr.rel $0x88, $3  }
0x1: {  	(tag) =	ssettag $0x0;
	lr =	simm.s32 $0x1  }
0x2: {  	[smem:$0x3F95] =	sst lr;
	_ =	strace $0xD0000000  }
0x3: {  	_ = 	snop  }
0x4: {  	_ = 	snop  }
0x5: {  	_ = 	snop  }
0x6: {  	_ = 	snop  }
0x7: {  	_ = 	snop  }
__scs_overlays_trampoline_lowered:
0x8: {  	[smem:$0x3FA4] =	sst s0  }
0x9: {  	[smem:$0x3FA5] =	sst s1  }
0xa: {  	[smem:$0x3FA6] =	sst s2  }
0xb: {  	[smem:$0x3FA7] =	sst s3  }
0xc: {  	[smem:$0x3FA8] =	sst s4  }
0xd: {  	[smem:$0x3FA9] =	sst s5  }
0xe: {  	[smem:$0x3FAA] =	sst s6  }
0xf: {  	[smem:$0x3FAB] =	sst s7  }
0x10: {  	[smem:$0x3FAC] =	sst s8  }
0x11: {  	[smem:$0x3FAD] =	sst s9;
	s0 =	simm.s32 @!p0 $0x0  }
0x12: {  	s1 =	sld [smem:$0x3F93];
	s0 =	simm.s32 @p0 $0x1  }
0x13: {  	[smem:$0x3FAE] =	sst s0;
	s0 =	simm.s32 @!p1 $0x0  }
0x14: {  	s2 =	sld [smem:$0x3F92];
	s0 =	simm.s32 @p1 $0x1  }
0x15: {  	[smem:$0x3FAF] =	sst s0;
	s0 =	simm.s32 @!p2 $0x0  }
0x16: {  	s3 =	sld [smem:$0x3FDB];
	s0 =	simm.s32 @p2 $0x1  }
0x17: {  	s4 =	simm.s32 $0x1BF5;
	[smem:$0x3FB1] =	sst s0  }
0x18: {  	s0 =	sld [smem:$0x3F94];
	_ =	swait.ge [sflag:s4], $0x0  }
0x19: {  	s7 =	sld [smem:$0x3F95]  }
0x1a: {  	s8 =	sadd.s32 $0xFFFFE003, lr  }
0x1b: {  	s9 =	sadd.s32 $0xFFFFFEF7, lr;
	s5 =	simm.s32 $0xFFFFFFFF;
	p2 =	slt.u32 s8, $0xFFFFF086  }
0x1c: {  	p1 =	slt.u32 s9, $0xF7A;
	s5 =	simm.s32 @!p2 $0x0  }
0x1d: {  	s5 =	simm.s32 @p1 $0x1;
	p0 =	seq.s32 s7, s2  }
0x1e: {  	s7 =	smul.u32 @!p0 $0xF7A, s2;
	p2 =	seq.s32 @!p0 s5, $0x0  }
0x1f: {  	s9 =	smul.u32 $0xF7A, s1;
	s8 =	simm.s32 @!p0 $0x1BF5;
	p2 =	por !p2, p0  }
0x20: {  	[sflag:s8] =	ssyncset.s32 @!p0 $0xFFFFF086;
	s6 =	sadd.s32 @!p0 s3, s7;
	s7 =	simm.s32 @!p0 $0x108  }
0x21: {  	s3 =	sadd.s32 s3, s9;
	s6 =	sadd.s32 @!p0 $0x88, s6;
	s7 =	simm.s32 @p2 $0x1082  }
0x22: {  	[simem:s7], [sflag:s8] =	dma.local @!p0 [hbm:s6], $0xF7A  }
0x23: {  	s9 =	sor.u32 $0xD0000000, s2;
	s6 =	simm.s32 $0x108;
	_ =	swait.ge @!p0 [sflag:s8], $0x0  }
0x24: {  	s3 =	sadd.s32 $0x88, s3;
	s6 =	simm.s32 @!p1 $0x1082;
	[sflag:s4] =	ssyncset.s32 $0xFFFFF086  }
0x25: {  	[simem:s6], [sflag:s4] =	dma.local [hbm:s3], $0xF7A  }
0x26: {  	[smem:$0x3F95] =	sst s1;
	(tag) =	ssettag s2;
	_ =	strace s9  }
0x27: {  	s1 =	sld [smem:$0x3FA5]  }
0x28: {  	s2 =	sld [smem:$0x3FA6]  }
0x29: {  	s4 =	sld [smem:$0x3FA8]  }
0x2a: {  	p0 =	seq.s32 s5, $0x0;
	s5 =	sld [smem:$0x3FA9]  }
0x2b: {  	s6 =	sld [smem:$0x3FAA]  }
0x2c: {  	s7 =	sld [smem:$0x3FAB]  }
0x2d: {  	s3 =	simm.s32 $0x108;
	s8 =	sld [smem:$0x3FAC]  }
0x2e: {  	s3 =	simm.s32 @!p0 $0x1082;
	s9 =	sld [smem:$0x3FAD]  }
0x2f: {  	lr =	sadd.s32 s0, s3;
	s0 =	sld [smem:$0x3FA4]  }
0x30: {  	s3 =	sld [smem:$0x3FA7]  }
0x31: {  	[smem:$0x3FB0] =	sst s10  }
0x32: {  	s10 =	sld [smem:$0x3FAE];
	_ =	sdelay $0x3  }
0x33: {  	p0 =	seq.s32 s10, $0x1;
	s10 =	sld [smem:$0x3FB0];
	_ =	sdelay $0x3  }
0x34: {  	[smem:$0x3FB0] =	sst s10  }
0x35: {  	s10 =	sld [smem:$0x3FAF];
	_ =	sdelay $0x3  }
0x36: {  	p1 =	seq.s32 s10, $0x1;
	s10 =	sld [smem:$0x3FB0];
	_ =	sdelay $0x3  }
0x37: {  	[smem:$0x3FB0] =	sst s10  }
0x38: {  	s10 =	sld [smem:$0x3FB1]  }
0x39: {  	_ = 	snop;
	(pc) =	sbr.ind lr, $3  }
0x3a: {  	_ = 	snop  }
0x3b: {  	_ = 	snop  }
0x3c: {  	p2 =	seq.s32 s10, $0x1;
	s10 =	sld [smem:$0x3FB0]  }
0x3d: {  	_ =	shalt  }
0x3e: {  	_ =	shalt  }
0x3f: {  	_ =	shalt  }
0x40: {  	_ =	shalt  }
0x41: {  	_ =	shalt  }
0x42: {  	_ =	shalt  }
0x43: {  	_ =	shalt  }
0x44: {  	_ =	shalt  }
0x45: {  	_ =	shalt  }
0x46: {  	_ =	shalt  }
0x47: {  	_ =	shalt  }
0x48: {  	_ =	shalt  }
0x49: {  	_ =	shalt  }
0x4a: {  	_ =	shalt  }
0x4b: {  	_ =	shalt  }
0x4c: {  	_ =	shalt  }
0x4d: {  	_ =	shalt  }
0x4e: {  	_ =	shalt  }
0x4f: {  	_ =	shalt  }
0x50: {  	_ =	shalt  }
0x51: {  	_ =	shalt  }
0x52: {  	_ =	shalt  }
0x53: {  	_ =	shalt  }
0x54: {  	_ =	shalt  }
0x55: {  	_ =	shalt  }
0x56: {  	_ =	shalt  }
0x57: {  	_ =	shalt  }
0x58: {  	_ =	shalt  }
0x59: {  	_ =	shalt  }
0x5a: {  	_ =	shalt  }
0x5b: {  	_ =	shalt  }
0x5c: {  	_ =	shalt  }
0x5d: {  	_ =	shalt  }
0x5e: {  	_ =	shalt  }
0x5f: {  	_ =	shalt  }
0x60: {  	_ =	shalt  }
0x61: {  	_ =	shalt  }
0x62: {  	_ =	shalt  }
0x63: {  	_ =	shalt  }
0x64: {  	_ =	shalt  }
0x65: {  	_ =	shalt  }
0x66: {  	_ =	shalt  }
0x67: {  	_ =	shalt  }
0x68: {  	_ =	shalt  }
0x69: {  	_ =	shalt  }
0x6a: {  	_ =	shalt  }
0x6b: {  	_ =	shalt  }
0x6c: {  	_ =	shalt  }
0x6d: {  	_ =	shalt  }
0x6e: {  	_ =	shalt  }
0x6f: {  	_ =	shalt  }
0x70: {  	_ =	shalt  }
0x71: {  	_ =	shalt  }
0x72: {  	_ =	shalt  }
0x73: {  	_ =	shalt  }
0x74: {  	_ =	shalt  }
0x75: {  	_ =	shalt  }
0x76: {  	_ =	shalt  }
0x77: {  	_ =	shalt  }
0x78: {  	_ =	shalt  }
0x79: {  	_ =	shalt  }
0x7a: {  	_ =	shalt  }
0x7b: {  	_ =	shalt  }
0x7c: {  	_ =	shalt  }
0x7d: {  	_ =	shalt  }
0x7e: {  	_ =	shalt  }
0x7f: {  	_ =	shalt  }
0x80: {  	_ =	shalt  }
0x81: {  	_ =	shalt  }
0x82: {  	_ =	shalt  }
0x83: {  	_ =	shalt  }
0x84: {  	_ =	shalt  }
0x85: {  	_ =	shalt  }
0x86: {  	_ =	shalt  }
0x87: {  	_ =	shalt  }
.Lfunc_end0:
.L_simem_size_0:
called_computation.4_lowered:
.L_overlay_start_0:
0x88: {  	s2 =	sld [smem:$0x3FD9]  }
0x89: {  	s3 =	sld [smem:$0x3FFE];
	_ =	sdelay $0x1  }
0x8a: {  	s1 =	srdreg.scid  }
0x8b: {  	s0 =	sand.u32 $0x1, s1  }
0x8c: {  	s17 =	sshll.u32 s0, $0xA;
	s2 =	sadd.s32 s3, s2  }
0x8d: {  	s2 =	sadd.s32 s2, s17  }
0x8e: {  	[smem:$0x3FBC] =	sst s2  }
0x8f: {  	_ = 	snop  }
0x90: {  	s2 =	sld [smem:$0x3FD0];
	(tm) =	ssettm $0x1  }
0x91: {  	s18 =	sld [smem:$0x3FFB];
	_ =	sdelay $0x3  }
0x92: {  	_ =	strace s18  }
0x93: {  	s3 =	sld [smem:$0x3FFC];
	_ =	sdelay $0x3  }
0x94: {  	_ =	strace s3  }
0x95: {  	s3 =	sld [smem:$0x3FFD];
	_ =	sdelay $0x3  }
0x96: {  	_ =	strace s3  }
0x97: {  	_ =	strace $0x8FFFFFFF  }
0x98: {  	s19 =	sld [smem:$0x3FDB];
	_ =	sdelay $0x1  }
0x99: {  	s4 =	simm.s32 $_scs_section_size  }
0x9a: {  	s5 =	simm.s32 $_size__tile_overlayer_lowered;
	s6 =	simm.s32 $_tile_overlayer_lowered  }
0x9b: {  	s22 =	simm.s32 $0x1BFF;
	s21 =	sshll.u32 s6, $0x1;
	s3 =	sadd.s32 s4, s19  }
0x9c: {  	s7 =	simm.s32 $0x0;
	s20 =	sshll.u32 s5, $0x1;
	s5 =	sadd.s32 s21, s3  }
0x9d: {  	[timem:s7], [sflag:s22] =	dma.local [hbm:s5], s20  }
0x9e: {  	_ =	swait.ge [sflag:s22], s20  }
0x9f: {  	s4 =	ssub.s32 $0x0, s20;
	[sflag:s22] =	ssyncset.done $0x0  }
0xa0: {  	[sflag:s22] =	ssyncadd.s32 s4;
	_ =	sdelay $0x1  }
0xa1: {  	s23 =	simm.s32 $0x1B8B  }
0xa2: {  	_ =	swait.ge [sflag:s23], $0x1  }
0xa3: {  	[sflag:s23] =	ssyncset.done $0x0  }
0xa4: {  	s25 =	simm.s32 $0x1B8E;
	s24 =	sld [smem:$0x3FFE];
	[sflag:s23] =	ssyncadd.s32 $0xFFFFFFFF  }
0xa5: {  	s26 =	simm.s32 $execute0_lowered;
	[smem:$0x3FD2] =	sst s25  }
0xa6: {  	s5 =	sshll.u32 s26, $0x1;
	_ =	strace $0x80000052;
	[dreg:$0x1] =	wrdreg $0xFFFFFFFF  }
0xa7: {  	s28 =	simm.s32 $_size_execute0_lowered;
	s3 =	sadd.s32 s3, s5;
	[dreg:$0x0] =	wrdreg $0x0  }
0xa8: {  	s5 =	sshll.u32 s28, $0x1;
	[dreg:$0x2] =	wrdreg s3  }
0xa9: {  	[dreg:$0x3] =	wrdreg s5  }
0xaa: {  	[dreg:$0x4] =	wrdreg $0xC0  }
0xab: {  	_ =	task [dreg:s7], $0x5FFFF  }
0xac: {  	[dreg:$0x1] =	wrdreg $0xFFFFFFFF  }
0xad: {  	[dreg:$0x0] =	wrdreg $0x60  }
0xae: {  	[dreg:$0x2] =	wrdreg s2  }
0xaf: {  	[dreg:$0x3] =	wrdreg s24  }
0xb0: {  	[dreg:$0x4] =	wrdreg $0x82000  }
0xb1: {  	[dreg:$0x5] =	wrdreg $0x9  }
0xb2: {  	_ =	task.clear_ibuf [dreg:s7], $0x6FFFF;
	_ =	strace $0x90000052  }
0xb3: {  	s29 =	simm.s32 $0x9;
	_ =	strace $0x80000054  }
0xb4: {  	_ =	swait.ge [sflag:s29], $0x1  }
0xb5: {  	[sflag:s29] =	ssyncadd.s32 $0xFFFFFFFF  }
0xb6: {  	_ =	strace $0x90000054  }
0xb7: {  	_ =	sfence  }
0xb8: {  	s30 =	sld [smem:$0x0];
	_ =	sdelay $0x2  }
0xb9: {  	s31 =	sshll.u32 s1, $0xD;
	s1 =	sshrl.u32 s1, $0x2  }
0xba: {  	s3 =	sand.u32 $0x4000, s31;
	s1 =	sadd.s32 s1, s30  }
0xbb: {  	s0 =	sor.u32 s3, s0;
	s1 =	sshll.u32 s1, $0x11  }
0xbc: {  	s0 =	sor.u32 s1, s0  }
0xbd: {  	s0 =	sadd.s32 $0x8F2B, s0  }
0xbe: {  	[sflag:s0] =	ssyncadd.remote.s32 $0x1  }
0xbf: {  	_ =	sfence.sel $0xFFFF  }
0xc0: {  	[dreg:$0x0] =	wrdreg $0xFFFFFFFF;
	(pc) =	sbr.abs _section_cstart, $3  }
0xc1: {  	[dreg:$0x1] =	wrdreg $0xFFFFFFFF  }
0xc2: {  	_ =	task.clear_ibuf [dreg:s7], $0x2FFFF;
	_ =	strace $0x9FFFFFFF  }
0xc3: {  	(tm) =	ssettm $0x7FFFFFFF  }
tec
execute0_lowered:
.L_overlay_start_1:
0x0: {  	(tag) =	ssettag $0x1  }
0x1: {  	s1 =	srdreg.scid  }
0x2: {  	s1 =	sand.u32 $0x1, s1  }
0x3: {  	p0 =	seq.s32 s1, $0x1  }
.Ltmp0:
0x4: {  	s3 =	rddreg [dreg:$0x0];
	(pc) =	sbr.rel @p0 .LBB2_5-.Ltmp0, $4  }
0x5: {  	s14 =	rddreg [dreg:$0x1]  }
0x6: {  	s2 =	rddreg [dreg:$0x2];
	s4 =	simm.s32 $0x0  }
0x7: {  	[smem:$0x7FF] =	sst s4  }
0x8: {  	s0 =	rddreg [dreg:$0x3];
	_ =	strace $0x80000053;
	s1 =	stileid.u32  }
0x9: {  	s5 =	smul.u32 $0x4F000, s1  }
0xa: {  	s16 =	smul.u32 $0x2780, s1  }
0xb: {  	s6 =	sadd.s32 $0xEE00, s14;
	s5 =	sshrl.u32 s5, $0x2  }
0xc: {  	s26 =	sshll.u32 s1, $0x6;
	s8 =	sadd.s32 s6, s16;
	s7 =	sadd.s32 s5, s2  }
0xd: {  	s5 =	sor.u32 $0x1C07, s26;
	s6 =	sshrl.u32 s7, $0x3;
	s7 =	simm.s32 $0x7  }
0xe: {  	[spmem:s6], [sflag:s5] =	dma.local [hbm:s8], $0x2780  }
0xf: {  	s15 =	smul.u32 $0xA00, s1;
	_ =	swait.ge [sflag:s7], $0x2780  }
0x10: {  	s9 =	sadd.s32 $0x85600, s14;
	[sflag:s7] =	ssyncset.done $0x0  }
0x11: {  	s8 =	sadd.s32 s9, s15;
	[sflag:s7] =	ssyncadd.s32 $0xFFFFD880  }
0x12: {  	[tilespmem:s4], [sflag:$0x7] =	stream.linear.gather [hbm4b:s8+s4], $0x80, $0x38;
	[tilespmem:$0x1BE00] =	vst v63  }
0x13: {  	_ =	swait.ge [sflag:s7], $0x80  }
0x14: {  	s17 =	sor.u32 $0x10, s15;
	[sflag:s7] =	ssyncset.done $0x0  }
0x15: {  	s10 =	sadd.s32 s9, s17;
	s9 =	simm.s32 $0x80;
	[sflag:s7] =	ssyncadd.s32 $0xFFFFFF80  }
0x16: {  	[tilespmem:s9], [sflag:$0x7] =	stream.linear.gather [hbm4b:s10+s4], $0x80, $0x38;
	[tilespmem:$0x1BE00] =	vst v63  }
0x17: {  	_ =	swait.ge [sflag:s7], $0x80  }
0x18: {  	s11 =	sadd.s32 $0x4600, s14;
	[sflag:s7] =	ssyncset.done $0x0  }
0x19: {  	s18 =	simm.s32 $0x100;
	s10 =	sadd.s32 s11, s15;
	[sflag:s7] =	ssyncadd.s32 $0xFFFFFF80  }
0x1a: {  	[tilespmem:s18], [sflag:$0x7] =	stream.linear.gather [hbm4b:s10+s4], $0x80, $0x38;
	[tilespmem:$0x1BE00] =	vst v63  }
0x1b: {  	_ =	swait.ge [sflag:s7], $0x80  }
0x1c: {  	[sflag:s7] =	ssyncset.done $0x0  }
0x1d: {  	s12 =	sadd.s32 s11, s17;
	s11 =	simm.s32 $0x180;
	[sflag:s7] =	ssyncadd.s32 $0xFFFFFF80  }
0x1e: {  	[tilespmem:s11], [sflag:$0x7] =	stream.linear.gather [hbm4b:s12+s4], $0x80, $0x38;
	[tilespmem:$0x1BE00] =	vst v63  }
0x1f: {  	_ =	swait.ge [sflag:s7], $0x80  }
0x20: {  	[sflag:s7] =	ssyncset.done $0x0  }
0x21: {  	[sflag:s7] =	ssyncadd.s32 $0xFFFFFF80  }
0x22: {  	s19 =	simm.s32 $0x200;
	[bflag:$0x0] =	sbarrier.arrive $0xFFFF  }
0x23: {  	[tilespmem:s19], [sflag:$0x1] =	stream.indirect.gather [hbm4b:s3+s9], $0x80, s4, s9, $0xb8;
	[tilespmem:$0x1BE00] =	vst v63  }
0x24: {  	s13 =	simm.s32 $0x1;
	s12 =	simm.s32 $0x4200  }
0x25: {  	[tilespmem:s12], [sflag:$0x2] =	stream.indirect.gather [hbm4b:s3+s9], $0x80, s9, s9, $0xb8;
	[tilespmem:$0x1BE00] =	vst v63  }
0x26: {  	_ =	swait.ge [sflag:s13], $0x4000  }
0x27: {  	s20 =	sadd.s32 $0x85620, s14;
	[sflag:s13] =	ssyncset.done $0x0  }
0x28: {  	s21 =	sadd.s32 s15, s20;
	[sflag:s13] =	ssyncadd.s32 $0xFFFFC000  }
0x29: {  	[tilespmem:s4], [sflag:$0x3] =	stream.linear.gather [hbm4b:s21+s4], $0x80, $0x38;
	[tilespmem:$0x1BE00] =	vst v63  }
0x2a: {  	_ = 	snop  }
0x2b: {  	[spmem:s2] =	stream.indirect.scatter.add.f32 [tilespmem:s19], [sflag:$0x7], $0x80, s18, s9, $0xb8;
	[tilespmem:$0x1BE00] =	vst v63  }
0x2c: {  	_ =	swait.ge [sflag:s7], $0x4000  }
0x2d: {  	s28 =	sadd.s32 $0x4620, s14;
	[sflag:s7] =	ssyncset.done $0x0  }
0x2e: {  	s29 =	simm.s32 $0x3;
	s15 =	sadd.s32 s15, s28;
	[sflag:s7] =	ssyncadd.s32 $0xFFFFC000  }
0x2f: {  	[tilespmem:s18], [sflag:$0x5] =	stream.linear.gather [hbm4b:s15+s4], $0x80, $0x38;
	[tilespmem:$0x1BE00] =	vst v63  }
0x30: {  	_ =	swait.ge [sflag:s29], $0x80  }
0x31: {  	[sflag:s29] =	ssyncset.done $0x0  }
0x32: {  	s15 =	simm.s32 $0x2;
	[sflag:s29] =	ssyncadd.s32 $0xFFFFFF80  }
0x33: {  	[tilespmem:s19], [sflag:$0x1] =	stream.indirect.gather [hbm4b:s3+s9], $0x80, s4, s9, $0xb8;
	[tilespmem:$0x1BE00] =	vst v63  }
0x34: {  	_ =	swait.ge [sflag:s15], $0x4000  }
0x35: {  	[sflag:s15] =	ssyncset.done $0x0  }
0x36: {  	s30 =	sadd.s32 s20, s17;
	[sflag:s15] =	ssyncadd.s32 $0xFFFFC000  }
0x37: {  	[tilespmem:s9], [sflag:$0x4] =	stream.linear.gather [hbm4b:s30+s4], $0x80, $0x38;
	[tilespmem:$0x1BE00] =	vst v63  }
0x38: {  	_ = 	snop  }
0x39: {  	[spmem:s2] =	stream.indirect.scatter.add.f32 [tilespmem:s12], [sflag:$0x7], $0x80, s11, s9, $0xb8;
	[tilespmem:$0x1BE00] =	vst v63  }
0x3a: {  	_ =	swait.ge [sflag:s7], $0x4000  }
0x3b: {  	[sflag:s7] =	ssyncset.done $0x0  }
0x3c: {  	s17 =	sadd.s32 s28, s17;
	[sflag:s7] =	ssyncadd.s32 $0xFFFFC000  }
0x3d: {  	[tilespmem:s11], [sflag:$0x6] =	stream.linear.gather [hbm4b:s17+s4], $0x80, $0x38;
	[tilespmem:$0x1BE00] =	vst v63  }
0x3e: {  	s17 =	simm.s32 $0x4  }
0x3f: {  	_ =	swait.ge [sflag:s17], $0x80  }
0x40: {  	s31 =	sadd.s32 s16, s14;
	s16 =	simm.s32 $0xFFFFF640;
	[sflag:s17] =	ssyncset.done $0x0  }
0x41: {  	s14 =	sadd.s32 $0x36600, s31;
	s18 =	simm.s32 $0x6;
	[sflag:s17] =	ssyncadd.s32 $0xFFFFFF80  }
0x42: {  	[tilespmem:s12], [sflag:$0x2] =	stream.indirect.gather [hbm4b:s3+s9], $0x80, s9, s9, $0xb8;
	[tilespmem:$0x1BE00] =	vst v63  }
.LBB2_2:
0x43: {  	_ =	swait.ge [sflag:s13], $0x4000  }
0x44: {  	p0 =	seq.s32 s16, $0x0;
	[sflag:s13] =	ssyncset.done $0x0  }
0x45: {  	s19 =	simm.s32 @p0 $0x5;
	[sflag:s13] =	ssyncadd.s32 $0xFFFFC000  }
0x46: {  	_ =	swait.ge @p0 [sflag:s19], $0x80  }
0x47: {  	s20 =	simm.s32 @p0 $0x100;
	[sflag:s19] =	ssyncset.done @p0 $0x0  }
0x48: {  	s21 =	simm.s32 @p0 $0x200;
	[sflag:s19] =	ssyncadd.s32 @p0 $0xFFFFFF80;
	s19 =	simm.s32 @p0 $0x80  }
0x49: {  	[spmem:s2] =	stream.indirect.scatter.add.f32 @p0 [tilespmem:s21], [sflag:$0x7], $0x80, s20, s19, $0xb8;
	[tilespmem:$0x1BE00] =	vst v63  }
0x4a: {  	s19 =	simm.s32 @p0 $0x7  }
0x4b: {  	_ =	swait.ge @p0 [sflag:s19], $0x4000  }
0x4c: {  	s20 =	sadd.s32 @!p0 s16, s8;
	[sflag:s19] =	ssyncset.done @p0 $0x0  }
0x4d: {  	[sflag:s19] =	ssyncadd.s32 @p0 $0xFFFFC000;
	s19 =	sadd.s32 @!p0 $0xA00, s20;
	s20 =	simm.s32 @!p0 $0x0  }
0x4e: {  	[tilespmem:s20], [sflag:$0x3] =	stream.linear.gather @!p0 [hbm4b:s19+s20], $0x80, $0x38;
	[tilespmem:$0x1BE00] =	vst v63  }
0x4f: {  	s19 =	simm.s32 @!p0 $0x5  }
0x50: {  	_ =	swait.ge @!p0 [sflag:s19], $0x80  }
0x51: {  	s22 =	simm.s32 @!p0 $0x200;
	s23 =	simm.s32 @!p0 $0x7;
	[sflag:s19] =	ssyncset.done @!p0 $0x0  }
0x52: {  	s21 =	simm.s32 @!p0 $0x100;
	[sflag:s19] =	ssyncadd.s32 @!p0 $0xFFFFFF80;
	s19 =	simm.s32 @!p0 $0x80  }
0x53: {  	[spmem:s2] =	stream.indirect.scatter.add.f32 @!p0 [tilespmem:s22], [sflag:$0x7], $0x80, s21, s19, $0xb8;
	[tilespmem:$0x1BE00] =	vst v63  }
0x54: {  	_ =	swait.ge @!p0 [sflag:s23], $0x4000  }
0x55: {  	s24 =	sadd.s32 @!p0 s16, s10;
	[sflag:s23] =	ssyncset.done @!p0 $0x0  }
0x56: {  	[sflag:s23] =	ssyncadd.s32 @!p0 $0xFFFFC000;
	s23 =	sadd.s32 @!p0 $0xA00, s24  }
0x57: {  	[tilespmem:s21], [sflag:$0x5] =	stream.linear.gather @!p0 [hbm4b:s23+s20], $0x80, $0x38;
	[tilespmem:$0x1BE00] =	vst v63  }
0x58: {  	s21 =	simm.s32 @!p0 $0x3  }
0x59: {  	_ =	swait.ge @!p0 [sflag:s21], $0x80  }
0x5a: {  	[sflag:s21] =	ssyncset.done @!p0 $0x0  }
.Ltmp1:
0x5b: {  	[sflag:s21] =	ssyncadd.s32 @!p0 $0xFFFFFF80;
	(pc) =	sbr.rel @p0 .LBB2_4-.Ltmp1, $4  }
0x5c: {  	[tilespmem:s22], [sflag:$0x1] =	stream.indirect.gather @!p0 [hbm4b:s3+s19], $0x80, s20, s19, $0xb8;
	[tilespmem:$0x1BE00] =	vst v63  }
0x5d: {  	_ =	swait.ge [sflag:s15], $0x4000  }
0x5e: {  	[sflag:s15] =	ssyncset.done $0x0  }
0x5f: {  	[sflag:s15] =	ssyncadd.s32 $0xFFFFC000  }
0x60: {  	s19 =	sadd.s32 s16, s8  }
0x61: {  	s19 =	sadd.s32 $0xA10, s19  }
0x62: {  	[tilespmem:s9], [sflag:$0x4] =	stream.linear.gather [hbm4b:s19+s4], $0x80, $0x38;
	[tilespmem:$0x1BE00] =	vst v63  }
0x63: {  	_ =	swait.ge [sflag:s18], $0x80  }
0x64: {  	[sflag:s18] =	ssyncset.done $0x0  }
0x65: {  	[sflag:s18] =	ssyncadd.s32 $0xFFFFFF80  }
0x66: {  	[spmem:s2] =	stream.indirect.scatter.add.f32 [tilespmem:s12], [sflag:$0x7], $0x80, s11, s9, $0xb8;
	[tilespmem:$0x1BE00] =	vst v63  }
0x67: {  	_ =	swait.ge [sflag:s7], $0x4000  }
0x68: {  	s31 =	sadd.s32 s16, s10;
	[sflag:s7] =	ssyncset.done $0x0  }
0x69: {  	s19 =	sadd.s32 $0xA10, s31;
	[sflag:s7] =	ssyncadd.s32 $0xFFFFC000  }
0x6a: {  	[tilespmem:s11], [sflag:$0x6] =	stream.linear.gather [hbm4b:s19+s4], $0x80, $0x38;
	[tilespmem:$0x1BE00] =	vst v63  }
.Ltmp2:
0x6b: {  	_ = 	snop;
	(pc) =	sbr.rel .LBB2_2-.Ltmp2, $4  }
0x6c: {  	_ =	swait.ge [sflag:s17], $0x80  }
0x6d: {  	[sflag:s17] =	ssyncset.done $0x0  }
0x6e: {  	s16 =	sadd.s32 $0x20, s16;
	[sflag:s17] =	ssyncadd.s32 $0xFFFFFF80  }
0x6f: {  	[tilespmem:s12], [sflag:$0x2] =	stream.indirect.gather [hbm4b:s3+s9], $0x80, s9, s9, $0xb8;
	[tilespmem:$0x1BE00] =	vst v63  }
.LBB2_4:
0x70: {  	s3 =	simm.s32 $0x6  }
0x71: {  	_ =	swait.ge [sflag:s3], $0x80  }
0x72: {  	s30 =	simm.s32 $0x80;
	s4 =	simm.s32 $0x180;
	[sflag:s3] =	ssyncset.done $0x0  }
0x73: {  	s7 =	simm.s32 $0x4200;
	s31 =	simm.s32 $0x7;
	[sflag:s3] =	ssyncadd.s32 $0xFFFFFF80  }
0x74: {  	[spmem:s2] =	stream.indirect.scatter.add.f32 [tilespmem:s7], [sflag:$0x7], $0x80, s4, s30, $0xb8;
	[tilespmem:$0x1BE00] =	vst v63  }
0x75: {  	_ =	swait.ge [sflag:s31], $0x4000  }
0x76: {  	[sflag:s31] =	ssyncset.done $0x0  }
0x77: {  	[sflag:s31] =	ssyncadd.s32 $0xFFFFC000  }
0x78: {  	[bflag:$0x0] =	sbarrier.arrive $0xFFFF  }
0x79: {  	[hbm:s14], [sflag:s5] =	dma.local [spmem:s6], $0x2780  }
0x7a: {  	_ =	swait.ge [sflag:s31], $0x2780  }
0x7b: {  	[sflag:s31] =	ssyncset.done $0x0  }
0x7c: {  	[sflag:s31] =	ssyncadd.s32 $0xFFFFD880  }
.LBB2_5:
0x7d: {  	_ =	sfence.sel $0x180000  }
0x7e: {  	[bflag:$0x0] =	sbarrier.arrive $0xFFFF  }
0x7f: {  	p0 =	sne.s32 s1, $0x0;
	_ =	strace $0x90000053  }
0x80: {  	s0 =	sadd.s32 @!p0 $0x100000, s0;
	[bflag:$0x2] =	sbarrier.arrive $0xFFFF  }
0x81: {  	[sflag:s0] =	ssyncadd.tile.s32 @!p0 $0x1;
	_ =	shalt  }
.Lfunc_end2:
_tile_overlayer_lowered:
.L_overlay_start_2:
0x82: {  	(tag) =	ssettag $0x2  }
0x83: {  	s0 =	rddreg [dreg:$0x0];
	s2 =	stileid.u32  }
0x84: {  	s1 =	rddreg [dreg:$0x1];
	p0 =	sne.s32 s2, $0x0  }
0x85: {  	s3 =	rddreg [dreg:$0x2];
	[bflag:$0x3] =	sbarrier.arrive $0xFFFF;
	s2 =	simm.s32 @!p0 $0x1C07  }
0x86: {  	[timem:s3], [sflag:s2] =	dma.local @!p0 [hbm:s0], s1  }
0x87: {  	s0 =	simm.s32 @!p0 $0x7  }
0x88: {  	_ =	swait.ge @!p0 [sflag:s0], s1  }
0x89: {  	s1 =	ssub.s32 @!p0 $0x0, s1;
	[sflag:s0] =	ssyncset.done @!p0 $0x0  }
0x8a: {  	[sflag:s0] =	ssyncadd.s32 @!p0 s1  }
0x8b: {  	[bflag:$0x3] =	sbarrier.arrive $0xFFFF  }
0x8c: {  	_ =	shalt  }

</sc_bundles>
